<compile_context>
chip_gen: v7x
topology: tpu7x:2x2x1
jax: 0.10.2.dev20260603
libtpu: 0.0.44.dev20260713+nightly
codegen_flags: <defaults>
</compile_context>

<pallas_src>
import functools

import jax
import jax.numpy as jnp
from jax import lax
from jax.experimental import pallas as pl
from jax.experimental.pallas import tpu as pltpu
from jax.experimental.pallas import tpu_sc as plsc

N = 10000
C = 128
E = 320000
EPS = 1e-5

NT = 16
EPT = E // NT
K = 80
NCH = EPT // K
G = 50
NW = NCH // G
NPAD = 10240
RPT = NPAD // NT
ZR = 32


def _sc_body(x_hbm, src_hbm, dst_hbm, w_hbm, out1_hbm, out2_hbm,
             srcw, dstw, ww, r0, r1, zbuf, acc, g0, g1):
    cid = lax.axis_index("c")
    sid = lax.axis_index("s")

    def zrow(r, carry):
        for c8 in range(8):
            zbuf[r, pl.ds(c8 * 16, 16)] = jnp.zeros((16,), jnp.float32)
        return carry
    lax.fori_loop(0, ZR, zrow, 0)
    for j in range(RPT // ZR):
        pltpu.make_async_copy(
            zbuf, acc.at[pl.ds(sid * RPT + j * ZR, ZR)], g0).start()
    for j in range(RPT // ZR):
        pltpu.make_async_copy(
            zbuf, acc.at[pl.ds(sid * RPT + j * ZR, ZR)], g0).wait()
    plsc.subcore_barrier()

    def apply_weights(c, buf):
        @pl.when(cid == 1)
        def _():
            def wbody(g, carry):
                wvec = ww[c, pl.ds(g * 16, 16)]
                for u in range(16):
                    wsc = wvec[u]
                    j = g * 16 + u
                    for c8 in range(8):
                        sl = pl.ds(c8 * 16, 16)
                        buf[j, sl] = buf[j, sl] * wsc
                return carry
            lax.fori_loop(0, K // 16, wbody, 0)

    def gath_start(c, buf, sem):
        pltpu.make_async_copy(x_hbm.at[srcw.at[c]], buf, sem).start()

    def gath_wait(c, buf, sem):
        pltpu.make_async_copy(x_hbm.at[srcw.at[c]], buf, sem).wait()

    def scat(c, buf):
        pltpu.sync_copy(buf, acc.at[dstw.at[c]], add=True)

    def body(k, carry):
        c0 = 2 * k
        c1 = 2 * k + 1
        c2 = 2 * k + 2
        gath_start(c1, r1, g1)
        gath_wait(c0, r0, g0)
        apply_weights(c0, r0)
        scat(c0, r0)

        @pl.when(c2 < G)
        def _():
            gath_start(c2, r0, g0)

        gath_wait(c1, r1, g1)
        apply_weights(c1, r1)
        scat(c1, r1)
        return carry

    def window(w, carry):
        pltpu.sync_copy(src_hbm.at[cid, sid, pl.ds(w * G, G)], srcw)
        pltpu.sync_copy(dst_hbm.at[cid, sid, pl.ds(w * G, G)], dstw)

        @pl.when(cid == 1)
        def _():
            pltpu.sync_copy(w_hbm.at[sid, pl.ds(w * G, G)], ww)

        gath_start(0, r0, g0)
        lax.fori_loop(0, G // 2, body, 0)
        return carry

    lax.fori_loop(0, NW, window, 0)
    plsc.subcore_barrier()

    sl = pl.ds(sid * RPT, RPT)

    @pl.when(cid == 0)
    def _():
        pltpu.sync_copy(acc.at[sl], out1_hbm.at[sl])

    @pl.when(cid == 1)
    def _():
        pltpu.sync_copy(acc.at[sl], out2_hbm.at[sl])


@functools.cache
def _sc_segment_sums():
    return pl.kernel(
        _sc_body,
        out_type=(jax.ShapeDtypeStruct((NPAD, C), jnp.float32),
                  jax.ShapeDtypeStruct((NPAD, C), jnp.float32)),
        mesh=plsc.VectorSubcoreMesh(core_axis_name="c", subcore_axis_name="s"),
        compiler_params=pltpu.CompilerParams(use_tc_tiling_on_sc=False),
        scratch_types=[
            pltpu.VMEM((G, K), jnp.int32),
            pltpu.VMEM((G, K), jnp.int32),
            pltpu.VMEM((G, K), jnp.float32),
            pltpu.VMEM((K, C), jnp.float32),
            pltpu.VMEM((K, C), jnp.float32),
            pltpu.VMEM((ZR, C), jnp.float32),
            pltpu.VMEM_SHARED((NPAD, C), jnp.float32),
            pltpu.SemaphoreType.DMA,
            pltpu.SemaphoreType.DMA,
        ],
    )


def _stats(a):
    mu = jnp.mean(a, axis=0, keepdims=True)
    var = jnp.mean(a * a, axis=0, keepdims=True) - mu * mu
    return mu, var


def _tc_pre_body(xr, wr1, b1r, wr2, b2r, p1r, p2r):
    f32 = jnp.float32
    x = xr[...]
    p1r[...] = jnp.dot(x, wr1[...], preferred_element_type=f32) + b1r[...] + x
    p2r[...] = jnp.dot(x, wr2[...], preferred_element_type=f32) + b2r[...] + x


_tc_pre = pl.pallas_call(
    _tc_pre_body,
    out_shape=(jax.ShapeDtypeStruct((N, C), jnp.float32),
               jax.ShapeDtypeStruct((N, C), jnp.float32)),
)


def _tc_body(p1r, p2r, a1r, a2r, wn1, wn2, wm1, bm1r, wm2,
             bm2r, g1r, be1r, g2r, be2r, g3r, be3r, outr):
    f32 = jnp.float32
    g1 = g1r[...]
    be1 = be1r[...]
    a1 = p1r[...] + jnp.dot(a1r[...], wn1[...], preferred_element_type=f32)
    a2 = p2r[...] + jnp.dot(a2r[...], wn2[...], preferred_element_type=f32)
    mu1, v1 = _stats(a1)
    mu2, v2 = _stats(a2)
    i1 = lax.rsqrt(v1 + EPS)
    i2 = lax.rsqrt(v2 + EPS)
    k2 = lax.rsqrt(g1 * g1 * v2 * (i2 * i2) + EPS) * g2r[...]
    h1 = (a1 - mu1) * (i1 * g1) + be1
    h2 = (a2 - mu2) * (i2 * g1) + be1
    o = h1 + h2 + (h2 - be1) * k2 + be2r[...]
    m = jnp.maximum(jnp.dot(o, wm1[...], preferred_element_type=f32)
                    + bm1r[...], 0.0)
    o2 = o + jnp.dot(m, wm2[...], preferred_element_type=f32) + bm2r[...]
    mu3, v3 = _stats(o2)
    outr[...] = (o2 - mu3) * (lax.rsqrt(v3 + EPS) * g3r[...]) + be3r[...]


_tc_dense = pl.pallas_call(
    _tc_body,
    out_shape=jax.ShapeDtypeStruct((N, C), jnp.float32),
)


def kernel(x, edge_index, vae_edge_index, vae_edge_weight,
           W_root1, W_nbr1, b1, W_root2, W_nbr2, b2,
           Wm1, bm1, Wm2, bm2, g1, be1, g2, be2, g3, be3):
    srcs = jnp.stack([edge_index[0], vae_edge_index[0]]).reshape(2, NT, NCH, K)
    dsts = jnp.stack([edge_index[1], vae_edge_index[1]]).reshape(2, NT, NCH, K)
    w = vae_edge_weight.reshape(NT, NCH, K)
    r = lambda v: v.reshape(1, -1)
    p1, p2 = _tc_pre(x, W_root1, r(b1), W_root2, r(b2))
    agg1, agg2 = _sc_segment_sums()(x, srcs, dsts, w)
    agg1, agg2 = agg1[:N], agg2[:N]
    return _tc_dense(p1, p2, agg1, agg2, W_nbr1, W_nbr2,
                     Wm1, r(bm1), Wm2, r(bm2), r(g1), r(be1), r(g2),
                     r(be2), r(g3), r(be3))

# --- scband reference (transcript-rebuilt; emitter-appended) ---
"""Pipeline reference for scband-gpsconv-7670811590717 (READ-ONLY COPY).

The authoritative reference and input builder live on the scoring server;
editing this copy changes nothing except your own understanding.
"""

import jax, jax.numpy as jnp
import numpy as np

N = 10000
E = 320000
C = 128
EPS = 1e-5

def setup_inputs(seed: int = 0) -> dict:
    key = jax.random.key(seed)
    ks = jax.random.split(key, 20)
    x = jax.random.normal(ks[0], (N, C), dtype=jnp.float32)
    edge_index = jax.random.randint(ks[1], (2, E), 0, N, dtype=jnp.int64 if jax.config.jax_enable_x64 else jnp.int32).astype(jnp.int32)
    vae_edge_index = jax.random.randint(ks[2], (2, E), 0, N, dtype=jnp.int64 if jax.config.jax_enable_x64 else jnp.int32).astype(jnp.int32)
    vae_edge_weight = jax.random.uniform(ks[3], (E,), dtype=jnp.float32)
    s = 1.0 / np.sqrt(C)
    W_root1 = jax.random.uniform(ks[4], (C, C), minval=-s, maxval=s, dtype=jnp.float32)
    W_nbr1 = jax.random.uniform(ks[5], (C, C), minval=-s, maxval=s, dtype=jnp.float32)
    b1 = jnp.zeros((C,), jnp.float32)
    W_root2 = jax.random.uniform(ks[6], (C, C), minval=-s, maxval=s, dtype=jnp.float32)
    W_nbr2 = jax.random.uniform(ks[7], (C, C), minval=-s, maxval=s, dtype=jnp.float32)
    b2 = jnp.zeros((C,), jnp.float32)
    Wm1 = jax.random.uniform(ks[8], (C, 2 * C), minval=-s, maxval=s, dtype=jnp.float32)
    bm1 = jnp.zeros((2 * C,), jnp.float32)
    s2 = 1.0 / np.sqrt(2 * C)
    Wm2 = jax.random.uniform(ks[9], (2 * C, C), minval=-s2, maxval=s2, dtype=jnp.float32)
    bm2 = jnp.zeros((C,), jnp.float32)
    g1 = jnp.ones((C,), jnp.float32); be1 = jnp.zeros((C,), jnp.float32)
    g2 = jnp.ones((C,), jnp.float32); be2 = jnp.zeros((C,), jnp.float32)
    g3 = jnp.ones((C,), jnp.float32); be3 = jnp.zeros((C,), jnp.float32)
    return {"x": x, "edge_index": edge_index, "vae_edge_index": vae_edge_index,
            "vae_edge_weight": vae_edge_weight,
            "W_root1": W_root1, "W_nbr1": W_nbr1, "b1": b1,
            "W_root2": W_root2, "W_nbr2": W_nbr2, "b2": b2,
            "Wm1": Wm1, "bm1": bm1, "Wm2": Wm2, "bm2": bm2,
            "g1": g1, "be1": be1, "g2": g2, "be2": be2, "g3": g3, "be3": be3}

def _bn(h, g, b):
    mu = jnp.mean(h, axis=0, keepdims=True)
    var = jnp.var(h, axis=0, keepdims=True)
    return (h - mu) / jnp.sqrt(var + EPS) * g + b

def reference(x, edge_index, vae_edge_index, vae_edge_weight,
              W_root1, W_nbr1, b1, W_root2, W_nbr2, b2,
              Wm1, bm1, Wm2, bm2, g1, be1, g2, be2, g3, be3):
    # conv1: GraphConv-style (sum aggregation)
    src, dst = edge_index[0], edge_index[1]
    agg1 = jax.ops.segment_sum(jnp.take(x, src, axis=0), dst, num_segments=N)
    hc1 = x @ W_root1 + agg1 @ W_nbr1 + b1
    # conv2: GraphConv-style with edge weights (sum aggregation)
    vsrc, vdst = vae_edge_index[0], vae_edge_index[1]
    msg = jnp.take(x, vsrc, axis=0) * vae_edge_weight[:, None]
    agg2 = jax.ops.segment_sum(msg, vdst, num_segments=N)
    hc2 = x @ W_root2 + agg2 @ W_nbr2 + b2
    # GPSConv forward (dropout=0 -> identity); note norm1 is reused for both branches,
    # and h from conv2 branch is appended twice (once normed by norm2), matching the torch code
    h1 = _bn(hc1 + x, g1, be1)
    h2 = _bn(hc2 + x, g1, be1)
    h3 = _bn(h2, g2, be2)
    out = h1 + h2 + h3
    mlp = jax.nn.relu(out @ Wm1 + bm1) @ Wm2 + bm2
    out = out + mlp
    out = _bn(out, g3, be3)
    return out

if __name__ == "__main__":
    import jax
    _d = setup_inputs()
    print(jax.jit(kernel)(*tuple(_d.values())))

</pallas_src>

<mosaic_0001>
#map = affine_map<(d0, d1) -> (0, 0)>
#map1 = affine_map<(d0, d1) -> (0, 0, 0, 0)>
#map2 = affine_map<(d0, d1) -> (0, 0, 0)>
module attributes {stable_mosaic.version = 14 : i64} {
  func.func @_sc_body(%arg0: i32, %arg1: i32, %arg2: memref<10000x128xf32, #tpu.memory_space<hbm>>, %arg3: memref<2x16x250x80xi32, #tpu.memory_space<hbm>>, %arg4: memref<2x16x250x80xi32, #tpu.memory_space<hbm>>, %arg5: memref<16x250x80xf32, #tpu.memory_space<hbm>>, %arg6: memref<10240x128xf32, #tpu.memory_space<hbm>>, %arg7: memref<10240x128xf32, #tpu.memory_space<hbm>>, %arg8: memref<50x80xi32, #tpu.memory_space<vmem>>, %arg9: memref<50x80xi32, #tpu.memory_space<vmem>>, %arg10: memref<50x80xf32, #tpu.memory_space<vmem>>, %arg11: memref<80x128xf32, #tpu.memory_space<vmem>>, %arg12: memref<80x128xf32, #tpu.memory_space<vmem>>, %arg13: memref<32x128xf32, #tpu.memory_space<vmem>>, %arg14: memref<10240x128xf32, #tpu.memory_space<vmem_shared>>, %arg15: memref<!tpu.dma_semaphore, #tpu.memory_space<semaphore_mem>>, %arg16: memref<!tpu.dma_semaphore, #tpu.memory_space<semaphore_mem>>) attributes {dimension_semantics = [#tpu.dimension_semantics<core_parallel>, #tpu.dimension_semantics<subcore_parallel>], iteration_bounds = array<i64: 2, 16>, scalar_prefetch = 0 : i64, scratch_operands = 9 : i64, tpu.core_type = #tpu.core_type<sc_vector_subcore>, window_params = [{transform_indices = #map}, {transform_indices = #map1}, {transform_indices = #map1}, {transform_indices = #map2}, {transform_indices = #map}, {transform_indices = #map}]} {
    %scan3A = arith.constant 0 : i32
    %scan3A_0 = arith.constant 0 : i32
    %scan3A_1 = arith.constant 32 : i32
    %scan3A_2 = arith.addi %scan3A_0, %scan3A_1 : i32
    %scan3A_3 = arith.constant 1 : i32
    scf.for %scan3A_337 = %scan3A_0 to %scan3A_2 step %scan3A_3  : i32 {
      %broadcast_in_dim3A = arith.constant 0.000000e+00 : f32
      %broadcast_in_dim3A_338 = vector.broadcast %broadcast_in_dim3A : f32 to vector<16xf32>
      %swap3A = arith.index_cast %scan3A_337 : i32 to index
      %swap3A_339 = arith.constant 0 : index
      %swap3A_340 = tpu.vector_load %arg13[%swap3A, %swap3A_339] {strides = array<i32>} : memref<32x128xf32, #tpu.memory_space<vmem>>, vector<1x16xf32>,
      %swap3A_341 = vector.shape_cast %swap3A_340 : vector<1x16xf32> to vector<16xf32>
      %swap3A_342 = vector.shape_cast %broadcast_in_dim3A_338 : vector<16xf32> to vector<1x16xf32>
      tpu.vector_store %arg13[%swap3A, %swap3A_339], %swap3A_342 {strides = array<i32>} : memref<32x128xf32, #tpu.memory_space<vmem>>, vector<1x16xf32>,
      %broadcast_in_dim3A_343 = arith.constant 0.000000e+00 : f32
      %broadcast_in_dim3A_344 = vector.broadcast %broadcast_in_dim3A_343 : f32 to vector<16xf32>
      %swap3A_345 = arith.index_cast %scan3A_337 : i32 to index
      %swap3A_346 = arith.constant 16 : index
      %swap3A_347 = tpu.vector_load %arg13[%swap3A_345, %swap3A_346] {strides = array<i32>} : memref<32x128xf32, #tpu.memory_space<vmem>>, vector<1x16xf32>,
      %swap3A_348 = vector.shape_cast %swap3A_347 : vector<1x16xf32> to vector<16xf32>
      %swap3A_349 = vector.shape_cast %broadcast_in_dim3A_344 : vector<16xf32> to vector<1x16xf32>
      tpu.vector_store %arg13[%swap3A_345, %swap3A_346], %swap3A_349 {strides = array<i32>} : memref<32x128xf32, #tpu.memory_space<vmem>>, vector<1x16xf32>,
      %broadcast_in_dim3A_350 = arith.constant 0.000000e+00 : f32
      %broadcast_in_dim3A_351 = vector.broadcast %broadcast_in_dim3A_350 : f32 to vector<16xf32>
      %swap3A_352 = arith.index_cast %scan3A_337 : i32 to index
      %swap3A_353 = arith.constant 32 : index
      %swap3A_354 = tpu.vector_load %arg13[%swap3A_352, %swap3A_353] {strides = array<i32>} : memref<32x128xf32, #tpu.memory_space<vmem>>, vector<1x16xf32>,
      %swap3A_355 = vector.shape_cast %swap3A_354 : vector<1x16xf32> to vector<16xf32>
      %swap3A_356 = vector.shape_cast %broadcast_in_dim3A_351 : vector<16xf32> to vector<1x16xf32>
      tpu.vector_store %arg13[%swap3A_352, %swap3A_353], %swap3A_356 {strides = array<i32>} : memref<32x128xf32, #tpu.memory_space<vmem>>, vector<1x16xf32>,
      %broadcast_in_dim3A_357 = arith.constant 0.000000e+00 : f32
      %broadcast_in_dim3A_358 = vector.broadcast %broadcast_in_dim3A_357 : f32 to vector<16xf32>
      %swap3A_359 = arith.index_cast %scan3A_337 : i32 to index
      %swap3A_360 = arith.constant 48 : index
      %swap3A_361 = tpu.vector_load %arg13[%swap3A_359, %swap3A_360] {strides = array<i32>} : memref<32x128xf32, #tpu.memory_space<vmem>>, vector<1x16xf32>,
      %swap3A_362 = vector.shape_cast %swap3A_361 : vector<1x16xf32> to vector<16xf32>
      %swap3A_363 = vector.shape_cast %broadcast_in_dim3A_358 : vector<16xf32> to vector<1x16xf32>
      tpu.vector_store %arg13[%swap3A_359, %swap3A_360], %swap3A_363 {strides = array<i32>} : memref<32x128xf32, #tpu.memory_space<vmem>>, vector<1x16xf32>,
      %broadcast_in_dim3A_364 = arith.constant 0.000000e+00 : f32
      %broadcast_in_dim3A_365 = vector.broadcast %broadcast_in_dim3A_364 : f32 to vector<16xf32>
      %swap3A_366 = arith.index_cast %scan3A_337 : i32 to index
      %swap3A_367 = arith.constant 64 : index
      %swap3A_368 = tpu.vector_load %arg13[%swap3A_366, %swap3A_367] {strides = array<i32>} : memref<32x128xf32, #tpu.memory_space<vmem>>, vector<1x16xf32>,
      %swap3A_369 = vector.shape_cast %swap3A_368 : vector<1x16xf32> to vector<16xf32>
      %swap3A_370 = vector.shape_cast %broadcast_in_dim3A_365 : vector<16xf32> to vector<1x16xf32>
      tpu.vector_store %arg13[%swap3A_366, %swap3A_367], %swap3A_370 {strides = array<i32>} : memref<32x128xf32, #tpu.memory_space<vmem>>, vector<1x16xf32>,
      %broadcast_in_dim3A_371 = arith.constant 0.000000e+00 : f32
      %broadcast_in_dim3A_372 = vector.broadcast %broadcast_in_dim3A_371 : f32 to vector<16xf32>
      %swap3A_373 = arith.index_cast %scan3A_337 : i32 to index
      %swap3A_374 = arith.constant 80 : index
      %swap3A_375 = tpu.vector_load %arg13[%swap3A_373, %swap3A_374] {strides = array<i32>} : memref<32x128xf32, #tpu.memory_space<vmem>>, vector<1x16xf32>,
      %swap3A_376 = vector.shape_cast %swap3A_375 : vector<1x16xf32> to vector<16xf32>
      %swap3A_377 = vector.shape_cast %broadcast_in_dim3A_372 : vector<16xf32> to vector<1x16xf32>
      tpu.vector_store %arg13[%swap3A_373, %swap3A_374], %swap3A_377 {strides = array<i32>} : memref<32x128xf32, #tpu.memory_space<vmem>>, vector<1x16xf32>,
      %broadcast_in_dim3A_378 = arith.constant 0.000000e+00 : f32
      %broadcast_in_dim3A_379 = vector.broadcast %broadcast_in_dim3A_378 : f32 to vector<16xf32>
      %swap3A_380 = arith.index_cast %scan3A_337 : i32 to index
      %swap3A_381 = arith.constant 96 : index
      %swap3A_382 = tpu.vector_load %arg13[%swap3A_380, %swap3A_381] {strides = array<i32>} : memref<32x128xf32, #tpu.memory_space<vmem>>, vector<1x16xf32>,
      %swap3A_383 = vector.shape_cast %swap3A_382 : vector<1x16xf32> to vector<16xf32>
      %swap3A_384 = vector.shape_cast %broadcast_in_dim3A_379 : vector<16xf32> to vector<1x16xf32>
      tpu.vector_store %arg13[%swap3A_380, %swap3A_381], %swap3A_384 {strides = array<i32>} : memref<32x128xf32, #tpu.memory_space<vmem>>, vector<1x16xf32>,
      %broadcast_in_dim3A_385 = arith.constant 0.000000e+00 : f32
      %broadcast_in_dim3A_386 = vector.broadcast %broadcast_in_dim3A_385 : f32 to vector<16xf32>
      %swap3A_387 = arith.index_cast %scan3A_337 : i32 to index
      %swap3A_388 = arith.constant 112 : index
      %swap3A_389 = tpu.vector_load %arg13[%swap3A_387, %swap3A_388] {strides = array<i32>} : memref<32x128xf32, #tpu.memory_space<vmem>>, vector<1x16xf32>,
      %swap3A_390 = vector.shape_cast %swap3A_389 : vector<1x16xf32> to vector<16xf32>
      %swap3A_391 = vector.shape_cast %broadcast_in_dim3A_386 : vector<16xf32> to vector<1x16xf32>
      tpu.vector_store %arg13[%swap3A_387, %swap3A_388], %swap3A_391 {strides = array<i32>} : memref<32x128xf32, #tpu.memory_space<vmem>>, vector<1x16xf32>,
    }
    %scan3A_4 = arith.constant 32 : i32
    %mul3A = arith.constant 640 : i32
    %mul3A_5 = arith.muli %arg1, %mul3A : i32
    %add3A = arith.constant 0 : i32
    %add3A_6 = arith.addi %mul3A_5, %add3A : i32
    %dma_start3A = arith.constant 0 : i32
    %dma_start3A_7 = tpu.memref_slice %arg14[%add3A_6, %dma_start3A] : memref<10240x128xf32, #tpu.memory_space<vmem_shared>> -> memref<32x128xf32, #tpu.memory_space<vmem_shared>>
    %dma_start3A_8 = arith.constant 0 : i32
    %dma_start3A_9 = tpu.memref_slice %arg14[%add3A_6, %dma_start3A_8] : memref<10240x128xf32, #tpu.memory_space<vmem_shared>> -> memref<32x128xf32, #tpu.memory_space<vmem_shared>>
    tpu.enqueue_dma source(%arg13 : memref<32x128xf32, #tpu.memory_space<vmem>>) target(%dma_start3A_9 : memref<32x128xf32, #tpu.memory_space<vmem_shared>>) target_semaphore(%arg15 : memref<!tpu.dma_semaphore, #tpu.memory_space<semaphore_mem>>)
    %mul3A_10 = arith.constant 640 : i32
    %mul3A_11 = arith.muli %arg1, %mul3A_10 : i32
    %add3A_12 = arith.constant 32 : i32
    %add3A_13 = arith.addi %mul3A_11, %add3A_12 : i32
    %dma_start3A_14 = arith.constant 0 : i32
    %dma_start3A_15 = tpu.memref_slice %arg14[%add3A_13, %dma_start3A_14] : memref<10240x128xf32, #tpu.memory_space<vmem_shared>> -> memref<32x128xf32, #tpu.memory_space<vmem_shared>>
    %dma_start3A_16 = arith.constant 0 : i32
    %dma_start3A_17 = tpu.memref_slice %arg14[%add3A_13, %dma_start3A_16] : memref<10240x128xf32, #tpu.memory_space<vmem_shared>> -> memref<32x128xf32, #tpu.memory_space<vmem_shared>>
    tpu.enqueue_dma source(%arg13 : memref<32x128xf32, #tpu.memory_space<vmem>>) target(%dma_start3A_17 : memref<32x128xf32, #tpu.memory_space<vmem_shared>>) target_semaphore(%arg15 : memref<!tpu.dma_semaphore, #tpu.memory_space<semaphore_mem>>)
    %mul3A_18 = arith.constant 640 : i32
    %mul3A_19 = arith.muli %arg1, %mul3A_18 : i32
    %add3A_20 = arith.constant 64 : i32
    %add3A_21 = arith.addi %mul3A_19, %add3A_20 : i32
    %dma_start3A_22 = arith.constant 0 : i32
    %dma_start3A_23 = tpu.memref_slice %arg14[%add3A_21, %dma_start3A_22] : memref<10240x128xf32, #tpu.memory_space<vmem_shared>> -> memref<32x128xf32, #tpu.memory_space<vmem_shared>>
    %dma_start3A_24 = arith.constant 0 : i32
    %dma_start3A_25 = tpu.memref_slice %arg14[%add3A_21, %dma_start3A_24] : memref<10240x128xf32, #tpu.memory_space<vmem_shared>> -> memref<32x128xf32, #tpu.memory_space<vmem_shared>>
    tpu.enqueue_dma source(%arg13 : memref<32x128xf32, #tpu.memory_space<vmem>>) target(%dma_start3A_25 : memref<32x128xf32, #tpu.memory_space<vmem_shared>>) target_semaphore(%arg15 : memref<!tpu.dma_semaphore, #tpu.memory_space<semaphore_mem>>)
    %mul3A_26 = arith.constant 640 : i32
    %mul3A_27 = arith.muli %arg1, %mul3A_26 : i32
    %add3A_28 = arith.constant 96 : i32
    %add3A_29 = arith.addi %mul3A_27, %add3A_28 : i32
    %dma_start3A_30 = arith.constant 0 : i32
    %dma_start3A_31 = tpu.memref_slice %arg14[%add3A_29, %dma_start3A_30] : memref<10240x128xf32, #tpu.memory_space<vmem_shared>> -> memref<32x128xf32, #tpu.memory_space<vmem_shared>>
    %dma_start3A_32 = arith.constant 0 : i32
    %dma_start3A_33 = tpu.memref_slice %arg14[%add3A_29, %dma_start3A_32] : memref<10240x128xf32, #tpu.memory_space<vmem_shared>> -> memref<32x128xf32, #tpu.memory_space<vmem_shared>>
    tpu.enqueue_dma source(%arg13 : memref<32x128xf32, #tpu.memory_space<vmem>>) target(%dma_start3A_33 : memref<32x128xf32, #tpu.memory_space<vmem_shared>>) target_semaphore(%arg15 : memref<!tpu.dma_semaphore, #tpu.memory_space<semaphore_mem>>)
    %mul3A_34 = arith.constant 640 : i32
    %mul3A_35 = arith.muli %arg1, %mul3A_34 : i32
    %add3A_36 = arith.constant 128 : i32
    %add3A_37 = arith.addi %mul3A_35, %add3A_36 : i32
    %dma_start3A_38 = arith.constant 0 : i32
    %dma_start3A_39 = tpu.memref_slice %arg14[%add3A_37, %dma_start3A_38] : memref<10240x128xf32, #tpu.memory_space<vmem_shared>> -> memref<32x128xf32, #tpu.memory_space<vmem_shared>>
    %dma_start3A_40 = arith.constant 0 : i32
    %dma_start3A_41 = tpu.memref_slice %arg14[%add3A_37, %dma_start3A_40] : memref<10240x128xf32, #tpu.memory_space<vmem_shared>> -> memref<32x128xf32, #tpu.memory_space<vmem_shared>>
    tpu.enqueue_dma source(%arg13 : memref<32x128xf32, #tpu.memory_space<vmem>>) target(%dma_start3A_41 : memref<32x128xf32, #tpu.memory_space<vmem_shared>>) target_semaphore(%arg15 : memref<!tpu.dma_semaphore, #tpu.memory_space<semaphore_mem>>)
    %mul3A_42 = arith.constant 640 : i32
    %mul3A_43 = arith.muli %arg1, %mul3A_42 : i32
    %add3A_44 = arith.constant 160 : i32
    %add3A_45 = arith.addi %mul3A_43, %add3A_44 : i32
    %dma_start3A_46 = arith.constant 0 : i32
    %dma_start3A_47 = tpu.memref_slice %arg14[%add3A_45, %dma_start3A_46] : memref<10240x128xf32, #tpu.memory_space<vmem_shared>> -> memref<32x128xf32, #tpu.memory_space<vmem_shared>>
    %dma_start3A_48 = arith.constant 0 : i32
    %dma_start3A_49 = tpu.memref_slice %arg14[%add3A_45, %dma_start3A_48] : memref<10240x128xf32, #tpu.memory_space<vmem_shared>> -> memref<32x128xf32, #tpu.memory_space<vmem_shared>>
    tpu.enqueue_dma source(%arg13 : memref<32x128xf32, #tpu.memory_space<vmem>>) target(%dma_start3A_49 : memref<32x128xf32, #tpu.memory_space<vmem_shared>>) target_semaphore(%arg15 : memref<!tpu.dma_semaphore, #tpu.memory_space<semaphore_mem>>)
    %mul3A_50 = arith.constant 640 : i32
    %mul3A_51 = arith.muli %arg1, %mul3A_50 : i32
    %add3A_52 = arith.constant 192 : i32
    %add3A_53 = arith.addi %mul3A_51, %add3A_52 : i32
    %dma_start3A_54 = arith.constant 0 : i32
    %dma_start3A_55 = tpu.memref_slice %arg14[%add3A_53, %dma_start3A_54] : memref<10240x128xf32, #tpu.memory_space<vmem_shared>> -> memref<32x128xf32, #tpu.memory_space<vmem_shared>>
    %dma_start3A_56 = arith.constant 0 : i32
    %dma_start3A_57 = tpu.memref_slice %arg14[%add3A_53, %dma_start3A_56] : memref<10240x128xf32, #tpu.memory_space<vmem_shared>> -> memref<32x128xf32, #tpu.memory_space<vmem_shared>>
    tpu.enqueue_dma source(%arg13 : memref<32x128xf32, #tpu.memory_space<vmem>>) target(%dma_start3A_57 : memref<32x128xf32, #tpu.memory_space<vmem_shared>>) target_semaphore(%arg15 : memref<!tpu.dma_semaphore, #tpu.memory_space<semaphore_mem>>)
    %mul3A_58 = arith.constant 640 : i32
    %mul3A_59 = arith.muli %arg1, %mul3A_58 : i32
    %add3A_60 = arith.constant 224 : i32
    %add3A_61 = arith.addi %mul3A_59, %add3A_60 : i32
    %dma_start3A_62 = arith.constant 0 : i32
    %dma_start3A_63 = tpu.memref_slice %arg14[%add3A_61, %dma_start3A_62] : memref<10240x128xf32, #tpu.memory_space<vmem_shared>> -> memref<32x128xf32, #tpu.memory_space<vmem_shared>>
    %dma_start3A_64 = arith.constant 0 : i32
    %dma_start3A_65 = tpu.memref_slice %arg14[%add3A_61, %dma_start3A_64] : memref<10240x128xf32, #tpu.memory_space<vmem_shared>> -> memref<32x128xf32, #tpu.memory_space<vmem_shared>>
    tpu.enqueue_dma source(%arg13 : memref<32x128xf32, #tpu.memory_space<vmem>>) target(%dma_start3A_65 : memref<32x128xf32, #tpu.memory_space<vmem_shared>>) target_semaphore(%arg15 : memref<!tpu.dma_semaphore, #tpu.memory_space<semaphore_mem>>)
    %mul3A_66 = arith.constant 640 : i32
    %mul3A_67 = arith.muli %arg1, %mul3A_66 : i32
    %add3A_68 = arith.constant 256 : i32
    %add3A_69 = arith.addi %mul3A_67, %add3A_68 : i32
    %dma_start3A_70 = arith.constant 0 : i32
    %dma_start3A_71 = tpu.memref_slice %arg14[%add3A_69, %dma_start3A_70] : memref<10240x128xf32, #tpu.memory_space<vmem_shared>> -> memref<32x128xf32, #tpu.memory_space<vmem_shared>>
    %dma_start3A_72 = arith.constant 0 : i32
    %dma_start3A_73 = tpu.memref_slice %arg14[%add3A_69, %dma_start3A_72] : memref<10240x128xf32, #tpu.memory_space<vmem_shared>> -> memref<32x128xf32, #tpu.memory_space<vmem_shared>>
    tpu.enqueue_dma source(%arg13 : memref<32x128xf32, #tpu.memory_space<vmem>>) target(%dma_start3A_73 : memref<32x128xf32, #tpu.memory_space<vmem_shared>>) target_semaphore(%arg15 : memref<!tpu.dma_semaphore, #tpu.memory_space<semaphore_mem>>)
    %mul3A_74 = arith.constant 640 : i32
    %mul3A_75 = arith.muli %arg1, %mul3A_74 : i32
    %add3A_76 = arith.constant 288 : i32
    %add3A_77 = arith.addi %mul3A_75, %add3A_76 : i32
    %dma_start3A_78 = arith.constant 0 : i32
    %dma_start3A_79 = tpu.memref_slice %arg14[%add3A_77, %dma_start3A_78] : memref<10240x128xf32, #tpu.memory_space<vmem_shared>> -> memref<32x128xf32, #tpu.memory_space<vmem_shared>>
    %dma_start3A_80 = arith.constant 0 : i32
    %dma_start3A_81 = tpu.memref_slice %arg14[%add3A_77, %dma_start3A_80] : memref<10240x128xf32, #tpu.memory_space<vmem_shared>> -> memref<32x128xf32, #tpu.memory_space<vmem_shared>>
    tpu.enqueue_dma source(%arg13 : memref<32x128xf32, #tpu.memory_space<vmem>>) target(%dma_start3A_81 : memref<32x128xf32, #tpu.memory_space<vmem_shared>>) target_semaphore(%arg15 : memref<!tpu.dma_semaphore, #tpu.memory_space<semaphore_mem>>)
    %mul3A_82 = arith.constant 640 : i32
    %mul3A_83 = arith.muli %arg1, %mul3A_82 : i32
    %add3A_84 = arith.constant 320 : i32
    %add3A_85 = arith.addi %mul3A_83, %add3A_84 : i32
    %dma_start3A_86 = arith.constant 0 : i32
    %dma_start3A_87 = tpu.memref_slice %arg14[%add3A_85, %dma_start3A_86] : memref<10240x128xf32, #tpu.memory_space<vmem_shared>> -> memref<32x128xf32, #tpu.memory_space<vmem_shared>>
    %dma_start3A_88 = arith.constant 0 : i32
    %dma_start3A_89 = tpu.memref_slice %arg14[%add3A_85, %dma_start3A_88] : memref<10240x128xf32, #tpu.memory_space<vmem_shared>> -> memref<32x128xf32, #tpu.memory_space<vmem_shared>>
    tpu.enqueue_dma source(%arg13 : memref<32x128xf32, #tpu.memory_space<vmem>>) target(%dma_start3A_89 : memref<32x128xf32, #tpu.memory_space<vmem_shared>>) target_semaphore(%arg15 : memref<!tpu.dma_semaphore, #tpu.memory_space<semaphore_mem>>)
    %mul3A_90 = arith.constant 640 : i32
    %mul3A_91 = arith.muli %arg1, %mul3A_90 : i32
    %add3A_92 = arith.constant 352 : i32
    %add3A_93 = arith.addi %mul3A_91, %add3A_92 : i32
    %dma_start3A_94 = arith.constant 0 : i32
    %dma_start3A_95 = tpu.memref_slice %arg14[%add3A_93, %dma_start3A_94] : memref<10240x128xf32, #tpu.memory_space<vmem_shared>> -> memref<32x128xf32, #tpu.memory_space<vmem_shared>>
    %dma_start3A_96 = arith.constant 0 : i32
    %dma_start3A_97 = tpu.memref_slice %arg14[%add3A_93, %dma_start3A_96] : memref<10240x128xf32, #tpu.memory_space<vmem_shared>> -> memref<32x128xf32, #tpu.memory_space<vmem_shared>>
    tpu.enqueue_dma source(%arg13 : memref<32x128xf32, #tpu.memory_space<vmem>>) target(%dma_start3A_97 : memref<32x128xf32, #tpu.memory_space<vmem_shared>>) target_semaphore(%arg15 : memref<!tpu.dma_semaphore, #tpu.memory_space<semaphore_mem>>)
    %mul3A_98 = arith.constant 640 : i32
    %mul3A_99 = arith.muli %arg1, %mul3A_98 : i32
    %add3A_100 = arith.constant 384 : i32
    %add3A_101 = arith.addi %mul3A_99, %add3A_100 : i32
    %dma_start3A_102 = arith.constant 0 : i32
    %dma_start3A_103 = tpu.memref_slice %arg14[%add3A_101, %dma_start3A_102] : memref<10240x128xf32, #tpu.memory_space<vmem_shared>> -> memref<32x128xf32, #tpu.memory_space<vmem_shared>>
    %dma_start3A_104 = arith.constant 0 : i32
    %dma_start3A_105 = tpu.memref_slice %arg14[%add3A_101, %dma_start3A_104] : memref<10240x128xf32, #tpu.memory_space<vmem_shared>> -> memref<32x128xf32, #tpu.memory_space<vmem_shared>>
    tpu.enqueue_dma source(%arg13 : memref<32x128xf32, #tpu.memory_space<vmem>>) target(%dma_start3A_105 : memref<32x128xf32, #tpu.memory_space<vmem_shared>>) target_semaphore(%arg15 : memref<!tpu.dma_semaphore, #tpu.memory_space<semaphore_mem>>)
    %mul3A_106 = arith.constant 640 : i32
    %mul3A_107 = arith.muli %arg1, %mul3A_106 : i32
    %add3A_108 = arith.constant 416 : i32
    %add3A_109 = arith.addi %mul3A_107, %add3A_108 : i32
    %dma_start3A_110 = arith.constant 0 : i32
    %dma_start3A_111 = tpu.memref_slice %arg14[%add3A_109, %dma_start3A_110] : memref<10240x128xf32, #tpu.memory_space<vmem_shared>> -> memref<32x128xf32, #tpu.memory_space<vmem_shared>>
    %dma_start3A_112 = arith.constant 0 : i32
    %dma_start3A_113 = tpu.memref_slice %arg14[%add3A_109, %dma_start3A_112] : memref<10240x128xf32, #tpu.memory_space<vmem_shared>> -> memref<32x128xf32, #tpu.memory_space<vmem_shared>>
    tpu.enqueue_dma source(%arg13 : memref<32x128xf32, #tpu.memory_space<vmem>>) target(%dma_start3A_113 : memref<32x128xf32, #tpu.memory_space<vmem_shared>>) target_semaphore(%arg15 : memref<!tpu.dma_semaphore, #tpu.memory_space<semaphore_mem>>)
    %mul3A_114 = arith.constant 640 : i32
    %mul3A_115 = arith.muli %arg1, %mul3A_114 : i32
    %add3A_116 = arith.constant 448 : i32
    %add3A_117 = arith.addi %mul3A_115, %add3A_116 : i32
    %dma_start3A_118 = arith.constant 0 : i32
    %dma_start3A_119 = tpu.memref_slice %arg14[%add3A_117, %dma_start3A_118] : memref<10240x128xf32, #tpu.memory_space<vmem_shared>> -> memref<32x128xf32, #tpu.memory_space<vmem_shared>>
    %dma_start3A_120 = arith.constant 0 : i32
    %dma_start3A_121 = tpu.memref_slice %arg14[%add3A_117, %dma_start3A_120] : memref<10240x128xf32, #tpu.memory_space<vmem_shared>> -> memref<32x128xf32, #tpu.memory_space<vmem_shared>>
    tpu.enqueue_dma source(%arg13 : memref<32x128xf32, #tpu.memory_space<vmem>>) target(%dma_start3A_121 : memref<32x128xf32, #tpu.memory_space<vmem_shared>>) target_semaphore(%arg15 : memref<!tpu.dma_semaphore, #tpu.memory_space<semaphore_mem>>)
    %mul3A_122 = arith.constant 640 : i32
    %mul3A_123 = arith.muli %arg1, %mul3A_122 : i32
    %add3A_124 = arith.constant 480 : i32
    %add3A_125 = arith.addi %mul3A_123, %add3A_124 : i32
    %dma_start3A_126 = arith.constant 0 : i32
    %dma_start3A_127 = tpu.memref_slice %arg14[%add3A_125, %dma_start3A_126] : memref<10240x128xf32, #tpu.memory_space<vmem_shared>> -> memref<32x128xf32, #tpu.memory_space<vmem_shared>>
    %dma_start3A_128 = arith.constant 0 : i32
    %dma_start3A_129 = tpu.memref_slice %arg14[%add3A_125, %dma_start3A_128] : memref<10240x128xf32, #tpu.memory_space<vmem_shared>> -> memref<32x128xf32, #tpu.memory_space<vmem_shared>>
    tpu.enqueue_dma source(%arg13 : memref<32x128xf32, #tpu.memory_space<vmem>>) target(%dma_start3A_129 : memref<32x128xf32, #tpu.memory_space<vmem_shared>>) target_semaphore(%arg15 : memref<!tpu.dma_semaphore, #tpu.memory_space<semaphore_mem>>)
    %mul3A_130 = arith.constant 640 : i32
    %mul3A_131 = arith.muli %arg1, %mul3A_130 : i32
    %add3A_132 = arith.constant 512 : i32
    %add3A_133 = arith.addi %mul3A_131, %add3A_132 : i32
    %dma_start3A_134 = arith.constant 0 : i32
    %dma_start3A_135 = tpu.memref_slice %arg14[%add3A_133, %dma_start3A_134] : memref<10240x128xf32, #tpu.memory_space<vmem_shared>> -> memref<32x128xf32, #tpu.memory_space<vmem_shared>>
    %dma_start3A_136 = arith.constant 0 : i32
    %dma_start3A_137 = tpu.memref_slice %arg14[%add3A_133, %dma_start3A_136] : memref<10240x128xf32, #tpu.memory_space<vmem_shared>> -> memref<32x128xf32, #tpu.memory_space<vmem_shared>>
    tpu.enqueue_dma source(%arg13 : memref<32x128xf32, #tpu.memory_space<vmem>>) target(%dma_start3A_137 : memref<32x128xf32, #tpu.memory_space<vmem_shared>>) target_semaphore(%arg15 : memref<!tpu.dma_semaphore, #tpu.memory_space<semaphore_mem>>)
    %mul3A_138 = arith.constant 640 : i32
    %mul3A_139 = arith.muli %arg1, %mul3A_138 : i32
    %add3A_140 = arith.constant 544 : i32
    %add3A_141 = arith.addi %mul3A_139, %add3A_140 : i32
    %dma_start3A_142 = arith.constant 0 : i32
    %dma_start3A_143 = tpu.memref_slice %arg14[%add3A_141, %dma_start3A_142] : memref<10240x128xf32, #tpu.memory_space<vmem_shared>> -> memref<32x128xf32, #tpu.memory_space<vmem_shared>>
    %dma_start3A_144 = arith.constant 0 : i32
    %dma_start3A_145 = tpu.memref_slice %arg14[%add3A_141, %dma_start3A_144] : memref<10240x128xf32, #tpu.memory_space<vmem_shared>> -> memref<32x128xf32, #tpu.memory_space<vmem_shared>>
    tpu.enqueue_dma source(%arg13 : memref<32x128xf32, #tpu.memory_space<vmem>>) target(%dma_start3A_145 : memref<32x128xf32, #tpu.memory_space<vmem_shared>>) target_semaphore(%arg15 : memref<!tpu.dma_semaphore, #tpu.memory_space<semaphore_mem>>)
    %mul3A_146 = arith.constant 640 : i32
    %mul3A_147 = arith.muli %arg1, %mul3A_146 : i32
    %add3A_148 = arith.constant 576 : i32
    %add3A_149 = arith.addi %mul3A_147, %add3A_148 : i32
    %dma_start3A_150 = arith.constant 0 : i32
    %dma_start3A_151 = tpu.memref_slice %arg14[%add3A_149, %dma_start3A_150] : memref<10240x128xf32, #tpu.memory_space<vmem_shared>> -> memref<32x128xf32, #tpu.memory_space<vmem_shared>>
    %dma_start3A_152 = arith.constant 0 : i32
    %dma_start3A_153 = tpu.memref_slice %arg14[%add3A_149, %dma_start3A_152] : memref<10240x128xf32, #tpu.memory_space<vmem_shared>> -> memref<32x128xf32, #tpu.memory_space<vmem_shared>>
    tpu.enqueue_dma source(%arg13 : memref<32x128xf32, #tpu.memory_space<vmem>>) target(%dma_start3A_153 : memref<32x128xf32, #tpu.memory_space<vmem_shared>>) target_semaphore(%arg15 : memref<!tpu.dma_semaphore, #tpu.memory_space<semaphore_mem>>)
    %mul3A_154 = arith.constant 640 : i32
    %mul3A_155 = arith.muli %arg1, %mul3A_154 : i32
    %add3A_156 = arith.constant 608 : i32
    %add3A_157 = arith.addi %mul3A_155, %add3A_156 : i32
    %dma_start3A_158 = arith.constant 0 : i32
    %dma_start3A_159 = tpu.memref_slice %arg14[%add3A_157, %dma_start3A_158] : memref<10240x128xf32, #tpu.memory_space<vmem_shared>> -> memref<32x128xf32, #tpu.memory_space<vmem_shared>>
    %dma_start3A_160 = arith.constant 0 : i32
    %dma_start3A_161 = tpu.memref_slice %arg14[%add3A_157, %dma_start3A_160] : memref<10240x128xf32, #tpu.memory_space<vmem_shared>> -> memref<32x128xf32, #tpu.memory_space<vmem_shared>>
    tpu.enqueue_dma source(%arg13 : memref<32x128xf32, #tpu.memory_space<vmem>>) target(%dma_start3A_161 : memref<32x128xf32, #tpu.memory_space<vmem_shared>>) target_semaphore(%arg15 : memref<!tpu.dma_semaphore, #tpu.memory_space<semaphore_mem>>)
    %mul3A_162 = arith.constant 640 : i32
    %mul3A_163 = arith.muli %arg1, %mul3A_162 : i32
    %add3A_164 = arith.constant 0 : i32
    %add3A_165 = arith.addi %mul3A_163, %add3A_164 : i32
    %dma_wait3A = arith.constant 0 : i32
    %dma_wait3A_166 = tpu.memref_slice %arg14[%add3A_165, %dma_wait3A] : memref<10240x128xf32, #tpu.memory_space<vmem_shared>> -> memref<32x128xf32, #tpu.memory_space<vmem_shared>>
    %dma_wait3A_167 = arith.constant 0 : i32
    %dma_wait3A_168 = tpu.memref_slice %arg14[%add3A_165, %dma_wait3A_167] : memref<10240x128xf32, #tpu.memory_space<vmem_shared>> -> memref<32x128xf32, #tpu.memory_space<vmem_shared>>
    tpu.wait_dma2 semaphore(%arg15 : memref<!tpu.dma_semaphore, #tpu.memory_space<semaphore_mem>>) src(%arg13 : memref<32x128xf32, #tpu.memory_space<vmem>>) dst(%dma_wait3A_168 : memref<32x128xf32, #tpu.memory_space<vmem_shared>>)
    %mul3A_169 = arith.constant 640 : i32
    %mul3A_170 = arith.muli %arg1, %mul3A_169 : i32
    %add3A_171 = arith.constant 32 : i32
    %add3A_172 = arith.addi %mul3A_170, %add3A_171 : i32
    %dma_wait3A_173 = arith.constant 0 : i32
    %dma_wait3A_174 = tpu.memref_slice %arg14[%add3A_172, %dma_wait3A_173] : memref<10240x128xf32, #tpu.memory_space<vmem_shared>> -> memref<32x128xf32, #tpu.memory_space<vmem_shared>>
    %dma_wait3A_175 = arith.constant 0 : i32
    %dma_wait3A_176 = tpu.memref_slice %arg14[%add3A_172, %dma_wait3A_175] : memref<10240x128xf32, #tpu.memory_space<vmem_shared>> -> memref<32x128xf32, #tpu.memory_space<vmem_shared>>
    tpu.wait_dma2 semaphore(%arg15 : memref<!tpu.dma_semaphore, #tpu.memory_space<semaphore_mem>>) src(%arg13 : memref<32x128xf32, #tpu.memory_space<vmem>>) dst(%dma_wait3A_176 : memref<32x128xf32, #tpu.memory_space<vmem_shared>>)
    %mul3A_177 = arith.constant 640 : i32
    %mul3A_178 = arith.muli %arg1, %mul3A_177 : i32
    %add3A_179 = arith.constant 64 : i32
    %add3A_180 = arith.addi %mul3A_178, %add3A_179 : i32
    %dma_wait3A_181 = arith.constant 0 : i32
    %dma_wait3A_182 = tpu.memref_slice %arg14[%add3A_180, %dma_wait3A_181] : memref<10240x128xf32, #tpu.memory_space<vmem_shared>> -> memref<32x128xf32, #tpu.memory_space<vmem_shared>>
    %dma_wait3A_183 = arith.constant 0 : i32
    %dma_wait3A_184 = tpu.memref_slice %arg14[%add3A_180, %dma_wait3A_183] : memref<10240x128xf32, #tpu.memory_space<vmem_shared>> -> memref<32x128xf32, #tpu.memory_space<vmem_shared>>
    tpu.wait_dma2 semaphore(%arg15 : memref<!tpu.dma_semaphore, #tpu.memory_space<semaphore_mem>>) src(%arg13 : memref<32x128xf32, #tpu.memory_space<vmem>>) dst(%dma_wait3A_184 : memref<32x128xf32, #tpu.memory_space<vmem_shared>>)
    %mul3A_185 = arith.constant 640 : i32
    %mul3A_186 = arith.muli %arg1, %mul3A_185 : i32
    %add3A_187 = arith.constant 96 : i32
    %add3A_188 = arith.addi %mul3A_186, %add3A_187 : i32
    %dma_wait3A_189 = arith.constant 0 : i32
    %dma_wait3A_190 = tpu.memref_slice %arg14[%add3A_188, %dma_wait3A_189] : memref<10240x128xf32, #tpu.memory_space<vmem_shared>> -> memref<32x128xf32, #tpu.memory_space<vmem_shared>>
    %dma_wait3A_191 = arith.constant 0 : i32
    %dma_wait3A_192 = tpu.memref_slice %arg14[%add3A_188, %dma_wait3A_191] : memref<10240x128xf32, #tpu.memory_space<vmem_shared>> -> memref<32x128xf32, #tpu.memory_space<vmem_shared>>
    tpu.wait_dma2 semaphore(%arg15 : memref<!tpu.dma_semaphore, #tpu.memory_space<semaphore_mem>>) src(%arg13 : memref<32x128xf32, #tpu.memory_space<vmem>>) dst(%dma_wait3A_192 : memref<32x128xf32, #tpu.memory_space<vmem_shared>>)
    %mul3A_193 = arith.constant 640 : i32
    %mul3A_194 = arith.muli %arg1, %mul3A_193 : i32
    %add3A_195 = arith.constant 128 : i32
    %add3A_196 = arith.addi %mul3A_194, %add3A_195 : i32
    %dma_wait3A_197 = arith.constant 0 : i32
    %dma_wait3A_198 = tpu.memref_slice %arg14[%add3A_196, %dma_wait3A_197] : memref<10240x128xf32, #tpu.memory_space<vmem_shared>> -> memref<32x128xf32, #tpu.memory_space<vmem_shared>>
    %dma_wait3A_199 = arith.constant 0 : i32
    %dma_wait3A_200 = tpu.memref_slice %arg14[%add3A_196, %dma_wait3A_199] : memref<10240x128xf32, #tpu.memory_space<vmem_shared>> -> memref<32x128xf32, #tpu.memory_space<vmem_shared>>
    tpu.wait_dma2 semaphore(%arg15 : memref<!tpu.dma_semaphore, #tpu.memory_space<semaphore_mem>>) src(%arg13 : memref<32x128xf32, #tpu.memory_space<vmem>>) dst(%dma_wait3A_200 : memref<32x128xf32, #tpu.memory_space<vmem_shared>>)
    %mul3A_201 = arith.constant 640 : i32
    %mul3A_202 = arith.muli %arg1, %mul3A_201 : i32
    %add3A_203 = arith.constant 160 : i32
    %add3A_204 = arith.addi %mul3A_202, %add3A_203 : i32
    %dma_wait3A_205 = arith.constant 0 : i32
    %dma_wait3A_206 = tpu.memref_slice %arg14[%add3A_204, %dma_wait3A_205] : memref<10240x128xf32, #tpu.memory_space<vmem_shared>> -> memref<32x128xf32, #tpu.memory_space<vmem_shared>>
    %dma_wait3A_207 = arith.constant 0 : i32
    %dma_wait3A_208 = tpu.memref_slice %arg14[%add3A_204, %dma_wait3A_207] : memref<10240x128xf32, #tpu.memory_space<vmem_shared>> -> memref<32x128xf32, #tpu.memory_space<vmem_shared>>
    tpu.wait_dma2 semaphore(%arg15 : memref<!tpu.dma_semaphore, #tpu.memory_space<semaphore_mem>>) src(%arg13 : memref<32x128xf32, #tpu.memory_space<vmem>>) dst(%dma_wait3A_208 : memref<32x128xf32, #tpu.memory_space<vmem_shared>>)
    %mul3A_209 = arith.constant 640 : i32
    %mul3A_210 = arith.muli %arg1, %mul3A_209 : i32
    %add3A_211 = arith.constant 192 : i32
    %add3A_212 = arith.addi %mul3A_210, %add3A_211 : i32
    %dma_wait3A_213 = arith.constant 0 : i32
    %dma_wait3A_214 = tpu.memref_slice %arg14[%add3A_212, %dma_wait3A_213] : memref<10240x128xf32, #tpu.memory_space<vmem_shared>> -> memref<32x128xf32, #tpu.memory_space<vmem_shared>>
    %dma_wait3A_215 = arith.constant 0 : i32
    %dma_wait3A_216 = tpu.memref_slice %arg14[%add3A_212, %dma_wait3A_215] : memref<10240x128xf32, #tpu.memory_space<vmem_shared>> -> memref<32x128xf32, #tpu.memory_space<vmem_shared>>
    tpu.wait_dma2 semaphore(%arg15 : memref<!tpu.dma_semaphore, #tpu.memory_space<semaphore_mem>>) src(%arg13 : memref<32x128xf32, #tpu.memory_space<vmem>>) dst(%dma_wait3A_216 : memref<32x128xf32, #tpu.memory_space<vmem_shared>>)
    %mul3A_217 = arith.constant 640 : i32
    %mul3A_218 = arith.muli %arg1, %mul3A_217 : i32
    %add3A_219 = arith.constant 224 : i32
    %add3A_220 = arith.addi %mul3A_218, %add3A_219 : i32
    %dma_wait3A_221 = arith.constant 0 : i32
    %dma_wait3A_222 = tpu.memref_slice %arg14[%add3A_220, %dma_wait3A_221] : memref<10240x128xf32, #tpu.memory_space<vmem_shared>> -> memref<32x128xf32, #tpu.memory_space<vmem_shared>>
    %dma_wait3A_223 = arith.constant 0 : i32
    %dma_wait3A_224 = tpu.memref_slice %arg14[%add3A_220, %dma_wait3A_223] : memref<10240x128xf32, #tpu.memory_space<vmem_shared>> -> memref<32x128xf32, #tpu.memory_space<vmem_shared>>
    tpu.wait_dma2 semaphore(%arg15 : memref<!tpu.dma_semaphore, #tpu.memory_space<semaphore_mem>>) src(%arg13 : memref<32x128xf32, #tpu.memory_space<vmem>>) dst(%dma_wait3A_224 : memref<32x128xf32, #tpu.memory_space<vmem_shared>>)
    %mul3A_225 = arith.constant 640 : i32
    %mul3A_226 = arith.muli %arg1, %mul3A_225 : i32
    %add3A_227 = arith.constant 256 : i32
    %add3A_228 = arith.addi %mul3A_226, %add3A_227 : i32
    %dma_wait3A_229 = arith.constant 0 : i32
    %dma_wait3A_230 = tpu.memref_slice %arg14[%add3A_228, %dma_wait3A_229] : memref<10240x128xf32, #tpu.memory_space<vmem_shared>> -> memref<32x128xf32, #tpu.memory_space<vmem_shared>>
    %dma_wait3A_231 = arith.constant 0 : i32
    %dma_wait3A_232 = tpu.memref_slice %arg14[%add3A_228, %dma_wait3A_231] : memref<10240x128xf32, #tpu.memory_space<vmem_shared>> -> memref<32x128xf32, #tpu.memory_space<vmem_shared>>
    tpu.wait_dma2 semaphore(%arg15 : memref<!tpu.dma_semaphore, #tpu.memory_space<semaphore_mem>>) src(%arg13 : memref<32x128xf32, #tpu.memory_space<vmem>>) dst(%dma_wait3A_232 : memref<32x128xf32, #tpu.memory_space<vmem_shared>>)
    %mul3A_233 = arith.constant 640 : i32
    %mul3A_234 = arith.muli %arg1, %mul3A_233 : i32
    %add3A_235 = arith.constant 288 : i32
    %add3A_236 = arith.addi %mul3A_234, %add3A_235 : i32
    %dma_wait3A_237 = arith.constant 0 : i32
    %dma_wait3A_238 = tpu.memref_slice %arg14[%add3A_236, %dma_wait3A_237] : memref<10240x128xf32, #tpu.memory_space<vmem_shared>> -> memref<32x128xf32, #tpu.memory_space<vmem_shared>>
    %dma_wait3A_239 = arith.constant 0 : i32
    %dma_wait3A_240 = tpu.memref_slice %arg14[%add3A_236, %dma_wait3A_239] : memref<10240x128xf32, #tpu.memory_space<vmem_shared>> -> memref<32x128xf32, #tpu.memory_space<vmem_shared>>
    tpu.wait_dma2 semaphore(%arg15 : memref<!tpu.dma_semaphore, #tpu.memory_space<semaphore_mem>>) src(%arg13 : memref<32x128xf32, #tpu.memory_space<vmem>>) dst(%dma_wait3A_240 : memref<32x128xf32, #tpu.memory_space<vmem_shared>>)
    %mul3A_241 = arith.constant 640 : i32
    %mul3A_242 = arith.muli %arg1, %mul3A_241 : i32
    %add3A_243 = arith.constant 320 : i32
    %add3A_244 = arith.addi %mul3A_242, %add3A_243 : i32
    %dma_wait3A_245 = arith.constant 0 : i32
    %dma_wait3A_246 = tpu.memref_slice %arg14[%add3A_244, %dma_wait3A_245] : memref<10240x128xf32, #tpu.memory_space<vmem_shared>> -> memref<32x128xf32, #tpu.memory_space<vmem_shared>>
    %dma_wait3A_247 = arith.constant 0 : i32
    %dma_wait3A_248 = tpu.memref_slice %arg14[%add3A_244, %dma_wait3A_247] : memref<10240x128xf32, #tpu.memory_space<vmem_shared>> -> memref<32x128xf32, #tpu.memory_space<vmem_shared>>
    tpu.wait_dma2 semaphore(%arg15 : memref<!tpu.dma_semaphore, #tpu.memory_space<semaphore_mem>>) src(%arg13 : memref<32x128xf32, #tpu.memory_space<vmem>>) dst(%dma_wait3A_248 : memref<32x128xf32, #tpu.memory_space<vmem_shared>>)
    %mul3A_249 = arith.constant 640 : i32
    %mul3A_250 = arith.muli %arg1, %mul3A_249 : i32
    %add3A_251 = arith.constant 352 : i32
    %add3A_252 = arith.addi %mul3A_250, %add3A_251 : i32
    %dma_wait3A_253 = arith.constant 0 : i32
    %dma_wait3A_254 = tpu.memref_slice %arg14[%add3A_252, %dma_wait3A_253] : memref<10240x128xf32, #tpu.memory_space<vmem_shared>> -> memref<32x128xf32, #tpu.memory_space<vmem_shared>>
    %dma_wait3A_255 = arith.constant 0 : i32
    %dma_wait3A_256 = tpu.memref_slice %arg14[%add3A_252, %dma_wait3A_255] : memref<10240x128xf32, #tpu.memory_space<vmem_shared>> -> memref<32x128xf32, #tpu.memory_space<vmem_shared>>
    tpu.wait_dma2 semaphore(%arg15 : memref<!tpu.dma_semaphore, #tpu.memory_space<semaphore_mem>>) src(%arg13 : memref<32x128xf32, #tpu.memory_space<vmem>>) dst(%dma_wait3A_256 : memref<32x128xf32, #tpu.memory_space<vmem_shared>>)
    %mul3A_257 = arith.constant 640 : i32
    %mul3A_258 = arith.muli %arg1, %mul3A_257 : i32
    %add3A_259 = arith.constant 384 : i32
    %add3A_260 = arith.addi %mul3A_258, %add3A_259 : i32
    %dma_wait3A_261 = arith.constant 0 : i32
    %dma_wait3A_262 = tpu.memref_slice %arg14[%add3A_260, %dma_wait3A_261] : memref<10240x128xf32, #tpu.memory_space<vmem_shared>> -> memref<32x128xf32, #tpu.memory_space<vmem_shared>>
    %dma_wait3A_263 = arith.constant 0 : i32
    %dma_wait3A_264 = tpu.memref_slice %arg14[%add3A_260, %dma_wait3A_263] : memref<10240x128xf32, #tpu.memory_space<vmem_shared>> -> memref<32x128xf32, #tpu.memory_space<vmem_shared>>
    tpu.wait_dma2 semaphore(%arg15 : memref<!tpu.dma_semaphore, #tpu.memory_space<semaphore_mem>>) src(%arg13 : memref<32x128xf32, #tpu.memory_space<vmem>>) dst(%dma_wait3A_264 : memref<32x128xf32, #tpu.memory_space<vmem_shared>>)
    %mul3A_265 = arith.constant 640 : i32
    %mul3A_266 = arith.muli %arg1, %mul3A_265 : i32
    %add3A_267 = arith.constant 416 : i32
    %add3A_268 = arith.addi %mul3A_266, %add3A_267 : i32
    %dma_wait3A_269 = arith.constant 0 : i32
    %dma_wait3A_270 = tpu.memref_slice %arg14[%add3A_268, %dma_wait3A_269] : memref<10240x128xf32, #tpu.memory_space<vmem_shared>> -> memref<32x128xf32, #tpu.memory_space<vmem_shared>>
    %dma_wait3A_271 = arith.constant 0 : i32
    %dma_wait3A_272 = tpu.memref_slice %arg14[%add3A_268, %dma_wait3A_271] : memref<10240x128xf32, #tpu.memory_space<vmem_shared>> -> memref<32x128xf32, #tpu.memory_space<vmem_shared>>
    tpu.wait_dma2 semaphore(%arg15 : memref<!tpu.dma_semaphore, #tpu.memory_space<semaphore_mem>>) src(%arg13 : memref<32x128xf32, #tpu.memory_space<vmem>>) dst(%dma_wait3A_272 : memref<32x128xf32, #tpu.memory_space<vmem_shared>>)
    %mul3A_273 = arith.constant 640 : i32
    %mul3A_274 = arith.muli %arg1, %mul3A_273 : i32
    %add3A_275 = arith.constant 448 : i32
    %add3A_276 = arith.addi %mul3A_274, %add3A_275 : i32
    %dma_wait3A_277 = arith.constant 0 : i32
    %dma_wait3A_278 = tpu.memref_slice %arg14[%add3A_276, %dma_wait3A_277] : memref<10240x128xf32, #tpu.memory_space<vmem_shared>> -> memref<32x128xf32, #tpu.memory_space<vmem_shared>>
    %dma_wait3A_279 = arith.constant 0 : i32
    %dma_wait3A_280 = tpu.memref_slice %arg14[%add3A_276, %dma_wait3A_279] : memref<10240x128xf32, #tpu.memory_space<vmem_shared>> -> memref<32x128xf32, #tpu.memory_space<vmem_shared>>
    tpu.wait_dma2 semaphore(%arg15 : memref<!tpu.dma_semaphore, #tpu.memory_space<semaphore_mem>>) src(%arg13 : memref<32x128xf32, #tpu.memory_space<vmem>>) dst(%dma_wait3A_280 : memref<32x128xf32, #tpu.memory_space<vmem_shared>>)
    %mul3A_281 = arith.constant 640 : i32
    %mul3A_282 = arith.muli %arg1, %mul3A_281 : i32
    %add3A_283 = arith.constant 480 : i32
    %add3A_284 = arith.addi %mul3A_282, %add3A_283 : i32
    %dma_wait3A_285 = arith.constant 0 : i32
    %dma_wait3A_286 = tpu.memref_slice %arg14[%add3A_284, %dma_wait3A_285] : memref<10240x128xf32, #tpu.memory_space<vmem_shared>> -> memref<32x128xf32, #tpu.memory_space<vmem_shared>>
    %dma_wait3A_287 = arith.constant 0 : i32
    %dma_wait3A_288 = tpu.memref_slice %arg14[%add3A_284, %dma_wait3A_287] : memref<10240x128xf32, #tpu.memory_space<vmem_shared>> -> memref<32x128xf32, #tpu.memory_space<vmem_shared>>
    tpu.wait_dma2 semaphore(%arg15 : memref<!tpu.dma_semaphore, #tpu.memory_space<semaphore_mem>>) src(%arg13 : memref<32x128xf32, #tpu.memory_space<vmem>>) dst(%dma_wait3A_288 : memref<32x128xf32, #tpu.memory_space<vmem_shared>>)
    %mul3A_289 = arith.constant 640 : i32
    %mul3A_290 = arith.muli %arg1, %mul3A_289 : i32
    %add3A_291 = arith.constant 512 : i32
    %add3A_292 = arith.addi %mul3A_290, %add3A_291 : i32
    %dma_wait3A_293 = arith.constant 0 : i32
    %dma_wait3A_294 = tpu.memref_slice %arg14[%add3A_292, %dma_wait3A_293] : memref<10240x128xf32, #tpu.memory_space<vmem_shared>> -> memref<32x128xf32, #tpu.memory_space<vmem_shared>>
    %dma_wait3A_295 = arith.constant 0 : i32
    %dma_wait3A_296 = tpu.memref_slice %arg14[%add3A_292, %dma_wait3A_295] : memref<10240x128xf32, #tpu.memory_space<vmem_shared>> -> memref<32x128xf32, #tpu.memory_space<vmem_shared>>
    tpu.wait_dma2 semaphore(%arg15 : memref<!tpu.dma_semaphore, #tpu.memory_space<semaphore_mem>>) src(%arg13 : memref<32x128xf32, #tpu.memory_space<vmem>>) dst(%dma_wait3A_296 : memref<32x128xf32, #tpu.memory_space<vmem_shared>>)
    %mul3A_297 = arith.constant 640 : i32
    %mul3A_298 = arith.muli %arg1, %mul3A_297 : i32
    %add3A_299 = arith.constant 544 : i32
    %add3A_300 = arith.addi %mul3A_298, %add3A_299 : i32
    %dma_wait3A_301 = arith.constant 0 : i32
    %dma_wait3A_302 = tpu.memref_slice %arg14[%add3A_300, %dma_wait3A_301] : memref<10240x128xf32, #tpu.memory_space<vmem_shared>> -> memref<32x128xf32, #tpu.memory_space<vmem_shared>>
    %dma_wait3A_303 = arith.constant 0 : i32
    %dma_wait3A_304 = tpu.memref_slice %arg14[%add3A_300, %dma_wait3A_303] : memref<10240x128xf32, #tpu.memory_space<vmem_shared>> -> memref<32x128xf32, #tpu.memory_space<vmem_shared>>
    tpu.wait_dma2 semaphore(%arg15 : memref<!tpu.dma_semaphore, #tpu.memory_space<semaphore_mem>>) src(%arg13 : memref<32x128xf32, #tpu.memory_space<vmem>>) dst(%dma_wait3A_304 : memref<32x128xf32, #tpu.memory_space<vmem_shared>>)
    %mul3A_305 = arith.constant 640 : i32
    %mul3A_306 = arith.muli %arg1, %mul3A_305 : i32
    %add3A_307 = arith.constant 576 : i32
    %add3A_308 = arith.addi %mul3A_306, %add3A_307 : i32
    %dma_wait3A_309 = arith.constant 0 : i32
    %dma_wait3A_310 = tpu.memref_slice %arg14[%add3A_308, %dma_wait3A_309] : memref<10240x128xf32, #tpu.memory_space<vmem_shared>> -> memref<32x128xf32, #tpu.memory_space<vmem_shared>>
    %dma_wait3A_311 = arith.constant 0 : i32
    %dma_wait3A_312 = tpu.memref_slice %arg14[%add3A_308, %dma_wait3A_311] : memref<10240x128xf32, #tpu.memory_space<vmem_shared>> -> memref<32x128xf32, #tpu.memory_space<vmem_shared>>
    tpu.wait_dma2 semaphore(%arg15 : memref<!tpu.dma_semaphore, #tpu.memory_space<semaphore_mem>>) src(%arg13 : memref<32x128xf32, #tpu.memory_space<vmem>>) dst(%dma_wait3A_312 : memref<32x128xf32, #tpu.memory_space<vmem_shared>>)
    %mul3A_313 = arith.constant 640 : i32
    %mul3A_314 = arith.muli %arg1, %mul3A_313 : i32
    %add3A_315 = arith.constant 608 : i32
    %add3A_316 = arith.addi %mul3A_314, %add3A_315 : i32
    %dma_wait3A_317 = arith.constant 0 : i32
    %dma_wait3A_318 = tpu.memref_slice %arg14[%add3A_316, %dma_wait3A_317] : memref<10240x128xf32, #tpu.memory_space<vmem_shared>> -> memref<32x128xf32, #tpu.memory_space<vmem_shared>>
    %dma_wait3A_319 = arith.constant 0 : i32
    %dma_wait3A_320 = tpu.memref_slice %arg14[%add3A_316, %dma_wait3A_319] : memref<10240x128xf32, #tpu.memory_space<vmem_shared>> -> memref<32x128xf32, #tpu.memory_space<vmem_shared>>
    tpu.wait_dma2 semaphore(%arg15 : memref<!tpu.dma_semaphore, #tpu.memory_space<semaphore_mem>>) src(%arg13 : memref<32x128xf32, #tpu.memory_space<vmem>>) dst(%dma_wait3A_320 : memref<32x128xf32, #tpu.memory_space<vmem_shared>>)
    %barrier3A = arith.constant 0 : index
    tpu.barrier barrier_id(%barrier3A)
    %scan3A_321 = arith.constant 0 : i32
    %scan3A_322 = arith.constant 0 : i32
    %scan3A_323 = arith.constant 5 : i32
    %scan3A_324 = arith.addi %scan3A_322, %scan3A_323 : i32
    %scan3A_325 = arith.constant 1 : i32
    scf.for %scan3A_337 = %scan3A_322 to %scan3A_324 step %scan3A_325  : i32 {
      %mul3A_338 = arith.constant 50 : i32
      %mul3A_339 = arith.muli %scan3A_337, %mul3A_338 : i32
      "tpu.region"() ({
        %run_scoped3A = tpu.sem_alloc : memref<!tpu.dma_semaphore, #tpu.memory_space<semaphore_mem>>
        %dma_start3A_360 = arith.constant 0 : i32
        %dma_start3A_361 = tpu.memref_slice %arg3[%arg0, %arg1, %mul3A_339, %dma_start3A_360] : memref<2x16x250x80xi32, #tpu.memory_space<hbm>> -> memref<1x1x50x80xi32, #tpu.memory_space<hbm>>
        %dma_start3A_362 = tpu.memref_squeeze %dma_start3A_361 : memref<1x1x50x80xi32, #tpu.memory_space<hbm>> -> memref<50x80xi32, #tpu.memory_space<hbm>>
        %dma_start3A_363 = arith.constant 0 : i32
        %dma_start3A_364 = tpu.memref_slice %arg3[%arg0, %arg1, %mul3A_339, %dma_start3A_363] : memref<2x16x250x80xi32, #tpu.memory_space<hbm>> -> memref<1x1x50x80xi32, #tpu.memory_space<hbm>>
        %dma_start3A_365 = tpu.memref_squeeze %dma_start3A_364 : memref<1x1x50x80xi32, #tpu.memory_space<hbm>> -> memref<50x80xi32, #tpu.memory_space<hbm>>
        tpu.enqueue_dma source(%dma_start3A_365 : memref<50x80xi32, #tpu.memory_space<hbm>>) target(%arg8 : memref<50x80xi32, #tpu.memory_space<vmem>>) target_semaphore(%run_scoped3A : memref<!tpu.dma_semaphore, #tpu.memory_space<semaphore_mem>>)
        %dma_wait3A_366 = arith.constant 0 : i32
        %dma_wait3A_367 = tpu.memref_slice %arg3[%arg0, %arg1, %mul3A_339, %dma_wait3A_366] : memref<2x16x250x80xi32, #tpu.memory_space<hbm>> -> memref<1x1x50x80xi32, #tpu.memory_space<hbm>>
        %dma_wait3A_368 = tpu.memref_squeeze %dma_wait3A_367 : memref<1x1x50x80xi32, #tpu.memory_space<hbm>> -> memref<50x80xi32, #tpu.memory_space<hbm>>
        %dma_wait3A_369 = arith.constant 0 : i32
        %dma_wait3A_370 = tpu.memref_slice %arg3[%arg0, %arg1, %mul3A_339, %dma_wait3A_369] : memref<2x16x250x80xi32, #tpu.memory_space<hbm>> -> memref<1x1x50x80xi32, #tpu.memory_space<hbm>>
        %dma_wait3A_371 = tpu.memref_squeeze %dma_wait3A_370 : memref<1x1x50x80xi32, #tpu.memory_space<hbm>> -> memref<50x80xi32, #tpu.memory_space<hbm>>
        tpu.wait_dma2 semaphore(%run_scoped3A : memref<!tpu.dma_semaphore, #tpu.memory_space<semaphore_mem>>) src(%dma_wait3A_371 : memref<50x80xi32, #tpu.memory_space<hbm>>) dst(%arg8 : memref<50x80xi32, #tpu.memory_space<vmem>>)
        tpu.yield
      }) : () -> ()
      %mul3A_340 = arith.constant 50 : i32
      %mul3A_341 = arith.muli %scan3A_337, %mul3A_340 : i32
      "tpu.region"() ({
        %run_scoped3A = tpu.sem_alloc : memref<!tpu.dma_semaphore, #tpu.memory_space<semaphore_mem>>
        %dma_start3A_360 = arith.constant 0 : i32
        %dma_start3A_361 = tpu.memref_slice %arg4[%arg0, %arg1, %mul3A_341, %dma_start3A_360] : memref<2x16x250x80xi32, #tpu.memory_space<hbm>> -> memref<1x1x50x80xi32, #tpu.memory_space<hbm>>
        %dma_start3A_362 = tpu.memref_squeeze %dma_start3A_361 : memref<1x1x50x80xi32, #tpu.memory_space<hbm>> -> memref<50x80xi32, #tpu.memory_space<hbm>>
        %dma_start3A_363 = arith.constant 0 : i32
        %dma_start3A_364 = tpu.memref_slice %arg4[%arg0, %arg1, %mul3A_341, %dma_start3A_363] : memref<2x16x250x80xi32, #tpu.memory_space<hbm>> -> memref<1x1x50x80xi32, #tpu.memory_space<hbm>>
        %dma_start3A_365 = tpu.memref_squeeze %dma_start3A_364 : memref<1x1x50x80xi32, #tpu.memory_space<hbm>> -> memref<50x80xi32, #tpu.memory_space<hbm>>
        tpu.enqueue_dma source(%dma_start3A_365 : memref<50x80xi32, #tpu.memory_space<hbm>>) target(%arg9 : memref<50x80xi32, #tpu.memory_space<vmem>>) target_semaphore(%run_scoped3A : memref<!tpu.dma_semaphore, #tpu.memory_space<semaphore_mem>>)
        %dma_wait3A_366 = arith.constant 0 : i32
        %dma_wait3A_367 = tpu.memref_slice %arg4[%arg0, %arg1, %mul3A_341, %dma_wait3A_366] : memref<2x16x250x80xi32, #tpu.memory_space<hbm>> -> memref<1x1x50x80xi32, #tpu.memory_space<hbm>>
        %dma_wait3A_368 = tpu.memref_squeeze %dma_wait3A_367 : memref<1x1x50x80xi32, #tpu.memory_space<hbm>> -> memref<50x80xi32, #tpu.memory_space<hbm>>
        %dma_wait3A_369 = arith.constant 0 : i32
        %dma_wait3A_370 = tpu.memref_slice %arg4[%arg0, %arg1, %mul3A_341, %dma_wait3A_369] : memref<2x16x250x80xi32, #tpu.memory_space<hbm>> -> memref<1x1x50x80xi32, #tpu.memory_space<hbm>>
        %dma_wait3A_371 = tpu.memref_squeeze %dma_wait3A_370 : memref<1x1x50x80xi32, #tpu.memory_space<hbm>> -> memref<50x80xi32, #tpu.memory_space<hbm>>
        tpu.wait_dma2 semaphore(%run_scoped3A : memref<!tpu.dma_semaphore, #tpu.memory_space<semaphore_mem>>) src(%dma_wait3A_371 : memref<50x80xi32, #tpu.memory_space<hbm>>) dst(%arg9 : memref<50x80xi32, #tpu.memory_space<vmem>>)
        tpu.yield
      }) : () -> ()
      %eq3A_342 = arith.constant 1 : i32
      %eq3A_343 = arith.cmpi eq, %arg0, %eq3A_342 : i32
      %convert_element_type3A_344 = arith.extui %eq3A_343 : i1 to i32
      %cond3A_345 = arith.constant 0 : i32
      %cond3A_346 = arith.cmpi ne, %convert_element_type3A_344, %cond3A_345 : i32
      scf.if %cond3A_346 {
        %mul3A_360 = arith.constant 50 : i32
        %mul3A_361 = arith.muli %scan3A_337, %mul3A_360 : i32
        "tpu.region"() ({
          %run_scoped3A = tpu.sem_alloc : memref<!tpu.dma_semaphore, #tpu.memory_space<semaphore_mem>>
          %dma_start3A_362 = arith.constant 0 : i32
          %dma_start3A_363 = tpu.memref_slice %arg5[%arg1, %mul3A_361, %dma_start3A_362] : memref<16x250x80xf32, #tpu.memory_space<hbm>> -> memref<1x50x80xf32, #tpu.memory_space<hbm>>
          %dma_start3A_364 = tpu.memref_squeeze %dma_start3A_363 : memref<1x50x80xf32, #tpu.memory_space<hbm>> -> memref<50x80xf32, #tpu.memory_space<hbm>>
          %dma_start3A_365 = arith.constant 0 : i32
          %dma_start3A_366 = tpu.memref_slice %arg5[%arg1, %mul3A_361, %dma_start3A_365] : memref<16x250x80xf32, #tpu.memory_space<hbm>> -> memref<1x50x80xf32, #tpu.memory_space<hbm>>
          %dma_start3A_367 = tpu.memref_squeeze %dma_start3A_366 : memref<1x50x80xf32, #tpu.memory_space<hbm>> -> memref<50x80xf32, #tpu.memory_space<hbm>>
          tpu.enqueue_dma source(%dma_start3A_367 : memref<50x80xf32, #tpu.memory_space<hbm>>) target(%arg10 : memref<50x80xf32, #tpu.memory_space<vmem>>) target_semaphore(%run_scoped3A : memref<!tpu.dma_semaphore, #tpu.memory_space<semaphore_mem>>)
          %dma_wait3A_368 = arith.constant 0 : i32
          %dma_wait3A_369 = tpu.memref_slice %arg5[%arg1, %mul3A_361, %dma_wait3A_368] : memref<16x250x80xf32, #tpu.memory_space<hbm>> -> memref<1x50x80xf32, #tpu.memory_space<hbm>>
          %dma_wait3A_370 = tpu.memref_squeeze %dma_wait3A_369 : memref<1x50x80xf32, #tpu.memory_space<hbm>> -> memref<50x80xf32, #tpu.memory_space<hbm>>
          %dma_wait3A_371 = arith.constant 0 : i32
          %dma_wait3A_372 = tpu.memref_slice %arg5[%arg1, %mul3A_361, %dma_wait3A_371] : memref<16x250x80xf32, #tpu.memory_space<hbm>> -> memref<1x50x80xf32, #tpu.memory_space<hbm>>
          %dma_wait3A_373 = tpu.memref_squeeze %dma_wait3A_372 : memref<1x50x80xf32, #tpu.memory_space<hbm>> -> memref<50x80xf32, #tpu.memory_space<hbm>>
          tpu.wait_dma2 semaphore(%run_scoped3A : memref<!tpu.dma_semaphore, #tpu.memory_space<semaphore_mem>>) src(%dma_wait3A_373 : memref<50x80xf32, #tpu.memory_space<hbm>>) dst(%arg10 : memref<50x80xf32, #tpu.memory_space<vmem>>)
          tpu.yield
        }) : () -> ()
      } else {
      }
      %dma_start3A_347 = arith.constant 0 : i32
      %dma_start3A_348 = arith.constant 0 : i32
      %dma_start3A_349 = tpu.memref_slice %arg8[%dma_start3A_347, %dma_start3A_348] : memref<50x80xi32, #tpu.memory_space<vmem>> -> memref<1x80xi32, #tpu.memory_space<vmem>>
      %dma_start3A_350 = tpu.memref_squeeze %dma_start3A_349 : memref<1x80xi32, #tpu.memory_space<vmem>> -> memref<80xi32, #tpu.memory_space<vmem>>
      %dma_start3A_351 = arith.constant 0 : i32
      %dma_start3A_352 = arith.constant 0 : i32
      %dma_start3A_353 = tpu.memref_slice %arg2[%dma_start3A_351, %dma_start3A_352] : memref<10000x128xf32, #tpu.memory_space<hbm>> -> memref<10000x128xf32, #tpu.memory_space<hbm>>
      tpu.enqueue_indirect_dma source(%dma_start3A_353 : memref<10000x128xf32, #tpu.memory_space<hbm>>) target(%arg11 : memref<80x128xf32, #tpu.memory_space<vmem>>) offsets(%dma_start3A_350 : memref<80xi32, #tpu.memory_space<vmem>>) semaphore(%arg15 : memref<!tpu.dma_semaphore, #tpu.memory_space<semaphore_mem>>)
      %scan3A_354 = arith.constant 0 : i32
      %scan3A_355 = arith.constant 0 : i32
      %scan3A_356 = arith.constant 25 : i32
      %scan3A_357 = arith.addi %scan3A_355, %scan3A_356 : i32
      %scan3A_358 = arith.constant 1 : i32
      scf.for %scan3A_360 = %scan3A_355 to %scan3A_357 step %scan3A_358  : i32 {
        %mul3A_361 = arith.constant 2 : i32
        %mul3A_362 = arith.muli %mul3A_361, %scan3A_360 : i32
        %mul3A_363 = arith.constant 2 : i32
        %mul3A_364 = arith.muli %mul3A_363, %scan3A_360 : i32
        %add3A_365 = arith.constant 1 : i32
        %add3A_366 = arith.addi %mul3A_364, %add3A_365 : i32
        %mul3A_367 = arith.constant 2 : i32
        %mul3A_368 = arith.muli %mul3A_367, %scan3A_360 : i32
        %add3A_369 = arith.constant 2 : i32
        %add3A_370 = arith.addi %mul3A_368, %add3A_369 : i32
        %dma_start3A_371 = arith.constant 0 : i32
        %dma_start3A_372 = tpu.memref_slice %arg8[%add3A_366, %dma_start3A_371] : memref<50x80xi32, #tpu.memory_space<vmem>> -> memref<1x80xi32, #tpu.memory_space<vmem>>
        %dma_start3A_373 = tpu.memref_squeeze %dma_start3A_372 : memref<1x80xi32, #tpu.memory_space<vmem>> -> memref<80xi32, #tpu.memory_space<vmem>>
        %dma_start3A_374 = arith.constant 0 : i32
        %dma_start3A_375 = arith.constant 0 : i32
        %dma_start3A_376 = tpu.memref_slice %arg2[%dma_start3A_374, %dma_start3A_375] : memref<10000x128xf32, #tpu.memory_space<hbm>> -> memref<10000x128xf32, #tpu.memory_space<hbm>>
        tpu.enqueue_indirect_dma source(%dma_start3A_376 : memref<10000x128xf32, #tpu.memory_space<hbm>>) target(%arg12 : memref<80x128xf32, #tpu.memory_space<vmem>>) offsets(%dma_start3A_373 : memref<80xi32, #tpu.memory_space<vmem>>) semaphore(%arg16 : memref<!tpu.dma_semaphore, #tpu.memory_space<semaphore_mem>>)
        %dma_wait3A_377 = arith.constant 0 : i32
        %dma_wait3A_378 = tpu.memref_slice %arg8[%mul3A_362, %dma_wait3A_377] : memref<50x80xi32, #tpu.memory_space<vmem>> -> memref<1x80xi32, #tpu.memory_space<vmem>>
        %dma_wait3A_379 = tpu.memref_squeeze %dma_wait3A_378 : memref<1x80xi32, #tpu.memory_space<vmem>> -> memref<80xi32, #tpu.memory_space<vmem>>
        %dma_wait3A_380 = arith.constant 0 : i32
        %dma_wait3A_381 = arith.constant 0 : i32
        %dma_wait3A_382 = tpu.memref_slice %arg2[%dma_wait3A_380, %dma_wait3A_381] : memref<10000x128xf32, #tpu.memory_space<hbm>> -> memref<10000x128xf32, #tpu.memory_space<hbm>>
        tpu.wait_indirect_dma semaphore(%arg15 : memref<!tpu.dma_semaphore, #tpu.memory_space<semaphore_mem>>) src(%dma_wait3A_382 : memref<10000x128xf32, #tpu.memory_space<hbm>>) dst(%arg11 : memref<80x128xf32, #tpu.memory_space<vmem>>)
        %eq3A_383 = arith.constant 1 : i32
        %eq3A_384 = arith.cmpi eq, %arg0, %eq3A_383 : i32
        %convert_element_type3A_385 = arith.extui %eq3A_384 : i1 to i32
        %cond3A_386 = arith.constant 0 : i32
        %cond3A_387 = arith.cmpi ne, %convert_element_type3A_385, %cond3A_386 : i32
        scf.if %cond3A_387 {
          %scan3A_403 = arith.constant 0 : i32
          %scan3A_404 = arith.constant 0 : i32
          %scan3A_405 = arith.constant 5 : i32
          %scan3A_406 = arith.addi %scan3A_404, %scan3A_405 : i32
          %scan3A_407 = arith.constant 1 : i32
          scf.for %scan3A_409 = %scan3A_404 to %scan3A_406 step %scan3A_407  : i32 {
            %mul3A_410 = arith.constant 16 : i32
            %mul3A_411 = arith.muli %scan3A_409, %mul3A_410 : i32
            %get3A = arith.index_cast %mul3A_362 : i32 to index
            %get3A_412 = arith.index_cast %mul3A_411 : i32 to index
            %get3A_413 = tpu.vector_load %arg10[%get3A, %get3A_412] {strides = array<i32>} : memref<50x80xf32, #tpu.memory_space<vmem>>, vector<1x16xf32>,
            %get3A_414 = vector.shape_cast %get3A_413 : vector<1x16xf32> to vector<16xf32>
            %slice3A = vector.extract_strided_slice %get3A_414 {offsets = [0], sizes = [1], strides = [1]} : vector<16xf32> to vector<1xf32>
            %squeeze3A = vector.extract %slice3A[0] : f32 from vector<1xf32>
            %mul3A_415 = arith.constant 16 : i32
            %mul3A_416 = arith.muli %scan3A_409, %mul3A_415 : i32
            %add3A_417 = arith.constant 0 : i32
            %add3A_418 = arith.addi %mul3A_416, %add3A_417 : i32
            %get3A_419 = arith.index_cast %add3A_418 : i32 to index
            %get3A_420 = arith.constant 0 : index
            %get3A_421 = tpu.vector_load %arg11[%get3A_419, %get3A_420] {strides = array<i32>} : memref<80x128xf32, #tpu.memory_space<vmem>>, vector<1x16xf32>,
            %get3A_422 = vector.shape_cast %get3A_421 : vector<1x16xf32> to vector<16xf32>
            %mul3A_423 = vector.broadcast %squeeze3A : f32 to vector<16xf32>
            %mul3A_424 = arith.mulf %get3A_422, %mul3A_423 : vector<16xf32>
            %swap3A = arith.index_cast %add3A_418 : i32 to index
            %swap3A_425 = arith.constant 0 : index
            %swap3A_426 = tpu.vector_load %arg11[%swap3A, %swap3A_425] {strides = array<i32>} : memref<80x128xf32, #tpu.memory_space<vmem>>, vector<1x16xf32>,
            %swap3A_427 = vector.shape_cast %swap3A_426 : vector<1x16xf32> to vector<16xf32>
            %swap3A_428 = vector.shape_cast %mul3A_424 : vector<16xf32> to vector<1x16xf32>
            tpu.vector_store %arg11[%swap3A, %swap3A_425], %swap3A_428 {strides = array<i32>} : memref<80x128xf32, #tpu.memory_space<vmem>>, vector<1x16xf32>,
            %get3A_429 = arith.index_cast %add3A_418 : i32 to index
            %get3A_430 = arith.constant 16 : index
            %get3A_431 = tpu.vector_load %arg11[%get3A_429, %get3A_430] {strides = array<i32>} : memref<80x128xf32, #tpu.memory_space<vmem>>, vector<1x16xf32>,
            %get3A_432 = vector.shape_cast %get3A_431 : vector<1x16xf32> to vector<16xf32>
            %mul3A_433 = vector.broadcast %squeeze3A : f32 to vector<16xf32>
            %mul3A_434 = arith.mulf %get3A_432, %mul3A_433 : vector<16xf32>
            %swap3A_435 = arith.index_cast %add3A_418 : i32 to index
            %swap3A_436 = arith.constant 16 : index
            %swap3A_437 = tpu.vector_load %arg11[%swap3A_435, %swap3A_436] {strides = array<i32>} : memref<80x128xf32, #tpu.memory_space<vmem>>, vector<1x16xf32>,
            %swap3A_438 = vector.shape_cast %swap3A_437 : vector<1x16xf32> to vector<16xf32>
            %swap3A_439 = vector.shape_cast %mul3A_434 : vector<16xf32> to vector<1x16xf32>
            tpu.vector_store %arg11[%swap3A_435, %swap3A_436], %swap3A_439 {strides = array<i32>} : memref<80x128xf32, #tpu.memory_space<vmem>>, vector<1x16xf32>,
            %get3A_440 = arith.index_cast %add3A_418 : i32 to index
            %get3A_441 = arith.constant 32 : index
            %get3A_442 = tpu.vector_load %arg11[%get3A_440, %get3A_441] {strides = array<i32>} : memref<80x128xf32, #tpu.memory_space<vmem>>, vector<1x16xf32>,
            %get3A_443 = vector.shape_cast %get3A_442 : vector<1x16xf32> to vector<16xf32>
            %mul3A_444 = vector.broadcast %squeeze3A : f32 to vector<16xf32>
            %mul3A_445 = arith.mulf %get3A_443, %mul3A_444 : vector<16xf32>
            %swap3A_446 = arith.index_cast %add3A_418 : i32 to index
            %swap3A_447 = arith.constant 32 : index
            %swap3A_448 = tpu.vector_load %arg11[%swap3A_446, %swap3A_447] {strides = array<i32>} : memref<80x128xf32, #tpu.memory_space<vmem>>, vector<1x16xf32>,
            %swap3A_449 = vector.shape_cast %swap3A_448 : vector<1x16xf32> to vector<16xf32>
            %swap3A_450 = vector.shape_cast %mul3A_445 : vector<16xf32> to vector<1x16xf32>
            tpu.vector_store %arg11[%swap3A_446, %swap3A_447], %swap3A_450 {strides = array<i32>} : memref<80x128xf32, #tpu.memory_space<vmem>>, vector<1x16xf32>,
            %get3A_451 = arith.index_cast %add3A_418 : i32 to index
            %get3A_452 = arith.constant 48 : index
            %get3A_453 = tpu.vector_load %arg11[%get3A_451, %get3A_452] {strides = array<i32>} : memref<80x128xf32, #tpu.memory_space<vmem>>, vector<1x16xf32>,
            %get3A_454 = vector.shape_cast %get3A_453 : vector<1x16xf32> to vector<16xf32>
            %mul3A_455 = vector.broadcast %squeeze3A : f32 to vector<16xf32>
            %mul3A_456 = arith.mulf %get3A_454, %mul3A_455 : vector<16xf32>
            %swap3A_457 = arith.index_cast %add3A_418 : i32 to index
            %swap3A_458 = arith.constant 48 : index
            %swap3A_459 = tpu.vector_load %arg11[%swap3A_457, %swap3A_458] {strides = array<i32>} : memref<80x128xf32, #tpu.memory_space<vmem>>, vector<1x16xf32>,
            %swap3A_460 = vector.shape_cast %swap3A_459 : vector<1x16xf32> to vector<16xf32>
            %swap3A_461 = vector.shape_cast %mul3A_456 : vector<16xf32> to vector<1x16xf32>
            tpu.vector_store %arg11[%swap3A_457, %swap3A_458], %swap3A_461 {strides = array<i32>} : memref<80x128xf32, #tpu.memory_space<vmem>>, vector<1x16xf32>,
            %get3A_462 = arith.index_cast %add3A_418 : i32 to index
            %get3A_463 = arith.constant 64 : index
            %get3A_464 = tpu.vector_load %arg11[%get3A_462, %get3A_463] {strides = array<i32>} : memref<80x128xf32, #tpu.memory_space<vmem>>, vector<1x16xf32>,
            %get3A_465 = vector.shape_cast %get3A_464 : vector<1x16xf32> to vector<16xf32>
            %mul3A_466 = vector.broadcast %squeeze3A : f32 to vector<16xf32>
            %mul3A_467 = arith.mulf %get3A_465, %mul3A_466 : vector<16xf32>
            %swap3A_468 = arith.index_cast %add3A_418 : i32 to index
            %swap3A_469 = arith.constant 64 : index
            %swap3A_470 = tpu.vector_load %arg11[%swap3A_468, %swap3A_469] {strides = array<i32>} : memref<80x128xf32, #tpu.memory_space<vmem>>, vector<1x16xf32>,
            %swap3A_471 = vector.shape_cast %swap3A_470 : vector<1x16xf32> to vector<16xf32>
            %swap3A_472 = vector.shape_cast %mul3A_467 : vector<16xf32> to vector<1x16xf32>
            tpu.vector_store %arg11[%swap3A_468, %swap3A_469], %swap3A_472 {strides = array<i32>} : memref<80x128xf32, #tpu.memory_space<vmem>>, vector<1x16xf32>,
            %get3A_473 = arith.index_cast %add3A_418 : i32 to index
            %get3A_474 = arith.constant 80 : index
            %get3A_475 = tpu.vector_load %arg11[%get3A_473, %get3A_474] {strides = array<i32>} : memref<80x128xf32, #tpu.memory_space<vmem>>, vector<1x16xf32>,
            %get3A_476 = vector.shape_cast %get3A_475 : vector<1x16xf32> to vector<16xf32>
            %mul3A_477 = vector.broadcast %squeeze3A : f32 to vector<16xf32>
            %mul3A_478 = arith.mulf %get3A_476, %mul3A_477 : vector<16xf32>
            %swap3A_479 = arith.index_cast %add3A_418 : i32 to index
            %swap3A_480 = arith.constant 80 : index
            %swap3A_481 = tpu.vector_load %arg11[%swap3A_479, %swap3A_480] {strides = array<i32>} : memref<80x128xf32, #tpu.memory_space<vmem>>, vector<1x16xf32>,
            %swap3A_482 = vector.shape_cast %swap3A_481 : vector<1x16xf32> to vector<16xf32>
            %swap3A_483 = vector.shape_cast %mul3A_478 : vector<16xf32> to vector<1x16xf32>
            tpu.vector_store %arg11[%swap3A_479, %swap3A_480], %swap3A_483 {strides = array<i32>} : memref<80x128xf32, #tpu.memory_space<vmem>>, vector<1x16xf32>,
            %get3A_484 = arith.index_cast %add3A_418 : i32 to index
            %get3A_485 = arith.constant 96 : index
            %get3A_486 = tpu.vector_load %arg11[%get3A_484, %get3A_485] {strides = array<i32>} : memref<80x128xf32, #tpu.memory_space<vmem>>, vector<1x16xf32>,
            %get3A_487 = vector.shape_cast %get3A_486 : vector<1x16xf32> to vector<16xf32>
            %mul3A_488 = vector.broadcast %squeeze3A : f32 to vector<16xf32>
            %mul3A_489 = arith.mulf %get3A_487, %mul3A_488 : vector<16xf32>
            %swap3A_490 = arith.index_cast %add3A_418 : i32 to index
            %swap3A_491 = arith.constant 96 : index
            %swap3A_492 = tpu.vector_load %arg11[%swap3A_490, %swap3A_491] {strides = array<i32>} : memref<80x128xf32, #tpu.memory_space<vmem>>, vector<1x16xf32>,
            %swap3A_493 = vector.shape_cast %swap3A_492 : vector<1x16xf32> to vector<16xf32>
            %swap3A_494 = vector.shape_cast %mul3A_489 : vector<16xf32> to vector<1x16xf32>
            tpu.vector_store %arg11[%swap3A_490, %swap3A_491], %swap3A_494 {strides = array<i32>} : memref<80x128xf32, #tpu.memory_space<vmem>>, vector<1x16xf32>,
            %get3A_495 = arith.index_cast %add3A_418 : i32 to index
            %get3A_496 = arith.constant 112 : index
            %get3A_497 = tpu.vector_load %arg11[%get3A_495, %get3A_496] {strides = array<i32>} : memref<80x128xf32, #tpu.memory_space<vmem>>, vector<1x16xf32>,
            %get3A_498 = vector.shape_cast %get3A_497 : vector<1x16xf32> to vector<16xf32>
            %mul3A_499 = vector.broadcast %squeeze3A : f32 to vector<16xf32>
            %mul3A_500 = arith.mulf %get3A_498, %mul3A_499 : vector<16xf32>
            %swap3A_501 = arith.index_cast %add3A_418 : i32 to index
            %swap3A_502 = arith.constant 112 : index
            %swap3A_503 = tpu.vector_load %arg11[%swap3A_501, %swap3A_502] {strides = array<i32>} : memref<80x128xf32, #tpu.memory_space<vmem>>, vector<1x16xf32>,
            %swap3A_504 = vector.shape_cast %swap3A_503 : vector<1x16xf32> to vector<16xf32>
            %swap3A_505 = vector.shape_cast %mul3A_500 : vector<16xf32> to vector<1x16xf32>
            tpu.vector_store %arg11[%swap3A_501, %swap3A_502], %swap3A_505 {strides = array<i32>} : memref<80x128xf32, #tpu.memory_space<vmem>>, vector<1x16xf32>,
            %slice3A_506 = vector.extract_strided_slice %get3A_414 {offsets = [1], sizes = [1], strides = [1]} : vector<16xf32> to vector<1xf32>
            %squeeze3A_507 = vector.extract %slice3A_506[0] : f32 from vector<1xf32>
            %mul3A_508 = arith.constant 16 : i32
            %mul3A_509 = arith.muli %scan3A_409, %mul3A_508 : i32
            %add3A_510 = arith.constant 1 : i32
            %add3A_511 = arith.addi %mul3A_509, %add3A_510 : i32
            %get3A_512 = arith.index_cast %add3A_511 : i32 to index
            %get3A_513 = arith.constant 0 : index
            %get3A_514 = tpu.vector_load %arg11[%get3A_512, %get3A_513] {strides = array<i32>} : memref<80x128xf32, #tpu.memory_space<vmem>>, vector<1x16xf32>,
            %get3A_515 = vector.shape_cast %get3A_514 : vector<1x16xf32> to vector<16xf32>
            %mul3A_516 = vector.broadcast %squeeze3A_507 : f32 to vector<16xf32>
            %mul3A_517 = arith.mulf %get3A_515, %mul3A_516 : vector<16xf32>
            %swap3A_518 = arith.index_cast %add3A_511 : i32 to index
            %swap3A_519 = arith.constant 0 : index
            %swap3A_520 = tpu.vector_load %arg11[%swap3A_518, %swap3A_519] {strides = array<i32>} : memref<80x128xf32, #tpu.memory_space<vmem>>, vector<1x16xf32>,
            %swap3A_521 = vector.shape_cast %swap3A_520 : vector<1x16xf32> to vector<16xf32>
            %swap3A_522 = vector.shape_cast %mul3A_517 : vector<16xf32> to vector<1x16xf32>
            tpu.vector_store %arg11[%swap3A_518, %swap3A_519], %swap3A_522 {strides = array<i32>} : memref<80x128xf32, #tpu.memory_space<vmem>>, vector<1x16xf32>,
            %get3A_523 = arith.index_cast %add3A_511 : i32 to index
            %get3A_524 = arith.constant 16 : index
            %get3A_525 = tpu.vector_load %arg11[%get3A_523, %get3A_524] {strides = array<i32>} : memref<80x128xf32, #tpu.memory_space<vmem>>, vector<1x16xf32>,
            %get3A_526 = vector.shape_cast %get3A_525 : vector<1x16xf32> to vector<16xf32>
            %mul3A_527 = vector.broadcast %squeeze3A_507 : f32 to vector<16xf32>
            %mul3A_528 = arith.mulf %get3A_526, %mul3A_527 : vector<16xf32>
            %swap3A_529 = arith.index_cast %add3A_511 : i32 to index
            %swap3A_530 = arith.constant 16 : index
            %swap3A_531 = tpu.vector_load %arg11[%swap3A_529, %swap3A_530] {strides = array<i32>} : memref<80x128xf32, #tpu.memory_space<vmem>>, vector<1x16xf32>,
            %swap3A_532 = vector.shape_cast %swap3A_531 : vector<1x16xf32> to vector<16xf32>
            %swap3A_533 = vector.shape_cast %mul3A_528 : vector<16xf32> to vector<1x16xf32>
            tpu.vector_store %arg11[%swap3A_529, %swap3A_530], %swap3A_533 {strides = array<i32>} : memref<80x128xf32, #tpu.memory_space<vmem>>, vector<1x16xf32>,
            %get3A_534 = arith.index_cast %add3A_511 : i32 to index
            %get3A_535 = arith.constant 32 : index
            %get3A_536 = tpu.vector_load %arg11[%get3A_534, %get3A_535] {strides = array<i32>} : memref<80x128xf32, #tpu.memory_space<vmem>>, vector<1x16xf32>,
            %get3A_537 = vector.shape_cast %get3A_536 : vector<1x16xf32> to vector<16xf32>
            %mul3A_538 = vector.broadcast %squeeze3A_507 : f32 to vector<16xf32>
            %mul3A_539 = arith.mulf %get3A_537, %mul3A_538 : vector<16xf32>
            %swap3A_540 = arith.index_cast %add3A_511 : i32 to index
            %swap3A_541 = arith.constant 32 : index
            %swap3A_542 = tpu.vector_load %arg11[%swap3A_540, %swap3A_541] {strides = array<i32>} : memref<80x128xf32, #tpu.memory_space<vmem>>, vector<1x16xf32>,
            %swap3A_543 = vector.shape_cast %swap3A_542 : vector<1x16xf32> to vector<16xf32>
            %swap3A_544 = vector.shape_cast %mul3A_539 : vector<16xf32> to vector<1x16xf32>
            tpu.vector_store %arg11[%swap3A_540, %swap3A_541], %swap3A_544 {strides = array<i32>} : memref<80x128xf32, #tpu.memory_space<vmem>>, vector<1x16xf32>,
            %get3A_545 = arith.index_cast %add3A_511 : i32 to index
            %get3A_546 = arith.constant 48 : index
            %get3A_547 = tpu.vector_load %arg11[%get3A_545, %get3A_546] {strides = array<i32>} : memref<80x128xf32, #tpu.memory_space<vmem>>, vector<1x16xf32>,
            %get3A_548 = vector.shape_cast %get3A_547 : vector<1x16xf32> to vector<16xf32>
            %mul3A_549 = vector.broadcast %squeeze3A_507 : f32 to vector<16xf32>
            %mul3A_550 = arith.mulf %get3A_548, %mul3A_549 : vector<16xf32>
            %swap3A_551 = arith.index_cast %add3A_511 : i32 to index
            %swap3A_552 = arith.constant 48 : index
            %swap3A_553 = tpu.vector_load %arg11[%swap3A_551, %swap3A_552] {strides = array<i32>} : memref<80x128xf32, #tpu.memory_space<vmem>>, vector<1x16xf32>,
            %swap3A_554 = vector.shape_cast %swap3A_553 : vector<1x16xf32> to vector<16xf32>
            %swap3A_555 = vector.shape_cast %mul3A_550 : vector<16xf32> to vector<1x16xf32>
            tpu.vector_store %arg11[%swap3A_551, %swap3A_552], %swap3A_555 {strides = array<i32>} : memref<80x128xf32, #tpu.memory_space<vmem>>, vector<1x16xf32>,
            %get3A_556 = arith.index_cast %add3A_511 : i32 to index
            %get3A_557 = arith.constant 64 : index
            %get3A_558 = tpu.vector_load %arg11[%get3A_556, %get3A_557] {strides = array<i32>} : memref<80x128xf32, #tpu.memory_space<vmem>>, vector<1x16xf32>,
            %get3A_559 = vector.shape_cast %get3A_558 : vector<1x16xf32> to vector<16xf32>
            %mul3A_560 = vector.broadcast %squeeze3A_507 : f32 to vector<16xf32>
            %mul3A_561 = arith.mulf %get3A_559, %mul3A_560 : vector<16xf32>
            %swap3A_562 = arith.index_cast %add3A_511 : i32 to index
            %swap3A_563 = arith.constant 64 : index
            %swap3A_564 = tpu.vector_load %arg11[%swap3A_562, %swap3A_563] {strides = array<i32>} : memref<80x128xf32, #tpu.memory_space<vmem>>, vector<1x16xf32>,
            %swap3A_565 = vector.shape_cast %swap3A_564 : vector<1x16xf32> to vector<16xf32>
            %swap3A_566 = vector.shape_cast %mul3A_561 : vector<16xf32> to vector<1x16xf32>
            tpu.vector_store %arg11[%swap3A_562, %swap3A_563], %swap3A_566 {strides = array<i32>} : memref<80x128xf32, #tpu.memory_space<vmem>>, vector<1x16xf32>,
            %get3A_567 = arith.index_cast %add3A_511 : i32 to index
            %get3A_568 = arith.constant 80 : index
            %get3A_569 = tpu.vector_load %arg11[%get3A_567, %get3A_568] {strides = array<i32>} : memref<80x128xf32, #tpu.memory_space<vmem>>, vector<1x16xf32>,
            %get3A_570 = vector.shape_cast %get3A_569 : vector<1x16xf32> to vector<16xf32>
            %mul3A_571 = vector.broadcast %squeeze3A_507 : f32 to vector<16xf32>
            %mul3A_572 = arith.mulf %get3A_570, %mul3A_571 : vector<16xf32>
            %swap3A_573 = arith.index_cast %add3A_511 : i32 to index
            %swap3A_574 = arith.constant 80 : index
            %swap3A_575 = tpu.vector_load %arg11[%swap3A_573, %swap3A_574] {strides = array<i32>} : memref<80x128xf32, #tpu.memory_space<vmem>>, vector<1x16xf32>,
            %swap3A_576 = vector.shape_cast %swap3A_575 : vector<1x16xf32> to vector<16xf32>
            %swap3A_577 = vector.shape_cast %mul3A_572 : vector<16xf32> to vector<1x16xf32>
            tpu.vector_store %arg11[%swap3A_573, %swap3A_574], %swap3A_577 {strides = array<i32>} : memref<80x128xf32, #tpu.memory_space<vmem>>, vector<1x16xf32>,
            %get3A_578 = arith.index_cast %add3A_511 : i32 to index
            %get3A_579 = arith.constant 96 : index
            %get3A_580 = tpu.vector_load %arg11[%get3A_578, %get3A_579] {strides = array<i32>} : memref<80x128xf32, #tpu.memory_space<vmem>>, vector<1x16xf32>,
            %get3A_581 = vector.shape_cast %get3A_580 : vector<1x16xf32> to vector<16xf32>
            %mul3A_582 = vector.broadcast %squeeze3A_507 : f32 to vector<16xf32>
            %mul3A_583 = arith.mulf %get3A_581, %mul3A_582 : vector<16xf32>
            %swap3A_584 = arith.index_cast %add3A_511 : i32 to index
            %swap3A_585 = arith.constant 96 : index
            %swap3A_586 = tpu.vector_load %arg11[%swap3A_584, %swap3A_585] {strides = array<i32>} : memref<80x128xf32, #tpu.memory_space<vmem>>, vector<1x16xf32>,
            %swap3A_587 = vector.shape_cast %swap3A_586 : vector<1x16xf32> to vector<16xf32>
            %swap3A_588 = vector.shape_cast %mul3A_583 : vector<16xf32> to vector<1x16xf32>
            tpu.vector_store %arg11[%swap3A_584, %swap3A_585], %swap3A_588 {strides = array<i32>} : memref<80x128xf32, #tpu.memory_space<vmem>>, vector<1x16xf32>,
            %get3A_589 = arith.index_cast %add3A_511 : i32 to index
            %get3A_590 = arith.constant 112 : index
            %get3A_591 = tpu.vector_load %arg11[%get3A_589, %get3A_590] {strides = array<i32>} : memref<80x128xf32, #tpu.memory_space<vmem>>, vector<1x16xf32>,
            %get3A_592 = vector.shape_cast %get3A_591 : vector<1x16xf32> to vector<16xf32>
            %mul3A_593 = vector.broadcast %squeeze3A_507 : f32 to vector<16xf32>
            %mul3A_594 = arith.mulf %get3A_592, %mul3A_593 : vector<16xf32>
            %swap3A_595 = arith.index_cast %add3A_511 : i32 to index
            %swap3A_596 = arith.constant 112 : index
            %swap3A_597 = tpu.vector_load %arg11[%swap3A_595, %swap3A_596] {strides = array<i32>} : memref<80x128xf32, #tpu.memory_space<vmem>>, vector<1x16xf32>,
            %swap3A_598 = vector.shape_cast %swap3A_597 : vector<1x16xf32> to vector<16xf32>
            %swap3A_599 = vector.shape_cast %mul3A_594 : vector<16xf32> to vector<1x16xf32>
            tpu.vector_store %arg11[%swap3A_595, %swap3A_596], %swap3A_599 {strides = array<i32>} : memref<80x128xf32, #tpu.memory_space<vmem>>, vector<1x16xf32>,
            %slice3A_600 = vector.extract_strided_slice %get3A_414 {offsets = [2], sizes = [1], strides = [1]} : vector<16xf32> to vector<1xf32>
            %squeeze3A_601 = vector.extract %slice3A_600[0] : f32 from vector<1xf32>
            %mul3A_602 = arith.constant 16 : i32
            %mul3A_603 = arith.muli %scan3A_409, %mul3A_602 : i32
            %add3A_604 = arith.constant 2 : i32
            %add3A_605 = arith.addi %mul3A_603, %add3A_604 : i32
            %get3A_606 = arith.index_cast %add3A_605 : i32 to index
            %get3A_607 = arith.constant 0 : index
            %get3A_608 = tpu.vector_load %arg11[%get3A_606, %get3A_607] {strides = array<i32>} : memref<80x128xf32, #tpu.memory_space<vmem>>, vector<1x16xf32>,
            %get3A_609 = vector.shape_cast %get3A_608 : vector<1x16xf32> to vector<16xf32>
            %mul3A_610 = vector.broadcast %squeeze3A_601 : f32 to vector<16xf32>
            %mul3A_611 = arith.mulf %get3A_609, %mul3A_610 : vector<16xf32>
            %swap3A_612 = arith.index_cast %add3A_605 : i32 to index
            %swap3A_613 = arith.constant 0 : index
            %swap3A_614 = tpu.vector_load %arg11[%swap3A_612, %swap3A_613] {strides = array<i32>} : memref<80x128xf32, #tpu.memory_space<vmem>>, vector<1x16xf32>,
            %swap3A_615 = vector.shape_cast %swap3A_614 : vector<1x16xf32> to vector<16xf32>
            %swap3A_616 = vector.shape_cast %mul3A_611 : vector<16xf32> to vector<1x16xf32>
            tpu.vector_store %arg11[%swap3A_612, %swap3A_613], %swap3A_616 {strides = array<i32>} : memref<80x128xf32, #tpu.memory_space<vmem>>, vector<1x16xf32>,
            %get3A_617 = arith.index_cast %add3A_605 : i32 to index
            %get3A_618 = arith.constant 16 : index
            %get3A_619 = tpu.vector_load %arg11[%get3A_617, %get3A_618] {strides = array<i32>} : memref<80x128xf32, #tpu.memory_space<vmem>>, vector<1x16xf32>,
            %get3A_620 = vector.shape_cast %get3A_619 : vector<1x16xf32> to vector<16xf32>
            %mul3A_621 = vector.broadcast %squeeze3A_601 : f32 to vector<16xf32>
            %mul3A_622 = arith.mulf %get3A_620, %mul3A_621 : vector<16xf32>
            %swap3A_623 = arith.index_cast %add3A_605 : i32 to index
            %swap3A_624 = arith.constant 16 : index
            %swap3A_625 = tpu.vector_load %arg11[%swap3A_623, %swap3A_624] {strides = array<i32>} : memref<80x128xf32, #tpu.memory_space<vmem>>, vector<1x16xf32>,
            %swap3A_626 = vector.shape_cast %swap3A_625 : vector<1x16xf32> to vector<16xf32>
            %swap3A_627 = vector.shape_cast %mul3A_622 : vector<16xf32> to vector<1x16xf32>
            tpu.vector_store %arg11[%swap3A_623, %swap3A_624], %swap3A_627 {strides = array<i32>} : memref<80x128xf32, #tpu.memory_space<vmem>>, vector<1x16xf32>,
            %get3A_628 = arith.index_cast %add3A_605 : i32 to index
            %get3A_629 = arith.constant 32 : index
            %get3A_630 = tpu.vector_load %arg11[%get3A_628, %get3A_629] {strides = array<i32>} : memref<80x128xf32, #tpu.memory_space<vmem>>, vector<1x16xf32>,
            %get3A_631 = vector.shape_cast %get3A_630 : vector<1x16xf32> to vector<16xf32>
            %mul3A_632 = vector.broadcast %squeeze3A_601 : f32 to vector<16xf32>
            %mul3A_633 = arith.mulf %get3A_631, %mul3A_632 : vector<16xf32>
            %swap3A_634 = arith.index_cast %add3A_605 : i32 to index
            %swap3A_635 = arith.constant 32 : index
            %swap3A_636 = tpu.vector_load %arg11[%swap3A_634, %swap3A_635] {strides = array<i32>} : memref<80x128xf32, #tpu.memory_space<vmem>>, vector<1x16xf32>,
            %swap3A_637 = vector.shape_cast %swap3A_636 : vector<1x16xf32> to vector<16xf32>
            %swap3A_638 = vector.shape_cast %mul3A_633 : vector<16xf32> to vector<1x16xf32>
            tpu.vector_store %arg11[%swap3A_634, %swap3A_635], %swap3A_638 {strides = array<i32>} : memref<80x128xf32, #tpu.memory_space<vmem>>, vector<1x16xf32>,
            %get3A_639 = arith.index_cast %add3A_605 : i32 to index
            %get3A_640 = arith.constant 48 : index
            %get3A_641 = tpu.vector_load %arg11[%get3A_639, %get3A_640] {strides = array<i32>} : memref<80x128xf32, #tpu.memory_space<vmem>>, vector<1x16xf32>,
            %get3A_642 = vector.shape_cast %get3A_641 : vector<1x16xf32> to vector<16xf32>
            %mul3A_643 = vector.broadcast %squeeze3A_601 : f32 to vector<16xf32>
            %mul3A_644 = arith.mulf %get3A_642, %mul3A_643 : vector<16xf32>
            %swap3A_645 = arith.index_cast %add3A_605 : i32 to index
            %swap3A_646 = arith.constant 48 : index
            %swap3A_647 = tpu.vector_load %arg11[%swap3A_645, %swap3A_646] {strides = array<i32>} : memref<80x128xf32, #tpu.memory_space<vmem>>, vector<1x16xf32>,
            %swap3A_648 = vector.shape_cast %swap3A_647 : vector<1x16xf32> to vector<16xf32>
            %swap3A_649 = vector.shape_cast %mul3A_644 : vector<16xf32> to vector<1x16xf32>
            tpu.vector_store %arg11[%swap3A_645, %swap3A_646], %swap3A_649 {strides = array<i32>} : memref<80x128xf32, #tpu.memory_space<vmem>>, vector<1x16xf32>,
            %get3A_650 = arith.index_cast %add3A_605 : i32 to index
            %get3A_651 = arith.constant 64 : index
            %get3A_652 = tpu.vector_load %arg11[%get3A_650, %get3A_651] {strides = array<i32>} : memref<80x128xf32, #tpu.memory_space<vmem>>, vector<1x16xf32>,
            %get3A_653 = vector.shape_cast %get3A_652 : vector<1x16xf32> to vector<16xf32>
            %mul3A_654 = vector.broadcast %squeeze3A_601 : f32 to vector<16xf32>
            %mul3A_655 = arith.mulf %get3A_653, %mul3A_654 : vector<16xf32>
            %swap3A_656 = arith.index_cast %add3A_605 : i32 to index
            %swap3A_657 = arith.constant 64 : index
            %swap3A_658 = tpu.vector_load %arg11[%swap3A_656, %swap3A_657] {strides = array<i32>} : memref<80x128xf32, #tpu.memory_space<vmem>>, vector<1x16xf32>,
            %swap3A_659 = vector.shape_cast %swap3A_658 : vector<1x16xf32> to vector<16xf32>
            %swap3A_660 = vector.shape_cast %mul3A_655 : vector<16xf32> to vector<1x16xf32>
            tpu.vector_store %arg11[%swap3A_656, %swap3A_657], %swap3A_660 {strides = array<i32>} : memref<80x128xf32, #tpu.memory_space<vmem>>, vector<1x16xf32>,
            %get3A_661 = arith.index_cast %add3A_605 : i32 to index
            %get3A_662 = arith.constant 80 : index
            %get3A_663 = tpu.vector_load %arg11[%get3A_661, %get3A_662] {strides = array<i32>} : memref<80x128xf32, #tpu.memory_space<vmem>>, vector<1x16xf32>,
            %get3A_664 = vector.shape_cast %get3A_663 : vector<1x16xf32> to vector<16xf32>
            %mul3A_665 = vector.broadcast %squeeze3A_601 : f32 to vector<16xf32>
            %mul3A_666 = arith.mulf %get3A_664, %mul3A_665 : vector<16xf32>
            %swap3A_667 = arith.index_cast %add3A_605 : i32 to index
            %swap3A_668 = arith.constant 80 : index
            %swap3A_669 = tpu.vector_load %arg11[%swap3A_667, %swap3A_668] {strides = array<i32>} : memref<80x128xf32, #tpu.memory_space<vmem>>, vector<1x16xf32>,
            %swap3A_670 = vector.shape_cast %swap3A_669 : vector<1x16xf32> to vector<16xf32>
            %swap3A_671 = vector.shape_cast %mul3A_666 : vector<16xf32> to vector<1x16xf32>
            tpu.vector_store %arg11[%swap3A_667, %swap3A_668], %swap3A_671 {strides = array<i32>} : memref<80x128xf32, #tpu.memory_space<vmem>>, vector<1x16xf32>,
            %get3A_672 = arith.index_cast %add3A_605 : i32 to index
            %get3A_673 = arith.constant 96 : index
            %get3A_674 = tpu.vector_load %arg11[%get3A_672, %get3A_673] {strides = array<i32>} : memref<80x128xf32, #tpu.memory_space<vmem>>, vector<1x16xf32>,
            %get3A_675 = vector.shape_cast %get3A_674 : vector<1x16xf32> to vector<16xf32>
            %mul3A_676 = vector.broadcast %squeeze3A_601 : f32 to vector<16xf32>
            %mul3A_677 = arith.mulf %get3A_675, %mul3A_676 : vector<16xf32>
            %swap3A_678 = arith.index_cast %add3A_605 : i32 to index
            %swap3A_679 = arith.constant 96 : index
            %swap3A_680 = tpu.vector_load %arg11[%swap3A_678, %swap3A_679] {strides = array<i32>} : memref<80x128xf32, #tpu.memory_space<vmem>>, vector<1x16xf32>,
            %swap3A_681 = vector.shape_cast %swap3A_680 : vector<1x16xf32> to vector<16xf32>
            %swap3A_682 = vector.shape_cast %mul3A_677 : vector<16xf32> to vector<1x16xf32>
            tpu.vector_store %arg11[%swap3A_678, %swap3A_679], %swap3A_682 {strides = array<i32>} : memref<80x128xf32, #tpu.memory_space<vmem>>, vector<1x16xf32>,
            %get3A_683 = arith.index_cast %add3A_605 : i32 to index
            %get3A_684 = arith.constant 112 : index
            %get3A_685 = tpu.vector_load %arg11[%get3A_683, %get3A_684] {strides = array<i32>} : memref<80x128xf32, #tpu.memory_space<vmem>>, vector<1x16xf32>,
            %get3A_686 = vector.shape_cast %get3A_685 : vector<1x16xf32> to vector<16xf32>
            %mul3A_687 = vector.broadcast %squeeze3A_601 : f32 to vector<16xf32>
            %mul3A_688 = arith.mulf %get3A_686, %mul3A_687 : vector<16xf32>
            %swap3A_689 = arith.index_cast %add3A_605 : i32 to index
            %swap3A_690 = arith.constant 112 : index
            %swap3A_691 = tpu.vector_load %arg11[%swap3A_689, %swap3A_690] {strides = array<i32>} : memref<80x128xf32, #tpu.memory_space<vmem>>, vector<1x16xf32>,
            %swap3A_692 = vector.shape_cast %swap3A_691 : vector<1x16xf32> to vector<16xf32>
            %swap3A_693 = vector.shape_cast %mul3A_688 : vector<16xf32> to vector<1x16xf32>
            tpu.vector_store %arg11[%swap3A_689, %swap3A_690], %swap3A_693 {strides = array<i32>} : memref<80x128xf32, #tpu.memory_space<vmem>>, vector<1x16xf32>,
            %slice3A_694 = vector.extract_strided_slice %get3A_414 {offsets = [3], sizes = [1], strides = [1]} : vector<16xf32> to vector<1xf32>
            %squeeze3A_695 = vector.extract %slice3A_694[0] : f32 from vector<1xf32>
            %mul3A_696 = arith.constant 16 : i32
            %mul3A_697 = arith.muli %scan3A_409, %mul3A_696 : i32
            %add3A_698 = arith.constant 3 : i32
            %add3A_699 = arith.addi %mul3A_697, %add3A_698 : i32
            %get3A_700 = arith.index_cast %add3A_699 : i32 to index
            %get3A_701 = arith.constant 0 : index
            %get3A_702 = tpu.vector_load %arg11[%get3A_700, %get3A_701] {strides = array<i32>} : memref<80x128xf32, #tpu.memory_space<vmem>>, vector<1x16xf32>,
            %get3A_703 = vector.shape_cast %get3A_702 : vector<1x16xf32> to vector<16xf32>
            %mul3A_704 = vector.broadcast %squeeze3A_695 : f32 to vector<16xf32>
            %mul3A_705 = arith.mulf %get3A_703, %mul3A_704 : vector<16xf32>
            %swap3A_706 = arith.index_cast %add3A_699 : i32 to index
            %swap3A_707 = arith.constant 0 : index
            %swap3A_708 = tpu.vector_load %arg11[%swap3A_706, %swap3A_707] {strides = array<i32>} : memref<80x128xf32, #tpu.memory_space<vmem>>, vector<1x16xf32>,
            %swap3A_709 = vector.shape_cast %swap3A_708 : vector<1x16xf32> to vector<16xf32>
            %swap3A_710 = vector.shape_cast %mul3A_705 : vector<16xf32> to vector<1x16xf32>
            tpu.vector_store %arg11[%swap3A_706, %swap3A_707], %swap3A_710 {strides = array<i32>} : memref<80x128xf32, #tpu.memory_space<vmem>>, vector<1x16xf32>,
            %get3A_711 = arith.index_cast %add3A_699 : i32 to index
            %get3A_712 = arith.constant 16 : index
            %get3A_713 = tpu.vector_load %arg11[%get3A_711, %get3A_712] {strides = array<i32>} : memref<80x128xf32, #tpu.memory_space<vmem>>, vector<1x16xf32>,
            %get3A_714 = vector.shape_cast %get3A_713 : vector<1x16xf32> to vector<16xf32>
            %mul3A_715 = vector.broadcast %squeeze3A_695 : f32 to vector<16xf32>
            %mul3A_716 = arith.mulf %get3A_714, %mul3A_715 : vector<16xf32>
            %swap3A_717 = arith.index_cast %add3A_699 : i32 to index
            %swap3A_718 = arith.constant 16 : index
            %swap3A_719 = tpu.vector_load %arg11[%swap3A_717, %swap3A_718] {strides = array<i32>} : memref<80x128xf32, #tpu.memory_space<vmem>>, vector<1x16xf32>,
            %swap3A_720 = vector.shape_cast %swap3A_719 : vector<1x16xf32> to vector<16xf32>
            %swap3A_721 = vector.shape_cast %mul3A_716 : vector<16xf32> to vector<1x16xf32>
            tpu.vector_store %arg11[%swap3A_717, %swap3A_718], %swap3A_721 {strides = array<i32>} : memref<80x128xf32, #tpu.memory_space<vmem>>, vector<1x16xf32>,
            %get3A_722 = arith.index_cast %add3A_699 : i32 to index
            %get3A_723 = arith.constant 32 : index
            %get3A_724 = tpu.vector_load %arg11[%get3A_722, %get3A_723] {strides = array<i32>} : memref<80x128xf32, #tpu.memory_space<vmem>>, vector<1x16xf32>,
            %get3A_725 = vector.shape_cast %get3A_724 : vector<1x16xf32> to vector<16xf32>
            %mul3A_726 = vector.broadcast %squeeze3A_695 : f32 to vector<16xf32>
            %mul3A_727 = arith.mulf %get3A_725, %mul3A_726 : vector<16xf32>
            %swap3A_728 = arith.index_cast %add3A_699 : i32 to index
            %swap3A_729 = arith.constant 32 : index
            %swap3A_730 = tpu.vector_load %arg11[%swap3A_728, %swap3A_729] {strides = array<i32>} : memref<80x128xf32, #tpu.memory_space<vmem>>, vector<1x16xf32>,
            %swap3A_731 = vector.shape_cast %swap3A_730 : vector<1x16xf32> to vector<16xf32>
            %swap3A_732 = vector.shape_cast %mul3A_727 : vector<16xf32> to vector<1x16xf32>
            tpu.vector_store %arg11[%swap3A_728, %swap3A_729], %swap3A_732 {strides = array<i32>} : memref<80x128xf32, #tpu.memory_space<vmem>>, vector<1x16xf32>,
            %get3A_733 = arith.index_cast %add3A_699 : i32 to index
            %get3A_734 = arith.constant 48 : index
            %get3A_735 = tpu.vector_load %arg11[%get3A_733, %get3A_734] {strides = array<i32>} : memref<80x128xf32, #tpu.memory_space<vmem>>, vector<1x16xf32>,
            %get3A_736 = vector.shape_cast %get3A_735 : vector<1x16xf32> to vector<16xf32>
            %mul3A_737 = vector.broadcast %squeeze3A_695 : f32 to vector<16xf32>
            %mul3A_738 = arith.mulf %get3A_736, %mul3A_737 : vector<16xf32>
            %swap3A_739 = arith.index_cast %add3A_699 : i32 to index
            %swap3A_740 = arith.constant 48 : index
            %swap3A_741 = tpu.vector_load %arg11[%swap3A_739, %swap3A_740] {strides = array<i32>} : memref<80x128xf32, #tpu.memory_space<vmem>>, vector<1x16xf32>,
            %swap3A_742 = vector.shape_cast %swap3A_741 : vector<1x16xf32> to vector<16xf32>
            %swap3A_743 = vector.shape_cast %mul3A_738 : vector<16xf32> to vector<1x16xf32>
            tpu.vector_store %arg11[%swap3A_739, %swap3A_740], %swap3A_743 {strides = array<i32>} : memref<80x128xf32, #tpu.memory_space<vmem>>, vector<1x16xf32>,
            %get3A_744 = arith.index_cast %add3A_699 : i32 to index
            %get3A_745 = arith.constant 64 : index
            %get3A_746 = tpu.vector_load %arg11[%get3A_744, %get3A_745] {strides = array<i32>} : memref<80x128xf32, #tpu.memory_space<vmem>>, vector<1x16xf32>,
            %get3A_747 = vector.shape_cast %get3A_746 : vector<1x16xf32> to vector<16xf32>
            %mul3A_748 = vector.broadcast %squeeze3A_695 : f32 to vector<16xf32>
            %mul3A_749 = arith.mulf %get3A_747, %mul3A_748 : vector<16xf32>
            %swap3A_750 = arith.index_cast %add3A_699 : i32 to index
            %swap3A_751 = arith.constant 64 : index
            %swap3A_752 = tpu.vector_load %arg11[%swap3A_750, %swap3A_751] {strides = array<i32>} : memref<80x128xf32, #tpu.memory_space<vmem>>, vector<1x16xf32>,
            %swap3A_753 = vector.shape_cast %swap3A_752 : vector<1x16xf32> to vector<16xf32>
            %swap3A_754 = vector.shape_cast %mul3A_749 : vector<16xf32> to vector<1x16xf32>
            tpu.vector_store %arg11[%swap3A_750, %swap3A_751], %swap3A_754 {strides = array<i32>} : memref<80x128xf32, #tpu.memory_space<vmem>>, vector<1x16xf32>,
            %get3A_755 = arith.index_cast %add3A_699 : i32 to index
            %get3A_756 = arith.constant 80 : index
            %get3A_757 = tpu.vector_load %arg11[%get3A_755, %get3A_756] {strides = array<i32>} : memref<80x128xf32, #tpu.memory_space<vmem>>, vector<1x16xf32>,
            %get3A_758 = vector.shape_cast %get3A_757 : vector<1x16xf32> to vector<16xf32>
            %mul3A_759 = vector.broadcast %squeeze3A_695 : f32 to vector<16xf32>
            %mul3A_760 = arith.mulf %get3A_758, %mul3A_759 : vector<16xf32>
            %swap3A_761 = arith.index_cast %add3A_699 : i32 to index
            %swap3A_762 = arith.constant 80 : index
            %swap3A_763 = tpu.vector_load %arg11[%swap3A_761, %swap3A_762] {strides = array<i32>} : memref<80x128xf32, #tpu.memory_space<vmem>>, vector<1x16xf32>,
            %swap3A_764 = vector.shape_cast %swap3A_763 : vector<1x16xf32> to vector<16xf32>
            %swap3A_765 = vector.shape_cast %mul3A_760 : vector<16xf32> to vector<1x16xf32>
            tpu.vector_store %arg11[%swap3A_761, %swap3A_762], %swap3A_765 {strides = array<i32>} : memref<80x128xf32, #tpu.memory_space<vmem>>, vector<1x16xf32>,
            %get3A_766 = arith.index_cast %add3A_699 : i32 to index
            %get3A_767 = arith.constant 96 : index
            %get3A_768 = tpu.vector_load %arg11[%get3A_766, %get3A_767] {strides = array<i32>} : memref<80x128xf32, #tpu.memory_space<vmem>>, vector<1x16xf32>,
            %get3A_769 = vector.shape_cast %get3A_768 : vector<1x16xf32> to vector<16xf32>
            %mul3A_770 = vector.broadcast %squeeze3A_695 : f32 to vector<16xf32>
            %mul3A_771 = arith.mulf %get3A_769, %mul3A_770 : vector<16xf32>
            %swap3A_772 = arith.index_cast %add3A_699 : i32 to index
            %swap3A_773 = arith.constant 96 : index
            %swap3A_774 = tpu.vector_load %arg11[%swap3A_772, %swap3A_773] {strides = array<i32>} : memref<80x128xf32, #tpu.memory_space<vmem>>, vector<1x16xf32>,
            %swap3A_775 = vector.shape_cast %swap3A_774 : vector<1x16xf32> to vector<16xf32>
            %swap3A_776 = vector.shape_cast %mul3A_771 : vector<16xf32> to vector<1x16xf32>
            tpu.vector_store %arg11[%swap3A_772, %swap3A_773], %swap3A_776 {strides = array<i32>} : memref<80x128xf32, #tpu.memory_space<vmem>>, vector<1x16xf32>,
            %get3A_777 = arith.index_cast %add3A_699 : i32 to index
            %get3A_778 = arith.constant 112 : index
            %get3A_779 = tpu.vector_load %arg11[%get3A_777, %get3A_778] {strides = array<i32>} : memref<80x128xf32, #tpu.memory_space<vmem>>, vector<1x16xf32>,
            %get3A_780 = vector.shape_cast %get3A_779 : vector<1x16xf32> to vector<16xf32>
            %mul3A_781 = vector.broadcast %squeeze3A_695 : f32 to vector<16xf32>
            %mul3A_782 = arith.mulf %get3A_780, %mul3A_781 : vector<16xf32>
            %swap3A_783 = arith.index_cast %add3A_699 : i32 to index
            %swap3A_784 = arith.constant 112 : index
            %swap3A_785 = tpu.vector_load %arg11[%swap3A_783, %swap3A_784] {strides = array<i32>} : memref<80x128xf32, #tpu.memory_space<vmem>>, vector<1x16xf32>,
            %swap3A_786 = vector.shape_cast %swap3A_785 : vector<1x16xf32> to vector<16xf32>
            %swap3A_787 = vector.shape_cast %mul3A_782 : vector<16xf32> to vector<1x16xf32>
            tpu.vector_store %arg11[%swap3A_783, %swap3A_784], %swap3A_787 {strides = array<i32>} : memref<80x128xf32, #tpu.memory_space<vmem>>, vector<1x16xf32>,
            %slice3A_788 = vector.extract_strided_slice %get3A_414 {offsets = [4], sizes = [1], strides = [1]} : vector<16xf32> to vector<1xf32>
            %squeeze3A_789 = vector.extract %slice3A_788[0] : f32 from vector<1xf32>
            %mul3A_790 = arith.constant 16 : i32
            %mul3A_791 = arith.muli %scan3A_409, %mul3A_790 : i32
            %add3A_792 = arith.constant 4 : i32
            %add3A_793 = arith.addi %mul3A_791, %add3A_792 : i32
            %get3A_794 = arith.index_cast %add3A_793 : i32 to index
            %get3A_795 = arith.constant 0 : index
            %get3A_796 = tpu.vector_load %arg11[%get3A_794, %get3A_795] {strides = array<i32>} : memref<80x128xf32, #tpu.memory_space<vmem>>, vector<1x16xf32>,
            %get3A_797 = vector.shape_cast %get3A_796 : vector<1x16xf32> to vector<16xf32>
            %mul3A_798 = vector.broadcast %squeeze3A_789 : f32 to vector<16xf32>
            %mul3A_799 = arith.mulf %get3A_797, %mul3A_798 : vector<16xf32>
            %swap3A_800 = arith.index_cast %add3A_793 : i32 to index
            %swap3A_801 = arith.constant 0 : index
            %swap3A_802 = tpu.vector_load %arg11[%swap3A_800, %swap3A_801] {strides = array<i32>} : memref<80x128xf32, #tpu.memory_space<vmem>>, vector<1x16xf32>,
            %swap3A_803 = vector.shape_cast %swap3A_802 : vector<1x16xf32> to vector<16xf32>
            %swap3A_804 = vector.shape_cast %mul3A_799 : vector<16xf32> to vector<1x16xf32>
            tpu.vector_store %arg11[%swap3A_800, %swap3A_801], %swap3A_804 {strides = array<i32>} : memref<80x128xf32, #tpu.memory_space<vmem>>, vector<1x16xf32>,
            %get3A_805 = arith.index_cast %add3A_793 : i32 to index
            %get3A_806 = arith.constant 16 : index
            %get3A_807 = tpu.vector_load %arg11[%get3A_805, %get3A_806] {strides = array<i32>} : memref<80x128xf32, #tpu.memory_space<vmem>>, vector<1x16xf32>,
            %get3A_808 = vector.shape_cast %get3A_807 : vector<1x16xf32> to vector<16xf32>
            %mul3A_809 = vector.broadcast %squeeze3A_789 : f32 to vector<16xf32>
            %mul3A_810 = arith.mulf %get3A_808, %mul3A_809 : vector<16xf32>
            %swap3A_811 = arith.index_cast %add3A_793 : i32 to index
            %swap3A_812 = arith.constant 16 : index
            %swap3A_813 = tpu.vector_load %arg11[%swap3A_811, %swap3A_812] {strides = array<i32>} : memref<80x128xf32, #tpu.memory_space<vmem>>, vector<1x16xf32>,
            %swap3A_814 = vector.shape_cast %swap3A_813 : vector<1x16xf32> to vector<16xf32>
            %swap3A_815 = vector.shape_cast %mul3A_810 : vector<16xf32> to vector<1x16xf32>
            tpu.vector_store %arg11[%swap3A_811, %swap3A_812], %swap3A_815 {strides = array<i32>} : memref<80x128xf32, #tpu.memory_space<vmem>>, vector<1x16xf32>,
            %get3A_816 = arith.index_cast %add3A_793 : i32 to index
            %get3A_817 = arith.constant 32 : index
            %get3A_818 = tpu.vector_load %arg11[%get3A_816, %get3A_817] {strides = array<i32>} : memref<80x128xf32, #tpu.memory_space<vmem>>, vector<1x16xf32>,
            %get3A_819 = vector.shape_cast %get3A_818 : vector<1x16xf32> to vector<16xf32>
            %mul3A_820 = vector.broadcast %squeeze3A_789 : f32 to vector<16xf32>
            %mul3A_821 = arith.mulf %get3A_819, %mul3A_820 : vector<16xf32>
            %swap3A_822 = arith.index_cast %add3A_793 : i32 to index
            %swap3A_823 = arith.constant 32 : index
            %swap3A_824 = tpu.vector_load %arg11[%swap3A_822, %swap3A_823] {strides = array<i32>} : memref<80x128xf32, #tpu.memory_space<vmem>>, vector<1x16xf32>,
            %swap3A_825 = vector.shape_cast %swap3A_824 : vector<1x16xf32> to vector<16xf32>
            %swap3A_826 = vector.shape_cast %mul3A_821 : vector<16xf32> to vector<1x16xf32>
            tpu.vector_store %arg11[%swap3A_822, %swap3A_823], %swap3A_826 {strides = array<i32>} : memref<80x128xf32, #tpu.memory_space<vmem>>, vector<1x16xf32>,
            %get3A_827 = arith.index_cast %add3A_793 : i32 to index
            %get3A_828 = arith.constant 48 : index
            %get3A_829 = tpu.vector_load %arg11[%get3A_827, %get3A_828] {strides = array<i32>} : memref<80x128xf32, #tpu.memory_space<vmem>>, vector<1x16xf32>,
            %get3A_830 = vector.shape_cast %get3A_829 : vector<1x16xf32> to vector<16xf32>
            %mul3A_831 = vector.broadcast %squeeze3A_789 : f32 to vector<16xf32>
            %mul3A_832 = arith.mulf %get3A_830, %mul3A_831 : vector<16xf32>
            %swap3A_833 = arith.index_cast %add3A_793 : i32 to index
            %swap3A_834 = arith.constant 48 : index
            %swap3A_835 = tpu.vector_load %arg11[%swap3A_833, %swap3A_834] {strides = array<i32>} : memref<80x128xf32, #tpu.memory_space<vmem>>, vector<1x16xf32>,
            %swap3A_836 = vector.shape_cast %swap3A_835 : vector<1x16xf32> to vector<16xf32>
            %swap3A_837 = vector.shape_cast %mul3A_832 : vector<16xf32> to vector<1x16xf32>
            tpu.vector_store %arg11[%swap3A_833, %swap3A_834], %swap3A_837 {strides = array<i32>} : memref<80x128xf32, #tpu.memory_space<vmem>>, vector<1x16xf32>,
            %get3A_838 = arith.index_cast %add3A_793 : i32 to index
            %get3A_839 = arith.constant 64 : index
            %get3A_840 = tpu.vector_load %arg11[%get3A_838, %get3A_839] {strides = array<i32>} : memref<80x128xf32, #tpu.memory_space<vmem>>, vector<1x16xf32>,
            %get3A_841 = vector.shape_cast %get3A_840 : vector<1x16xf32> to vector<16xf32>
            %mul3A_842 = vector.broadcast %squeeze3A_789 : f32 to vector<16xf32>
            %mul3A_843 = arith.mulf %get3A_841, %mul3A_842 : vector<16xf32>
            %swap3A_844 = arith.index_cast %add3A_793 : i32 to index
            %swap3A_845 = arith.constant 64 : index
            %swap3A_846 = tpu.vector_load %arg11[%swap3A_844, %swap3A_845] {strides = array<i32>} : memref<80x128xf32, #tpu.memory_space<vmem>>, vector<1x16xf32>,
            %swap3A_847 = vector.shape_cast %swap3A_846 : vector<1x16xf32> to vector<16xf32>
            %swap3A_848 = vector.shape_cast %mul3A_843 : vector<16xf32> to vector<1x16xf32>
            tpu.vector_store %arg11[%swap3A_844, %swap3A_845], %swap3A_848 {strides = array<i32>} : memref<80x128xf32, #tpu.memory_space<vmem>>, vector<1x16xf32>,
            %get3A_849 = arith.index_cast %add3A_793 : i32 to index
            %get3A_850 = arith.constant 80 : index
            %get3A_851 = tpu.vector_load %arg11[%get3A_849, %get3A_850] {strides = array<i32>} : memref<80x128xf32, #tpu.memory_space<vmem>>, vector<1x16xf32>,
            %get3A_852 = vector.shape_cast %get3A_851 : vector<1x16xf32> to vector<16xf32>
            %mul3A_853 = vector.broadcast %squeeze3A_789 : f32 to vector<16xf32>
            %mul3A_854 = arith.mulf %get3A_852, %mul3A_853 : vector<16xf32>
            %swap3A_855 = arith.index_cast %add3A_793 : i32 to index
            %swap3A_856 = arith.constant 80 : index
            %swap3A_857 = tpu.vector_load %arg11[%swap3A_855, %swap3A_856] {strides = array<i32>} : memref<80x128xf32, #tpu.memory_space<vmem>>, vector<1x16xf32>,
            %swap3A_858 = vector.shape_cast %swap3A_857 : vector<1x16xf32> to vector<16xf32>
            %swap3A_859 = vector.shape_cast %mul3A_854 : vector<16xf32> to vector<1x16xf32>
            tpu.vector_store %arg11[%swap3A_855, %swap3A_856], %swap3A_859 {strides = array<i32>} : memref<80x128xf32, #tpu.memory_space<vmem>>, vector<1x16xf32>,
            %get3A_860 = arith.index_cast %add3A_793 : i32 to index
            %get3A_861 = arith.constant 96 : index
            %get3A_862 = tpu.vector_load %arg11[%get3A_860, %get3A_861] {strides = array<i32>} : memref<80x128xf32, #tpu.memory_space<vmem>>, vector<1x16xf32>,
            %get3A_863 = vector.shape_cast %get3A_862 : vector<1x16xf32> to vector<16xf32>
            %mul3A_864 = vector.broadcast %squeeze3A_789 : f32 to vector<16xf32>
            %mul3A_865 = arith.mulf %get3A_863, %mul3A_864 : vector<16xf32>
            %swap3A_866 = arith.index_cast %add3A_793 : i32 to index
            %swap3A_867 = arith.constant 96 : index
            %swap3A_868 = tpu.vector_load %arg11[%swap3A_866, %swap3A_867] {strides = array<i32>} : memref<80x128xf32, #tpu.memory_space<vmem>>, vector<1x16xf32>,
            %swap3A_869 = vector.shape_cast %swap3A_868 : vector<1x16xf32> to vector<16xf32>
            %swap3A_870 = vector.shape_cast %mul3A_865 : vector<16xf32> to vector<1x16xf32>
            tpu.vector_store %arg11[%swap3A_866, %swap3A_867], %swap3A_870 {strides = array<i32>} : memref<80x128xf32, #tpu.memory_space<vmem>>, vector<1x16xf32>,
            %get3A_871 = arith.index_cast %add3A_793 : i32 to index
            %get3A_872 = arith.constant 112 : index
            %get3A_873 = tpu.vector_load %arg11[%get3A_871, %get3A_872] {strides = array<i32>} : memref<80x128xf32, #tpu.memory_space<vmem>>, vector<1x16xf32>,
            %get3A_874 = vector.shape_cast %get3A_873 : vector<1x16xf32> to vector<16xf32>
            %mul3A_875 = vector.broadcast %squeeze3A_789 : f32 to vector<16xf32>
            %mul3A_876 = arith.mulf %get3A_874, %mul3A_875 : vector<16xf32>
            %swap3A_877 = arith.index_cast %add3A_793 : i32 to index
            %swap3A_878 = arith.constant 112 : index
            %swap3A_879 = tpu.vector_load %arg11[%swap3A_877, %swap3A_878] {strides = array<i32>} : memref<80x128xf32, #tpu.memory_space<vmem>>, vector<1x16xf32>,
            %swap3A_880 = vector.shape_cast %swap3A_879 : vector<1x16xf32> to vector<16xf32>
            %swap3A_881 = vector.shape_cast %mul3A_876 : vector<16xf32> to vector<1x16xf32>
            tpu.vector_store %arg11[%swap3A_877, %swap3A_878], %swap3A_881 {strides = array<i32>} : memref<80x128xf32, #tpu.memory_space<vmem>>, vector<1x16xf32>,
            %slice3A_882 = vector.extract_strided_slice %get3A_414 {offsets = [5], sizes = [1], strides = [1]} : vector<16xf32> to vector<1xf32>
            %squeeze3A_883 = vector.extract %slice3A_882[0] : f32 from vector<1xf32>
            %mul3A_884 = arith.constant 16 : i32
            %mul3A_885 = arith.muli %scan3A_409, %mul3A_884 : i32
            %add3A_886 = arith.constant 5 : i32
            %add3A_887 = arith.addi %mul3A_885, %add3A_886 : i32
            %get3A_888 = arith.index_cast %add3A_887 : i32 to index
            %get3A_889 = arith.constant 0 : index
            %get3A_890 = tpu.vector_load %arg11[%get3A_888, %get3A_889] {strides = array<i32>} : memref<80x128xf32, #tpu.memory_space<vmem>>, vector<1x16xf32>,
            %get3A_891 = vector.shape_cast %get3A_890 : vector<1x16xf32> to vector<16xf32>
            %mul3A_892 = vector.broadcast %squeeze3A_883 : f32 to vector<16xf32>
            %mul3A_893 = arith.mulf %get3A_891, %mul3A_892 : vector<16xf32>
            %swap3A_894 = arith.index_cast %add3A_887 : i32 to index
            %swap3A_895 = arith.constant 0 : index
            %swap3A_896 = tpu.vector_load %arg11[%swap3A_894, %swap3A_895] {strides = array<i32>} : memref<80x128xf32, #tpu.memory_space<vmem>>, vector<1x16xf32>,
            %swap3A_897 = vector.shape_cast %swap3A_896 : vector<1x16xf32> to vector<16xf32>
            %swap3A_898 = vector.shape_cast %mul3A_893 : vector<16xf32> to vector<1x16xf32>
            tpu.vector_store %arg11[%swap3A_894, %swap3A_895], %swap3A_898 {strides = array<i32>} : memref<80x128xf32, #tpu.memory_space<vmem>>, vector<1x16xf32>,
            %get3A_899 = arith.index_cast %add3A_887 : i32 to index
            %get3A_900 = arith.constant 16 : index
            %get3A_901 = tpu.vector_load %arg11[%get3A_899, %get3A_900] {strides = array<i32>} : memref<80x128xf32, #tpu.memory_space<vmem>>, vector<1x16xf32>,
            %get3A_902 = vector.shape_cast %get3A_901 : vector<1x16xf32> to vector<16xf32>
            %mul3A_903 = vector.broadcast %squeeze3A_883 : f32 to vector<16xf32>
            %mul3A_904 = arith.mulf %get3A_902, %mul3A_903 : vector<16xf32>
            %swap3A_905 = arith.index_cast %add3A_887 : i32 to index
            %swap3A_906 = arith.constant 16 : index
            %swap3A_907 = tpu.vector_load %arg11[%swap3A_905, %swap3A_906] {strides = array<i32>} : memref<80x128xf32, #tpu.memory_space<vmem>>, vector<1x16xf32>,
            %swap3A_908 = vector.shape_cast %swap3A_907 : vector<1x16xf32> to vector<16xf32>
            %swap3A_909 = vector.shape_cast %mul3A_904 : vector<16xf32> to vector<1x16xf32>
            tpu.vector_store %arg11[%swap3A_905, %swap3A_906], %swap3A_909 {strides = array<i32>} : memref<80x128xf32, #tpu.memory_space<vmem>>, vector<1x16xf32>,
            %get3A_910 = arith.index_cast %add3A_887 : i32 to index
            %get3A_911 = arith.constant 32 : index
            %get3A_912 = tpu.vector_load %arg11[%get3A_910, %get3A_911] {strides = array<i32>} : memref<80x128xf32, #tpu.memory_space<vmem>>, vector<1x16xf32>,
            %get3A_913 = vector.shape_cast %get3A_912 : vector<1x16xf32> to vector<16xf32>
            %mul3A_914 = vector.broadcast %squeeze3A_883 : f32 to vector<16xf32>
            %mul3A_915 = arith.mulf %get3A_913, %mul3A_914 : vector<16xf32>
            %swap3A_916 = arith.index_cast %add3A_887 : i32 to index
            %swap3A_917 = arith.constant 32 : index
            %swap3A_918 = tpu.vector_load %arg11[%swap3A_916, %swap3A_917] {strides = array<i32>} : memref<80x128xf32, #tpu.memory_space<vmem>>, vector<1x16xf32>,
            %swap3A_919 = vector.shape_cast %swap3A_918 : vector<1x16xf32> to vector<16xf32>
            %swap3A_920 = vector.shape_cast %mul3A_915 : vector<16xf32> to vector<1x16xf32>
            tpu.vector_store %arg11[%swap3A_916, %swap3A_917], %swap3A_920 {strides = array<i32>} : memref<80x128xf32, #tpu.memory_space<vmem>>, vector<1x16xf32>,
            %get3A_921 = arith.index_cast %add3A_887 : i32 to index
            %get3A_922 = arith.constant 48 : index
            %get3A_923 = tpu.vector_load %arg11[%get3A_921, %get3A_922] {strides = array<i32>} : memref<80x128xf32, #tpu.memory_space<vmem>>, vector<1x16xf32>,
            %get3A_924 = vector.shape_cast %get3A_923 : vector<1x16xf32> to vector<16xf32>
            %mul3A_925 = vector.broadcast %squeeze3A_883 : f32 to vector<16xf32>
            %mul3A_926 = arith.mulf %get3A_924, %mul3A_925 : vector<16xf32>
            %swap3A_927 = arith.index_cast %add3A_887 : i32 to index
            %swap3A_928 = arith.constant 48 : index
            %swap3A_929 = tpu.vector_load %arg11[%swap3A_927, %swap3A_928] {strides = array<i32>} : memref<80x128xf32, #tpu.memory_space<vmem>>, vector<1x16xf32>,
            %swap3A_930 = vector.shape_cast %swap3A_929 : vector<1x16xf32> to vector<16xf32>
            %swap3A_931 = vector.shape_cast %mul3A_926 : vector<16xf32> to vector<1x16xf32>
            tpu.vector_store %arg11[%swap3A_927, %swap3A_928], %swap3A_931 {strides = array<i32>} : memref<80x128xf32, #tpu.memory_space<vmem>>, vector<1x16xf32>,
            %get3A_932 = arith.index_cast %add3A_887 : i32 to index
            %get3A_933 = arith.constant 64 : index
            %get3A_934 = tpu.vector_load %arg11[%get3A_932, %get3A_933] {strides = array<i32>} : memref<80x128xf32, #tpu.memory_space<vmem>>, vector<1x16xf32>,
            %get3A_935 = vector.shape_cast %get3A_934 : vector<1x16xf32> to vector<16xf32>
            %mul3A_936 = vector.broadcast %squeeze3A_883 : f32 to vector<16xf32>
            %mul3A_937 = arith.mulf %get3A_935, %mul3A_936 : vector<16xf32>
            %swap3A_938 = arith.index_cast %add3A_887 : i32 to index
            %swap3A_939 = arith.constant 64 : index
            %swap3A_940 = tpu.vector_load %arg11[%swap3A_938, %swap3A_939] {strides = array<i32>} : memref<80x128xf32, #tpu.memory_space<vmem>>, vector<1x16xf32>,
            %swap3A_941 = vector.shape_cast %swap3A_940 : vector<1x16xf32> to vector<16xf32>
            %swap3A_942 = vector.shape_cast %mul3A_937 : vector<16xf32> to vector<1x16xf32>
            tpu.vector_store %arg11[%swap3A_938, %swap3A_939], %swap3A_942 {strides = array<i32>} : memref<80x128xf32, #tpu.memory_space<vmem>>, vector<1x16xf32>,
            %get3A_943 = arith.index_cast %add3A_887 : i32 to index
            %get3A_944 = arith.constant 80 : index
            %get3A_945 = tpu.vector_load %arg11[%get3A_943, %get3A_944] {strides = array<i32>} : memref<80x128xf32, #tpu.memory_space<vmem>>, vector<1x16xf32>,
            %get3A_946 = vector.shape_cast %get3A_945 : vector<1x16xf32> to vector<16xf32>
            %mul3A_947 = vector.broadcast %squeeze3A_883 : f32 to vector<16xf32>
            %mul3A_948 = arith.mulf %get3A_946, %mul3A_947 : vector<16xf32>
            %swap3A_949 = arith.index_cast %add3A_887 : i32 to index
            %swap3A_950 = arith.constant 80 : index
            %swap3A_951 = tpu.vector_load %arg11[%swap3A_949, %swap3A_950] {strides = array<i32>} : memref<80x128xf32, #tpu.memory_space<vmem>>, vector<1x16xf32>,
            %swap3A_952 = vector.shape_cast %swap3A_951 : vector<1x16xf32> to vector<16xf32>
            %swap3A_953 = vector.shape_cast %mul3A_948 : vector<16xf32> to vector<1x16xf32>
            tpu.vector_store %arg11[%swap3A_949, %swap3A_950], %swap3A_953 {strides = array<i32>} : memref<80x128xf32, #tpu.memory_space<vmem>>, vector<1x16xf32>,
            %get3A_954 = arith.index_cast %add3A_887 : i32 to index
            %get3A_955 = arith.constant 96 : index
            %get3A_956 = tpu.vector_load %arg11[%get3A_954, %get3A_955] {strides = array<i32>} : memref<80x128xf32, #tpu.memory_space<vmem>>, vector<1x16xf32>,
            %get3A_957 = vector.shape_cast %get3A_956 : vector<1x16xf32> to vector<16xf32>
            %mul3A_958 = vector.broadcast %squeeze3A_883 : f32 to vector<16xf32>
            %mul3A_959 = arith.mulf %get3A_957, %mul3A_958 : vector<16xf32>
            %swap3A_960 = arith.index_cast %add3A_887 : i32 to index
            %swap3A_961 = arith.constant 96 : index
            %swap3A_962 = tpu.vector_load %arg11[%swap3A_960, %swap3A_961] {strides = array<i32>} : memref<80x128xf32, #tpu.memory_space<vmem>>, vector<1x16xf32>,
            %swap3A_963 = vector.shape_cast %swap3A_962 : vector<1x16xf32> to vector<16xf32>
            %swap3A_964 = vector.shape_cast %mul3A_959 : vector<16xf32> to vector<1x16xf32>
            tpu.vector_store %arg11[%swap3A_960, %swap3A_961], %swap3A_964 {strides = array<i32>} : memref<80x128xf32, #tpu.memory_space<vmem>>, vector<1x16xf32>,
            %get3A_965 = arith.index_cast %add3A_887 : i32 to index
            %get3A_966 = arith.constant 112 : index
            %get3A_967 = tpu.vector_load %arg11[%get3A_965, %get3A_966] {strides = array<i32>} : memref<80x128xf32, #tpu.memory_space<vmem>>, vector<1x16xf32>,
            %get3A_968 = vector.shape_cast %get3A_967 : vector<1x16xf32> to vector<16xf32>
            %mul3A_969 = vector.broadcast %squeeze3A_883 : f32 to vector<16xf32>
            %mul3A_970 = arith.mulf %get3A_968, %mul3A_969 : vector<16xf32>
            %swap3A_971 = arith.index_cast %add3A_887 : i32 to index
            %swap3A_972 = arith.constant 112 : index
            %swap3A_973 = tpu.vector_load %arg11[%swap3A_971, %swap3A_972] {strides = array<i32>} : memref<80x128xf32, #tpu.memory_space<vmem>>, vector<1x16xf32>,
            %swap3A_974 = vector.shape_cast %swap3A_973 : vector<1x16xf32> to vector<16xf32>
            %swap3A_975 = vector.shape_cast %mul3A_970 : vector<16xf32> to vector<1x16xf32>
            tpu.vector_store %arg11[%swap3A_971, %swap3A_972], %swap3A_975 {strides = array<i32>} : memref<80x128xf32, #tpu.memory_space<vmem>>, vector<1x16xf32>,
            %slice3A_976 = vector.extract_strided_slice %get3A_414 {offsets = [6], sizes = [1], strides = [1]} : vector<16xf32> to vector<1xf32>
            %squeeze3A_977 = vector.extract %slice3A_976[0] : f32 from vector<1xf32>
            %mul3A_978 = arith.constant 16 : i32
            %mul3A_979 = arith.muli %scan3A_409, %mul3A_978 : i32
            %add3A_980 = arith.constant 6 : i32
            %add3A_981 = arith.addi %mul3A_979, %add3A_980 : i32
            %get3A_982 = arith.index_cast %add3A_981 : i32 to index
            %get3A_983 = arith.constant 0 : index
            %get3A_984 = tpu.vector_load %arg11[%get3A_982, %get3A_983] {strides = array<i32>} : memref<80x128xf32, #tpu.memory_space<vmem>>, vector<1x16xf32>,
            %get3A_985 = vector.shape_cast %get3A_984 : vector<1x16xf32> to vector<16xf32>
            %mul3A_986 = vector.broadcast %squeeze3A_977 : f32 to vector<16xf32>
            %mul3A_987 = arith.mulf %get3A_985, %mul3A_986 : vector<16xf32>
            %swap3A_988 = arith.index_cast %add3A_981 : i32 to index
            %swap3A_989 = arith.constant 0 : index
            %swap3A_990 = tpu.vector_load %arg11[%swap3A_988, %swap3A_989] {strides = array<i32>} : memref<80x128xf32, #tpu.memory_space<vmem>>, vector<1x16xf32>,
            %swap3A_991 = vector.shape_cast %swap3A_990 : vector<1x16xf32> to vector<16xf32>
            %swap3A_992 = vector.shape_cast %mul3A_987 : vector<16xf32> to vector<1x16xf32>
            tpu.vector_store %arg11[%swap3A_988, %swap3A_989], %swap3A_992 {strides = array<i32>} : memref<80x128xf32, #tpu.memory_space<vmem>>, vector<1x16xf32>,
            %get3A_993 = arith.index_cast %add3A_981 : i32 to index
            %get3A_994 = arith.constant 16 : index
            %get3A_995 = tpu.vector_load %arg11[%get3A_993, %get3A_994] {strides = array<i32>} : memref<80x128xf32, #tpu.memory_space<vmem>>, vector<1x16xf32>,
            %get3A_996 = vector.shape_cast %get3A_995 : vector<1x16xf32> to vector<16xf32>
            %mul3A_997 = vector.broadcast %squeeze3A_977 : f32 to vector<16xf32>
            %mul3A_998 = arith.mulf %get3A_996, %mul3A_997 : vector<16xf32>
            %swap3A_999 = arith.index_cast %add3A_981 : i32 to index
            %swap3A_1000 = arith.constant 16 : index
            %swap3A_1001 = tpu.vector_load %arg11[%swap3A_999, %swap3A_1000] {strides = array<i32>} : memref<80x128xf32, #tpu.memory_space<vmem>>, vector<1x16xf32>,
            %swap3A_1002 = vector.shape_cast %swap3A_1001 : vector<1x16xf32> to vector<16xf32>
            %swap3A_1003 = vector.shape_cast %mul3A_998 : vector<16xf32> to vector<1x16xf32>
            tpu.vector_store %arg11[%swap3A_999, %swap3A_1000], %swap3A_1003 {strides = array<i32>} : memref<80x128xf32, #tpu.memory_space<vmem>>, vector<1x16xf32>,
            %get3A_1004 = arith.index_cast %add3A_981 : i32 to index
            %get3A_1005 = arith.constant 32 : index
            %get3A_1006 = tpu.vector_load %arg11[%get3A_1004, %get3A_1005] {strides = array<i32>} : memref<80x128xf32, #tpu.memory_space<vmem>>, vector<1x16xf32>,
            %get3A_1007 = vector.shape_cast %get3A_1006 : vector<1x16xf32> to vector<16xf32>
            %mul3A_1008 = vector.broadcast %squeeze3A_977 : f32 to vector<16xf32>
            %mul3A_1009 = arith.mulf %get3A_1007, %mul3A_1008 : vector<16xf32>
            %swap3A_1010 = arith.index_cast %add3A_981 : i32 to index
            %swap3A_1011 = arith.constant 32 : index
            %swap3A_1012 = tpu.vector_load %arg11[%swap3A_1010, %swap3A_1011] {strides = array<i32>} : memref<80x128xf32, #tpu.memory_space<vmem>>, vector<1x16xf32>,
            %swap3A_1013 = vector.shape_cast %swap3A_1012 : vector<1x16xf32> to vector<16xf32>
            %swap3A_1014 = vector.shape_cast %mul3A_1009 : vector<16xf32> to vector<1x16xf32>
            tpu.vector_store %arg11[%swap3A_1010, %swap3A_1011], %swap3A_1014 {strides = array<i32>} : memref<80x128xf32, #tpu.memory_space<vmem>>, vector<1x16xf32>,
            %get3A_1015 = arith.index_cast %add3A_981 : i32 to index
            %get3A_1016 = arith.constant 48 : index
            %get3A_1017 = tpu.vector_load %arg11[%get3A_1015, %get3A_1016] {strides = array<i32>} : memref<80x128xf32, #tpu.memory_space<vmem>>, vector<1x16xf32>,
            %get3A_1018 = vector.shape_cast %get3A_1017 : vector<1x16xf32> to vector<16xf32>
            %mul3A_1019 = vector.broadcast %squeeze3A_977 : f32 to vector<16xf32>
            %mul3A_1020 = arith.mulf %get3A_1018, %mul3A_1019 : vector<16xf32>
            %swap3A_1021 = arith.index_cast %add3A_981 : i32 to index
            %swap3A_1022 = arith.constant 48 : index
            %swap3A_1023 = tpu.vector_load %arg11[%swap3A_1021, %swap3A_1022] {strides = array<i32>} : memref<80x128xf32, #tpu.memory_space<vmem>>, vector<1x16xf32>,
            %swap3A_1024 = vector.shape_cast %swap3A_1023 : vector<1x16xf32> to vector<16xf32>
            %swap3A_1025 = vector.shape_cast %mul3A_1020 : vector<16xf32> to vector<1x16xf32>
            tpu.vector_store %arg11[%swap3A_1021, %swap3A_1022], %swap3A_1025 {strides = array<i32>} : memref<80x128xf32, #tpu.memory_space<vmem>>, vector<1x16xf32>,
            %get3A_1026 = arith.index_cast %add3A_981 : i32 to index
            %get3A_1027 = arith.constant 64 : index
            %get3A_1028 = tpu.vector_load %arg11[%get3A_1026, %get3A_1027] {strides = array<i32>} : memref<80x128xf32, #tpu.memory_space<vmem>>, vector<1x16xf32>,
            %get3A_1029 = vector.shape_cast %get3A_1028 : vector<1x16xf32> to vector<16xf32>
            %mul3A_1030 = vector.broadcast %squeeze3A_977 : f32 to vector<16xf32>
            %mul3A_1031 = arith.mulf %get3A_1029, %mul3A_1030 : vector<16xf32>
            %swap3A_1032 = arith.index_cast %add3A_981 : i32 to index
            %swap3A_1033 = arith.constant 64 : index
            %swap3A_1034 = tpu.vector_load %arg11[%swap3A_1032, %swap3A_1033] {strides = array<i32>} : memref<80x128xf32, #tpu.memory_space<vmem>>, vector<1x16xf32>,
            %swap3A_1035 = vector.shape_cast %swap3A_1034 : vector<1x16xf32> to vector<16xf32>
            %swap3A_1036 = vector.shape_cast %mul3A_1031 : vector<16xf32> to vector<1x16xf32>
            tpu.vector_store %arg11[%swap3A_1032, %swap3A_1033], %swap3A_1036 {strides = array<i32>} : memref<80x128xf32, #tpu.memory_space<vmem>>, vector<1x16xf32>,
            %get3A_1037 = arith.index_cast %add3A_981 : i32 to index
            %get3A_1038 = arith.constant 80 : index
            %get3A_1039 = tpu.vector_load %arg11[%get3A_1037, %get3A_1038] {strides = array<i32>} : memref<80x128xf32, #tpu.memory_space<vmem>>, vector<1x16xf32>,
            %get3A_1040 = vector.shape_cast %get3A_1039 : vector<1x16xf32> to vector<16xf32>
            %mul3A_1041 = vector.broadcast %squeeze3A_977 : f32 to vector<16xf32>
            %mul3A_1042 = arith.mulf %get3A_1040, %mul3A_1041 : vector<16xf32>
            %swap3A_1043 = arith.index_cast %add3A_981 : i32 to index
            %swap3A_1044 = arith.constant 80 : index
            %swap3A_1045 = tpu.vector_load %arg11[%swap3A_1043, %swap3A_1044] {strides = array<i32>} : memref<80x128xf32, #tpu.memory_space<vmem>>, vector<1x16xf32>,
            %swap3A_1046 = vector.shape_cast %swap3A_1045 : vector<1x16xf32> to vector<16xf32>
            %swap3A_1047 = vector.shape_cast %mul3A_1042 : vector<16xf32> to vector<1x16xf32>
            tpu.vector_store %arg11[%swap3A_1043, %swap3A_1044], %swap3A_1047 {strides = array<i32>} : memref<80x128xf32, #tpu.memory_space<vmem>>, vector<1x16xf32>,
            %get3A_1048 = arith.index_cast %add3A_981 : i32 to index
            %get3A_1049 = arith.constant 96 : index
            %get3A_1050 = tpu.vector_load %arg11[%get3A_1048, %get3A_1049] {strides = array<i32>} : memref<80x128xf32, #tpu.memory_space<vmem>>, vector<1x16xf32>,
            %get3A_1051 = vector.shape_cast %get3A_1050 : vector<1x16xf32> to vector<16xf32>
            %mul3A_1052 = vector.broadcast %squeeze3A_977 : f32 to vector<16xf32>
            %mul3A_1053 = arith.mulf %get3A_1051, %mul3A_1052 : vector<16xf32>
            %swap3A_1054 = arith.index_cast %add3A_981 : i32 to index
            %swap3A_1055 = arith.constant 96 : index
            %swap3A_1056 = tpu.vector_load %arg11[%swap3A_1054, %swap3A_1055] {strides = array<i32>} : memref<80x128xf32, #tpu.memory_space<vmem>>, vector<1x16xf32>,
            %swap3A_1057 = vector.shape_cast %swap3A_1056 : vector<1x16xf32> to vector<16xf32>
            %swap3A_1058 = vector.shape_cast %mul3A_1053 : vector<16xf32> to vector<1x16xf32>
            tpu.vector_store %arg11[%swap3A_1054, %swap3A_1055], %swap3A_1058 {strides = array<i32>} : memref<80x128xf32, #tpu.memory_space<vmem>>, vector<1x16xf32>,
            %get3A_1059 = arith.index_cast %add3A_981 : i32 to index
            %get3A_1060 = arith.constant 112 : index
            %get3A_1061 = tpu.vector_load %arg11[%get3A_1059, %get3A_1060] {strides = array<i32>} : memref<80x128xf32, #tpu.memory_space<vmem>>, vector<1x16xf32>,
            %get3A_1062 = vector.shape_cast %get3A_1061 : vector<1x16xf32> to vector<16xf32>
            %mul3A_1063 = vector.broadcast %squeeze3A_977 : f32 to vector<16xf32>
            %mul3A_1064 = arith.mulf %get3A_1062, %mul3A_1063 : vector<16xf32>
            %swap3A_1065 = arith.index_cast %add3A_981 : i32 to index
            %swap3A_1066 = arith.constant 112 : index
            %swap3A_1067 = tpu.vector_load %arg11[%swap3A_1065, %swap3A_1066] {strides = array<i32>} : memref<80x128xf32, #tpu.memory_space<vmem>>, vector<1x16xf32>,
            %swap3A_1068 = vector.shape_cast %swap3A_1067 : vector<1x16xf32> to vector<16xf32>
            %swap3A_1069 = vector.shape_cast %mul3A_1064 : vector<16xf32> to vector<1x16xf32>
            tpu.vector_store %arg11[%swap3A_1065, %swap3A_1066], %swap3A_1069 {strides = array<i32>} : memref<80x128xf32, #tpu.memory_space<vmem>>, vector<1x16xf32>,
            %slice3A_1070 = vector.extract_strided_slice %get3A_414 {offsets = [7], sizes = [1], strides = [1]} : vector<16xf32> to vector<1xf32>
            %squeeze3A_1071 = vector.extract %slice3A_1070[0] : f32 from vector<1xf32>
            %mul3A_1072 = arith.constant 16 : i32
            %mul3A_1073 = arith.muli %scan3A_409, %mul3A_1072 : i32
            %add3A_1074 = arith.constant 7 : i32
            %add3A_1075 = arith.addi %mul3A_1073, %add3A_1074 : i32
            %get3A_1076 = arith.index_cast %add3A_1075 : i32 to index
            %get3A_1077 = arith.constant 0 : index
            %get3A_1078 = tpu.vector_load %arg11[%get3A_1076, %get3A_1077] {strides = array<i32>} : memref<80x128xf32, #tpu.memory_space<vmem>>, vector<1x16xf32>,
            %get3A_1079 = vector.shape_cast %get3A_1078 : vector<1x16xf32> to vector<16xf32>
            %mul3A_1080 = vector.broadcast %squeeze3A_1071 : f32 to vector<16xf32>
            %mul3A_1081 = arith.mulf %get3A_1079, %mul3A_1080 : vector<16xf32>
            %swap3A_1082 = arith.index_cast %add3A_1075 : i32 to index
            %swap3A_1083 = arith.constant 0 : index
            %swap3A_1084 = tpu.vector_load %arg11[%swap3A_1082, %swap3A_1083] {strides = array<i32>} : memref<80x128xf32, #tpu.memory_space<vmem>>, vector<1x16xf32>,
            %swap3A_1085 = vector.shape_cast %swap3A_1084 : vector<1x16xf32> to vector<16xf32>
            %swap3A_1086 = vector.shape_cast %mul3A_1081 : vector<16xf32> to vector<1x16xf32>
            tpu.vector_store %arg11[%swap3A_1082, %swap3A_1083], %swap3A_1086 {strides = array<i32>} : memref<80x128xf32, #tpu.memory_space<vmem>>, vector<1x16xf32>,
            %get3A_1087 = arith.index_cast %add3A_1075 : i32 to index
            %get3A_1088 = arith.constant 16 : index
            %get3A_1089 = tpu.vector_load %arg11[%get3A_1087, %get3A_1088] {strides = array<i32>} : memref<80x128xf32, #tpu.memory_space<vmem>>, vector<1x16xf32>,
            %get3A_1090 = vector.shape_cast %get3A_1089 : vector<1x16xf32> to vector<16xf32>
            %mul3A_1091 = vector.broadcast %squeeze3A_1071 : f32 to vector<16xf32>
            %mul3A_1092 = arith.mulf %get3A_1090, %mul3A_1091 : vector<16xf32>
            %swap3A_1093 = arith.index_cast %add3A_1075 : i32 to index
            %swap3A_1094 = arith.constant 16 : index
            %swap3A_1095 = tpu.vector_load %arg11[%swap3A_1093, %swap3A_1094] {strides = array<i32>} : memref<80x128xf32, #tpu.memory_space<vmem>>, vector<1x16xf32>,
            %swap3A_1096 = vector.shape_cast %swap3A_1095 : vector<1x16xf32> to vector<16xf32>
            %swap3A_1097 = vector.shape_cast %mul3A_1092 : vector<16xf32> to vector<1x16xf32>
            tpu.vector_store %arg11[%swap3A_1093, %swap3A_1094], %swap3A_1097 {strides = array<i32>} : memref<80x128xf32, #tpu.memory_space<vmem>>, vector<1x16xf32>,
            %get3A_1098 = arith.index_cast %add3A_1075 : i32 to index
            %get3A_1099 = arith.constant 32 : index
            %get3A_1100 = tpu.vector_load %arg11[%get3A_1098, %get3A_1099] {strides = array<i32>} : memref<80x128xf32, #tpu.memory_space<vmem>>, vector<1x16xf32>,
            %get3A_1101 = vector.shape_cast %get3A_1100 : vector<1x16xf32> to vector<16xf32>
            %mul3A_1102 = vector.broadcast %squeeze3A_1071 : f32 to vector<16xf32>
            %mul3A_1103 = arith.mulf %get3A_1101, %mul3A_1102 : vector<16xf32>
            %swap3A_1104 = arith.index_cast %add3A_1075 : i32 to index
            %swap3A_1105 = arith.constant 32 : index
            %swap3A_1106 = tpu.vector_load %arg11[%swap3A_1104, %swap3A_1105] {strides = array<i32>} : memref<80x128xf32, #tpu.memory_space<vmem>>, vector<1x16xf32>,
            %swap3A_1107 = vector.shape_cast %swap3A_1106 : vector<1x16xf32> to vector<16xf32>
            %swap3A_1108 = vector.shape_cast %mul3A_1103 : vector<16xf32> to vector<1x16xf32>
            tpu.vector_store %arg11[%swap3A_1104, %swap3A_1105], %swap3A_1108 {strides = array<i32>} : memref<80x128xf32, #tpu.memory_space<vmem>>, vector<1x16xf32>,
            %get3A_1109 = arith.index_cast %add3A_1075 : i32 to index
            %get3A_1110 = arith.constant 48 : index
            %get3A_1111 = tpu.vector_load %arg11[%get3A_1109, %get3A_1110] {strides = array<i32>} : memref<80x128xf32, #tpu.memory_space<vmem>>, vector<1x16xf32>,
            %get3A_1112 = vector.shape_cast %get3A_1111 : vector<1x16xf32> to vector<16xf32>
            %mul3A_1113 = vector.broadcast %squeeze3A_1071 : f32 to vector<16xf32>
            %mul3A_1114 = arith.mulf %get3A_1112, %mul3A_1113 : vector<16xf32>
            %swap3A_1115 = arith.index_cast %add3A_1075 : i32 to index
            %swap3A_1116 = arith.constant 48 : index
            %swap3A_1117 = tpu.vector_load %arg11[%swap3A_1115, %swap3A_1116] {strides = array<i32>} : memref<80x128xf32, #tpu.memory_space<vmem>>, vector<1x16xf32>,
            %swap3A_1118 = vector.shape_cast %swap3A_1117 : vector<1x16xf32> to vector<16xf32>
            %swap3A_1119 = vector.shape_cast %mul3A_1114 : vector<16xf32> to vector<1x16xf32>
            tpu.vector_store %arg11[%swap3A_1115, %swap3A_1116], %swap3A_1119 {strides = array<i32>} : memref<80x128xf32, #tpu.memory_space<vmem>>, vector<1x16xf32>,
            %get3A_1120 = arith.index_cast %add3A_1075 : i32 to index
            %get3A_1121 = arith.constant 64 : index
            %get3A_1122 = tpu.vector_load %arg11[%get3A_1120, %get3A_1121] {strides = array<i32>} : memref<80x128xf32, #tpu.memory_space<vmem>>, vector<1x16xf32>,
            %get3A_1123 = vector.shape_cast %get3A_1122 : vector<1x16xf32> to vector<16xf32>
            %mul3A_1124 = vector.broadcast %squeeze3A_1071 : f32 to vector<16xf32>
            %mul3A_1125 = arith.mulf %get3A_1123, %mul3A_1124 : vector<16xf32>
            %swap3A_1126 = arith.index_cast %add3A_1075 : i32 to index
            %swap3A_1127 = arith.constant 64 : index
            %swap3A_1128 = tpu.vector_load %arg11[%swap3A_1126, %swap3A_1127] {strides = array<i32>} : memref<80x128xf32, #tpu.memory_space<vmem>>, vector<1x16xf32>,
            %swap3A_1129 = vector.shape_cast %swap3A_1128 : vector<1x16xf32> to vector<16xf32>
            %swap3A_1130 = vector.shape_cast %mul3A_1125 : vector<16xf32> to vector<1x16xf32>
            tpu.vector_store %arg11[%swap3A_1126, %swap3A_1127], %swap3A_1130 {strides = array<i32>} : memref<80x128xf32, #tpu.memory_space<vmem>>, vector<1x16xf32>,
            %get3A_1131 = arith.index_cast %add3A_1075 : i32 to index
            %get3A_1132 = arith.constant 80 : index
            %get3A_1133 = tpu.vector_load %arg11[%get3A_1131, %get3A_1132] {strides = array<i32>} : memref<80x128xf32, #tpu.memory_space<vmem>>, vector<1x16xf32>,
            %get3A_1134 = vector.shape_cast %get3A_1133 : vector<1x16xf32> to vector<16xf32>
            %mul3A_1135 = vector.broadcast %squeeze3A_1071 : f32 to vector<16xf32>
            %mul3A_1136 = arith.mulf %get3A_1134, %mul3A_1135 : vector<16xf32>
            %swap3A_1137 = arith.index_cast %add3A_1075 : i32 to index
            %swap3A_1138 = arith.constant 80 : index
            %swap3A_1139 = tpu.vector_load %arg11[%swap3A_1137, %swap3A_1138] {strides = array<i32>} : memref<80x128xf32, #tpu.memory_space<vmem>>, vector<1x16xf32>,
            %swap3A_1140 = vector.shape_cast %swap3A_1139 : vector<1x16xf32> to vector<16xf32>
            %swap3A_1141 = vector.shape_cast %mul3A_1136 : vector<16xf32> to vector<1x16xf32>
            tpu.vector_store %arg11[%swap3A_1137, %swap3A_1138], %swap3A_1141 {strides = array<i32>} : memref<80x128xf32, #tpu.memory_space<vmem>>, vector<1x16xf32>,
            %get3A_1142 = arith.index_cast %add3A_1075 : i32 to index
            %get3A_1143 = arith.constant 96 : index
            %get3A_1144 = tpu.vector_load %arg11[%get3A_1142, %get3A_1143] {strides = array<i32>} : memref<80x128xf32, #tpu.memory_space<vmem>>, vector<1x16xf32>,
            %get3A_1145 = vector.shape_cast %get3A_1144 : vector<1x16xf32> to vector<16xf32>
            %mul3A_1146 = vector.broadcast %squeeze3A_1071 : f32 to vector<16xf32>
            %mul3A_1147 = arith.mulf %get3A_1145, %mul3A_1146 : vector<16xf32>
            %swap3A_1148 = arith.index_cast %add3A_1075 : i32 to index
            %swap3A_1149 = arith.constant 96 : index
            %swap3A_1150 = tpu.vector_load %arg11[%swap3A_1148, %swap3A_1149] {strides = array<i32>} : memref<80x128xf32, #tpu.memory_space<vmem>>, vector<1x16xf32>,
            %swap3A_1151 = vector.shape_cast %swap3A_1150 : vector<1x16xf32> to vector<16xf32>
            %swap3A_1152 = vector.shape_cast %mul3A_1147 : vector<16xf32> to vector<1x16xf32>
            tpu.vector_store %arg11[%swap3A_1148, %swap3A_1149], %swap3A_1152 {strides = array<i32>} : memref<80x128xf32, #tpu.memory_space<vmem>>, vector<1x16xf32>,
            %get3A_1153 = arith.index_cast %add3A_1075 : i32 to index
            %get3A_1154 = arith.constant 112 : index
            %get3A_1155 = tpu.vector_load %arg11[%get3A_1153, %get3A_1154] {strides = array<i32>} : memref<80x128xf32, #tpu.memory_space<vmem>>, vector<1x16xf32>,
            %get3A_1156 = vector.shape_cast %get3A_1155 : vector<1x16xf32> to vector<16xf32>
            %mul3A_1157 = vector.broadcast %squeeze3A_1071 : f32 to vector<16xf32>
            %mul3A_1158 = arith.mulf %get3A_1156, %mul3A_1157 : vector<16xf32>
            %swap3A_1159 = arith.index_cast %add3A_1075 : i32 to index
            %swap3A_1160 = arith.constant 112 : index
            %swap3A_1161 = tpu.vector_load %arg11[%swap3A_1159, %swap3A_1160] {strides = array<i32>} : memref<80x128xf32, #tpu.memory_space<vmem>>, vector<1x16xf32>,
            %swap3A_1162 = vector.shape_cast %swap3A_1161 : vector<1x16xf32> to vector<16xf32>
            %swap3A_1163 = vector.shape_cast %mul3A_1158 : vector<16xf32> to vector<1x16xf32>
            tpu.vector_store %arg11[%swap3A_1159, %swap3A_1160], %swap3A_1163 {strides = array<i32>} : memref<80x128xf32, #tpu.memory_space<vmem>>, vector<1x16xf32>,
            %slice3A_1164 = vector.extract_strided_slice %get3A_414 {offsets = [8], sizes = [1], strides = [1]} : vector<16xf32> to vector<1xf32>
            %squeeze3A_1165 = vector.extract %slice3A_1164[0] : f32 from vector<1xf32>
            %mul3A_1166 = arith.constant 16 : i32
            %mul3A_1167 = arith.muli %scan3A_409, %mul3A_1166 : i32
            %add3A_1168 = arith.constant 8 : i32
            %add3A_1169 = arith.addi %mul3A_1167, %add3A_1168 : i32
            %get3A_1170 = arith.index_cast %add3A_1169 : i32 to index
            %get3A_1171 = arith.constant 0 : index
            %get3A_1172 = tpu.vector_load %arg11[%get3A_1170, %get3A_1171] {strides = array<i32>} : memref<80x128xf32, #tpu.memory_space<vmem>>, vector<1x16xf32>,
            %get3A_1173 = vector.shape_cast %get3A_1172 : vector<1x16xf32> to vector<16xf32>
            %mul3A_1174 = vector.broadcast %squeeze3A_1165 : f32 to vector<16xf32>
            %mul3A_1175 = arith.mulf %get3A_1173, %mul3A_1174 : vector<16xf32>
            %swap3A_1176 = arith.index_cast %add3A_1169 : i32 to index
            %swap3A_1177 = arith.constant 0 : index
            %swap3A_1178 = tpu.vector_load %arg11[%swap3A_1176, %swap3A_1177] {strides = array<i32>} : memref<80x128xf32, #tpu.memory_space<vmem>>, vector<1x16xf32>,
            %swap3A_1179 = vector.shape_cast %swap3A_1178 : vector<1x16xf32> to vector<16xf32>
            %swap3A_1180 = vector.shape_cast %mul3A_1175 : vector<16xf32> to vector<1x16xf32>
            tpu.vector_store %arg11[%swap3A_1176, %swap3A_1177], %swap3A_1180 {strides = array<i32>} : memref<80x128xf32, #tpu.memory_space<vmem>>, vector<1x16xf32>,
            %get3A_1181 = arith.index_cast %add3A_1169 : i32 to index
            %get3A_1182 = arith.constant 16 : index
            %get3A_1183 = tpu.vector_load %arg11[%get3A_1181, %get3A_1182] {strides = array<i32>} : memref<80x128xf32, #tpu.memory_space<vmem>>, vector<1x16xf32>,
            %get3A_1184 = vector.shape_cast %get3A_1183 : vector<1x16xf32> to vector<16xf32>
            %mul3A_1185 = vector.broadcast %squeeze3A_1165 : f32 to vector<16xf32>
            %mul3A_1186 = arith.mulf %get3A_1184, %mul3A_1185 : vector<16xf32>
            %swap3A_1187 = arith.index_cast %add3A_1169 : i32 to index
            %swap3A_1188 = arith.constant 16 : index
            %swap3A_1189 = tpu.vector_load %arg11[%swap3A_1187, %swap3A_1188] {strides = array<i32>} : memref<80x128xf32, #tpu.memory_space<vmem>>, vector<1x16xf32>,
            %swap3A_1190 = vector.shape_cast %swap3A_1189 : vector<1x16xf32> to vector<16xf32>
            %swap3A_1191 = vector.shape_cast %mul3A_1186 : vector<16xf32> to vector<1x16xf32>
            tpu.vector_store %arg11[%swap3A_1187, %swap3A_1188], %swap3A_1191 {strides = array<i32>} : memref<80x128xf32, #tpu.memory_space<vmem>>, vector<1x16xf32>,
            %get3A_1192 = arith.index_cast %add3A_1169 : i32 to index
            %get3A_1193 = arith.constant 32 : index
            %get3A_1194 = tpu.vector_load %arg11[%get3A_1192, %get3A_1193] {strides = array<i32>} : memref<80x128xf32, #tpu.memory_space<vmem>>, vector<1x16xf32>,
            %get3A_1195 = vector.shape_cast %get3A_1194 : vector<1x16xf32> to vector<16xf32>
            %mul3A_1196 = vector.broadcast %squeeze3A_1165 : f32 to vector<16xf32>
            %mul3A_1197 = arith.mulf %get3A_1195, %mul3A_1196 : vector<16xf32>
            %swap3A_1198 = arith.index_cast %add3A_1169 : i32 to index
            %swap3A_1199 = arith.constant 32 : index
            %swap3A_1200 = tpu.vector_load %arg11[%swap3A_1198, %swap3A_1199] {strides = array<i32>} : memref<80x128xf32, #tpu.memory_space<vmem>>, vector<1x16xf32>,
            %swap3A_1201 = vector.shape_cast %swap3A_1200 : vector<1x16xf32> to vector<16xf32>
            %swap3A_1202 = vector.shape_cast %mul3A_1197 : vector<16xf32> to vector<1x16xf32>
            tpu.vector_store %arg11[%swap3A_1198, %swap3A_1199], %swap3A_1202 {strides = array<i32>} : memref<80x128xf32, #tpu.memory_space<vmem>>, vector<1x16xf32>,
            %get3A_1203 = arith.index_cast %add3A_1169 : i32 to index
            %get3A_1204 = arith.constant 48 : index
            %get3A_1205 = tpu.vector_load %arg11[%get3A_1203, %get3A_1204] {strides = array<i32>} : memref<80x128xf32, #tpu.memory_space<vmem>>, vector<1x16xf32>,
            %get3A_1206 = vector.shape_cast %get3A_1205 : vector<1x16xf32> to vector<16xf32>
            %mul3A_1207 = vector.broadcast %squeeze3A_1165 : f32 to vector<16xf32>
            %mul3A_1208 = arith.mulf %get3A_1206, %mul3A_1207 : vector<16xf32>
            %swap3A_1209 = arith.index_cast %add3A_1169 : i32 to index
            %swap3A_1210 = arith.constant 48 : index
            %swap3A_1211 = tpu.vector_load %arg11[%swap3A_1209, %swap3A_1210] {strides = array<i32>} : memref<80x128xf32, #tpu.memory_space<vmem>>, vector<1x16xf32>,
            %swap3A_1212 = vector.shape_cast %swap3A_1211 : vector<1x16xf32> to vector<16xf32>
            %swap3A_1213 = vector.shape_cast %mul3A_1208 : vector<16xf32> to vector<1x16xf32>
            tpu.vector_store %arg11[%swap3A_1209, %swap3A_1210], %swap3A_1213 {strides = array<i32>} : memref<80x128xf32, #tpu.memory_space<vmem>>, vector<1x16xf32>,
            %get3A_1214 = arith.index_cast %add3A_1169 : i32 to index
            %get3A_1215 = arith.constant 64 : index
            %get3A_1216 = tpu.vector_load %arg11[%get3A_1214, %get3A_1215] {strides = array<i32>} : memref<80x128xf32, #tpu.memory_space<vmem>>, vector<1x16xf32>,
            %get3A_1217 = vector.shape_cast %get3A_1216 : vector<1x16xf32> to vector<16xf32>
            %mul3A_1218 = vector.broadcast %squeeze3A_1165 : f32 to vector<16xf32>
            %mul3A_1219 = arith.mulf %get3A_1217, %mul3A_1218 : vector<16xf32>
            %swap3A_1220 = arith.index_cast %add3A_1169 : i32 to index
            %swap3A_1221 = arith.constant 64 : index
            %swap3A_1222 = tpu.vector_load %arg11[%swap3A_1220, %swap3A_1221] {strides = array<i32>} : memref<80x128xf32, #tpu.memory_space<vmem>>, vector<1x16xf32>,
            %swap3A_1223 = vector.shape_cast %swap3A_1222 : vector<1x16xf32> to vector<16xf32>
            %swap3A_1224 = vector.shape_cast %mul3A_1219 : vector<16xf32> to vector<1x16xf32>
            tpu.vector_store %arg11[%swap3A_1220, %swap3A_1221], %swap3A_1224 {strides = array<i32>} : memref<80x128xf32, #tpu.memory_space<vmem>>, vector<1x16xf32>,
            %get3A_1225 = arith.index_cast %add3A_1169 : i32 to index
            %get3A_1226 = arith.constant 80 : index
            %get3A_1227 = tpu.vector_load %arg11[%get3A_1225, %get3A_1226] {strides = array<i32>} : memref<80x128xf32, #tpu.memory_space<vmem>>, vector<1x16xf32>,
            %get3A_1228 = vector.shape_cast %get3A_1227 : vector<1x16xf32> to vector<16xf32>
            %mul3A_1229 = vector.broadcast %squeeze3A_1165 : f32 to vector<16xf32>
            %mul3A_1230 = arith.mulf %get3A_1228, %mul3A_1229 : vector<16xf32>
            %swap3A_1231 = arith.index_cast %add3A_1169 : i32 to index
            %swap3A_1232 = arith.constant 80 : index
            %swap3A_1233 = tpu.vector_load %arg11[%swap3A_1231, %swap3A_1232] {strides = array<i32>} : memref<80x128xf32, #tpu.memory_space<vmem>>, vector<1x16xf32>,
            %swap3A_1234 = vector.shape_cast %swap3A_1233 : vector<1x16xf32> to vector<16xf32>
            %swap3A_1235 = vector.shape_cast %mul3A_1230 : vector<16xf32> to vector<1x16xf32>
            tpu.vector_store %arg11[%swap3A_1231, %swap3A_1232], %swap3A_1235 {strides = array<i32>} : memref<80x128xf32, #tpu.memory_space<vmem>>, vector<1x16xf32>,
            %get3A_1236 = arith.index_cast %add3A_1169 : i32 to index
            %get3A_1237 = arith.constant 96 : index
            %get3A_1238 = tpu.vector_load %arg11[%get3A_1236, %get3A_1237] {strides = array<i32>} : memref<80x128xf32, #tpu.memory_space<vmem>>, vector<1x16xf32>,
            %get3A_1239 = vector.shape_cast %get3A_1238 : vector<1x16xf32> to vector<16xf32>
            %mul3A_1240 = vector.broadcast %squeeze3A_1165 : f32 to vector<16xf32>
            %mul3A_1241 = arith.mulf %get3A_1239, %mul3A_1240 : vector<16xf32>
            %swap3A_1242 = arith.index_cast %add3A_1169 : i32 to index
            %swap3A_1243 = arith.constant 96 : index
            %swap3A_1244 = tpu.vector_load %arg11[%swap3A_1242, %swap3A_1243] {strides = array<i32>} : memref<80x128xf32, #tpu.memory_space<vmem>>, vector<1x16xf32>,
            %swap3A_1245 = vector.shape_cast %swap3A_1244 : vector<1x16xf32> to vector<16xf32>
            %swap3A_1246 = vector.shape_cast %mul3A_1241 : vector<16xf32> to vector<1x16xf32>
            tpu.vector_store %arg11[%swap3A_1242, %swap3A_1243], %swap3A_1246 {strides = array<i32>} : memref<80x128xf32, #tpu.memory_space<vmem>>, vector<1x16xf32>,
            %get3A_1247 = arith.index_cast %add3A_1169 : i32 to index
            %get3A_1248 = arith.constant 112 : index
            %get3A_1249 = tpu.vector_load %arg11[%get3A_1247, %get3A_1248] {strides = array<i32>} : memref<80x128xf32, #tpu.memory_space<vmem>>, vector<1x16xf32>,
            %get3A_1250 = vector.shape_cast %get3A_1249 : vector<1x16xf32> to vector<16xf32>
            %mul3A_1251 = vector.broadcast %squeeze3A_1165 : f32 to vector<16xf32>
            %mul3A_1252 = arith.mulf %get3A_1250, %mul3A_1251 : vector<16xf32>
            %swap3A_1253 = arith.index_cast %add3A_1169 : i32 to index
            %swap3A_1254 = arith.constant 112 : index
            %swap3A_1255 = tpu.vector_load %arg11[%swap3A_1253, %swap3A_1254] {strides = array<i32>} : memref<80x128xf32, #tpu.memory_space<vmem>>, vector<1x16xf32>,
            %swap3A_1256 = vector.shape_cast %swap3A_1255 : vector<1x16xf32> to vector<16xf32>
            %swap3A_1257 = vector.shape_cast %mul3A_1252 : vector<16xf32> to vector<1x16xf32>
            tpu.vector_store %arg11[%swap3A_1253, %swap3A_1254], %swap3A_1257 {strides = array<i32>} : memref<80x128xf32, #tpu.memory_space<vmem>>, vector<1x16xf32>,
            %slice3A_1258 = vector.extract_strided_slice %get3A_414 {offsets = [9], sizes = [1], strides = [1]} : vector<16xf32> to vector<1xf32>
            %squeeze3A_1259 = vector.extract %slice3A_1258[0] : f32 from vector<1xf32>
            %mul3A_1260 = arith.constant 16 : i32
            %mul3A_1261 = arith.muli %scan3A_409, %mul3A_1260 : i32
            %add3A_1262 = arith.constant 9 : i32
            %add3A_1263 = arith.addi %mul3A_1261, %add3A_1262 : i32
            %get3A_1264 = arith.index_cast %add3A_1263 : i32 to index
            %get3A_1265 = arith.constant 0 : index
            %get3A_1266 = tpu.vector_load %arg11[%get3A_1264, %get3A_1265] {strides = array<i32>} : memref<80x128xf32, #tpu.memory_space<vmem>>, vector<1x16xf32>,
            %get3A_1267 = vector.shape_cast %get3A_1266 : vector<1x16xf32> to vector<16xf32>
            %mul3A_1268 = vector.broadcast %squeeze3A_1259 : f32 to vector<16xf32>
            %mul3A_1269 = arith.mulf %get3A_1267, %mul3A_1268 : vector<16xf32>
            %swap3A_1270 = arith.index_cast %add3A_1263 : i32 to index
            %swap3A_1271 = arith.constant 0 : index
            %swap3A_1272 = tpu.vector_load %arg11[%swap3A_1270, %swap3A_1271] {strides = array<i32>} : memref<80x128xf32, #tpu.memory_space<vmem>>, vector<1x16xf32>,
            %swap3A_1273 = vector.shape_cast %swap3A_1272 : vector<1x16xf32> to vector<16xf32>
            %swap3A_1274 = vector.shape_cast %mul3A_1269 : vector<16xf32> to vector<1x16xf32>
            tpu.vector_store %arg11[%swap3A_1270, %swap3A_1271], %swap3A_1274 {strides = array<i32>} : memref<80x128xf32, #tpu.memory_space<vmem>>, vector<1x16xf32>,
            %get3A_1275 = arith.index_cast %add3A_1263 : i32 to index
            %get3A_1276 = arith.constant 16 : index
            %get3A_1277 = tpu.vector_load %arg11[%get3A_1275, %get3A_1276] {strides = array<i32>} : memref<80x128xf32, #tpu.memory_space<vmem>>, vector<1x16xf32>,
            %get3A_1278 = vector.shape_cast %get3A_1277 : vector<1x16xf32> to vector<16xf32>
            %mul3A_1279 = vector.broadcast %squeeze3A_1259 : f32 to vector<16xf32>
            %mul3A_1280 = arith.mulf %get3A_1278, %mul3A_1279 : vector<16xf32>
            %swap3A_1281 = arith.index_cast %add3A_1263 : i32 to index
            %swap3A_1282 = arith.constant 16 : index
            %swap3A_1283 = tpu.vector_load %arg11[%swap3A_1281, %swap3A_1282] {strides = array<i32>} : memref<80x128xf32, #tpu.memory_space<vmem>>, vector<1x16xf32>,
            %swap3A_1284 = vector.shape_cast %swap3A_1283 : vector<1x16xf32> to vector<16xf32>
            %swap3A_1285 = vector.shape_cast %mul3A_1280 : vector<16xf32> to vector<1x16xf32>
            tpu.vector_store %arg11[%swap3A_1281, %swap3A_1282], %swap3A_1285 {strides = array<i32>} : memref<80x128xf32, #tpu.memory_space<vmem>>, vector<1x16xf32>,
            %get3A_1286 = arith.index_cast %add3A_1263 : i32 to index
            %get3A_1287 = arith.constant 32 : index
            %get3A_1288 = tpu.vector_load %arg11[%get3A_1286, %get3A_1287] {strides = array<i32>} : memref<80x128xf32, #tpu.memory_space<vmem>>, vector<1x16xf32>,
            %get3A_1289 = vector.shape_cast %get3A_1288 : vector<1x16xf32> to vector<16xf32>
            %mul3A_1290 = vector.broadcast %squeeze3A_1259 : f32 to vector<16xf32>
            %mul3A_1291 = arith.mulf %get3A_1289, %mul3A_1290 : vector<16xf32>
            %swap3A_1292 = arith.index_cast %add3A_1263 : i32 to index
            %swap3A_1293 = arith.constant 32 : index
            %swap3A_1294 = tpu.vector_load %arg11[%swap3A_1292, %swap3A_1293] {strides = array<i32>} : memref<80x128xf32, #tpu.memory_space<vmem>>, vector<1x16xf32>,
            %swap3A_1295 = vector.shape_cast %swap3A_1294 : vector<1x16xf32> to vector<16xf32>
            %swap3A_1296 = vector.shape_cast %mul3A_1291 : vector<16xf32> to vector<1x16xf32>
            tpu.vector_store %arg11[%swap3A_1292, %swap3A_1293], %swap3A_1296 {strides = array<i32>} : memref<80x128xf32, #tpu.memory_space<vmem>>, vector<1x16xf32>,
            %get3A_1297 = arith.index_cast %add3A_1263 : i32 to index
            %get3A_1298 = arith.constant 48 : index
            %get3A_1299 = tpu.vector_load %arg11[%get3A_1297, %get3A_1298] {strides = array<i32>} : memref<80x128xf32, #tpu.memory_space<vmem>>, vector<1x16xf32>,
            %get3A_1300 = vector.shape_cast %get3A_1299 : vector<1x16xf32> to vector<16xf32>
            %mul3A_1301 = vector.broadcast %squeeze3A_1259 : f32 to vector<16xf32>
            %mul3A_1302 = arith.mulf %get3A_1300, %mul3A_1301 : vector<16xf32>
            %swap3A_1303 = arith.index_cast %add3A_1263 : i32 to index
            %swap3A_1304 = arith.constant 48 : index
            %swap3A_1305 = tpu.vector_load %arg11[%swap3A_1303, %swap3A_1304] {strides = array<i32>} : memref<80x128xf32, #tpu.memory_space<vmem>>, vector<1x16xf32>,
            %swap3A_1306 = vector.shape_cast %swap3A_1305 : vector<1x16xf32> to vector<16xf32>
            %swap3A_1307 = vector.shape_cast %mul3A_1302 : vector<16xf32> to vector<1x16xf32>
            tpu.vector_store %arg11[%swap3A_1303, %swap3A_1304], %swap3A_1307 {strides = array<i32>} : memref<80x128xf32, #tpu.memory_space<vmem>>, vector<1x16xf32>,
            %get3A_1308 = arith.index_cast %add3A_1263 : i32 to index
            %get3A_1309 = arith.constant 64 : index
            %get3A_1310 = tpu.vector_load %arg11[%get3A_1308, %get3A_1309] {strides = array<i32>} : memref<80x128xf32, #tpu.memory_space<vmem>>, vector<1x16xf32>,
            %get3A_1311 = vector.shape_cast %get3A_1310 : vector<1x16xf32> to vector<16xf32>
            %mul3A_1312 = vector.broadcast %squeeze3A_1259 : f32 to vector<16xf32>
            %mul3A_1313 = arith.mulf %get3A_1311, %mul3A_1312 : vector<16xf32>
            %swap3A_1314 = arith.index_cast %add3A_1263 : i32 to index
            %swap3A_1315 = arith.constant 64 : index
            %swap3A_1316 = tpu.vector_load %arg11[%swap3A_1314, %swap3A_1315] {strides = array<i32>} : memref<80x128xf32, #tpu.memory_space<vmem>>, vector<1x16xf32>,
            %swap3A_1317 = vector.shape_cast %swap3A_1316 : vector<1x16xf32> to vector<16xf32>
            %swap3A_1318 = vector.shape_cast %mul3A_1313 : vector<16xf32> to vector<1x16xf32>
            tpu.vector_store %arg11[%swap3A_1314, %swap3A_1315], %swap3A_1318 {strides = array<i32>} : memref<80x128xf32, #tpu.memory_space<vmem>>, vector<1x16xf32>,
            %get3A_1319 = arith.index_cast %add3A_1263 : i32 to index
            %get3A_1320 = arith.constant 80 : index
            %get3A_1321 = tpu.vector_load %arg11[%get3A_1319, %get3A_1320] {strides = array<i32>} : memref<80x128xf32, #tpu.memory_space<vmem>>, vector<1x16xf32>,
            %get3A_1322 = vector.shape_cast %get3A_1321 : vector<1x16xf32> to vector<16xf32>
            %mul3A_1323 = vector.broadcast %squeeze3A_1259 : f32 to vector<16xf32>
            %mul3A_1324 = arith.mulf %get3A_1322, %mul3A_1323 : vector<16xf32>
            %swap3A_1325 = arith.index_cast %add3A_1263 : i32 to index
            %swap3A_1326 = arith.constant 80 : index
            %swap3A_1327 = tpu.vector_load %arg11[%swap3A_1325, %swap3A_1326] {strides = array<i32>} : memref<80x128xf32, #tpu.memory_space<vmem>>, vector<1x16xf32>,
            %swap3A_1328 = vector.shape_cast %swap3A_1327 : vector<1x16xf32> to vector<16xf32>
            %swap3A_1329 = vector.shape_cast %mul3A_1324 : vector<16xf32> to vector<1x16xf32>
            tpu.vector_store %arg11[%swap3A_1325, %swap3A_1326], %swap3A_1329 {strides = array<i32>} : memref<80x128xf32, #tpu.memory_space<vmem>>, vector<1x16xf32>,
            %get3A_1330 = arith.index_cast %add3A_1263 : i32 to index
            %get3A_1331 = arith.constant 96 : index
            %get3A_1332 = tpu.vector_load %arg11[%get3A_1330, %get3A_1331] {strides = array<i32>} : memref<80x128xf32, #tpu.memory_space<vmem>>, vector<1x16xf32>,
            %get3A_1333 = vector.shape_cast %get3A_1332 : vector<1x16xf32> to vector<16xf32>
            %mul3A_1334 = vector.broadcast %squeeze3A_1259 : f32 to vector<16xf32>
            %mul3A_1335 = arith.mulf %get3A_1333, %mul3A_1334 : vector<16xf32>
            %swap3A_1336 = arith.index_cast %add3A_1263 : i32 to index
            %swap3A_1337 = arith.constant 96 : index
            %swap3A_1338 = tpu.vector_load %arg11[%swap3A_1336, %swap3A_1337] {strides = array<i32>} : memref<80x128xf32, #tpu.memory_space<vmem>>, vector<1x16xf32>,
            %swap3A_1339 = vector.shape_cast %swap3A_1338 : vector<1x16xf32> to vector<16xf32>
            %swap3A_1340 = vector.shape_cast %mul3A_1335 : vector<16xf32> to vector<1x16xf32>
            tpu.vector_store %arg11[%swap3A_1336, %swap3A_1337], %swap3A_1340 {strides = array<i32>} : memref<80x128xf32, #tpu.memory_space<vmem>>, vector<1x16xf32>,
            %get3A_1341 = arith.index_cast %add3A_1263 : i32 to index
            %get3A_1342 = arith.constant 112 : index
            %get3A_1343 = tpu.vector_load %arg11[%get3A_1341, %get3A_1342] {strides = array<i32>} : memref<80x128xf32, #tpu.memory_space<vmem>>, vector<1x16xf32>,
            %get3A_1344 = vector.shape_cast %get3A_1343 : vector<1x16xf32> to vector<16xf32>
            %mul3A_1345 = vector.broadcast %squeeze3A_1259 : f32 to vector<16xf32>
            %mul3A_1346 = arith.mulf %get3A_1344, %mul3A_1345 : vector<16xf32>
            %swap3A_1347 = arith.index_cast %add3A_1263 : i32 to index
            %swap3A_1348 = arith.constant 112 : index
            %swap3A_1349 = tpu.vector_load %arg11[%swap3A_1347, %swap3A_1348] {strides = array<i32>} : memref<80x128xf32, #tpu.memory_space<vmem>>, vector<1x16xf32>,
            %swap3A_1350 = vector.shape_cast %swap3A_1349 : vector<1x16xf32> to vector<16xf32>
            %swap3A_1351 = vector.shape_cast %mul3A_1346 : vector<16xf32> to vector<1x16xf32>
            tpu.vector_store %arg11[%swap3A_1347, %swap3A_1348], %swap3A_1351 {strides = array<i32>} : memref<80x128xf32, #tpu.memory_space<vmem>>, vector<1x16xf32>,
            %slice3A_1352 = vector.extract_strided_slice %get3A_414 {offsets = [10], sizes = [1], strides = [1]} : vector<16xf32> to vector<1xf32>
            %squeeze3A_1353 = vector.extract %slice3A_1352[0] : f32 from vector<1xf32>
            %mul3A_1354 = arith.constant 16 : i32
            %mul3A_1355 = arith.muli %scan3A_409, %mul3A_1354 : i32
            %add3A_1356 = arith.constant 10 : i32
            %add3A_1357 = arith.addi %mul3A_1355, %add3A_1356 : i32
            %get3A_1358 = arith.index_cast %add3A_1357 : i32 to index
            %get3A_1359 = arith.constant 0 : index
            %get3A_1360 = tpu.vector_load %arg11[%get3A_1358, %get3A_1359] {strides = array<i32>} : memref<80x128xf32, #tpu.memory_space<vmem>>, vector<1x16xf32>,
            %get3A_1361 = vector.shape_cast %get3A_1360 : vector<1x16xf32> to vector<16xf32>
            %mul3A_1362 = vector.broadcast %squeeze3A_1353 : f32 to vector<16xf32>
            %mul3A_1363 = arith.mulf %get3A_1361, %mul3A_1362 : vector<16xf32>
            %swap3A_1364 = arith.index_cast %add3A_1357 : i32 to index
            %swap3A_1365 = arith.constant 0 : index
            %swap3A_1366 = tpu.vector_load %arg11[%swap3A_1364, %swap3A_1365] {strides = array<i32>} : memref<80x128xf32, #tpu.memory_space<vmem>>, vector<1x16xf32>,
            %swap3A_1367 = vector.shape_cast %swap3A_1366 : vector<1x16xf32> to vector<16xf32>
            %swap3A_1368 = vector.shape_cast %mul3A_1363 : vector<16xf32> to vector<1x16xf32>
            tpu.vector_store %arg11[%swap3A_1364, %swap3A_1365], %swap3A_1368 {strides = array<i32>} : memref<80x128xf32, #tpu.memory_space<vmem>>, vector<1x16xf32>,
            %get3A_1369 = arith.index_cast %add3A_1357 : i32 to index
            %get3A_1370 = arith.constant 16 : index
            %get3A_1371 = tpu.vector_load %arg11[%get3A_1369, %get3A_1370] {strides = array<i32>} : memref<80x128xf32, #tpu.memory_space<vmem>>, vector<1x16xf32>,
            %get3A_1372 = vector.shape_cast %get3A_1371 : vector<1x16xf32> to vector<16xf32>
            %mul3A_1373 = vector.broadcast %squeeze3A_1353 : f32 to vector<16xf32>
            %mul3A_1374 = arith.mulf %get3A_1372, %mul3A_1373 : vector<16xf32>
            %swap3A_1375 = arith.index_cast %add3A_1357 : i32 to index
            %swap3A_1376 = arith.constant 16 : index
            %swap3A_1377 = tpu.vector_load %arg11[%swap3A_1375, %swap3A_1376] {strides = array<i32>} : memref<80x128xf32, #tpu.memory_space<vmem>>, vector<1x16xf32>,
            %swap3A_1378 = vector.shape_cast %swap3A_1377 : vector<1x16xf32> to vector<16xf32>
            %swap3A_1379 = vector.shape_cast %mul3A_1374 : vector<16xf32> to vector<1x16xf32>
            tpu.vector_store %arg11[%swap3A_1375, %swap3A_1376], %swap3A_1379 {strides = array<i32>} : memref<80x128xf32, #tpu.memory_space<vmem>>, vector<1x16xf32>,
            %get3A_1380 = arith.index_cast %add3A_1357 : i32 to index
            %get3A_1381 = arith.constant 32 : index
            %get3A_1382 = tpu.vector_load %arg11[%get3A_1380, %get3A_1381] {strides = array<i32>} : memref<80x128xf32, #tpu.memory_space<vmem>>, vector<1x16xf32>,
            %get3A_1383 = vector.shape_cast %get3A_1382 : vector<1x16xf32> to vector<16xf32>
            %mul3A_1384 = vector.broadcast %squeeze3A_1353 : f32 to vector<16xf32>
            %mul3A_1385 = arith.mulf %get3A_1383, %mul3A_1384 : vector<16xf32>
            %swap3A_1386 = arith.index_cast %add3A_1357 : i32 to index
            %swap3A_1387 = arith.constant 32 : index
            %swap3A_1388 = tpu.vector_load %arg11[%swap3A_1386, %swap3A_1387] {strides = array<i32>} : memref<80x128xf32, #tpu.memory_space<vmem>>, vector<1x16xf32>,
            %swap3A_1389 = vector.shape_cast %swap3A_1388 : vector<1x16xf32> to vector<16xf32>
            %swap3A_1390 = vector.shape_cast %mul3A_1385 : vector<16xf32> to vector<1x16xf32>
            tpu.vector_store %arg11[%swap3A_1386, %swap3A_1387], %swap3A_1390 {strides = array<i32>} : memref<80x128xf32, #tpu.memory_space<vmem>>, vector<1x16xf32>,
            %get3A_1391 = arith.index_cast %add3A_1357 : i32 to index
            %get3A_1392 = arith.constant 48 : index
            %get3A_1393 = tpu.vector_load %arg11[%get3A_1391, %get3A_1392] {strides = array<i32>} : memref<80x128xf32, #tpu.memory_space<vmem>>, vector<1x16xf32>,
            %get3A_1394 = vector.shape_cast %get3A_1393 : vector<1x16xf32> to vector<16xf32>
            %mul3A_1395 = vector.broadcast %squeeze3A_1353 : f32 to vector<16xf32>
            %mul3A_1396 = arith.mulf %get3A_1394, %mul3A_1395 : vector<16xf32>
            %swap3A_1397 = arith.index_cast %add3A_1357 : i32 to index
            %swap3A_1398 = arith.constant 48 : index
            %swap3A_1399 = tpu.vector_load %arg11[%swap3A_1397, %swap3A_1398] {strides = array<i32>} : memref<80x128xf32, #tpu.memory_space<vmem>>, vector<1x16xf32>,
            %swap3A_1400 = vector.shape_cast %swap3A_1399 : vector<1x16xf32> to vector<16xf32>
            %swap3A_1401 = vector.shape_cast %mul3A_1396 : vector<16xf32> to vector<1x16xf32>
            tpu.vector_store %arg11[%swap3A_1397, %swap3A_1398], %swap3A_1401 {strides = array<i32>} : memref<80x128xf32, #tpu.memory_space<vmem>>, vector<1x16xf32>,
            %get3A_1402 = arith.index_cast %add3A_1357 : i32 to index
            %get3A_1403 = arith.constant 64 : index
            %get3A_1404 = tpu.vector_load %arg11[%get3A_1402, %get3A_1403] {strides = array<i32>} : memref<80x128xf32, #tpu.memory_space<vmem>>, vector<1x16xf32>,
            %get3A_1405 = vector.shape_cast %get3A_1404 : vector<1x16xf32> to vector<16xf32>
            %mul3A_1406 = vector.broadcast %squeeze3A_1353 : f32 to vector<16xf32>
            %mul3A_1407 = arith.mulf %get3A_1405, %mul3A_1406 : vector<16xf32>
            %swap3A_1408 = arith.index_cast %add3A_1357 : i32 to index
            %swap3A_1409 = arith.constant 64 : index
            %swap3A_1410 = tpu.vector_load %arg11[%swap3A_1408, %swap3A_1409] {strides = array<i32>} : memref<80x128xf32, #tpu.memory_space<vmem>>, vector<1x16xf32>,
            %swap3A_1411 = vector.shape_cast %swap3A_1410 : vector<1x16xf32> to vector<16xf32>
            %swap3A_1412 = vector.shape_cast %mul3A_1407 : vector<16xf32> to vector<1x16xf32>
            tpu.vector_store %arg11[%swap3A_1408, %swap3A_1409], %swap3A_1412 {strides = array<i32>} : memref<80x128xf32, #tpu.memory_space<vmem>>, vector<1x16xf32>,
            %get3A_1413 = arith.index_cast %add3A_1357 : i32 to index
            %get3A_1414 = arith.constant 80 : index
            %get3A_1415 = tpu.vector_load %arg11[%get3A_1413, %get3A_1414] {strides = array<i32>} : memref<80x128xf32, #tpu.memory_space<vmem>>, vector<1x16xf32>,
            %get3A_1416 = vector.shape_cast %get3A_1415 : vector<1x16xf32> to vector<16xf32>
            %mul3A_1417 = vector.broadcast %squeeze3A_1353 : f32 to vector<16xf32>
            %mul3A_1418 = arith.mulf %get3A_1416, %mul3A_1417 : vector<16xf32>
            %swap3A_1419 = arith.index_cast %add3A_1357 : i32 to index
            %swap3A_1420 = arith.constant 80 : index
            %swap3A_1421 = tpu.vector_load %arg11[%swap3A_1419, %swap3A_1420] {strides = array<i32>} : memref<80x128xf32, #tpu.memory_space<vmem>>, vector<1x16xf32>,
            %swap3A_1422 = vector.shape_cast %swap3A_1421 : vector<1x16xf32> to vector<16xf32>
            %swap3A_1423 = vector.shape_cast %mul3A_1418 : vector<16xf32> to vector<1x16xf32>
            tpu.vector_store %arg11[%swap3A_1419, %swap3A_1420], %swap3A_1423 {strides = array<i32>} : memref<80x128xf32, #tpu.memory_space<vmem>>, vector<1x16xf32>,
            %get3A_1424 = arith.index_cast %add3A_1357 : i32 to index
            %get3A_1425 = arith.constant 96 : index
            %get3A_1426 = tpu.vector_load %arg11[%get3A_1424, %get3A_1425] {strides = array<i32>} : memref<80x128xf32, #tpu.memory_space<vmem>>, vector<1x16xf32>,
            %get3A_1427 = vector.shape_cast %get3A_1426 : vector<1x16xf32> to vector<16xf32>
            %mul3A_1428 = vector.broadcast %squeeze3A_1353 : f32 to vector<16xf32>
            %mul3A_1429 = arith.mulf %get3A_1427, %mul3A_1428 : vector<16xf32>
            %swap3A_1430 = arith.index_cast %add3A_1357 : i32 to index
            %swap3A_1431 = arith.constant 96 : index
            %swap3A_1432 = tpu.vector_load %arg11[%swap3A_1430, %swap3A_1431] {strides = array<i32>} : memref<80x128xf32, #tpu.memory_space<vmem>>, vector<1x16xf32>,
            %swap3A_1433 = vector.shape_cast %swap3A_1432 : vector<1x16xf32> to vector<16xf32>
            %swap3A_1434 = vector.shape_cast %mul3A_1429 : vector<16xf32> to vector<1x16xf32>
            tpu.vector_store %arg11[%swap3A_1430, %swap3A_1431], %swap3A_1434 {strides = array<i32>} : memref<80x128xf32, #tpu.memory_space<vmem>>, vector<1x16xf32>,
            %get3A_1435 = arith.index_cast %add3A_1357 : i32 to index
            %get3A_1436 = arith.constant 112 : index
            %get3A_1437 = tpu.vector_load %arg11[%get3A_1435, %get3A_1436] {strides = array<i32>} : memref<80x128xf32, #tpu.memory_space<vmem>>, vector<1x16xf32>,
            %get3A_1438 = vector.shape_cast %get3A_1437 : vector<1x16xf32> to vector<16xf32>
            %mul3A_1439 = vector.broadcast %squeeze3A_1353 : f32 to vector<16xf32>
            %mul3A_1440 = arith.mulf %get3A_1438, %mul3A_1439 : vector<16xf32>
            %swap3A_1441 = arith.index_cast %add3A_1357 : i32 to index
            %swap3A_1442 = arith.constant 112 : index
            %swap3A_1443 = tpu.vector_load %arg11[%swap3A_1441, %swap3A_1442] {strides = array<i32>} : memref<80x128xf32, #tpu.memory_space<vmem>>, vector<1x16xf32>,
            %swap3A_1444 = vector.shape_cast %swap3A_1443 : vector<1x16xf32> to vector<16xf32>
            %swap3A_1445 = vector.shape_cast %mul3A_1440 : vector<16xf32> to vector<1x16xf32>
            tpu.vector_store %arg11[%swap3A_1441, %swap3A_1442], %swap3A_1445 {strides = array<i32>} : memref<80x128xf32, #tpu.memory_space<vmem>>, vector<1x16xf32>,
            %slice3A_1446 = vector.extract_strided_slice %get3A_414 {offsets = [11], sizes = [1], strides = [1]} : vector<16xf32> to vector<1xf32>
            %squeeze3A_1447 = vector.extract %slice3A_1446[0] : f32 from vector<1xf32>
            %mul3A_1448 = arith.constant 16 : i32
            %mul3A_1449 = arith.muli %scan3A_409, %mul3A_1448 : i32
            %add3A_1450 = arith.constant 11 : i32
            %add3A_1451 = arith.addi %mul3A_1449, %add3A_1450 : i32
            %get3A_1452 = arith.index_cast %add3A_1451 : i32 to index
            %get3A_1453 = arith.constant 0 : index
            %get3A_1454 = tpu.vector_load %arg11[%get3A_1452, %get3A_1453] {strides = array<i32>} : memref<80x128xf32, #tpu.memory_space<vmem>>, vector<1x16xf32>,
            %get3A_1455 = vector.shape_cast %get3A_1454 : vector<1x16xf32> to vector<16xf32>
            %mul3A_1456 = vector.broadcast %squeeze3A_1447 : f32 to vector<16xf32>
            %mul3A_1457 = arith.mulf %get3A_1455, %mul3A_1456 : vector<16xf32>
            %swap3A_1458 = arith.index_cast %add3A_1451 : i32 to index
            %swap3A_1459 = arith.constant 0 : index
            %swap3A_1460 = tpu.vector_load %arg11[%swap3A_1458, %swap3A_1459] {strides = array<i32>} : memref<80x128xf32, #tpu.memory_space<vmem>>, vector<1x16xf32>,
            %swap3A_1461 = vector.shape_cast %swap3A_1460 : vector<1x16xf32> to vector<16xf32>
            %swap3A_1462 = vector.shape_cast %mul3A_1457 : vector<16xf32> to vector<1x16xf32>
            tpu.vector_store %arg11[%swap3A_1458, %swap3A_1459], %swap3A_1462 {strides = array<i32>} : memref<80x128xf32, #tpu.memory_space<vmem>>, vector<1x16xf32>,
            %get3A_1463 = arith.index_cast %add3A_1451 : i32 to index
            %get3A_1464 = arith.constant 16 : index
            %get3A_1465 = tpu.vector_load %arg11[%get3A_1463, %get3A_1464] {strides = array<i32>} : memref<80x128xf32, #tpu.memory_space<vmem>>, vector<1x16xf32>,
            %get3A_1466 = vector.shape_cast %get3A_1465 : vector<1x16xf32> to vector<16xf32>
            %mul3A_1467 = vector.broadcast %squeeze3A_1447 : f32 to vector<16xf32>
            %mul3A_1468 = arith.mulf %get3A_1466, %mul3A_1467 : vector<16xf32>
            %swap3A_1469 = arith.index_cast %add3A_1451 : i32 to index
            %swap3A_1470 = arith.constant 16 : index
            %swap3A_1471 = tpu.vector_load %arg11[%swap3A_1469, %swap3A_1470] {strides = array<i32>} : memref<80x128xf32, #tpu.memory_space<vmem>>, vector<1x16xf32>,
            %swap3A_1472 = vector.shape_cast %swap3A_1471 : vector<1x16xf32> to vector<16xf32>
            %swap3A_1473 = vector.shape_cast %mul3A_1468 : vector<16xf32> to vector<1x16xf32>
            tpu.vector_store %arg11[%swap3A_1469, %swap3A_1470], %swap3A_1473 {strides = array<i32>} : memref<80x128xf32, #tpu.memory_space<vmem>>, vector<1x16xf32>,
            %get3A_1474 = arith.index_cast %add3A_1451 : i32 to index
            %get3A_1475 = arith.constant 32 : index
            %get3A_1476 = tpu.vector_load %arg11[%get3A_1474, %get3A_1475] {strides = array<i32>} : memref<80x128xf32, #tpu.memory_space<vmem>>, vector<1x16xf32>,
            %get3A_1477 = vector.shape_cast %get3A_1476 : vector<1x16xf32> to vector<16xf32>
            %mul3A_1478 = vector.broadcast %squeeze3A_1447 : f32 to vector<16xf32>
            %mul3A_1479 = arith.mulf %get3A_1477, %mul3A_1478 : vector<16xf32>
            %swap3A_1480 = arith.index_cast %add3A_1451 : i32 to index
            %swap3A_1481 = arith.constant 32 : index
            %swap3A_1482 = tpu.vector_load %arg11[%swap3A_1480, %swap3A_1481] {strides = array<i32>} : memref<80x128xf32, #tpu.memory_space<vmem>>, vector<1x16xf32>,
            %swap3A_1483 = vector.shape_cast %swap3A_1482 : vector<1x16xf32> to vector<16xf32>
            %swap3A_1484 = vector.shape_cast %mul3A_1479 : vector<16xf32> to vector<1x16xf32>
            tpu.vector_store %arg11[%swap3A_1480, %swap3A_1481], %swap3A_1484 {strides = array<i32>} : memref<80x128xf32, #tpu.memory_space<vmem>>, vector<1x16xf32>,
            %get3A_1485 = arith.index_cast %add3A_1451 : i32 to index
            %get3A_1486 = arith.constant 48 : index
            %get3A_1487 = tpu.vector_load %arg11[%get3A_1485, %get3A_1486] {strides = array<i32>} : memref<80x128xf32, #tpu.memory_space<vmem>>, vector<1x16xf32>,
            %get3A_1488 = vector.shape_cast %get3A_1487 : vector<1x16xf32> to vector<16xf32>
            %mul3A_1489 = vector.broadcast %squeeze3A_1447 : f32 to vector<16xf32>
            %mul3A_1490 = arith.mulf %get3A_1488, %mul3A_1489 : vector<16xf32>
            %swap3A_1491 = arith.index_cast %add3A_1451 : i32 to index
            %swap3A_1492 = arith.constant 48 : index
            %swap3A_1493 = tpu.vector_load %arg11[%swap3A_1491, %swap3A_1492] {strides = array<i32>} : memref<80x128xf32, #tpu.memory_space<vmem>>, vector<1x16xf32>,
            %swap3A_1494 = vector.shape_cast %swap3A_1493 : vector<1x16xf32> to vector<16xf32>
            %swap3A_1495 = vector.shape_cast %mul3A_1490 : vector<16xf32> to vector<1x16xf32>
            tpu.vector_store %arg11[%swap3A_1491, %swap3A_1492], %swap3A_1495 {strides = array<i32>} : memref<80x128xf32, #tpu.memory_space<vmem>>, vector<1x16xf32>,
            %get3A_1496 = arith.index_cast %add3A_1451 : i32 to index
            %get3A_1497 = arith.constant 64 : index
            %get3A_1498 = tpu.vector_load %arg11[%get3A_1496, %get3A_1497] {strides = array<i32>} : memref<80x128xf32, #tpu.memory_space<vmem>>, vector<1x16xf32>,
            %get3A_1499 = vector.shape_cast %get3A_1498 : vector<1x16xf32> to vector<16xf32>
            %mul3A_1500 = vector.broadcast %squeeze3A_1447 : f32 to vector<16xf32>
            %mul3A_1501 = arith.mulf %get3A_1499, %mul3A_1500 : vector<16xf32>
            %swap3A_1502 = arith.index_cast %add3A_1451 : i32 to index
            %swap3A_1503 = arith.constant 64 : index
            %swap3A_1504 = tpu.vector_load %arg11[%swap3A_1502, %swap3A_1503] {strides = array<i32>} : memref<80x128xf32, #tpu.memory_space<vmem>>, vector<1x16xf32>,
            %swap3A_1505 = vector.shape_cast %swap3A_1504 : vector<1x16xf32> to vector<16xf32>
            %swap3A_1506 = vector.shape_cast %mul3A_1501 : vector<16xf32> to vector<1x16xf32>
            tpu.vector_store %arg11[%swap3A_1502, %swap3A_1503], %swap3A_1506 {strides = array<i32>} : memref<80x128xf32, #tpu.memory_space<vmem>>, vector<1x16xf32>,
            %get3A_1507 = arith.index_cast %add3A_1451 : i32 to index
            %get3A_1508 = arith.constant 80 : index
            %get3A_1509 = tpu.vector_load %arg11[%get3A_1507, %get3A_1508] {strides = array<i32>} : memref<80x128xf32, #tpu.memory_space<vmem>>, vector<1x16xf32>,
            %get3A_1510 = vector.shape_cast %get3A_1509 : vector<1x16xf32> to vector<16xf32>
            %mul3A_1511 = vector.broadcast %squeeze3A_1447 : f32 to vector<16xf32>
            %mul3A_1512 = arith.mulf %get3A_1510, %mul3A_1511 : vector<16xf32>
            %swap3A_1513 = arith.index_cast %add3A_1451 : i32 to index
            %swap3A_1514 = arith.constant 80 : index
            %swap3A_1515 = tpu.vector_load %arg11[%swap3A_1513, %swap3A_1514] {strides = array<i32>} : memref<80x128xf32, #tpu.memory_space<vmem>>, vector<1x16xf32>,
            %swap3A_1516 = vector.shape_cast %swap3A_1515 : vector<1x16xf32> to vector<16xf32>
            %swap3A_1517 = vector.shape_cast %mul3A_1512 : vector<16xf32> to vector<1x16xf32>
            tpu.vector_store %arg11[%swap3A_1513, %swap3A_1514], %swap3A_1517 {strides = array<i32>} : memref<80x128xf32, #tpu.memory_space<vmem>>, vector<1x16xf32>,
            %get3A_1518 = arith.index_cast %add3A_1451 : i32 to index
            %get3A_1519 = arith.constant 96 : index
            %get3A_1520 = tpu.vector_load %arg11[%get3A_1518, %get3A_1519] {strides = array<i32>} : memref<80x128xf32, #tpu.memory_space<vmem>>, vector<1x16xf32>,
            %get3A_1521 = vector.shape_cast %get3A_1520 : vector<1x16xf32> to vector<16xf32>
            %mul3A_1522 = vector.broadcast %squeeze3A_1447 : f32 to vector<16xf32>
            %mul3A_1523 = arith.mulf %get3A_1521, %mul3A_1522 : vector<16xf32>
            %swap3A_1524 = arith.index_cast %add3A_1451 : i32 to index
            %swap3A_1525 = arith.constant 96 : index
            %swap3A_1526 = tpu.vector_load %arg11[%swap3A_1524, %swap3A_1525] {strides = array<i32>} : memref<80x128xf32, #tpu.memory_space<vmem>>, vector<1x16xf32>,
            %swap3A_1527 = vector.shape_cast %swap3A_1526 : vector<1x16xf32> to vector<16xf32>
            %swap3A_1528 = vector.shape_cast %mul3A_1523 : vector<16xf32> to vector<1x16xf32>
            tpu.vector_store %arg11[%swap3A_1524, %swap3A_1525], %swap3A_1528 {strides = array<i32>} : memref<80x128xf32, #tpu.memory_space<vmem>>, vector<1x16xf32>,
            %get3A_1529 = arith.index_cast %add3A_1451 : i32 to index
            %get3A_1530 = arith.constant 112 : index
            %get3A_1531 = tpu.vector_load %arg11[%get3A_1529, %get3A_1530] {strides = array<i32>} : memref<80x128xf32, #tpu.memory_space<vmem>>, vector<1x16xf32>,
            %get3A_1532 = vector.shape_cast %get3A_1531 : vector<1x16xf32> to vector<16xf32>
            %mul3A_1533 = vector.broadcast %squeeze3A_1447 : f32 to vector<16xf32>
            %mul3A_1534 = arith.mulf %get3A_1532, %mul3A_1533 : vector<16xf32>
            %swap3A_1535 = arith.index_cast %add3A_1451 : i32 to index
            %swap3A_1536 = arith.constant 112 : index
            %swap3A_1537 = tpu.vector_load %arg11[%swap3A_1535, %swap3A_1536] {strides = array<i32>} : memref<80x128xf32, #tpu.memory_space<vmem>>, vector<1x16xf32>,
            %swap3A_1538 = vector.shape_cast %swap3A_1537 : vector<1x16xf32> to vector<16xf32>
            %swap3A_1539 = vector.shape_cast %mul3A_1534 : vector<16xf32> to vector<1x16xf32>
            tpu.vector_store %arg11[%swap3A_1535, %swap3A_1536], %swap3A_1539 {strides = array<i32>} : memref<80x128xf32, #tpu.memory_space<vmem>>, vector<1x16xf32>,
            %slice3A_1540 = vector.extract_strided_slice %get3A_414 {offsets = [12], sizes = [1], strides = [1]} : vector<16xf32> to vector<1xf32>
            %squeeze3A_1541 = vector.extract %slice3A_1540[0] : f32 from vector<1xf32>
            %mul3A_1542 = arith.constant 16 : i32
            %mul3A_1543 = arith.muli %scan3A_409, %mul3A_1542 : i32
            %add3A_1544 = arith.constant 12 : i32
            %add3A_1545 = arith.addi %mul3A_1543, %add3A_1544 : i32
            %get3A_1546 = arith.index_cast %add3A_1545 : i32 to index
            %get3A_1547 = arith.constant 0 : index
            %get3A_1548 = tpu.vector_load %arg11[%get3A_1546, %get3A_1547] {strides = array<i32>} : memref<80x128xf32, #tpu.memory_space<vmem>>, vector<1x16xf32>,
            %get3A_1549 = vector.shape_cast %get3A_1548 : vector<1x16xf32> to vector<16xf32>
            %mul3A_1550 = vector.broadcast %squeeze3A_1541 : f32 to vector<16xf32>
            %mul3A_1551 = arith.mulf %get3A_1549, %mul3A_1550 : vector<16xf32>
            %swap3A_1552 = arith.index_cast %add3A_1545 : i32 to index
            %swap3A_1553 = arith.constant 0 : index
            %swap3A_1554 = tpu.vector_load %arg11[%swap3A_1552, %swap3A_1553] {strides = array<i32>} : memref<80x128xf32, #tpu.memory_space<vmem>>, vector<1x16xf32>,
            %swap3A_1555 = vector.shape_cast %swap3A_1554 : vector<1x16xf32> to vector<16xf32>
            %swap3A_1556 = vector.shape_cast %mul3A_1551 : vector<16xf32> to vector<1x16xf32>
            tpu.vector_store %arg11[%swap3A_1552, %swap3A_1553], %swap3A_1556 {strides = array<i32>} : memref<80x128xf32, #tpu.memory_space<vmem>>, vector<1x16xf32>,
            %get3A_1557 = arith.index_cast %add3A_1545 : i32 to index
            %get3A_1558 = arith.constant 16 : index
            %get3A_1559 = tpu.vector_load %arg11[%get3A_1557, %get3A_1558] {strides = array<i32>} : memref<80x128xf32, #tpu.memory_space<vmem>>, vector<1x16xf32>,
            %get3A_1560 = vector.shape_cast %get3A_1559 : vector<1x16xf32> to vector<16xf32>
            %mul3A_1561 = vector.broadcast %squeeze3A_1541 : f32 to vector<16xf32>
            %mul3A_1562 = arith.mulf %get3A_1560, %mul3A_1561 : vector<16xf32>
            %swap3A_1563 = arith.index_cast %add3A_1545 : i32 to index
            %swap3A_1564 = arith.constant 16 : index
            %swap3A_1565 = tpu.vector_load %arg11[%swap3A_1563, %swap3A_1564] {strides = array<i32>} : memref<80x128xf32, #tpu.memory_space<vmem>>, vector<1x16xf32>,
            %swap3A_1566 = vector.shape_cast %swap3A_1565 : vector<1x16xf32> to vector<16xf32>
            %swap3A_1567 = vector.shape_cast %mul3A_1562 : vector<16xf32> to vector<1x16xf32>
            tpu.vector_store %arg11[%swap3A_1563, %swap3A_1564], %swap3A_1567 {strides = array<i32>} : memref<80x128xf32, #tpu.memory_space<vmem>>, vector<1x16xf32>,
            %get3A_1568 = arith.index_cast %add3A_1545 : i32 to index
            %get3A_1569 = arith.constant 32 : index
            %get3A_1570 = tpu.vector_load %arg11[%get3A_1568, %get3A_1569] {strides = array<i32>} : memref<80x128xf32, #tpu.memory_space<vmem>>, vector<1x16xf32>,
            %get3A_1571 = vector.shape_cast %get3A_1570 : vector<1x16xf32> to vector<16xf32>
            %mul3A_1572 = vector.broadcast %squeeze3A_1541 : f32 to vector<16xf32>
            %mul3A_1573 = arith.mulf %get3A_1571, %mul3A_1572 : vector<16xf32>
            %swap3A_1574 = arith.index_cast %add3A_1545 : i32 to index
            %swap3A_1575 = arith.constant 32 : index
            %swap3A_1576 = tpu.vector_load %arg11[%swap3A_1574, %swap3A_1575] {strides = array<i32>} : memref<80x128xf32, #tpu.memory_space<vmem>>, vector<1x16xf32>,
            %swap3A_1577 = vector.shape_cast %swap3A_1576 : vector<1x16xf32> to vector<16xf32>
            %swap3A_1578 = vector.shape_cast %mul3A_1573 : vector<16xf32> to vector<1x16xf32>
            tpu.vector_store %arg11[%swap3A_1574, %swap3A_1575], %swap3A_1578 {strides = array<i32>} : memref<80x128xf32, #tpu.memory_space<vmem>>, vector<1x16xf32>,
            %get3A_1579 = arith.index_cast %add3A_1545 : i32 to index
            %get3A_1580 = arith.constant 48 : index
            %get3A_1581 = tpu.vector_load %arg11[%get3A_1579, %get3A_1580] {strides = array<i32>} : memref<80x128xf32, #tpu.memory_space<vmem>>, vector<1x16xf32>,
            %get3A_1582 = vector.shape_cast %get3A_1581 : vector<1x16xf32> to vector<16xf32>
            %mul3A_1583 = vector.broadcast %squeeze3A_1541 : f32 to vector<16xf32>
            %mul3A_1584 = arith.mulf %get3A_1582, %mul3A_1583 : vector<16xf32>
            %swap3A_1585 = arith.index_cast %add3A_1545 : i32 to index
            %swap3A_1586 = arith.constant 48 : index
            %swap3A_1587 = tpu.vector_load %arg11[%swap3A_1585, %swap3A_1586] {strides = array<i32>} : memref<80x128xf32, #tpu.memory_space<vmem>>, vector<1x16xf32>,
            %swap3A_1588 = vector.shape_cast %swap3A_1587 : vector<1x16xf32> to vector<16xf32>
            %swap3A_1589 = vector.shape_cast %mul3A_1584 : vector<16xf32> to vector<1x16xf32>
            tpu.vector_store %arg11[%swap3A_1585, %swap3A_1586], %swap3A_1589 {strides = array<i32>} : memref<80x128xf32, #tpu.memory_space<vmem>>, vector<1x16xf32>,
            %get3A_1590 = arith.index_cast %add3A_1545 : i32 to index
            %get3A_1591 = arith.constant 64 : index
            %get3A_1592 = tpu.vector_load %arg11[%get3A_1590, %get3A_1591] {strides = array<i32>} : memref<80x128xf32, #tpu.memory_space<vmem>>, vector<1x16xf32>,
            %get3A_1593 = vector.shape_cast %get3A_1592 : vector<1x16xf32> to vector<16xf32>
            %mul3A_1594 = vector.broadcast %squeeze3A_1541 : f32 to vector<16xf32>
            %mul3A_1595 = arith.mulf %get3A_1593, %mul3A_1594 : vector<16xf32>
            %swap3A_1596 = arith.index_cast %add3A_1545 : i32 to index
            %swap3A_1597 = arith.constant 64 : index
            %swap3A_1598 = tpu.vector_load %arg11[%swap3A_1596, %swap3A_1597] {strides = array<i32>} : memref<80x128xf32, #tpu.memory_space<vmem>>, vector<1x16xf32>,
            %swap3A_1599 = vector.shape_cast %swap3A_1598 : vector<1x16xf32> to vector<16xf32>
            %swap3A_1600 = vector.shape_cast %mul3A_1595 : vector<16xf32> to vector<1x16xf32>
            tpu.vector_store %arg11[%swap3A_1596, %swap3A_1597], %swap3A_1600 {strides = array<i32>} : memref<80x128xf32, #tpu.memory_space<vmem>>, vector<1x16xf32>,
            %get3A_1601 = arith.index_cast %add3A_1545 : i32 to index
            %get3A_1602 = arith.constant 80 : index
            %get3A_1603 = tpu.vector_load %arg11[%get3A_1601, %get3A_1602] {strides = array<i32>} : memref<80x128xf32, #tpu.memory_space<vmem>>, vector<1x16xf32>,
            %get3A_1604 = vector.shape_cast %get3A_1603 : vector<1x16xf32> to vector<16xf32>
            %mul3A_1605 = vector.broadcast %squeeze3A_1541 : f32 to vector<16xf32>
            %mul3A_1606 = arith.mulf %get3A_1604, %mul3A_1605 : vector<16xf32>
            %swap3A_1607 = arith.index_cast %add3A_1545 : i32 to index
            %swap3A_1608 = arith.constant 80 : index
            %swap3A_1609 = tpu.vector_load %arg11[%swap3A_1607, %swap3A_1608] {strides = array<i32>} : memref<80x128xf32, #tpu.memory_space<vmem>>, vector<1x16xf32>,
            %swap3A_1610 = vector.shape_cast %swap3A_1609 : vector<1x16xf32> to vector<16xf32>
            %swap3A_1611 = vector.shape_cast %mul3A_1606 : vector<16xf32> to vector<1x16xf32>
            tpu.vector_store %arg11[%swap3A_1607, %swap3A_1608], %swap3A_1611 {strides = array<i32>} : memref<80x128xf32, #tpu.memory_space<vmem>>, vector<1x16xf32>,
            %get3A_1612 = arith.index_cast %add3A_1545 : i32 to index
            %get3A_1613 = arith.constant 96 : index
            %get3A_1614 = tpu.vector_load %arg11[%get3A_1612, %get3A_1613] {strides = array<i32>} : memref<80x128xf32, #tpu.memory_space<vmem>>, vector<1x16xf32>,
            %get3A_1615 = vector.shape_cast %get3A_1614 : vector<1x16xf32> to vector<16xf32>
            %mul3A_1616 = vector.broadcast %squeeze3A_1541 : f32 to vector<16xf32>
            %mul3A_1617 = arith.mulf %get3A_1615, %mul3A_1616 : vector<16xf32>
            %swap3A_1618 = arith.index_cast %add3A_1545 : i32 to index
            %swap3A_1619 = arith.constant 96 : index
            %swap3A_1620 = tpu.vector_load %arg11[%swap3A_1618, %swap3A_1619] {strides = array<i32>} : memref<80x128xf32, #tpu.memory_space<vmem>>, vector<1x16xf32>,
            %swap3A_1621 = vector.shape_cast %swap3A_1620 : vector<1x16xf32> to vector<16xf32>
            %swap3A_1622 = vector.shape_cast %mul3A_1617 : vector<16xf32> to vector<1x16xf32>
            tpu.vector_store %arg11[%swap3A_1618, %swap3A_1619], %swap3A_1622 {strides = array<i32>} : memref<80x128xf32, #tpu.memory_space<vmem>>, vector<1x16xf32>,
            %get3A_1623 = arith.index_cast %add3A_1545 : i32 to index
            %get3A_1624 = arith.constant 112 : index
            %get3A_1625 = tpu.vector_load %arg11[%get3A_1623, %get3A_1624] {strides = array<i32>} : memref<80x128xf32, #tpu.memory_space<vmem>>, vector<1x16xf32>,
            %get3A_1626 = vector.shape_cast %get3A_1625 : vector<1x16xf32> to vector<16xf32>
            %mul3A_1627 = vector.broadcast %squeeze3A_1541 : f32 to vector<16xf32>
            %mul3A_1628 = arith.mulf %get3A_1626, %mul3A_1627 : vector<16xf32>
            %swap3A_1629 = arith.index_cast %add3A_1545 : i32 to index
            %swap3A_1630 = arith.constant 112 : index
            %swap3A_1631 = tpu.vector_load %arg11[%swap3A_1629, %swap3A_1630] {strides = array<i32>} : memref<80x128xf32, #tpu.memory_space<vmem>>, vector<1x16xf32>,
            %swap3A_1632 = vector.shape_cast %swap3A_1631 : vector<1x16xf32> to vector<16xf32>
            %swap3A_1633 = vector.shape_cast %mul3A_1628 : vector<16xf32> to vector<1x16xf32>
            tpu.vector_store %arg11[%swap3A_1629, %swap3A_1630], %swap3A_1633 {strides = array<i32>} : memref<80x128xf32, #tpu.memory_space<vmem>>, vector<1x16xf32>,
            %slice3A_1634 = vector.extract_strided_slice %get3A_414 {offsets = [13], sizes = [1], strides = [1]} : vector<16xf32> to vector<1xf32>
            %squeeze3A_1635 = vector.extract %slice3A_1634[0] : f32 from vector<1xf32>
            %mul3A_1636 = arith.constant 16 : i32
            %mul3A_1637 = arith.muli %scan3A_409, %mul3A_1636 : i32
            %add3A_1638 = arith.constant 13 : i32
            %add3A_1639 = arith.addi %mul3A_1637, %add3A_1638 : i32
            %get3A_1640 = arith.index_cast %add3A_1639 : i32 to index
            %get3A_1641 = arith.constant 0 : index
            %get3A_1642 = tpu.vector_load %arg11[%get3A_1640, %get3A_1641] {strides = array<i32>} : memref<80x128xf32, #tpu.memory_space<vmem>>, vector<1x16xf32>,
            %get3A_1643 = vector.shape_cast %get3A_1642 : vector<1x16xf32> to vector<16xf32>
            %mul3A_1644 = vector.broadcast %squeeze3A_1635 : f32 to vector<16xf32>
            %mul3A_1645 = arith.mulf %get3A_1643, %mul3A_1644 : vector<16xf32>
            %swap3A_1646 = arith.index_cast %add3A_1639 : i32 to index
            %swap3A_1647 = arith.constant 0 : index
            %swap3A_1648 = tpu.vector_load %arg11[%swap3A_1646, %swap3A_1647] {strides = array<i32>} : memref<80x128xf32, #tpu.memory_space<vmem>>, vector<1x16xf32>,
            %swap3A_1649 = vector.shape_cast %swap3A_1648 : vector<1x16xf32> to vector<16xf32>
            %swap3A_1650 = vector.shape_cast %mul3A_1645 : vector<16xf32> to vector<1x16xf32>
            tpu.vector_store %arg11[%swap3A_1646, %swap3A_1647], %swap3A_1650 {strides = array<i32>} : memref<80x128xf32, #tpu.memory_space<vmem>>, vector<1x16xf32>,
            %get3A_1651 = arith.index_cast %add3A_1639 : i32 to index
            %get3A_1652 = arith.constant 16 : index
            %get3A_1653 = tpu.vector_load %arg11[%get3A_1651, %get3A_1652] {strides = array<i32>} : memref<80x128xf32, #tpu.memory_space<vmem>>, vector<1x16xf32>,
            %get3A_1654 = vector.shape_cast %get3A_1653 : vector<1x16xf32> to vector<16xf32>
            %mul3A_1655 = vector.broadcast %squeeze3A_1635 : f32 to vector<16xf32>
            %mul3A_1656 = arith.mulf %get3A_1654, %mul3A_1655 : vector<16xf32>
            %swap3A_1657 = arith.index_cast %add3A_1639 : i32 to index
            %swap3A_1658 = arith.constant 16 : index
            %swap3A_1659 = tpu.vector_load %arg11[%swap3A_1657, %swap3A_1658] {strides = array<i32>} : memref<80x128xf32, #tpu.memory_space<vmem>>, vector<1x16xf32>,
            %swap3A_1660 = vector.shape_cast %swap3A_1659 : vector<1x16xf32> to vector<16xf32>
            %swap3A_1661 = vector.shape_cast %mul3A_1656 : vector<16xf32> to vector<1x16xf32>
            tpu.vector_store %arg11[%swap3A_1657, %swap3A_1658], %swap3A_1661 {strides = array<i32>} : memref<80x128xf32, #tpu.memory_space<vmem>>, vector<1x16xf32>,
            %get3A_1662 = arith.index_cast %add3A_1639 : i32 to index
            %get3A_1663 = arith.constant 32 : index
            %get3A_1664 = tpu.vector_load %arg11[%get3A_1662, %get3A_1663] {strides = array<i32>} : memref<80x128xf32, #tpu.memory_space<vmem>>, vector<1x16xf32>,
            %get3A_1665 = vector.shape_cast %get3A_1664 : vector<1x16xf32> to vector<16xf32>
            %mul3A_1666 = vector.broadcast %squeeze3A_1635 : f32 to vector<16xf32>
            %mul3A_1667 = arith.mulf %get3A_1665, %mul3A_1666 : vector<16xf32>
            %swap3A_1668 = arith.index_cast %add3A_1639 : i32 to index
            %swap3A_1669 = arith.constant 32 : index
            %swap3A_1670 = tpu.vector_load %arg11[%swap3A_1668, %swap3A_1669] {strides = array<i32>} : memref<80x128xf32, #tpu.memory_space<vmem>>, vector<1x16xf32>,
            %swap3A_1671 = vector.shape_cast %swap3A_1670 : vector<1x16xf32> to vector<16xf32>
            %swap3A_1672 = vector.shape_cast %mul3A_1667 : vector<16xf32> to vector<1x16xf32>
            tpu.vector_store %arg11[%swap3A_1668, %swap3A_1669], %swap3A_1672 {strides = array<i32>} : memref<80x128xf32, #tpu.memory_space<vmem>>, vector<1x16xf32>,
            %get3A_1673 = arith.index_cast %add3A_1639 : i32 to index
            %get3A_1674 = arith.constant 48 : index
            %get3A_1675 = tpu.vector_load %arg11[%get3A_1673, %get3A_1674] {strides = array<i32>} : memref<80x128xf32, #tpu.memory_space<vmem>>, vector<1x16xf32>,
            %get3A_1676 = vector.shape_cast %get3A_1675 : vector<1x16xf32> to vector<16xf32>
            %mul3A_1677 = vector.broadcast %squeeze3A_1635 : f32 to vector<16xf32>
            %mul3A_1678 = arith.mulf %get3A_1676, %mul3A_1677 : vector<16xf32>
            %swap3A_1679 = arith.index_cast %add3A_1639 : i32 to index
            %swap3A_1680 = arith.constant 48 : index
            %swap3A_1681 = tpu.vector_load %arg11[%swap3A_1679, %swap3A_1680] {strides = array<i32>} : memref<80x128xf32, #tpu.memory_space<vmem>>, vector<1x16xf32>,
            %swap3A_1682 = vector.shape_cast %swap3A_1681 : vector<1x16xf32> to vector<16xf32>
            %swap3A_1683 = vector.shape_cast %mul3A_1678 : vector<16xf32> to vector<1x16xf32>
            tpu.vector_store %arg11[%swap3A_1679, %swap3A_1680], %swap3A_1683 {strides = array<i32>} : memref<80x128xf32, #tpu.memory_space<vmem>>, vector<1x16xf32>,
            %get3A_1684 = arith.index_cast %add3A_1639 : i32 to index
            %get3A_1685 = arith.constant 64 : index
            %get3A_1686 = tpu.vector_load %arg11[%get3A_1684, %get3A_1685] {strides = array<i32>} : memref<80x128xf32, #tpu.memory_space<vmem>>, vector<1x16xf32>,
            %get3A_1687 = vector.shape_cast %get3A_1686 : vector<1x16xf32> to vector<16xf32>
            %mul3A_1688 = vector.broadcast %squeeze3A_1635 : f32 to vector<16xf32>
            %mul3A_1689 = arith.mulf %get3A_1687, %mul3A_1688 : vector<16xf32>
            %swap3A_1690 = arith.index_cast %add3A_1639 : i32 to index
            %swap3A_1691 = arith.constant 64 : index
            %swap3A_1692 = tpu.vector_load %arg11[%swap3A_1690, %swap3A_1691] {strides = array<i32>} : memref<80x128xf32, #tpu.memory_space<vmem>>, vector<1x16xf32>,
            %swap3A_1693 = vector.shape_cast %swap3A_1692 : vector<1x16xf32> to vector<16xf32>
            %swap3A_1694 = vector.shape_cast %mul3A_1689 : vector<16xf32> to vector<1x16xf32>
            tpu.vector_store %arg11[%swap3A_1690, %swap3A_1691], %swap3A_1694 {strides = array<i32>} : memref<80x128xf32, #tpu.memory_space<vmem>>, vector<1x16xf32>,
            %get3A_1695 = arith.index_cast %add3A_1639 : i32 to index
            %get3A_1696 = arith.constant 80 : index
            %get3A_1697 = tpu.vector_load %arg11[%get3A_1695, %get3A_1696] {strides = array<i32>} : memref<80x128xf32, #tpu.memory_space<vmem>>, vector<1x16xf32>,
            %get3A_1698 = vector.shape_cast %get3A_1697 : vector<1x16xf32> to vector<16xf32>
            %mul3A_1699 = vector.broadcast %squeeze3A_1635 : f32 to vector<16xf32>
            %mul3A_1700 = arith.mulf %get3A_1698, %mul3A_1699 : vector<16xf32>
            %swap3A_1701 = arith.index_cast %add3A_1639 : i32 to index
            %swap3A_1702 = arith.constant 80 : index
            %swap3A_1703 = tpu.vector_load %arg11[%swap3A_1701, %swap3A_1702] {strides = array<i32>} : memref<80x128xf32, #tpu.memory_space<vmem>>, vector<1x16xf32>,
            %swap3A_1704 = vector.shape_cast %swap3A_1703 : vector<1x16xf32> to vector<16xf32>
            %swap3A_1705 = vector.shape_cast %mul3A_1700 : vector<16xf32> to vector<1x16xf32>
            tpu.vector_store %arg11[%swap3A_1701, %swap3A_1702], %swap3A_1705 {strides = array<i32>} : memref<80x128xf32, #tpu.memory_space<vmem>>, vector<1x16xf32>,
            %get3A_1706 = arith.index_cast %add3A_1639 : i32 to index
            %get3A_1707 = arith.constant 96 : index
            %get3A_1708 = tpu.vector_load %arg11[%get3A_1706, %get3A_1707] {strides = array<i32>} : memref<80x128xf32, #tpu.memory_space<vmem>>, vector<1x16xf32>,
            %get3A_1709 = vector.shape_cast %get3A_1708 : vector<1x16xf32> to vector<16xf32>
            %mul3A_1710 = vector.broadcast %squeeze3A_1635 : f32 to vector<16xf32>
            %mul3A_1711 = arith.mulf %get3A_1709, %mul3A_1710 : vector<16xf32>
            %swap3A_1712 = arith.index_cast %add3A_1639 : i32 to index
            %swap3A_1713 = arith.constant 96 : index
            %swap3A_1714 = tpu.vector_load %arg11[%swap3A_1712, %swap3A_1713] {strides = array<i32>} : memref<80x128xf32, #tpu.memory_space<vmem>>, vector<1x16xf32>,
            %swap3A_1715 = vector.shape_cast %swap3A_1714 : vector<1x16xf32> to vector<16xf32>
            %swap3A_1716 = vector.shape_cast %mul3A_1711 : vector<16xf32> to vector<1x16xf32>
            tpu.vector_store %arg11[%swap3A_1712, %swap3A_1713], %swap3A_1716 {strides = array<i32>} : memref<80x128xf32, #tpu.memory_space<vmem>>, vector<1x16xf32>,
            %get3A_1717 = arith.index_cast %add3A_1639 : i32 to index
            %get3A_1718 = arith.constant 112 : index
            %get3A_1719 = tpu.vector_load %arg11[%get3A_1717, %get3A_1718] {strides = array<i32>} : memref<80x128xf32, #tpu.memory_space<vmem>>, vector<1x16xf32>,
            %get3A_1720 = vector.shape_cast %get3A_1719 : vector<1x16xf32> to vector<16xf32>
            %mul3A_1721 = vector.broadcast %squeeze3A_1635 : f32 to vector<16xf32>
            %mul3A_1722 = arith.mulf %get3A_1720, %mul3A_1721 : vector<16xf32>
            %swap3A_1723 = arith.index_cast %add3A_1639 : i32 to index
            %swap3A_1724 = arith.constant 112 : index
            %swap3A_1725 = tpu.vector_load %arg11[%swap3A_1723, %swap3A_1724] {strides = array<i32>} : memref<80x128xf32, #tpu.memory_space<vmem>>, vector<1x16xf32>,
            %swap3A_1726 = vector.shape_cast %swap3A_1725 : vector<1x16xf32> to vector<16xf32>
            %swap3A_1727 = vector.shape_cast %mul3A_1722 : vector<16xf32> to vector<1x16xf32>
            tpu.vector_store %arg11[%swap3A_1723, %swap3A_1724], %swap3A_1727 {strides = array<i32>} : memref<80x128xf32, #tpu.memory_space<vmem>>, vector<1x16xf32>,
            %slice3A_1728 = vector.extract_strided_slice %get3A_414 {offsets = [14], sizes = [1], strides = [1]} : vector<16xf32> to vector<1xf32>
            %squeeze3A_1729 = vector.extract %slice3A_1728[0] : f32 from vector<1xf32>
            %mul3A_1730 = arith.constant 16 : i32
            %mul3A_1731 = arith.muli %scan3A_409, %mul3A_1730 : i32
            %add3A_1732 = arith.constant 14 : i32
            %add3A_1733 = arith.addi %mul3A_1731, %add3A_1732 : i32
            %get3A_1734 = arith.index_cast %add3A_1733 : i32 to index
            %get3A_1735 = arith.constant 0 : index
            %get3A_1736 = tpu.vector_load %arg11[%get3A_1734, %get3A_1735] {strides = array<i32>} : memref<80x128xf32, #tpu.memory_space<vmem>>, vector<1x16xf32>,
            %get3A_1737 = vector.shape_cast %get3A_1736 : vector<1x16xf32> to vector<16xf32>
            %mul3A_1738 = vector.broadcast %squeeze3A_1729 : f32 to vector<16xf32>
            %mul3A_1739 = arith.mulf %get3A_1737, %mul3A_1738 : vector<16xf32>
            %swap3A_1740 = arith.index_cast %add3A_1733 : i32 to index
            %swap3A_1741 = arith.constant 0 : index
            %swap3A_1742 = tpu.vector_load %arg11[%swap3A_1740, %swap3A_1741] {strides = array<i32>} : memref<80x128xf32, #tpu.memory_space<vmem>>, vector<1x16xf32>,
            %swap3A_1743 = vector.shape_cast %swap3A_1742 : vector<1x16xf32> to vector<16xf32>
            %swap3A_1744 = vector.shape_cast %mul3A_1739 : vector<16xf32> to vector<1x16xf32>
            tpu.vector_store %arg11[%swap3A_1740, %swap3A_1741], %swap3A_1744 {strides = array<i32>} : memref<80x128xf32, #tpu.memory_space<vmem>>, vector<1x16xf32>,
            %get3A_1745 = arith.index_cast %add3A_1733 : i32 to index
            %get3A_1746 = arith.constant 16 : index
            %get3A_1747 = tpu.vector_load %arg11[%get3A_1745, %get3A_1746] {strides = array<i32>} : memref<80x128xf32, #tpu.memory_space<vmem>>, vector<1x16xf32>,
            %get3A_1748 = vector.shape_cast %get3A_1747 : vector<1x16xf32> to vector<16xf32>
            %mul3A_1749 = vector.broadcast %squeeze3A_1729 : f32 to vector<16xf32>
            %mul3A_1750 = arith.mulf %get3A_1748, %mul3A_1749 : vector<16xf32>
            %swap3A_1751 = arith.index_cast %add3A_1733 : i32 to index
            %swap3A_1752 = arith.constant 16 : index
            %swap3A_1753 = tpu.vector_load %arg11[%swap3A_1751, %swap3A_1752] {strides = array<i32>} : memref<80x128xf32, #tpu.memory_space<vmem>>, vector<1x16xf32>,
            %swap3A_1754 = vector.shape_cast %swap3A_1753 : vector<1x16xf32> to vector<16xf32>
            %swap3A_1755 = vector.shape_cast %mul3A_1750 : vector<16xf32> to vector<1x16xf32>
            tpu.vector_store %arg11[%swap3A_1751, %swap3A_1752], %swap3A_1755 {strides = array<i32>} : memref<80x128xf32, #tpu.memory_space<vmem>>, vector<1x16xf32>,
            %get3A_1756 = arith.index_cast %add3A_1733 : i32 to index
            %get3A_1757 = arith.constant 32 : index
            %get3A_1758 = tpu.vector_load %arg11[%get3A_1756, %get3A_1757] {strides = array<i32>} : memref<80x128xf32, #tpu.memory_space<vmem>>, vector<1x16xf32>,
            %get3A_1759 = vector.shape_cast %get3A_1758 : vector<1x16xf32> to vector<16xf32>
            %mul3A_1760 = vector.broadcast %squeeze3A_1729 : f32 to vector<16xf32>
            %mul3A_1761 = arith.mulf %get3A_1759, %mul3A_1760 : vector<16xf32>
            %swap3A_1762 = arith.index_cast %add3A_1733 : i32 to index
            %swap3A_1763 = arith.constant 32 : index
            %swap3A_1764 = tpu.vector_load %arg11[%swap3A_1762, %swap3A_1763] {strides = array<i32>} : memref<80x128xf32, #tpu.memory_space<vmem>>, vector<1x16xf32>,
            %swap3A_1765 = vector.shape_cast %swap3A_1764 : vector<1x16xf32> to vector<16xf32>
            %swap3A_1766 = vector.shape_cast %mul3A_1761 : vector<16xf32> to vector<1x16xf32>
            tpu.vector_store %arg11[%swap3A_1762, %swap3A_1763], %swap3A_1766 {strides = array<i32>} : memref<80x128xf32, #tpu.memory_space<vmem>>, vector<1x16xf32>,
            %get3A_1767 = arith.index_cast %add3A_1733 : i32 to index
            %get3A_1768 = arith.constant 48 : index
            %get3A_1769 = tpu.vector_load %arg11[%get3A_1767, %get3A_1768] {strides = array<i32>} : memref<80x128xf32, #tpu.memory_space<vmem>>, vector<1x16xf32>,
            %get3A_1770 = vector.shape_cast %get3A_1769 : vector<1x16xf32> to vector<16xf32>
            %mul3A_1771 = vector.broadcast %squeeze3A_1729 : f32 to vector<16xf32>
            %mul3A_1772 = arith.mulf %get3A_1770, %mul3A_1771 : vector<16xf32>
            %swap3A_1773 = arith.index_cast %add3A_1733 : i32 to index
            %swap3A_1774 = arith.constant 48 : index
            %swap3A_1775 = tpu.vector_load %arg11[%swap3A_1773, %swap3A_1774] {strides = array<i32>} : memref<80x128xf32, #tpu.memory_space<vmem>>, vector<1x16xf32>,
            %swap3A_1776 = vector.shape_cast %swap3A_1775 : vector<1x16xf32> to vector<16xf32>
            %swap3A_1777 = vector.shape_cast %mul3A_1772 : vector<16xf32> to vector<1x16xf32>
            tpu.vector_store %arg11[%swap3A_1773, %swap3A_1774], %swap3A_1777 {strides = array<i32>} : memref<80x128xf32, #tpu.memory_space<vmem>>, vector<1x16xf32>,
            %get3A_1778 = arith.index_cast %add3A_1733 : i32 to index
            %get3A_1779 = arith.constant 64 : index
            %get3A_1780 = tpu.vector_load %arg11[%get3A_1778, %get3A_1779] {strides = array<i32>} : memref<80x128xf32, #tpu.memory_space<vmem>>, vector<1x16xf32>,
            %get3A_1781 = vector.shape_cast %get3A_1780 : vector<1x16xf32> to vector<16xf32>
            %mul3A_1782 = vector.broadcast %squeeze3A_1729 : f32 to vector<16xf32>
            %mul3A_1783 = arith.mulf %get3A_1781, %mul3A_1782 : vector<16xf32>
            %swap3A_1784 = arith.index_cast %add3A_1733 : i32 to index
            %swap3A_1785 = arith.constant 64 : index
            %swap3A_1786 = tpu.vector_load %arg11[%swap3A_1784, %swap3A_1785] {strides = array<i32>} : memref<80x128xf32, #tpu.memory_space<vmem>>, vector<1x16xf32>,
            %swap3A_1787 = vector.shape_cast %swap3A_1786 : vector<1x16xf32> to vector<16xf32>
            %swap3A_1788 = vector.shape_cast %mul3A_1783 : vector<16xf32> to vector<1x16xf32>
            tpu.vector_store %arg11[%swap3A_1784, %swap3A_1785], %swap3A_1788 {strides = array<i32>} : memref<80x128xf32, #tpu.memory_space<vmem>>, vector<1x16xf32>,
            %get3A_1789 = arith.index_cast %add3A_1733 : i32 to index
            %get3A_1790 = arith.constant 80 : index
            %get3A_1791 = tpu.vector_load %arg11[%get3A_1789, %get3A_1790] {strides = array<i32>} : memref<80x128xf32, #tpu.memory_space<vmem>>, vector<1x16xf32>,
            %get3A_1792 = vector.shape_cast %get3A_1791 : vector<1x16xf32> to vector<16xf32>
            %mul3A_1793 = vector.broadcast %squeeze3A_1729 : f32 to vector<16xf32>
            %mul3A_1794 = arith.mulf %get3A_1792, %mul3A_1793 : vector<16xf32>
            %swap3A_1795 = arith.index_cast %add3A_1733 : i32 to index
            %swap3A_1796 = arith.constant 80 : index
            %swap3A_1797 = tpu.vector_load %arg11[%swap3A_1795, %swap3A_1796] {strides = array<i32>} : memref<80x128xf32, #tpu.memory_space<vmem>>, vector<1x16xf32>,
            %swap3A_1798 = vector.shape_cast %swap3A_1797 : vector<1x16xf32> to vector<16xf32>
            %swap3A_1799 = vector.shape_cast %mul3A_1794 : vector<16xf32> to vector<1x16xf32>
            tpu.vector_store %arg11[%swap3A_1795, %swap3A_1796], %swap3A_1799 {strides = array<i32>} : memref<80x128xf32, #tpu.memory_space<vmem>>, vector<1x16xf32>,
            %get3A_1800 = arith.index_cast %add3A_1733 : i32 to index
            %get3A_1801 = arith.constant 96 : index
            %get3A_1802 = tpu.vector_load %arg11[%get3A_1800, %get3A_1801] {strides = array<i32>} : memref<80x128xf32, #tpu.memory_space<vmem>>, vector<1x16xf32>,
            %get3A_1803 = vector.shape_cast %get3A_1802 : vector<1x16xf32> to vector<16xf32>
            %mul3A_1804 = vector.broadcast %squeeze3A_1729 : f32 to vector<16xf32>
            %mul3A_1805 = arith.mulf %get3A_1803, %mul3A_1804 : vector<16xf32>
            %swap3A_1806 = arith.index_cast %add3A_1733 : i32 to index
            %swap3A_1807 = arith.constant 96 : index
            %swap3A_1808 = tpu.vector_load %arg11[%swap3A_1806, %swap3A_1807] {strides = array<i32>} : memref<80x128xf32, #tpu.memory_space<vmem>>, vector<1x16xf32>,
            %swap3A_1809 = vector.shape_cast %swap3A_1808 : vector<1x16xf32> to vector<16xf32>
            %swap3A_1810 = vector.shape_cast %mul3A_1805 : vector<16xf32> to vector<1x16xf32>
            tpu.vector_store %arg11[%swap3A_1806, %swap3A_1807], %swap3A_1810 {strides = array<i32>} : memref<80x128xf32, #tpu.memory_space<vmem>>, vector<1x16xf32>,
            %get3A_1811 = arith.index_cast %add3A_1733 : i32 to index
            %get3A_1812 = arith.constant 112 : index
            %get3A_1813 = tpu.vector_load %arg11[%get3A_1811, %get3A_1812] {strides = array<i32>} : memref<80x128xf32, #tpu.memory_space<vmem>>, vector<1x16xf32>,
            %get3A_1814 = vector.shape_cast %get3A_1813 : vector<1x16xf32> to vector<16xf32>
            %mul3A_1815 = vector.broadcast %squeeze3A_1729 : f32 to vector<16xf32>
            %mul3A_1816 = arith.mulf %get3A_1814, %mul3A_1815 : vector<16xf32>
            %swap3A_1817 = arith.index_cast %add3A_1733 : i32 to index
            %swap3A_1818 = arith.constant 112 : index
            %swap3A_1819 = tpu.vector_load %arg11[%swap3A_1817, %swap3A_1818] {strides = array<i32>} : memref<80x128xf32, #tpu.memory_space<vmem>>, vector<1x16xf32>,
            %swap3A_1820 = vector.shape_cast %swap3A_1819 : vector<1x16xf32> to vector<16xf32>
            %swap3A_1821 = vector.shape_cast %mul3A_1816 : vector<16xf32> to vector<1x16xf32>
            tpu.vector_store %arg11[%swap3A_1817, %swap3A_1818], %swap3A_1821 {strides = array<i32>} : memref<80x128xf32, #tpu.memory_space<vmem>>, vector<1x16xf32>,
            %slice3A_1822 = vector.extract_strided_slice %get3A_414 {offsets = [15], sizes = [1], strides = [1]} : vector<16xf32> to vector<1xf32>
            %squeeze3A_1823 = vector.extract %slice3A_1822[0] : f32 from vector<1xf32>
            %mul3A_1824 = arith.constant 16 : i32
            %mul3A_1825 = arith.muli %scan3A_409, %mul3A_1824 : i32
            %add3A_1826 = arith.constant 15 : i32
            %add3A_1827 = arith.addi %mul3A_1825, %add3A_1826 : i32
            %get3A_1828 = arith.index_cast %add3A_1827 : i32 to index
            %get3A_1829 = arith.constant 0 : index
            %get3A_1830 = tpu.vector_load %arg11[%get3A_1828, %get3A_1829] {strides = array<i32>} : memref<80x128xf32, #tpu.memory_space<vmem>>, vector<1x16xf32>,
            %get3A_1831 = vector.shape_cast %get3A_1830 : vector<1x16xf32> to vector<16xf32>
            %mul3A_1832 = vector.broadcast %squeeze3A_1823 : f32 to vector<16xf32>
            %mul3A_1833 = arith.mulf %get3A_1831, %mul3A_1832 : vector<16xf32>
            %swap3A_1834 = arith.index_cast %add3A_1827 : i32 to index
            %swap3A_1835 = arith.constant 0 : index
            %swap3A_1836 = tpu.vector_load %arg11[%swap3A_1834, %swap3A_1835] {strides = array<i32>} : memref<80x128xf32, #tpu.memory_space<vmem>>, vector<1x16xf32>,
            %swap3A_1837 = vector.shape_cast %swap3A_1836 : vector<1x16xf32> to vector<16xf32>
            %swap3A_1838 = vector.shape_cast %mul3A_1833 : vector<16xf32> to vector<1x16xf32>
            tpu.vector_store %arg11[%swap3A_1834, %swap3A_1835], %swap3A_1838 {strides = array<i32>} : memref<80x128xf32, #tpu.memory_space<vmem>>, vector<1x16xf32>,
            %get3A_1839 = arith.index_cast %add3A_1827 : i32 to index
            %get3A_1840 = arith.constant 16 : index
            %get3A_1841 = tpu.vector_load %arg11[%get3A_1839, %get3A_1840] {strides = array<i32>} : memref<80x128xf32, #tpu.memory_space<vmem>>, vector<1x16xf32>,
            %get3A_1842 = vector.shape_cast %get3A_1841 : vector<1x16xf32> to vector<16xf32>
            %mul3A_1843 = vector.broadcast %squeeze3A_1823 : f32 to vector<16xf32>
            %mul3A_1844 = arith.mulf %get3A_1842, %mul3A_1843 : vector<16xf32>
            %swap3A_1845 = arith.index_cast %add3A_1827 : i32 to index
            %swap3A_1846 = arith.constant 16 : index
            %swap3A_1847 = tpu.vector_load %arg11[%swap3A_1845, %swap3A_1846] {strides = array<i32>} : memref<80x128xf32, #tpu.memory_space<vmem>>, vector<1x16xf32>,
            %swap3A_1848 = vector.shape_cast %swap3A_1847 : vector<1x16xf32> to vector<16xf32>
            %swap3A_1849 = vector.shape_cast %mul3A_1844 : vector<16xf32> to vector<1x16xf32>
            tpu.vector_store %arg11[%swap3A_1845, %swap3A_1846], %swap3A_1849 {strides = array<i32>} : memref<80x128xf32, #tpu.memory_space<vmem>>, vector<1x16xf32>,
            %get3A_1850 = arith.index_cast %add3A_1827 : i32 to index
            %get3A_1851 = arith.constant 32 : index
            %get3A_1852 = tpu.vector_load %arg11[%get3A_1850, %get3A_1851] {strides = array<i32>} : memref<80x128xf32, #tpu.memory_space<vmem>>, vector<1x16xf32>,
            %get3A_1853 = vector.shape_cast %get3A_1852 : vector<1x16xf32> to vector<16xf32>
            %mul3A_1854 = vector.broadcast %squeeze3A_1823 : f32 to vector<16xf32>
            %mul3A_1855 = arith.mulf %get3A_1853, %mul3A_1854 : vector<16xf32>
            %swap3A_1856 = arith.index_cast %add3A_1827 : i32 to index
            %swap3A_1857 = arith.constant 32 : index
            %swap3A_1858 = tpu.vector_load %arg11[%swap3A_1856, %swap3A_1857] {strides = array<i32>} : memref<80x128xf32, #tpu.memory_space<vmem>>, vector<1x16xf32>,
            %swap3A_1859 = vector.shape_cast %swap3A_1858 : vector<1x16xf32> to vector<16xf32>
            %swap3A_1860 = vector.shape_cast %mul3A_1855 : vector<16xf32> to vector<1x16xf32>
            tpu.vector_store %arg11[%swap3A_1856, %swap3A_1857], %swap3A_1860 {strides = array<i32>} : memref<80x128xf32, #tpu.memory_space<vmem>>, vector<1x16xf32>,
            %get3A_1861 = arith.index_cast %add3A_1827 : i32 to index
            %get3A_1862 = arith.constant 48 : index
            %get3A_1863 = tpu.vector_load %arg11[%get3A_1861, %get3A_1862] {strides = array<i32>} : memref<80x128xf32, #tpu.memory_space<vmem>>, vector<1x16xf32>,
            %get3A_1864 = vector.shape_cast %get3A_1863 : vector<1x16xf32> to vector<16xf32>
            %mul3A_1865 = vector.broadcast %squeeze3A_1823 : f32 to vector<16xf32>
            %mul3A_1866 = arith.mulf %get3A_1864, %mul3A_1865 : vector<16xf32>
            %swap3A_1867 = arith.index_cast %add3A_1827 : i32 to index
            %swap3A_1868 = arith.constant 48 : index
            %swap3A_1869 = tpu.vector_load %arg11[%swap3A_1867, %swap3A_1868] {strides = array<i32>} : memref<80x128xf32, #tpu.memory_space<vmem>>, vector<1x16xf32>,
            %swap3A_1870 = vector.shape_cast %swap3A_1869 : vector<1x16xf32> to vector<16xf32>
            %swap3A_1871 = vector.shape_cast %mul3A_1866 : vector<16xf32> to vector<1x16xf32>
            tpu.vector_store %arg11[%swap3A_1867, %swap3A_1868], %swap3A_1871 {strides = array<i32>} : memref<80x128xf32, #tpu.memory_space<vmem>>, vector<1x16xf32>,
            %get3A_1872 = arith.index_cast %add3A_1827 : i32 to index
            %get3A_1873 = arith.constant 64 : index
            %get3A_1874 = tpu.vector_load %arg11[%get3A_1872, %get3A_1873] {strides = array<i32>} : memref<80x128xf32, #tpu.memory_space<vmem>>, vector<1x16xf32>,
            %get3A_1875 = vector.shape_cast %get3A_1874 : vector<1x16xf32> to vector<16xf32>
            %mul3A_1876 = vector.broadcast %squeeze3A_1823 : f32 to vector<16xf32>
            %mul3A_1877 = arith.mulf %get3A_1875, %mul3A_1876 : vector<16xf32>
            %swap3A_1878 = arith.index_cast %add3A_1827 : i32 to index
            %swap3A_1879 = arith.constant 64 : index
            %swap3A_1880 = tpu.vector_load %arg11[%swap3A_1878, %swap3A_1879] {strides = array<i32>} : memref<80x128xf32, #tpu.memory_space<vmem>>, vector<1x16xf32>,
            %swap3A_1881 = vector.shape_cast %swap3A_1880 : vector<1x16xf32> to vector<16xf32>
            %swap3A_1882 = vector.shape_cast %mul3A_1877 : vector<16xf32> to vector<1x16xf32>
            tpu.vector_store %arg11[%swap3A_1878, %swap3A_1879], %swap3A_1882 {strides = array<i32>} : memref<80x128xf32, #tpu.memory_space<vmem>>, vector<1x16xf32>,
            %get3A_1883 = arith.index_cast %add3A_1827 : i32 to index
            %get3A_1884 = arith.constant 80 : index
            %get3A_1885 = tpu.vector_load %arg11[%get3A_1883, %get3A_1884] {strides = array<i32>} : memref<80x128xf32, #tpu.memory_space<vmem>>, vector<1x16xf32>,
            %get3A_1886 = vector.shape_cast %get3A_1885 : vector<1x16xf32> to vector<16xf32>
            %mul3A_1887 = vector.broadcast %squeeze3A_1823 : f32 to vector<16xf32>
            %mul3A_1888 = arith.mulf %get3A_1886, %mul3A_1887 : vector<16xf32>
            %swap3A_1889 = arith.index_cast %add3A_1827 : i32 to index
            %swap3A_1890 = arith.constant 80 : index
            %swap3A_1891 = tpu.vector_load %arg11[%swap3A_1889, %swap3A_1890] {strides = array<i32>} : memref<80x128xf32, #tpu.memory_space<vmem>>, vector<1x16xf32>,
            %swap3A_1892 = vector.shape_cast %swap3A_1891 : vector<1x16xf32> to vector<16xf32>
            %swap3A_1893 = vector.shape_cast %mul3A_1888 : vector<16xf32> to vector<1x16xf32>
            tpu.vector_store %arg11[%swap3A_1889, %swap3A_1890], %swap3A_1893 {strides = array<i32>} : memref<80x128xf32, #tpu.memory_space<vmem>>, vector<1x16xf32>,
            %get3A_1894 = arith.index_cast %add3A_1827 : i32 to index
            %get3A_1895 = arith.constant 96 : index
            %get3A_1896 = tpu.vector_load %arg11[%get3A_1894, %get3A_1895] {strides = array<i32>} : memref<80x128xf32, #tpu.memory_space<vmem>>, vector<1x16xf32>,
            %get3A_1897 = vector.shape_cast %get3A_1896 : vector<1x16xf32> to vector<16xf32>
            %mul3A_1898 = vector.broadcast %squeeze3A_1823 : f32 to vector<16xf32>
            %mul3A_1899 = arith.mulf %get3A_1897, %mul3A_1898 : vector<16xf32>
            %swap3A_1900 = arith.index_cast %add3A_1827 : i32 to index
            %swap3A_1901 = arith.constant 96 : index
            %swap3A_1902 = tpu.vector_load %arg11[%swap3A_1900, %swap3A_1901] {strides = array<i32>} : memref<80x128xf32, #tpu.memory_space<vmem>>, vector<1x16xf32>,
            %swap3A_1903 = vector.shape_cast %swap3A_1902 : vector<1x16xf32> to vector<16xf32>
            %swap3A_1904 = vector.shape_cast %mul3A_1899 : vector<16xf32> to vector<1x16xf32>
            tpu.vector_store %arg11[%swap3A_1900, %swap3A_1901], %swap3A_1904 {strides = array<i32>} : memref<80x128xf32, #tpu.memory_space<vmem>>, vector<1x16xf32>,
            %get3A_1905 = arith.index_cast %add3A_1827 : i32 to index
            %get3A_1906 = arith.constant 112 : index
            %get3A_1907 = tpu.vector_load %arg11[%get3A_1905, %get3A_1906] {strides = array<i32>} : memref<80x128xf32, #tpu.memory_space<vmem>>, vector<1x16xf32>,
            %get3A_1908 = vector.shape_cast %get3A_1907 : vector<1x16xf32> to vector<16xf32>
            %mul3A_1909 = vector.broadcast %squeeze3A_1823 : f32 to vector<16xf32>
            %mul3A_1910 = arith.mulf %get3A_1908, %mul3A_1909 : vector<16xf32>
            %swap3A_1911 = arith.index_cast %add3A_1827 : i32 to index
            %swap3A_1912 = arith.constant 112 : index
            %swap3A_1913 = tpu.vector_load %arg11[%swap3A_1911, %swap3A_1912] {strides = array<i32>} : memref<80x128xf32, #tpu.memory_space<vmem>>, vector<1x16xf32>,
            %swap3A_1914 = vector.shape_cast %swap3A_1913 : vector<1x16xf32> to vector<16xf32>
            %swap3A_1915 = vector.shape_cast %mul3A_1910 : vector<16xf32> to vector<1x16xf32>
            tpu.vector_store %arg11[%swap3A_1911, %swap3A_1912], %swap3A_1915 {strides = array<i32>} : memref<80x128xf32, #tpu.memory_space<vmem>>, vector<1x16xf32>,
          }
          %scan3A_408 = arith.constant 5 : i32
        } else {
        }
        "tpu.region"() ({
          %run_scoped3A = tpu.sem_alloc : memref<!tpu.dma_semaphore, #tpu.memory_space<semaphore_mem>>
          %dma_start3A_403 = arith.constant 0 : i32
          %dma_start3A_404 = tpu.memref_slice %arg9[%mul3A_362, %dma_start3A_403] : memref<50x80xi32, #tpu.memory_space<vmem>> -> memref<1x80xi32, #tpu.memory_space<vmem>>
          %dma_start3A_405 = tpu.memref_squeeze %dma_start3A_404 : memref<1x80xi32, #tpu.memory_space<vmem>> -> memref<80xi32, #tpu.memory_space<vmem>>
          %dma_start3A_406 = arith.constant 0 : i32
          %dma_start3A_407 = arith.constant 0 : i32
          %dma_start3A_408 = tpu.memref_slice %arg14[%dma_start3A_406, %dma_start3A_407] : memref<10240x128xf32, #tpu.memory_space<vmem_shared>> -> memref<10240x128xf32, #tpu.memory_space<vmem_shared>>
          tpu.enqueue_indirect_dma source(%arg11 : memref<80x128xf32, #tpu.memory_space<vmem>>) target(%dma_start3A_408 : memref<10240x128xf32, #tpu.memory_space<vmem_shared>>) offsets(%dma_start3A_405 : memref<80xi32, #tpu.memory_space<vmem>>) semaphore(%run_scoped3A : memref<!tpu.dma_semaphore, #tpu.memory_space<semaphore_mem>>) {add = true}
          %dma_wait3A_409 = arith.constant 0 : i32
          %dma_wait3A_410 = tpu.memref_slice %arg9[%mul3A_362, %dma_wait3A_409] : memref<50x80xi32, #tpu.memory_space<vmem>> -> memref<1x80xi32, #tpu.memory_space<vmem>>
          %dma_wait3A_411 = tpu.memref_squeeze %dma_wait3A_410 : memref<1x80xi32, #tpu.memory_space<vmem>> -> memref<80xi32, #tpu.memory_space<vmem>>
          %dma_wait3A_412 = arith.constant 0 : i32
          %dma_wait3A_413 = arith.constant 0 : i32
          %dma_wait3A_414 = tpu.memref_slice %arg14[%dma_wait3A_412, %dma_wait3A_413] : memref<10240x128xf32, #tpu.memory_space<vmem_shared>> -> memref<10240x128xf32, #tpu.memory_space<vmem_shared>>
          tpu.wait_indirect_dma semaphore(%run_scoped3A : memref<!tpu.dma_semaphore, #tpu.memory_space<semaphore_mem>>) src(%arg11 : memref<80x128xf32, #tpu.memory_space<vmem>>) dst(%dma_wait3A_414 : memref<10240x128xf32, #tpu.memory_space<vmem_shared>>)
          tpu.yield
        }) : () -> ()
        %lt3A = arith.constant 50 : i32
        %lt3A_388 = arith.cmpi slt, %add3A_370, %lt3A : i32
        %convert_element_type3A_389 = arith.extui %lt3A_388 : i1 to i32
        %cond3A_390 = arith.constant 0 : i32
        %cond3A_391 = arith.cmpi ne, %convert_element_type3A_389, %cond3A_390 : i32
        scf.if %cond3A_391 {
          %dma_start3A_403 = arith.constant 0 : i32
          %dma_start3A_404 = tpu.memref_slice %arg8[%add3A_370, %dma_start3A_403] : memref<50x80xi32, #tpu.memory_space<vmem>> -> memref<1x80xi32, #tpu.memory_space<vmem>>
          %dma_start3A_405 = tpu.memref_squeeze %dma_start3A_404 : memref<1x80xi32, #tpu.memory_space<vmem>> -> memref<80xi32, #tpu.memory_space<vmem>>
          %dma_start3A_406 = arith.constant 0 : i32
          %dma_start3A_407 = arith.constant 0 : i32
          %dma_start3A_408 = tpu.memref_slice %arg2[%dma_start3A_406, %dma_start3A_407] : memref<10000x128xf32, #tpu.memory_space<hbm>> -> memref<10000x128xf32, #tpu.memory_space<hbm>>
          tpu.enqueue_indirect_dma source(%dma_start3A_408 : memref<10000x128xf32, #tpu.memory_space<hbm>>) target(%arg11 : memref<80x128xf32, #tpu.memory_space<vmem>>) offsets(%dma_start3A_405 : memref<80xi32, #tpu.memory_space<vmem>>) semaphore(%arg15 : memref<!tpu.dma_semaphore, #tpu.memory_space<semaphore_mem>>)
        } else {
        }
        %dma_wait3A_392 = arith.constant 0 : i32
        %dma_wait3A_393 = tpu.memref_slice %arg8[%add3A_366, %dma_wait3A_392] : memref<50x80xi32, #tpu.memory_space<vmem>> -> memref<1x80xi32, #tpu.memory_space<vmem>>
        %dma_wait3A_394 = tpu.memref_squeeze %dma_wait3A_393 : memref<1x80xi32, #tpu.memory_space<vmem>> -> memref<80xi32, #tpu.memory_space<vmem>>
        %dma_wait3A_395 = arith.constant 0 : i32
        %dma_wait3A_396 = arith.constant 0 : i32
        %dma_wait3A_397 = tpu.memref_slice %arg2[%dma_wait3A_395, %dma_wait3A_396] : memref<10000x128xf32, #tpu.memory_space<hbm>> -> memref<10000x128xf32, #tpu.memory_space<hbm>>
        tpu.wait_indirect_dma semaphore(%arg16 : memref<!tpu.dma_semaphore, #tpu.memory_space<semaphore_mem>>) src(%dma_wait3A_397 : memref<10000x128xf32, #tpu.memory_space<hbm>>) dst(%arg12 : memref<80x128xf32, #tpu.memory_space<vmem>>)
        %eq3A_398 = arith.constant 1 : i32
        %eq3A_399 = arith.cmpi eq, %arg0, %eq3A_398 : i32
        %convert_element_type3A_400 = arith.extui %eq3A_399 : i1 to i32
        %cond3A_401 = arith.constant 0 : i32
        %cond3A_402 = arith.cmpi ne, %convert_element_type3A_400, %cond3A_401 : i32
        scf.if %cond3A_402 {
          %scan3A_403 = arith.constant 0 : i32
          %scan3A_404 = arith.constant 0 : i32
          %scan3A_405 = arith.constant 5 : i32
          %scan3A_406 = arith.addi %scan3A_404, %scan3A_405 : i32
          %scan3A_407 = arith.constant 1 : i32
          scf.for %scan3A_409 = %scan3A_404 to %scan3A_406 step %scan3A_407  : i32 {
            %mul3A_410 = arith.constant 16 : i32
            %mul3A_411 = arith.muli %scan3A_409, %mul3A_410 : i32
            %get3A = arith.index_cast %add3A_366 : i32 to index
            %get3A_412 = arith.index_cast %mul3A_411 : i32 to index
            %get3A_413 = tpu.vector_load %arg10[%get3A, %get3A_412] {strides = array<i32>} : memref<50x80xf32, #tpu.memory_space<vmem>>, vector<1x16xf32>,
            %get3A_414 = vector.shape_cast %get3A_413 : vector<1x16xf32> to vector<16xf32>
            %slice3A = vector.extract_strided_slice %get3A_414 {offsets = [0], sizes = [1], strides = [1]} : vector<16xf32> to vector<1xf32>
            %squeeze3A = vector.extract %slice3A[0] : f32 from vector<1xf32>
            %mul3A_415 = arith.constant 16 : i32
            %mul3A_416 = arith.muli %scan3A_409, %mul3A_415 : i32
            %add3A_417 = arith.constant 0 : i32
            %add3A_418 = arith.addi %mul3A_416, %add3A_417 : i32
            %get3A_419 = arith.index_cast %add3A_418 : i32 to index
            %get3A_420 = arith.constant 0 : index
            %get3A_421 = tpu.vector_load %arg12[%get3A_419, %get3A_420] {strides = array<i32>} : memref<80x128xf32, #tpu.memory_space<vmem>>, vector<1x16xf32>,
            %get3A_422 = vector.shape_cast %get3A_421 : vector<1x16xf32> to vector<16xf32>
            %mul3A_423 = vector.broadcast %squeeze3A : f32 to vector<16xf32>
            %mul3A_424 = arith.mulf %get3A_422, %mul3A_423 : vector<16xf32>
            %swap3A = arith.index_cast %add3A_418 : i32 to index
            %swap3A_425 = arith.constant 0 : index
            %swap3A_426 = tpu.vector_load %arg12[%swap3A, %swap3A_425] {strides = array<i32>} : memref<80x128xf32, #tpu.memory_space<vmem>>, vector<1x16xf32>,
            %swap3A_427 = vector.shape_cast %swap3A_426 : vector<1x16xf32> to vector<16xf32>
            %swap3A_428 = vector.shape_cast %mul3A_424 : vector<16xf32> to vector<1x16xf32>
            tpu.vector_store %arg12[%swap3A, %swap3A_425], %swap3A_428 {strides = array<i32>} : memref<80x128xf32, #tpu.memory_space<vmem>>, vector<1x16xf32>,
            %get3A_429 = arith.index_cast %add3A_418 : i32 to index
            %get3A_430 = arith.constant 16 : index
            %get3A_431 = tpu.vector_load %arg12[%get3A_429, %get3A_430] {strides = array<i32>} : memref<80x128xf32, #tpu.memory_space<vmem>>, vector<1x16xf32>,
            %get3A_432 = vector.shape_cast %get3A_431 : vector<1x16xf32> to vector<16xf32>
            %mul3A_433 = vector.broadcast %squeeze3A : f32 to vector<16xf32>
            %mul3A_434 = arith.mulf %get3A_432, %mul3A_433 : vector<16xf32>
            %swap3A_435 = arith.index_cast %add3A_418 : i32 to index
            %swap3A_436 = arith.constant 16 : index
            %swap3A_437 = tpu.vector_load %arg12[%swap3A_435, %swap3A_436] {strides = array<i32>} : memref<80x128xf32, #tpu.memory_space<vmem>>, vector<1x16xf32>,
            %swap3A_438 = vector.shape_cast %swap3A_437 : vector<1x16xf32> to vector<16xf32>
            %swap3A_439 = vector.shape_cast %mul3A_434 : vector<16xf32> to vector<1x16xf32>
            tpu.vector_store %arg12[%swap3A_435, %swap3A_436], %swap3A_439 {strides = array<i32>} : memref<80x128xf32, #tpu.memory_space<vmem>>, vector<1x16xf32>,
            %get3A_440 = arith.index_cast %add3A_418 : i32 to index
            %get3A_441 = arith.constant 32 : index
            %get3A_442 = tpu.vector_load %arg12[%get3A_440, %get3A_441] {strides = array<i32>} : memref<80x128xf32, #tpu.memory_space<vmem>>, vector<1x16xf32>,
            %get3A_443 = vector.shape_cast %get3A_442 : vector<1x16xf32> to vector<16xf32>
            %mul3A_444 = vector.broadcast %squeeze3A : f32 to vector<16xf32>
            %mul3A_445 = arith.mulf %get3A_443, %mul3A_444 : vector<16xf32>
            %swap3A_446 = arith.index_cast %add3A_418 : i32 to index
            %swap3A_447 = arith.constant 32 : index
            %swap3A_448 = tpu.vector_load %arg12[%swap3A_446, %swap3A_447] {strides = array<i32>} : memref<80x128xf32, #tpu.memory_space<vmem>>, vector<1x16xf32>,
            %swap3A_449 = vector.shape_cast %swap3A_448 : vector<1x16xf32> to vector<16xf32>
            %swap3A_450 = vector.shape_cast %mul3A_445 : vector<16xf32> to vector<1x16xf32>
            tpu.vector_store %arg12[%swap3A_446, %swap3A_447], %swap3A_450 {strides = array<i32>} : memref<80x128xf32, #tpu.memory_space<vmem>>, vector<1x16xf32>,
            %get3A_451 = arith.index_cast %add3A_418 : i32 to index
            %get3A_452 = arith.constant 48 : index
            %get3A_453 = tpu.vector_load %arg12[%get3A_451, %get3A_452] {strides = array<i32>} : memref<80x128xf32, #tpu.memory_space<vmem>>, vector<1x16xf32>,
            %get3A_454 = vector.shape_cast %get3A_453 : vector<1x16xf32> to vector<16xf32>
            %mul3A_455 = vector.broadcast %squeeze3A : f32 to vector<16xf32>
            %mul3A_456 = arith.mulf %get3A_454, %mul3A_455 : vector<16xf32>
            %swap3A_457 = arith.index_cast %add3A_418 : i32 to index
            %swap3A_458 = arith.constant 48 : index
            %swap3A_459 = tpu.vector_load %arg12[%swap3A_457, %swap3A_458] {strides = array<i32>} : memref<80x128xf32, #tpu.memory_space<vmem>>, vector<1x16xf32>,
            %swap3A_460 = vector.shape_cast %swap3A_459 : vector<1x16xf32> to vector<16xf32>
            %swap3A_461 = vector.shape_cast %mul3A_456 : vector<16xf32> to vector<1x16xf32>
            tpu.vector_store %arg12[%swap3A_457, %swap3A_458], %swap3A_461 {strides = array<i32>} : memref<80x128xf32, #tpu.memory_space<vmem>>, vector<1x16xf32>,
            %get3A_462 = arith.index_cast %add3A_418 : i32 to index
            %get3A_463 = arith.constant 64 : index
            %get3A_464 = tpu.vector_load %arg12[%get3A_462, %get3A_463] {strides = array<i32>} : memref<80x128xf32, #tpu.memory_space<vmem>>, vector<1x16xf32>,
            %get3A_465 = vector.shape_cast %get3A_464 : vector<1x16xf32> to vector<16xf32>
            %mul3A_466 = vector.broadcast %squeeze3A : f32 to vector<16xf32>
            %mul3A_467 = arith.mulf %get3A_465, %mul3A_466 : vector<16xf32>
            %swap3A_468 = arith.index_cast %add3A_418 : i32 to index
            %swap3A_469 = arith.constant 64 : index
            %swap3A_470 = tpu.vector_load %arg12[%swap3A_468, %swap3A_469] {strides = array<i32>} : memref<80x128xf32, #tpu.memory_space<vmem>>, vector<1x16xf32>,
            %swap3A_471 = vector.shape_cast %swap3A_470 : vector<1x16xf32> to vector<16xf32>
            %swap3A_472 = vector.shape_cast %mul3A_467 : vector<16xf32> to vector<1x16xf32>
            tpu.vector_store %arg12[%swap3A_468, %swap3A_469], %swap3A_472 {strides = array<i32>} : memref<80x128xf32, #tpu.memory_space<vmem>>, vector<1x16xf32>,
            %get3A_473 = arith.index_cast %add3A_418 : i32 to index
            %get3A_474 = arith.constant 80 : index
            %get3A_475 = tpu.vector_load %arg12[%get3A_473, %get3A_474] {strides = array<i32>} : memref<80x128xf32, #tpu.memory_space<vmem>>, vector<1x16xf32>,
            %get3A_476 = vector.shape_cast %get3A_475 : vector<1x16xf32> to vector<16xf32>
            %mul3A_477 = vector.broadcast %squeeze3A : f32 to vector<16xf32>
            %mul3A_478 = arith.mulf %get3A_476, %mul3A_477 : vector<16xf32>
            %swap3A_479 = arith.index_cast %add3A_418 : i32 to index
            %swap3A_480 = arith.constant 80 : index
            %swap3A_481 = tpu.vector_load %arg12[%swap3A_479, %swap3A_480] {strides = array<i32>} : memref<80x128xf32, #tpu.memory_space<vmem>>, vector<1x16xf32>,
            %swap3A_482 = vector.shape_cast %swap3A_481 : vector<1x16xf32> to vector<16xf32>
            %swap3A_483 = vector.shape_cast %mul3A_478 : vector<16xf32> to vector<1x16xf32>
            tpu.vector_store %arg12[%swap3A_479, %swap3A_480], %swap3A_483 {strides = array<i32>} : memref<80x128xf32, #tpu.memory_space<vmem>>, vector<1x16xf32>,
            %get3A_484 = arith.index_cast %add3A_418 : i32 to index
            %get3A_485 = arith.constant 96 : index
            %get3A_486 = tpu.vector_load %arg12[%get3A_484, %get3A_485] {strides = array<i32>} : memref<80x128xf32, #tpu.memory_space<vmem>>, vector<1x16xf32>,
            %get3A_487 = vector.shape_cast %get3A_486 : vector<1x16xf32> to vector<16xf32>
            %mul3A_488 = vector.broadcast %squeeze3A : f32 to vector<16xf32>
            %mul3A_489 = arith.mulf %get3A_487, %mul3A_488 : vector<16xf32>
            %swap3A_490 = arith.index_cast %add3A_418 : i32 to index
            %swap3A_491 = arith.constant 96 : index
            %swap3A_492 = tpu.vector_load %arg12[%swap3A_490, %swap3A_491] {strides = array<i32>} : memref<80x128xf32, #tpu.memory_space<vmem>>, vector<1x16xf32>,
            %swap3A_493 = vector.shape_cast %swap3A_492 : vector<1x16xf32> to vector<16xf32>
            %swap3A_494 = vector.shape_cast %mul3A_489 : vector<16xf32> to vector<1x16xf32>
            tpu.vector_store %arg12[%swap3A_490, %swap3A_491], %swap3A_494 {strides = array<i32>} : memref<80x128xf32, #tpu.memory_space<vmem>>, vector<1x16xf32>,
            %get3A_495 = arith.index_cast %add3A_418 : i32 to index
            %get3A_496 = arith.constant 112 : index
            %get3A_497 = tpu.vector_load %arg12[%get3A_495, %get3A_496] {strides = array<i32>} : memref<80x128xf32, #tpu.memory_space<vmem>>, vector<1x16xf32>,
            %get3A_498 = vector.shape_cast %get3A_497 : vector<1x16xf32> to vector<16xf32>
            %mul3A_499 = vector.broadcast %squeeze3A : f32 to vector<16xf32>
            %mul3A_500 = arith.mulf %get3A_498, %mul3A_499 : vector<16xf32>
            %swap3A_501 = arith.index_cast %add3A_418 : i32 to index
            %swap3A_502 = arith.constant 112 : index
            %swap3A_503 = tpu.vector_load %arg12[%swap3A_501, %swap3A_502] {strides = array<i32>} : memref<80x128xf32, #tpu.memory_space<vmem>>, vector<1x16xf32>,
            %swap3A_504 = vector.shape_cast %swap3A_503 : vector<1x16xf32> to vector<16xf32>
            %swap3A_505 = vector.shape_cast %mul3A_500 : vector<16xf32> to vector<1x16xf32>
            tpu.vector_store %arg12[%swap3A_501, %swap3A_502], %swap3A_505 {strides = array<i32>} : memref<80x128xf32, #tpu.memory_space<vmem>>, vector<1x16xf32>,
            %slice3A_506 = vector.extract_strided_slice %get3A_414 {offsets = [1], sizes = [1], strides = [1]} : vector<16xf32> to vector<1xf32>
            %squeeze3A_507 = vector.extract %slice3A_506[0] : f32 from vector<1xf32>
            %mul3A_508 = arith.constant 16 : i32
            %mul3A_509 = arith.muli %scan3A_409, %mul3A_508 : i32
            %add3A_510 = arith.constant 1 : i32
            %add3A_511 = arith.addi %mul3A_509, %add3A_510 : i32
            %get3A_512 = arith.index_cast %add3A_511 : i32 to index
            %get3A_513 = arith.constant 0 : index
            %get3A_514 = tpu.vector_load %arg12[%get3A_512, %get3A_513] {strides = array<i32>} : memref<80x128xf32, #tpu.memory_space<vmem>>, vector<1x16xf32>,
            %get3A_515 = vector.shape_cast %get3A_514 : vector<1x16xf32> to vector<16xf32>
            %mul3A_516 = vector.broadcast %squeeze3A_507 : f32 to vector<16xf32>
            %mul3A_517 = arith.mulf %get3A_515, %mul3A_516 : vector<16xf32>
            %swap3A_518 = arith.index_cast %add3A_511 : i32 to index
            %swap3A_519 = arith.constant 0 : index
            %swap3A_520 = tpu.vector_load %arg12[%swap3A_518, %swap3A_519] {strides = array<i32>} : memref<80x128xf32, #tpu.memory_space<vmem>>, vector<1x16xf32>,
            %swap3A_521 = vector.shape_cast %swap3A_520 : vector<1x16xf32> to vector<16xf32>
            %swap3A_522 = vector.shape_cast %mul3A_517 : vector<16xf32> to vector<1x16xf32>
            tpu.vector_store %arg12[%swap3A_518, %swap3A_519], %swap3A_522 {strides = array<i32>} : memref<80x128xf32, #tpu.memory_space<vmem>>, vector<1x16xf32>,
            %get3A_523 = arith.index_cast %add3A_511 : i32 to index
            %get3A_524 = arith.constant 16 : index
            %get3A_525 = tpu.vector_load %arg12[%get3A_523, %get3A_524] {strides = array<i32>} : memref<80x128xf32, #tpu.memory_space<vmem>>, vector<1x16xf32>,
            %get3A_526 = vector.shape_cast %get3A_525 : vector<1x16xf32> to vector<16xf32>
            %mul3A_527 = vector.broadcast %squeeze3A_507 : f32 to vector<16xf32>
            %mul3A_528 = arith.mulf %get3A_526, %mul3A_527 : vector<16xf32>
            %swap3A_529 = arith.index_cast %add3A_511 : i32 to index
            %swap3A_530 = arith.constant 16 : index
            %swap3A_531 = tpu.vector_load %arg12[%swap3A_529, %swap3A_530] {strides = array<i32>} : memref<80x128xf32, #tpu.memory_space<vmem>>, vector<1x16xf32>,
            %swap3A_532 = vector.shape_cast %swap3A_531 : vector<1x16xf32> to vector<16xf32>
            %swap3A_533 = vector.shape_cast %mul3A_528 : vector<16xf32> to vector<1x16xf32>
            tpu.vector_store %arg12[%swap3A_529, %swap3A_530], %swap3A_533 {strides = array<i32>} : memref<80x128xf32, #tpu.memory_space<vmem>>, vector<1x16xf32>,
            %get3A_534 = arith.index_cast %add3A_511 : i32 to index
            %get3A_535 = arith.constant 32 : index
            %get3A_536 = tpu.vector_load %arg12[%get3A_534, %get3A_535] {strides = array<i32>} : memref<80x128xf32, #tpu.memory_space<vmem>>, vector<1x16xf32>,
            %get3A_537 = vector.shape_cast %get3A_536 : vector<1x16xf32> to vector<16xf32>
            %mul3A_538 = vector.broadcast %squeeze3A_507 : f32 to vector<16xf32>
            %mul3A_539 = arith.mulf %get3A_537, %mul3A_538 : vector<16xf32>
            %swap3A_540 = arith.index_cast %add3A_511 : i32 to index
            %swap3A_541 = arith.constant 32 : index
            %swap3A_542 = tpu.vector_load %arg12[%swap3A_540, %swap3A_541] {strides = array<i32>} : memref<80x128xf32, #tpu.memory_space<vmem>>, vector<1x16xf32>,
            %swap3A_543 = vector.shape_cast %swap3A_542 : vector<1x16xf32> to vector<16xf32>
            %swap3A_544 = vector.shape_cast %mul3A_539 : vector<16xf32> to vector<1x16xf32>
            tpu.vector_store %arg12[%swap3A_540, %swap3A_541], %swap3A_544 {strides = array<i32>} : memref<80x128xf32, #tpu.memory_space<vmem>>, vector<1x16xf32>,
            %get3A_545 = arith.index_cast %add3A_511 : i32 to index
            %get3A_546 = arith.constant 48 : index
            %get3A_547 = tpu.vector_load %arg12[%get3A_545, %get3A_546] {strides = array<i32>} : memref<80x128xf32, #tpu.memory_space<vmem>>, vector<1x16xf32>,
            %get3A_548 = vector.shape_cast %get3A_547 : vector<1x16xf32> to vector<16xf32>
            %mul3A_549 = vector.broadcast %squeeze3A_507 : f32 to vector<16xf32>
            %mul3A_550 = arith.mulf %get3A_548, %mul3A_549 : vector<16xf32>
            %swap3A_551 = arith.index_cast %add3A_511 : i32 to index
            %swap3A_552 = arith.constant 48 : index
            %swap3A_553 = tpu.vector_load %arg12[%swap3A_551, %swap3A_552] {strides = array<i32>} : memref<80x128xf32, #tpu.memory_space<vmem>>, vector<1x16xf32>,
            %swap3A_554 = vector.shape_cast %swap3A_553 : vector<1x16xf32> to vector<16xf32>
            %swap3A_555 = vector.shape_cast %mul3A_550 : vector<16xf32> to vector<1x16xf32>
            tpu.vector_store %arg12[%swap3A_551, %swap3A_552], %swap3A_555 {strides = array<i32>} : memref<80x128xf32, #tpu.memory_space<vmem>>, vector<1x16xf32>,
            %get3A_556 = arith.index_cast %add3A_511 : i32 to index
            %get3A_557 = arith.constant 64 : index
            %get3A_558 = tpu.vector_load %arg12[%get3A_556, %get3A_557] {strides = array<i32>} : memref<80x128xf32, #tpu.memory_space<vmem>>, vector<1x16xf32>,
            %get3A_559 = vector.shape_cast %get3A_558 : vector<1x16xf32> to vector<16xf32>
            %mul3A_560 = vector.broadcast %squeeze3A_507 : f32 to vector<16xf32>
            %mul3A_561 = arith.mulf %get3A_559, %mul3A_560 : vector<16xf32>
            %swap3A_562 = arith.index_cast %add3A_511 : i32 to index
            %swap3A_563 = arith.constant 64 : index
            %swap3A_564 = tpu.vector_load %arg12[%swap3A_562, %swap3A_563] {strides = array<i32>} : memref<80x128xf32, #tpu.memory_space<vmem>>, vector<1x16xf32>,
            %swap3A_565 = vector.shape_cast %swap3A_564 : vector<1x16xf32> to vector<16xf32>
            %swap3A_566 = vector.shape_cast %mul3A_561 : vector<16xf32> to vector<1x16xf32>
            tpu.vector_store %arg12[%swap3A_562, %swap3A_563], %swap3A_566 {strides = array<i32>} : memref<80x128xf32, #tpu.memory_space<vmem>>, vector<1x16xf32>,
            %get3A_567 = arith.index_cast %add3A_511 : i32 to index
            %get3A_568 = arith.constant 80 : index
            %get3A_569 = tpu.vector_load %arg12[%get3A_567, %get3A_568] {strides = array<i32>} : memref<80x128xf32, #tpu.memory_space<vmem>>, vector<1x16xf32>,
            %get3A_570 = vector.shape_cast %get3A_569 : vector<1x16xf32> to vector<16xf32>
            %mul3A_571 = vector.broadcast %squeeze3A_507 : f32 to vector<16xf32>
            %mul3A_572 = arith.mulf %get3A_570, %mul3A_571 : vector<16xf32>
            %swap3A_573 = arith.index_cast %add3A_511 : i32 to index
            %swap3A_574 = arith.constant 80 : index
            %swap3A_575 = tpu.vector_load %arg12[%swap3A_573, %swap3A_574] {strides = array<i32>} : memref<80x128xf32, #tpu.memory_space<vmem>>, vector<1x16xf32>,
            %swap3A_576 = vector.shape_cast %swap3A_575 : vector<1x16xf32> to vector<16xf32>
            %swap3A_577 = vector.shape_cast %mul3A_572 : vector<16xf32> to vector<1x16xf32>
            tpu.vector_store %arg12[%swap3A_573, %swap3A_574], %swap3A_577 {strides = array<i32>} : memref<80x128xf32, #tpu.memory_space<vmem>>, vector<1x16xf32>,
            %get3A_578 = arith.index_cast %add3A_511 : i32 to index
            %get3A_579 = arith.constant 96 : index
            %get3A_580 = tpu.vector_load %arg12[%get3A_578, %get3A_579] {strides = array<i32>} : memref<80x128xf32, #tpu.memory_space<vmem>>, vector<1x16xf32>,
            %get3A_581 = vector.shape_cast %get3A_580 : vector<1x16xf32> to vector<16xf32>
            %mul3A_582 = vector.broadcast %squeeze3A_507 : f32 to vector<16xf32>
            %mul3A_583 = arith.mulf %get3A_581, %mul3A_582 : vector<16xf32>
            %swap3A_584 = arith.index_cast %add3A_511 : i32 to index
            %swap3A_585 = arith.constant 96 : index
            %swap3A_586 = tpu.vector_load %arg12[%swap3A_584, %swap3A_585] {strides = array<i32>} : memref<80x128xf32, #tpu.memory_space<vmem>>, vector<1x16xf32>,
            %swap3A_587 = vector.shape_cast %swap3A_586 : vector<1x16xf32> to vector<16xf32>
            %swap3A_588 = vector.shape_cast %mul3A_583 : vector<16xf32> to vector<1x16xf32>
            tpu.vector_store %arg12[%swap3A_584, %swap3A_585], %swap3A_588 {strides = array<i32>} : memref<80x128xf32, #tpu.memory_space<vmem>>, vector<1x16xf32>,
            %get3A_589 = arith.index_cast %add3A_511 : i32 to index
            %get3A_590 = arith.constant 112 : index
            %get3A_591 = tpu.vector_load %arg12[%get3A_589, %get3A_590] {strides = array<i32>} : memref<80x128xf32, #tpu.memory_space<vmem>>, vector<1x16xf32>,
            %get3A_592 = vector.shape_cast %get3A_591 : vector<1x16xf32> to vector<16xf32>
            %mul3A_593 = vector.broadcast %squeeze3A_507 : f32 to vector<16xf32>
            %mul3A_594 = arith.mulf %get3A_592, %mul3A_593 : vector<16xf32>
            %swap3A_595 = arith.index_cast %add3A_511 : i32 to index
            %swap3A_596 = arith.constant 112 : index
            %swap3A_597 = tpu.vector_load %arg12[%swap3A_595, %swap3A_596] {strides = array<i32>} : memref<80x128xf32, #tpu.memory_space<vmem>>, vector<1x16xf32>,
            %swap3A_598 = vector.shape_cast %swap3A_597 : vector<1x16xf32> to vector<16xf32>
            %swap3A_599 = vector.shape_cast %mul3A_594 : vector<16xf32> to vector<1x16xf32>
            tpu.vector_store %arg12[%swap3A_595, %swap3A_596], %swap3A_599 {strides = array<i32>} : memref<80x128xf32, #tpu.memory_space<vmem>>, vector<1x16xf32>,
            %slice3A_600 = vector.extract_strided_slice %get3A_414 {offsets = [2], sizes = [1], strides = [1]} : vector<16xf32> to vector<1xf32>
            %squeeze3A_601 = vector.extract %slice3A_600[0] : f32 from vector<1xf32>
            %mul3A_602 = arith.constant 16 : i32
            %mul3A_603 = arith.muli %scan3A_409, %mul3A_602 : i32
            %add3A_604 = arith.constant 2 : i32
            %add3A_605 = arith.addi %mul3A_603, %add3A_604 : i32
            %get3A_606 = arith.index_cast %add3A_605 : i32 to index
            %get3A_607 = arith.constant 0 : index
            %get3A_608 = tpu.vector_load %arg12[%get3A_606, %get3A_607] {strides = array<i32>} : memref<80x128xf32, #tpu.memory_space<vmem>>, vector<1x16xf32>,
            %get3A_609 = vector.shape_cast %get3A_608 : vector<1x16xf32> to vector<16xf32>
            %mul3A_610 = vector.broadcast %squeeze3A_601 : f32 to vector<16xf32>
            %mul3A_611 = arith.mulf %get3A_609, %mul3A_610 : vector<16xf32>
            %swap3A_612 = arith.index_cast %add3A_605 : i32 to index
            %swap3A_613 = arith.constant 0 : index
            %swap3A_614 = tpu.vector_load %arg12[%swap3A_612, %swap3A_613] {strides = array<i32>} : memref<80x128xf32, #tpu.memory_space<vmem>>, vector<1x16xf32>,
            %swap3A_615 = vector.shape_cast %swap3A_614 : vector<1x16xf32> to vector<16xf32>
            %swap3A_616 = vector.shape_cast %mul3A_611 : vector<16xf32> to vector<1x16xf32>
            tpu.vector_store %arg12[%swap3A_612, %swap3A_613], %swap3A_616 {strides = array<i32>} : memref<80x128xf32, #tpu.memory_space<vmem>>, vector<1x16xf32>,
            %get3A_617 = arith.index_cast %add3A_605 : i32 to index
            %get3A_618 = arith.constant 16 : index
            %get3A_619 = tpu.vector_load %arg12[%get3A_617, %get3A_618] {strides = array<i32>} : memref<80x128xf32, #tpu.memory_space<vmem>>, vector<1x16xf32>,
            %get3A_620 = vector.shape_cast %get3A_619 : vector<1x16xf32> to vector<16xf32>
            %mul3A_621 = vector.broadcast %squeeze3A_601 : f32 to vector<16xf32>
            %mul3A_622 = arith.mulf %get3A_620, %mul3A_621 : vector<16xf32>
            %swap3A_623 = arith.index_cast %add3A_605 : i32 to index
            %swap3A_624 = arith.constant 16 : index
            %swap3A_625 = tpu.vector_load %arg12[%swap3A_623, %swap3A_624] {strides = array<i32>} : memref<80x128xf32, #tpu.memory_space<vmem>>, vector<1x16xf32>,
            %swap3A_626 = vector.shape_cast %swap3A_625 : vector<1x16xf32> to vector<16xf32>
            %swap3A_627 = vector.shape_cast %mul3A_622 : vector<16xf32> to vector<1x16xf32>
            tpu.vector_store %arg12[%swap3A_623, %swap3A_624], %swap3A_627 {strides = array<i32>} : memref<80x128xf32, #tpu.memory_space<vmem>>, vector<1x16xf32>,
            %get3A_628 = arith.index_cast %add3A_605 : i32 to index
            %get3A_629 = arith.constant 32 : index
            %get3A_630 = tpu.vector_load %arg12[%get3A_628, %get3A_629] {strides = array<i32>} : memref<80x128xf32, #tpu.memory_space<vmem>>, vector<1x16xf32>,
            %get3A_631 = vector.shape_cast %get3A_630 : vector<1x16xf32> to vector<16xf32>
            %mul3A_632 = vector.broadcast %squeeze3A_601 : f32 to vector<16xf32>
            %mul3A_633 = arith.mulf %get3A_631, %mul3A_632 : vector<16xf32>
            %swap3A_634 = arith.index_cast %add3A_605 : i32 to index
            %swap3A_635 = arith.constant 32 : index
            %swap3A_636 = tpu.vector_load %arg12[%swap3A_634, %swap3A_635] {strides = array<i32>} : memref<80x128xf32, #tpu.memory_space<vmem>>, vector<1x16xf32>,
            %swap3A_637 = vector.shape_cast %swap3A_636 : vector<1x16xf32> to vector<16xf32>
            %swap3A_638 = vector.shape_cast %mul3A_633 : vector<16xf32> to vector<1x16xf32>
            tpu.vector_store %arg12[%swap3A_634, %swap3A_635], %swap3A_638 {strides = array<i32>} : memref<80x128xf32, #tpu.memory_space<vmem>>, vector<1x16xf32>,
            %get3A_639 = arith.index_cast %add3A_605 : i32 to index
            %get3A_640 = arith.constant 48 : index
            %get3A_641 = tpu.vector_load %arg12[%get3A_639, %get3A_640] {strides = array<i32>} : memref<80x128xf32, #tpu.memory_space<vmem>>, vector<1x16xf32>,
            %get3A_642 = vector.shape_cast %get3A_641 : vector<1x16xf32> to vector<16xf32>
            %mul3A_643 = vector.broadcast %squeeze3A_601 : f32 to vector<16xf32>
            %mul3A_644 = arith.mulf %get3A_642, %mul3A_643 : vector<16xf32>
            %swap3A_645 = arith.index_cast %add3A_605 : i32 to index
            %swap3A_646 = arith.constant 48 : index
            %swap3A_647 = tpu.vector_load %arg12[%swap3A_645, %swap3A_646] {strides = array<i32>} : memref<80x128xf32, #tpu.memory_space<vmem>>, vector<1x16xf32>,
            %swap3A_648 = vector.shape_cast %swap3A_647 : vector<1x16xf32> to vector<16xf32>
            %swap3A_649 = vector.shape_cast %mul3A_644 : vector<16xf32> to vector<1x16xf32>
            tpu.vector_store %arg12[%swap3A_645, %swap3A_646], %swap3A_649 {strides = array<i32>} : memref<80x128xf32, #tpu.memory_space<vmem>>, vector<1x16xf32>,
            %get3A_650 = arith.index_cast %add3A_605 : i32 to index
            %get3A_651 = arith.constant 64 : index
            %get3A_652 = tpu.vector_load %arg12[%get3A_650, %get3A_651] {strides = array<i32>} : memref<80x128xf32, #tpu.memory_space<vmem>>, vector<1x16xf32>,
            %get3A_653 = vector.shape_cast %get3A_652 : vector<1x16xf32> to vector<16xf32>
            %mul3A_654 = vector.broadcast %squeeze3A_601 : f32 to vector<16xf32>
            %mul3A_655 = arith.mulf %get3A_653, %mul3A_654 : vector<16xf32>
            %swap3A_656 = arith.index_cast %add3A_605 : i32 to index
            %swap3A_657 = arith.constant 64 : index
            %swap3A_658 = tpu.vector_load %arg12[%swap3A_656, %swap3A_657] {strides = array<i32>} : memref<80x128xf32, #tpu.memory_space<vmem>>, vector<1x16xf32>,
            %swap3A_659 = vector.shape_cast %swap3A_658 : vector<1x16xf32> to vector<16xf32>
            %swap3A_660 = vector.shape_cast %mul3A_655 : vector<16xf32> to vector<1x16xf32>
            tpu.vector_store %arg12[%swap3A_656, %swap3A_657], %swap3A_660 {strides = array<i32>} : memref<80x128xf32, #tpu.memory_space<vmem>>, vector<1x16xf32>,
            %get3A_661 = arith.index_cast %add3A_605 : i32 to index
            %get3A_662 = arith.constant 80 : index
            %get3A_663 = tpu.vector_load %arg12[%get3A_661, %get3A_662] {strides = array<i32>} : memref<80x128xf32, #tpu.memory_space<vmem>>, vector<1x16xf32>,
            %get3A_664 = vector.shape_cast %get3A_663 : vector<1x16xf32> to vector<16xf32>
            %mul3A_665 = vector.broadcast %squeeze3A_601 : f32 to vector<16xf32>
            %mul3A_666 = arith.mulf %get3A_664, %mul3A_665 : vector<16xf32>
            %swap3A_667 = arith.index_cast %add3A_605 : i32 to index
            %swap3A_668 = arith.constant 80 : index
            %swap3A_669 = tpu.vector_load %arg12[%swap3A_667, %swap3A_668] {strides = array<i32>} : memref<80x128xf32, #tpu.memory_space<vmem>>, vector<1x16xf32>,
            %swap3A_670 = vector.shape_cast %swap3A_669 : vector<1x16xf32> to vector<16xf32>
            %swap3A_671 = vector.shape_cast %mul3A_666 : vector<16xf32> to vector<1x16xf32>
            tpu.vector_store %arg12[%swap3A_667, %swap3A_668], %swap3A_671 {strides = array<i32>} : memref<80x128xf32, #tpu.memory_space<vmem>>, vector<1x16xf32>,
            %get3A_672 = arith.index_cast %add3A_605 : i32 to index
            %get3A_673 = arith.constant 96 : index
            %get3A_674 = tpu.vector_load %arg12[%get3A_672, %get3A_673] {strides = array<i32>} : memref<80x128xf32, #tpu.memory_space<vmem>>, vector<1x16xf32>,
            %get3A_675 = vector.shape_cast %get3A_674 : vector<1x16xf32> to vector<16xf32>
            %mul3A_676 = vector.broadcast %squeeze3A_601 : f32 to vector<16xf32>
            %mul3A_677 = arith.mulf %get3A_675, %mul3A_676 : vector<16xf32>
            %swap3A_678 = arith.index_cast %add3A_605 : i32 to index
            %swap3A_679 = arith.constant 96 : index
            %swap3A_680 = tpu.vector_load %arg12[%swap3A_678, %swap3A_679] {strides = array<i32>} : memref<80x128xf32, #tpu.memory_space<vmem>>, vector<1x16xf32>,
            %swap3A_681 = vector.shape_cast %swap3A_680 : vector<1x16xf32> to vector<16xf32>
            %swap3A_682 = vector.shape_cast %mul3A_677 : vector<16xf32> to vector<1x16xf32>
            tpu.vector_store %arg12[%swap3A_678, %swap3A_679], %swap3A_682 {strides = array<i32>} : memref<80x128xf32, #tpu.memory_space<vmem>>, vector<1x16xf32>,
            %get3A_683 = arith.index_cast %add3A_605 : i32 to index
            %get3A_684 = arith.constant 112 : index
            %get3A_685 = tpu.vector_load %arg12[%get3A_683, %get3A_684] {strides = array<i32>} : memref<80x128xf32, #tpu.memory_space<vmem>>, vector<1x16xf32>,
            %get3A_686 = vector.shape_cast %get3A_685 : vector<1x16xf32> to vector<16xf32>
            %mul3A_687 = vector.broadcast %squeeze3A_601 : f32 to vector<16xf32>
            %mul3A_688 = arith.mulf %get3A_686, %mul3A_687 : vector<16xf32>
            %swap3A_689 = arith.index_cast %add3A_605 : i32 to index
            %swap3A_690 = arith.constant 112 : index
            %swap3A_691 = tpu.vector_load %arg12[%swap3A_689, %swap3A_690] {strides = array<i32>} : memref<80x128xf32, #tpu.memory_space<vmem>>, vector<1x16xf32>,
            %swap3A_692 = vector.shape_cast %swap3A_691 : vector<1x16xf32> to vector<16xf32>
            %swap3A_693 = vector.shape_cast %mul3A_688 : vector<16xf32> to vector<1x16xf32>
            tpu.vector_store %arg12[%swap3A_689, %swap3A_690], %swap3A_693 {strides = array<i32>} : memref<80x128xf32, #tpu.memory_space<vmem>>, vector<1x16xf32>,
            %slice3A_694 = vector.extract_strided_slice %get3A_414 {offsets = [3], sizes = [1], strides = [1]} : vector<16xf32> to vector<1xf32>
            %squeeze3A_695 = vector.extract %slice3A_694[0] : f32 from vector<1xf32>
            %mul3A_696 = arith.constant 16 : i32
            %mul3A_697 = arith.muli %scan3A_409, %mul3A_696 : i32
            %add3A_698 = arith.constant 3 : i32
            %add3A_699 = arith.addi %mul3A_697, %add3A_698 : i32
            %get3A_700 = arith.index_cast %add3A_699 : i32 to index
            %get3A_701 = arith.constant 0 : index
            %get3A_702 = tpu.vector_load %arg12[%get3A_700, %get3A_701] {strides = array<i32>} : memref<80x128xf32, #tpu.memory_space<vmem>>, vector<1x16xf32>,
            %get3A_703 = vector.shape_cast %get3A_702 : vector<1x16xf32> to vector<16xf32>
            %mul3A_704 = vector.broadcast %squeeze3A_695 : f32 to vector<16xf32>
            %mul3A_705 = arith.mulf %get3A_703, %mul3A_704 : vector<16xf32>
            %swap3A_706 = arith.index_cast %add3A_699 : i32 to index
            %swap3A_707 = arith.constant 0 : index
            %swap3A_708 = tpu.vector_load %arg12[%swap3A_706, %swap3A_707] {strides = array<i32>} : memref<80x128xf32, #tpu.memory_space<vmem>>, vector<1x16xf32>,
            %swap3A_709 = vector.shape_cast %swap3A_708 : vector<1x16xf32> to vector<16xf32>
            %swap3A_710 = vector.shape_cast %mul3A_705 : vector<16xf32> to vector<1x16xf32>
            tpu.vector_store %arg12[%swap3A_706, %swap3A_707], %swap3A_710 {strides = array<i32>} : memref<80x128xf32, #tpu.memory_space<vmem>>, vector<1x16xf32>,
            %get3A_711 = arith.index_cast %add3A_699 : i32 to index
            %get3A_712 = arith.constant 16 : index
            %get3A_713 = tpu.vector_load %arg12[%get3A_711, %get3A_712] {strides = array<i32>} : memref<80x128xf32, #tpu.memory_space<vmem>>, vector<1x16xf32>,
            %get3A_714 = vector.shape_cast %get3A_713 : vector<1x16xf32> to vector<16xf32>
            %mul3A_715 = vector.broadcast %squeeze3A_695 : f32 to vector<16xf32>
            %mul3A_716 = arith.mulf %get3A_714, %mul3A_715 : vector<16xf32>
            %swap3A_717 = arith.index_cast %add3A_699 : i32 to index
            %swap3A_718 = arith.constant 16 : index
            %swap3A_719 = tpu.vector_load %arg12[%swap3A_717, %swap3A_718] {strides = array<i32>} : memref<80x128xf32, #tpu.memory_space<vmem>>, vector<1x16xf32>,
            %swap3A_720 = vector.shape_cast %swap3A_719 : vector<1x16xf32> to vector<16xf32>
            %swap3A_721 = vector.shape_cast %mul3A_716 : vector<16xf32> to vector<1x16xf32>
            tpu.vector_store %arg12[%swap3A_717, %swap3A_718], %swap3A_721 {strides = array<i32>} : memref<80x128xf32, #tpu.memory_space<vmem>>, vector<1x16xf32>,
            %get3A_722 = arith.index_cast %add3A_699 : i32 to index
            %get3A_723 = arith.constant 32 : index
            %get3A_724 = tpu.vector_load %arg12[%get3A_722, %get3A_723] {strides = array<i32>} : memref<80x128xf32, #tpu.memory_space<vmem>>, vector<1x16xf32>,
            %get3A_725 = vector.shape_cast %get3A_724 : vector<1x16xf32> to vector<16xf32>
            %mul3A_726 = vector.broadcast %squeeze3A_695 : f32 to vector<16xf32>
            %mul3A_727 = arith.mulf %get3A_725, %mul3A_726 : vector<16xf32>
            %swap3A_728 = arith.index_cast %add3A_699 : i32 to index
            %swap3A_729 = arith.constant 32 : index
            %swap3A_730 = tpu.vector_load %arg12[%swap3A_728, %swap3A_729] {strides = array<i32>} : memref<80x128xf32, #tpu.memory_space<vmem>>, vector<1x16xf32>,
            %swap3A_731 = vector.shape_cast %swap3A_730 : vector<1x16xf32> to vector<16xf32>
            %swap3A_732 = vector.shape_cast %mul3A_727 : vector<16xf32> to vector<1x16xf32>
            tpu.vector_store %arg12[%swap3A_728, %swap3A_729], %swap3A_732 {strides = array<i32>} : memref<80x128xf32, #tpu.memory_space<vmem>>, vector<1x16xf32>,
            %get3A_733 = arith.index_cast %add3A_699 : i32 to index
            %get3A_734 = arith.constant 48 : index
            %get3A_735 = tpu.vector_load %arg12[%get3A_733, %get3A_734] {strides = array<i32>} : memref<80x128xf32, #tpu.memory_space<vmem>>, vector<1x16xf32>,
            %get3A_736 = vector.shape_cast %get3A_735 : vector<1x16xf32> to vector<16xf32>
            %mul3A_737 = vector.broadcast %squeeze3A_695 : f32 to vector<16xf32>
            %mul3A_738 = arith.mulf %get3A_736, %mul3A_737 : vector<16xf32>
            %swap3A_739 = arith.index_cast %add3A_699 : i32 to index
            %swap3A_740 = arith.constant 48 : index
            %swap3A_741 = tpu.vector_load %arg12[%swap3A_739, %swap3A_740] {strides = array<i32>} : memref<80x128xf32, #tpu.memory_space<vmem>>, vector<1x16xf32>,
            %swap3A_742 = vector.shape_cast %swap3A_741 : vector<1x16xf32> to vector<16xf32>
            %swap3A_743 = vector.shape_cast %mul3A_738 : vector<16xf32> to vector<1x16xf32>
            tpu.vector_store %arg12[%swap3A_739, %swap3A_740], %swap3A_743 {strides = array<i32>} : memref<80x128xf32, #tpu.memory_space<vmem>>, vector<1x16xf32>,
            %get3A_744 = arith.index_cast %add3A_699 : i32 to index
            %get3A_745 = arith.constant 64 : index
            %get3A_746 = tpu.vector_load %arg12[%get3A_744, %get3A_745] {strides = array<i32>} : memref<80x128xf32, #tpu.memory_space<vmem>>, vector<1x16xf32>,
            %get3A_747 = vector.shape_cast %get3A_746 : vector<1x16xf32> to vector<16xf32>
            %mul3A_748 = vector.broadcast %squeeze3A_695 : f32 to vector<16xf32>
            %mul3A_749 = arith.mulf %get3A_747, %mul3A_748 : vector<16xf32>
            %swap3A_750 = arith.index_cast %add3A_699 : i32 to index
            %swap3A_751 = arith.constant 64 : index
            %swap3A_752 = tpu.vector_load %arg12[%swap3A_750, %swap3A_751] {strides = array<i32>} : memref<80x128xf32, #tpu.memory_space<vmem>>, vector<1x16xf32>,
            %swap3A_753 = vector.shape_cast %swap3A_752 : vector<1x16xf32> to vector<16xf32>
            %swap3A_754 = vector.shape_cast %mul3A_749 : vector<16xf32> to vector<1x16xf32>
            tpu.vector_store %arg12[%swap3A_750, %swap3A_751], %swap3A_754 {strides = array<i32>} : memref<80x128xf32, #tpu.memory_space<vmem>>, vector<1x16xf32>,
            %get3A_755 = arith.index_cast %add3A_699 : i32 to index
            %get3A_756 = arith.constant 80 : index
            %get3A_757 = tpu.vector_load %arg12[%get3A_755, %get3A_756] {strides = array<i32>} : memref<80x128xf32, #tpu.memory_space<vmem>>, vector<1x16xf32>,
            %get3A_758 = vector.shape_cast %get3A_757 : vector<1x16xf32> to vector<16xf32>
            %mul3A_759 = vector.broadcast %squeeze3A_695 : f32 to vector<16xf32>
            %mul3A_760 = arith.mulf %get3A_758, %mul3A_759 : vector<16xf32>
            %swap3A_761 = arith.index_cast %add3A_699 : i32 to index
            %swap3A_762 = arith.constant 80 : index
            %swap3A_763 = tpu.vector_load %arg12[%swap3A_761, %swap3A_762] {strides = array<i32>} : memref<80x128xf32, #tpu.memory_space<vmem>>, vector<1x16xf32>,
            %swap3A_764 = vector.shape_cast %swap3A_763 : vector<1x16xf32> to vector<16xf32>
            %swap3A_765 = vector.shape_cast %mul3A_760 : vector<16xf32> to vector<1x16xf32>
            tpu.vector_store %arg12[%swap3A_761, %swap3A_762], %swap3A_765 {strides = array<i32>} : memref<80x128xf32, #tpu.memory_space<vmem>>, vector<1x16xf32>,
            %get3A_766 = arith.index_cast %add3A_699 : i32 to index
            %get3A_767 = arith.constant 96 : index
            %get3A_768 = tpu.vector_load %arg12[%get3A_766, %get3A_767] {strides = array<i32>} : memref<80x128xf32, #tpu.memory_space<vmem>>, vector<1x16xf32>,
            %get3A_769 = vector.shape_cast %get3A_768 : vector<1x16xf32> to vector<16xf32>
            %mul3A_770 = vector.broadcast %squeeze3A_695 : f32 to vector<16xf32>
            %mul3A_771 = arith.mulf %get3A_769, %mul3A_770 : vector<16xf32>
            %swap3A_772 = arith.index_cast %add3A_699 : i32 to index
            %swap3A_773 = arith.constant 96 : index
            %swap3A_774 = tpu.vector_load %arg12[%swap3A_772, %swap3A_773] {strides = array<i32>} : memref<80x128xf32, #tpu.memory_space<vmem>>, vector<1x16xf32>,
            %swap3A_775 = vector.shape_cast %swap3A_774 : vector<1x16xf32> to vector<16xf32>
            %swap3A_776 = vector.shape_cast %mul3A_771 : vector<16xf32> to vector<1x16xf32>
            tpu.vector_store %arg12[%swap3A_772, %swap3A_773], %swap3A_776 {strides = array<i32>} : memref<80x128xf32, #tpu.memory_space<vmem>>, vector<1x16xf32>,
            %get3A_777 = arith.index_cast %add3A_699 : i32 to index
            %get3A_778 = arith.constant 112 : index
            %get3A_779 = tpu.vector_load %arg12[%get3A_777, %get3A_778] {strides = array<i32>} : memref<80x128xf32, #tpu.memory_space<vmem>>, vector<1x16xf32>,
            %get3A_780 = vector.shape_cast %get3A_779 : vector<1x16xf32> to vector<16xf32>
            %mul3A_781 = vector.broadcast %squeeze3A_695 : f32 to vector<16xf32>
            %mul3A_782 = arith.mulf %get3A_780, %mul3A_781 : vector<16xf32>
            %swap3A_783 = arith.index_cast %add3A_699 : i32 to index
            %swap3A_784 = arith.constant 112 : index
            %swap3A_785 = tpu.vector_load %arg12[%swap3A_783, %swap3A_784] {strides = array<i32>} : memref<80x128xf32, #tpu.memory_space<vmem>>, vector<1x16xf32>,
            %swap3A_786 = vector.shape_cast %swap3A_785 : vector<1x16xf32> to vector<16xf32>
            %swap3A_787 = vector.shape_cast %mul3A_782 : vector<16xf32> to vector<1x16xf32>
            tpu.vector_store %arg12[%swap3A_783, %swap3A_784], %swap3A_787 {strides = array<i32>} : memref<80x128xf32, #tpu.memory_space<vmem>>, vector<1x16xf32>,
            %slice3A_788 = vector.extract_strided_slice %get3A_414 {offsets = [4], sizes = [1], strides = [1]} : vector<16xf32> to vector<1xf32>
            %squeeze3A_789 = vector.extract %slice3A_788[0] : f32 from vector<1xf32>
            %mul3A_790 = arith.constant 16 : i32
            %mul3A_791 = arith.muli %scan3A_409, %mul3A_790 : i32
            %add3A_792 = arith.constant 4 : i32
            %add3A_793 = arith.addi %mul3A_791, %add3A_792 : i32
            %get3A_794 = arith.index_cast %add3A_793 : i32 to index
            %get3A_795 = arith.constant 0 : index
            %get3A_796 = tpu.vector_load %arg12[%get3A_794, %get3A_795] {strides = array<i32>} : memref<80x128xf32, #tpu.memory_space<vmem>>, vector<1x16xf32>,
            %get3A_797 = vector.shape_cast %get3A_796 : vector<1x16xf32> to vector<16xf32>
            %mul3A_798 = vector.broadcast %squeeze3A_789 : f32 to vector<16xf32>
            %mul3A_799 = arith.mulf %get3A_797, %mul3A_798 : vector<16xf32>
            %swap3A_800 = arith.index_cast %add3A_793 : i32 to index
            %swap3A_801 = arith.constant 0 : index
            %swap3A_802 = tpu.vector_load %arg12[%swap3A_800, %swap3A_801] {strides = array<i32>} : memref<80x128xf32, #tpu.memory_space<vmem>>, vector<1x16xf32>,
            %swap3A_803 = vector.shape_cast %swap3A_802 : vector<1x16xf32> to vector<16xf32>
            %swap3A_804 = vector.shape_cast %mul3A_799 : vector<16xf32> to vector<1x16xf32>
            tpu.vector_store %arg12[%swap3A_800, %swap3A_801], %swap3A_804 {strides = array<i32>} : memref<80x128xf32, #tpu.memory_space<vmem>>, vector<1x16xf32>,
            %get3A_805 = arith.index_cast %add3A_793 : i32 to index
            %get3A_806 = arith.constant 16 : index
            %get3A_807 = tpu.vector_load %arg12[%get3A_805, %get3A_806] {strides = array<i32>} : memref<80x128xf32, #tpu.memory_space<vmem>>, vector<1x16xf32>,
            %get3A_808 = vector.shape_cast %get3A_807 : vector<1x16xf32> to vector<16xf32>
            %mul3A_809 = vector.broadcast %squeeze3A_789 : f32 to vector<16xf32>
            %mul3A_810 = arith.mulf %get3A_808, %mul3A_809 : vector<16xf32>
            %swap3A_811 = arith.index_cast %add3A_793 : i32 to index
            %swap3A_812 = arith.constant 16 : index
            %swap3A_813 = tpu.vector_load %arg12[%swap3A_811, %swap3A_812] {strides = array<i32>} : memref<80x128xf32, #tpu.memory_space<vmem>>, vector<1x16xf32>,
            %swap3A_814 = vector.shape_cast %swap3A_813 : vector<1x16xf32> to vector<16xf32>
            %swap3A_815 = vector.shape_cast %mul3A_810 : vector<16xf32> to vector<1x16xf32>
            tpu.vector_store %arg12[%swap3A_811, %swap3A_812], %swap3A_815 {strides = array<i32>} : memref<80x128xf32, #tpu.memory_space<vmem>>, vector<1x16xf32>,
            %get3A_816 = arith.index_cast %add3A_793 : i32 to index
            %get3A_817 = arith.constant 32 : index
            %get3A_818 = tpu.vector_load %arg12[%get3A_816, %get3A_817] {strides = array<i32>} : memref<80x128xf32, #tpu.memory_space<vmem>>, vector<1x16xf32>,
            %get3A_819 = vector.shape_cast %get3A_818 : vector<1x16xf32> to vector<16xf32>
            %mul3A_820 = vector.broadcast %squeeze3A_789 : f32 to vector<16xf32>
            %mul3A_821 = arith.mulf %get3A_819, %mul3A_820 : vector<16xf32>
            %swap3A_822 = arith.index_cast %add3A_793 : i32 to index
            %swap3A_823 = arith.constant 32 : index
            %swap3A_824 = tpu.vector_load %arg12[%swap3A_822, %swap3A_823] {strides = array<i32>} : memref<80x128xf32, #tpu.memory_space<vmem>>, vector<1x16xf32>,
            %swap3A_825 = vector.shape_cast %swap3A_824 : vector<1x16xf32> to vector<16xf32>
            %swap3A_826 = vector.shape_cast %mul3A_821 : vector<16xf32> to vector<1x16xf32>
            tpu.vector_store %arg12[%swap3A_822, %swap3A_823], %swap3A_826 {strides = array<i32>} : memref<80x128xf32, #tpu.memory_space<vmem>>, vector<1x16xf32>,
            %get3A_827 = arith.index_cast %add3A_793 : i32 to index
            %get3A_828 = arith.constant 48 : index
            %get3A_829 = tpu.vector_load %arg12[%get3A_827, %get3A_828] {strides = array<i32>} : memref<80x128xf32, #tpu.memory_space<vmem>>, vector<1x16xf32>,
            %get3A_830 = vector.shape_cast %get3A_829 : vector<1x16xf32> to vector<16xf32>
            %mul3A_831 = vector.broadcast %squeeze3A_789 : f32 to vector<16xf32>
            %mul3A_832 = arith.mulf %get3A_830, %mul3A_831 : vector<16xf32>
            %swap3A_833 = arith.index_cast %add3A_793 : i32 to index
            %swap3A_834 = arith.constant 48 : index
            %swap3A_835 = tpu.vector_load %arg12[%swap3A_833, %swap3A_834] {strides = array<i32>} : memref<80x128xf32, #tpu.memory_space<vmem>>, vector<1x16xf32>,
            %swap3A_836 = vector.shape_cast %swap3A_835 : vector<1x16xf32> to vector<16xf32>
            %swap3A_837 = vector.shape_cast %mul3A_832 : vector<16xf32> to vector<1x16xf32>
            tpu.vector_store %arg12[%swap3A_833, %swap3A_834], %swap3A_837 {strides = array<i32>} : memref<80x128xf32, #tpu.memory_space<vmem>>, vector<1x16xf32>,
            %get3A_838 = arith.index_cast %add3A_793 : i32 to index
            %get3A_839 = arith.constant 64 : index
            %get3A_840 = tpu.vector_load %arg12[%get3A_838, %get3A_839] {strides = array<i32>} : memref<80x128xf32, #tpu.memory_space<vmem>>, vector<1x16xf32>,
            %get3A_841 = vector.shape_cast %get3A_840 : vector<1x16xf32> to vector<16xf32>
            %mul3A_842 = vector.broadcast %squeeze3A_789 : f32 to vector<16xf32>
            %mul3A_843 = arith.mulf %get3A_841, %mul3A_842 : vector<16xf32>
            %swap3A_844 = arith.index_cast %add3A_793 : i32 to index
            %swap3A_845 = arith.constant 64 : index
            %swap3A_846 = tpu.vector_load %arg12[%swap3A_844, %swap3A_845] {strides = array<i32>} : memref<80x128xf32, #tpu.memory_space<vmem>>, vector<1x16xf32>,
            %swap3A_847 = vector.shape_cast %swap3A_846 : vector<1x16xf32> to vector<16xf32>
            %swap3A_848 = vector.shape_cast %mul3A_843 : vector<16xf32> to vector<1x16xf32>
            tpu.vector_store %arg12[%swap3A_844, %swap3A_845], %swap3A_848 {strides = array<i32>} : memref<80x128xf32, #tpu.memory_space<vmem>>, vector<1x16xf32>,
            %get3A_849 = arith.index_cast %add3A_793 : i32 to index
            %get3A_850 = arith.constant 80 : index
            %get3A_851 = tpu.vector_load %arg12[%get3A_849, %get3A_850] {strides = array<i32>} : memref<80x128xf32, #tpu.memory_space<vmem>>, vector<1x16xf32>,
            %get3A_852 = vector.shape_cast %get3A_851 : vector<1x16xf32> to vector<16xf32>
            %mul3A_853 = vector.broadcast %squeeze3A_789 : f32 to vector<16xf32>
            %mul3A_854 = arith.mulf %get3A_852, %mul3A_853 : vector<16xf32>
            %swap3A_855 = arith.index_cast %add3A_793 : i32 to index
            %swap3A_856 = arith.constant 80 : index
            %swap3A_857 = tpu.vector_load %arg12[%swap3A_855, %swap3A_856] {strides = array<i32>} : memref<80x128xf32, #tpu.memory_space<vmem>>, vector<1x16xf32>,
            %swap3A_858 = vector.shape_cast %swap3A_857 : vector<1x16xf32> to vector<16xf32>
            %swap3A_859 = vector.shape_cast %mul3A_854 : vector<16xf32> to vector<1x16xf32>
            tpu.vector_store %arg12[%swap3A_855, %swap3A_856], %swap3A_859 {strides = array<i32>} : memref<80x128xf32, #tpu.memory_space<vmem>>, vector<1x16xf32>,
            %get3A_860 = arith.index_cast %add3A_793 : i32 to index
            %get3A_861 = arith.constant 96 : index
            %get3A_862 = tpu.vector_load %arg12[%get3A_860, %get3A_861] {strides = array<i32>} : memref<80x128xf32, #tpu.memory_space<vmem>>, vector<1x16xf32>,
            %get3A_863 = vector.shape_cast %get3A_862 : vector<1x16xf32> to vector<16xf32>
            %mul3A_864 = vector.broadcast %squeeze3A_789 : f32 to vector<16xf32>
            %mul3A_865 = arith.mulf %get3A_863, %mul3A_864 : vector<16xf32>
            %swap3A_866 = arith.index_cast %add3A_793 : i32 to index
            %swap3A_867 = arith.constant 96 : index
            %swap3A_868 = tpu.vector_load %arg12[%swap3A_866, %swap3A_867] {strides = array<i32>} : memref<80x128xf32, #tpu.memory_space<vmem>>, vector<1x16xf32>,
            %swap3A_869 = vector.shape_cast %swap3A_868 : vector<1x16xf32> to vector<16xf32>
            %swap3A_870 = vector.shape_cast %mul3A_865 : vector<16xf32> to vector<1x16xf32>
            tpu.vector_store %arg12[%swap3A_866, %swap3A_867], %swap3A_870 {strides = array<i32>} : memref<80x128xf32, #tpu.memory_space<vmem>>, vector<1x16xf32>,
            %get3A_871 = arith.index_cast %add3A_793 : i32 to index
            %get3A_872 = arith.constant 112 : index
            %get3A_873 = tpu.vector_load %arg12[%get3A_871, %get3A_872] {strides = array<i32>} : memref<80x128xf32, #tpu.memory_space<vmem>>, vector<1x16xf32>,
            %get3A_874 = vector.shape_cast %get3A_873 : vector<1x16xf32> to vector<16xf32>
            %mul3A_875 = vector.broadcast %squeeze3A_789 : f32 to vector<16xf32>
            %mul3A_876 = arith.mulf %get3A_874, %mul3A_875 : vector<16xf32>
            %swap3A_877 = arith.index_cast %add3A_793 : i32 to index
            %swap3A_878 = arith.constant 112 : index
            %swap3A_879 = tpu.vector_load %arg12[%swap3A_877, %swap3A_878] {strides = array<i32>} : memref<80x128xf32, #tpu.memory_space<vmem>>, vector<1x16xf32>,
            %swap3A_880 = vector.shape_cast %swap3A_879 : vector<1x16xf32> to vector<16xf32>
            %swap3A_881 = vector.shape_cast %mul3A_876 : vector<16xf32> to vector<1x16xf32>
            tpu.vector_store %arg12[%swap3A_877, %swap3A_878], %swap3A_881 {strides = array<i32>} : memref<80x128xf32, #tpu.memory_space<vmem>>, vector<1x16xf32>,
            %slice3A_882 = vector.extract_strided_slice %get3A_414 {offsets = [5], sizes = [1], strides = [1]} : vector<16xf32> to vector<1xf32>
            %squeeze3A_883 = vector.extract %slice3A_882[0] : f32 from vector<1xf32>
            %mul3A_884 = arith.constant 16 : i32
            %mul3A_885 = arith.muli %scan3A_409, %mul3A_884 : i32
            %add3A_886 = arith.constant 5 : i32
            %add3A_887 = arith.addi %mul3A_885, %add3A_886 : i32
            %get3A_888 = arith.index_cast %add3A_887 : i32 to index
            %get3A_889 = arith.constant 0 : index
            %get3A_890 = tpu.vector_load %arg12[%get3A_888, %get3A_889] {strides = array<i32>} : memref<80x128xf32, #tpu.memory_space<vmem>>, vector<1x16xf32>,
            %get3A_891 = vector.shape_cast %get3A_890 : vector<1x16xf32> to vector<16xf32>
            %mul3A_892 = vector.broadcast %squeeze3A_883 : f32 to vector<16xf32>
            %mul3A_893 = arith.mulf %get3A_891, %mul3A_892 : vector<16xf32>
            %swap3A_894 = arith.index_cast %add3A_887 : i32 to index
            %swap3A_895 = arith.constant 0 : index
            %swap3A_896 = tpu.vector_load %arg12[%swap3A_894, %swap3A_895] {strides = array<i32>} : memref<80x128xf32, #tpu.memory_space<vmem>>, vector<1x16xf32>,
            %swap3A_897 = vector.shape_cast %swap3A_896 : vector<1x16xf32> to vector<16xf32>
            %swap3A_898 = vector.shape_cast %mul3A_893 : vector<16xf32> to vector<1x16xf32>
            tpu.vector_store %arg12[%swap3A_894, %swap3A_895], %swap3A_898 {strides = array<i32>} : memref<80x128xf32, #tpu.memory_space<vmem>>, vector<1x16xf32>,
            %get3A_899 = arith.index_cast %add3A_887 : i32 to index
            %get3A_900 = arith.constant 16 : index
            %get3A_901 = tpu.vector_load %arg12[%get3A_899, %get3A_900] {strides = array<i32>} : memref<80x128xf32, #tpu.memory_space<vmem>>, vector<1x16xf32>,
            %get3A_902 = vector.shape_cast %get3A_901 : vector<1x16xf32> to vector<16xf32>
            %mul3A_903 = vector.broadcast %squeeze3A_883 : f32 to vector<16xf32>
            %mul3A_904 = arith.mulf %get3A_902, %mul3A_903 : vector<16xf32>
            %swap3A_905 = arith.index_cast %add3A_887 : i32 to index
            %swap3A_906 = arith.constant 16 : index
            %swap3A_907 = tpu.vector_load %arg12[%swap3A_905, %swap3A_906] {strides = array<i32>} : memref<80x128xf32, #tpu.memory_space<vmem>>, vector<1x16xf32>,
            %swap3A_908 = vector.shape_cast %swap3A_907 : vector<1x16xf32> to vector<16xf32>
            %swap3A_909 = vector.shape_cast %mul3A_904 : vector<16xf32> to vector<1x16xf32>
            tpu.vector_store %arg12[%swap3A_905, %swap3A_906], %swap3A_909 {strides = array<i32>} : memref<80x128xf32, #tpu.memory_space<vmem>>, vector<1x16xf32>,
            %get3A_910 = arith.index_cast %add3A_887 : i32 to index
            %get3A_911 = arith.constant 32 : index
            %get3A_912 = tpu.vector_load %arg12[%get3A_910, %get3A_911] {strides = array<i32>} : memref<80x128xf32, #tpu.memory_space<vmem>>, vector<1x16xf32>,
            %get3A_913 = vector.shape_cast %get3A_912 : vector<1x16xf32> to vector<16xf32>
            %mul3A_914 = vector.broadcast %squeeze3A_883 : f32 to vector<16xf32>
            %mul3A_915 = arith.mulf %get3A_913, %mul3A_914 : vector<16xf32>
            %swap3A_916 = arith.index_cast %add3A_887 : i32 to index
            %swap3A_917 = arith.constant 32 : index
            %swap3A_918 = tpu.vector_load %arg12[%swap3A_916, %swap3A_917] {strides = array<i32>} : memref<80x128xf32, #tpu.memory_space<vmem>>, vector<1x16xf32>,
            %swap3A_919 = vector.shape_cast %swap3A_918 : vector<1x16xf32> to vector<16xf32>
            %swap3A_920 = vector.shape_cast %mul3A_915 : vector<16xf32> to vector<1x16xf32>
            tpu.vector_store %arg12[%swap3A_916, %swap3A_917], %swap3A_920 {strides = array<i32>} : memref<80x128xf32, #tpu.memory_space<vmem>>, vector<1x16xf32>,
            %get3A_921 = arith.index_cast %add3A_887 : i32 to index
            %get3A_922 = arith.constant 48 : index
            %get3A_923 = tpu.vector_load %arg12[%get3A_921, %get3A_922] {strides = array<i32>} : memref<80x128xf32, #tpu.memory_space<vmem>>, vector<1x16xf32>,
            %get3A_924 = vector.shape_cast %get3A_923 : vector<1x16xf32> to vector<16xf32>
            %mul3A_925 = vector.broadcast %squeeze3A_883 : f32 to vector<16xf32>
            %mul3A_926 = arith.mulf %get3A_924, %mul3A_925 : vector<16xf32>
            %swap3A_927 = arith.index_cast %add3A_887 : i32 to index
            %swap3A_928 = arith.constant 48 : index
            %swap3A_929 = tpu.vector_load %arg12[%swap3A_927, %swap3A_928] {strides = array<i32>} : memref<80x128xf32, #tpu.memory_space<vmem>>, vector<1x16xf32>,
            %swap3A_930 = vector.shape_cast %swap3A_929 : vector<1x16xf32> to vector<16xf32>
            %swap3A_931 = vector.shape_cast %mul3A_926 : vector<16xf32> to vector<1x16xf32>
            tpu.vector_store %arg12[%swap3A_927, %swap3A_928], %swap3A_931 {strides = array<i32>} : memref<80x128xf32, #tpu.memory_space<vmem>>, vector<1x16xf32>,
            %get3A_932 = arith.index_cast %add3A_887 : i32 to index
            %get3A_933 = arith.constant 64 : index
            %get3A_934 = tpu.vector_load %arg12[%get3A_932, %get3A_933] {strides = array<i32>} : memref<80x128xf32, #tpu.memory_space<vmem>>, vector<1x16xf32>,
            %get3A_935 = vector.shape_cast %get3A_934 : vector<1x16xf32> to vector<16xf32>
            %mul3A_936 = vector.broadcast %squeeze3A_883 : f32 to vector<16xf32>
            %mul3A_937 = arith.mulf %get3A_935, %mul3A_936 : vector<16xf32>
            %swap3A_938 = arith.index_cast %add3A_887 : i32 to index
            %swap3A_939 = arith.constant 64 : index
            %swap3A_940 = tpu.vector_load %arg12[%swap3A_938, %swap3A_939] {strides = array<i32>} : memref<80x128xf32, #tpu.memory_space<vmem>>, vector<1x16xf32>,
            %swap3A_941 = vector.shape_cast %swap3A_940 : vector<1x16xf32> to vector<16xf32>
            %swap3A_942 = vector.shape_cast %mul3A_937 : vector<16xf32> to vector<1x16xf32>
            tpu.vector_store %arg12[%swap3A_938, %swap3A_939], %swap3A_942 {strides = array<i32>} : memref<80x128xf32, #tpu.memory_space<vmem>>, vector<1x16xf32>,
            %get3A_943 = arith.index_cast %add3A_887 : i32 to index
            %get3A_944 = arith.constant 80 : index
            %get3A_945 = tpu.vector_load %arg12[%get3A_943, %get3A_944] {strides = array<i32>} : memref<80x128xf32, #tpu.memory_space<vmem>>, vector<1x16xf32>,
            %get3A_946 = vector.shape_cast %get3A_945 : vector<1x16xf32> to vector<16xf32>
            %mul3A_947 = vector.broadcast %squeeze3A_883 : f32 to vector<16xf32>
            %mul3A_948 = arith.mulf %get3A_946, %mul3A_947 : vector<16xf32>
            %swap3A_949 = arith.index_cast %add3A_887 : i32 to index
            %swap3A_950 = arith.constant 80 : index
            %swap3A_951 = tpu.vector_load %arg12[%swap3A_949, %swap3A_950] {strides = array<i32>} : memref<80x128xf32, #tpu.memory_space<vmem>>, vector<1x16xf32>,
            %swap3A_952 = vector.shape_cast %swap3A_951 : vector<1x16xf32> to vector<16xf32>
            %swap3A_953 = vector.shape_cast %mul3A_948 : vector<16xf32> to vector<1x16xf32>
            tpu.vector_store %arg12[%swap3A_949, %swap3A_950], %swap3A_953 {strides = array<i32>} : memref<80x128xf32, #tpu.memory_space<vmem>>, vector<1x16xf32>,
            %get3A_954 = arith.index_cast %add3A_887 : i32 to index
            %get3A_955 = arith.constant 96 : index
            %get3A_956 = tpu.vector_load %arg12[%get3A_954, %get3A_955] {strides = array<i32>} : memref<80x128xf32, #tpu.memory_space<vmem>>, vector<1x16xf32>,
            %get3A_957 = vector.shape_cast %get3A_956 : vector<1x16xf32> to vector<16xf32>
            %mul3A_958 = vector.broadcast %squeeze3A_883 : f32 to vector<16xf32>
            %mul3A_959 = arith.mulf %get3A_957, %mul3A_958 : vector<16xf32>
            %swap3A_960 = arith.index_cast %add3A_887 : i32 to index
            %swap3A_961 = arith.constant 96 : index
            %swap3A_962 = tpu.vector_load %arg12[%swap3A_960, %swap3A_961] {strides = array<i32>} : memref<80x128xf32, #tpu.memory_space<vmem>>, vector<1x16xf32>,
            %swap3A_963 = vector.shape_cast %swap3A_962 : vector<1x16xf32> to vector<16xf32>
            %swap3A_964 = vector.shape_cast %mul3A_959 : vector<16xf32> to vector<1x16xf32>
            tpu.vector_store %arg12[%swap3A_960, %swap3A_961], %swap3A_964 {strides = array<i32>} : memref<80x128xf32, #tpu.memory_space<vmem>>, vector<1x16xf32>,
            %get3A_965 = arith.index_cast %add3A_887 : i32 to index
            %get3A_966 = arith.constant 112 : index
            %get3A_967 = tpu.vector_load %arg12[%get3A_965, %get3A_966] {strides = array<i32>} : memref<80x128xf32, #tpu.memory_space<vmem>>, vector<1x16xf32>,
            %get3A_968 = vector.shape_cast %get3A_967 : vector<1x16xf32> to vector<16xf32>
            %mul3A_969 = vector.broadcast %squeeze3A_883 : f32 to vector<16xf32>
            %mul3A_970 = arith.mulf %get3A_968, %mul3A_969 : vector<16xf32>
            %swap3A_971 = arith.index_cast %add3A_887 : i32 to index
            %swap3A_972 = arith.constant 112 : index
            %swap3A_973 = tpu.vector_load %arg12[%swap3A_971, %swap3A_972] {strides = array<i32>} : memref<80x128xf32, #tpu.memory_space<vmem>>, vector<1x16xf32>,
            %swap3A_974 = vector.shape_cast %swap3A_973 : vector<1x16xf32> to vector<16xf32>
            %swap3A_975 = vector.shape_cast %mul3A_970 : vector<16xf32> to vector<1x16xf32>
            tpu.vector_store %arg12[%swap3A_971, %swap3A_972], %swap3A_975 {strides = array<i32>} : memref<80x128xf32, #tpu.memory_space<vmem>>, vector<1x16xf32>,
            %slice3A_976 = vector.extract_strided_slice %get3A_414 {offsets = [6], sizes = [1], strides = [1]} : vector<16xf32> to vector<1xf32>
            %squeeze3A_977 = vector.extract %slice3A_976[0] : f32 from vector<1xf32>
            %mul3A_978 = arith.constant 16 : i32
            %mul3A_979 = arith.muli %scan3A_409, %mul3A_978 : i32
            %add3A_980 = arith.constant 6 : i32
            %add3A_981 = arith.addi %mul3A_979, %add3A_980 : i32
            %get3A_982 = arith.index_cast %add3A_981 : i32 to index
            %get3A_983 = arith.constant 0 : index
            %get3A_984 = tpu.vector_load %arg12[%get3A_982, %get3A_983] {strides = array<i32>} : memref<80x128xf32, #tpu.memory_space<vmem>>, vector<1x16xf32>,
            %get3A_985 = vector.shape_cast %get3A_984 : vector<1x16xf32> to vector<16xf32>
            %mul3A_986 = vector.broadcast %squeeze3A_977 : f32 to vector<16xf32>
            %mul3A_987 = arith.mulf %get3A_985, %mul3A_986 : vector<16xf32>
            %swap3A_988 = arith.index_cast %add3A_981 : i32 to index
            %swap3A_989 = arith.constant 0 : index
            %swap3A_990 = tpu.vector_load %arg12[%swap3A_988, %swap3A_989] {strides = array<i32>} : memref<80x128xf32, #tpu.memory_space<vmem>>, vector<1x16xf32>,
            %swap3A_991 = vector.shape_cast %swap3A_990 : vector<1x16xf32> to vector<16xf32>
            %swap3A_992 = vector.shape_cast %mul3A_987 : vector<16xf32> to vector<1x16xf32>
            tpu.vector_store %arg12[%swap3A_988, %swap3A_989], %swap3A_992 {strides = array<i32>} : memref<80x128xf32, #tpu.memory_space<vmem>>, vector<1x16xf32>,
            %get3A_993 = arith.index_cast %add3A_981 : i32 to index
            %get3A_994 = arith.constant 16 : index
            %get3A_995 = tpu.vector_load %arg12[%get3A_993, %get3A_994] {strides = array<i32>} : memref<80x128xf32, #tpu.memory_space<vmem>>, vector<1x16xf32>,
            %get3A_996 = vector.shape_cast %get3A_995 : vector<1x16xf32> to vector<16xf32>
            %mul3A_997 = vector.broadcast %squeeze3A_977 : f32 to vector<16xf32>
            %mul3A_998 = arith.mulf %get3A_996, %mul3A_997 : vector<16xf32>
            %swap3A_999 = arith.index_cast %add3A_981 : i32 to index
            %swap3A_1000 = arith.constant 16 : index
            %swap3A_1001 = tpu.vector_load %arg12[%swap3A_999, %swap3A_1000] {strides = array<i32>} : memref<80x128xf32, #tpu.memory_space<vmem>>, vector<1x16xf32>,
            %swap3A_1002 = vector.shape_cast %swap3A_1001 : vector<1x16xf32> to vector<16xf32>
            %swap3A_1003 = vector.shape_cast %mul3A_998 : vector<16xf32> to vector<1x16xf32>
            tpu.vector_store %arg12[%swap3A_999, %swap3A_1000], %swap3A_1003 {strides = array<i32>} : memref<80x128xf32, #tpu.memory_space<vmem>>, vector<1x16xf32>,
            %get3A_1004 = arith.index_cast %add3A_981 : i32 to index
            %get3A_1005 = arith.constant 32 : index
            %get3A_1006 = tpu.vector_load %arg12[%get3A_1004, %get3A_1005] {strides = array<i32>} : memref<80x128xf32, #tpu.memory_space<vmem>>, vector<1x16xf32>,
            %get3A_1007 = vector.shape_cast %get3A_1006 : vector<1x16xf32> to vector<16xf32>
            %mul3A_1008 = vector.broadcast %squeeze3A_977 : f32 to vector<16xf32>
            %mul3A_1009 = arith.mulf %get3A_1007, %mul3A_1008 : vector<16xf32>
            %swap3A_1010 = arith.index_cast %add3A_981 : i32 to index
            %swap3A_1011 = arith.constant 32 : index
            %swap3A_1012 = tpu.vector_load %arg12[%swap3A_1010, %swap3A_1011] {strides = array<i32>} : memref<80x128xf32, #tpu.memory_space<vmem>>, vector<1x16xf32>,
            %swap3A_1013 = vector.shape_cast %swap3A_1012 : vector<1x16xf32> to vector<16xf32>
            %swap3A_1014 = vector.shape_cast %mul3A_1009 : vector<16xf32> to vector<1x16xf32>
            tpu.vector_store %arg12[%swap3A_1010, %swap3A_1011], %swap3A_1014 {strides = array<i32>} : memref<80x128xf32, #tpu.memory_space<vmem>>, vector<1x16xf32>,
            %get3A_1015 = arith.index_cast %add3A_981 : i32 to index
            %get3A_1016 = arith.constant 48 : index
            %get3A_1017 = tpu.vector_load %arg12[%get3A_1015, %get3A_1016] {strides = array<i32>} : memref<80x128xf32, #tpu.memory_space<vmem>>, vector<1x16xf32>,
            %get3A_1018 = vector.shape_cast %get3A_1017 : vector<1x16xf32> to vector<16xf32>
            %mul3A_1019 = vector.broadcast %squeeze3A_977 : f32 to vector<16xf32>
            %mul3A_1020 = arith.mulf %get3A_1018, %mul3A_1019 : vector<16xf32>
            %swap3A_1021 = arith.index_cast %add3A_981 : i32 to index
            %swap3A_1022 = arith.constant 48 : index
            %swap3A_1023 = tpu.vector_load %arg12[%swap3A_1021, %swap3A_1022] {strides = array<i32>} : memref<80x128xf32, #tpu.memory_space<vmem>>, vector<1x16xf32>,
            %swap3A_1024 = vector.shape_cast %swap3A_1023 : vector<1x16xf32> to vector<16xf32>
            %swap3A_1025 = vector.shape_cast %mul3A_1020 : vector<16xf32> to vector<1x16xf32>
            tpu.vector_store %arg12[%swap3A_1021, %swap3A_1022], %swap3A_1025 {strides = array<i32>} : memref<80x128xf32, #tpu.memory_space<vmem>>, vector<1x16xf32>,
            %get3A_1026 = arith.index_cast %add3A_981 : i32 to index
            %get3A_1027 = arith.constant 64 : index
            %get3A_1028 = tpu.vector_load %arg12[%get3A_1026, %get3A_1027] {strides = array<i32>} : memref<80x128xf32, #tpu.memory_space<vmem>>, vector<1x16xf32>,
            %get3A_1029 = vector.shape_cast %get3A_1028 : vector<1x16xf32> to vector<16xf32>
            %mul3A_1030 = vector.broadcast %squeeze3A_977 : f32 to vector<16xf32>
            %mul3A_1031 = arith.mulf %get3A_1029, %mul3A_1030 : vector<16xf32>
            %swap3A_1032 = arith.index_cast %add3A_981 : i32 to index
            %swap3A_1033 = arith.constant 64 : index
            %swap3A_1034 = tpu.vector_load %arg12[%swap3A_1032, %swap3A_1033] {strides = array<i32>} : memref<80x128xf32, #tpu.memory_space<vmem>>, vector<1x16xf32>,
            %swap3A_1035 = vector.shape_cast %swap3A_1034 : vector<1x16xf32> to vector<16xf32>
            %swap3A_1036 = vector.shape_cast %mul3A_1031 : vector<16xf32> to vector<1x16xf32>
            tpu.vector_store %arg12[%swap3A_1032, %swap3A_1033], %swap3A_1036 {strides = array<i32>} : memref<80x128xf32, #tpu.memory_space<vmem>>, vector<1x16xf32>,
            %get3A_1037 = arith.index_cast %add3A_981 : i32 to index
            %get3A_1038 = arith.constant 80 : index
            %get3A_1039 = tpu.vector_load %arg12[%get3A_1037, %get3A_1038] {strides = array<i32>} : memref<80x128xf32, #tpu.memory_space<vmem>>, vector<1x16xf32>,
            %get3A_1040 = vector.shape_cast %get3A_1039 : vector<1x16xf32> to vector<16xf32>
            %mul3A_1041 = vector.broadcast %squeeze3A_977 : f32 to vector<16xf32>
            %mul3A_1042 = arith.mulf %get3A_1040, %mul3A_1041 : vector<16xf32>
            %swap3A_1043 = arith.index_cast %add3A_981 : i32 to index
            %swap3A_1044 = arith.constant 80 : index
            %swap3A_1045 = tpu.vector_load %arg12[%swap3A_1043, %swap3A_1044] {strides = array<i32>} : memref<80x128xf32, #tpu.memory_space<vmem>>, vector<1x16xf32>,
            %swap3A_1046 = vector.shape_cast %swap3A_1045 : vector<1x16xf32> to vector<16xf32>
            %swap3A_1047 = vector.shape_cast %mul3A_1042 : vector<16xf32> to vector<1x16xf32>
            tpu.vector_store %arg12[%swap3A_1043, %swap3A_1044], %swap3A_1047 {strides = array<i32>} : memref<80x128xf32, #tpu.memory_space<vmem>>, vector<1x16xf32>,
            %get3A_1048 = arith.index_cast %add3A_981 : i32 to index
            %get3A_1049 = arith.constant 96 : index
            %get3A_1050 = tpu.vector_load %arg12[%get3A_1048, %get3A_1049] {strides = array<i32>} : memref<80x128xf32, #tpu.memory_space<vmem>>, vector<1x16xf32>,
            %get3A_1051 = vector.shape_cast %get3A_1050 : vector<1x16xf32> to vector<16xf32>
            %mul3A_1052 = vector.broadcast %squeeze3A_977 : f32 to vector<16xf32>
            %mul3A_1053 = arith.mulf %get3A_1051, %mul3A_1052 : vector<16xf32>
            %swap3A_1054 = arith.index_cast %add3A_981 : i32 to index
            %swap3A_1055 = arith.constant 96 : index
            %swap3A_1056 = tpu.vector_load %arg12[%swap3A_1054, %swap3A_1055] {strides = array<i32>} : memref<80x128xf32, #tpu.memory_space<vmem>>, vector<1x16xf32>,
            %swap3A_1057 = vector.shape_cast %swap3A_1056 : vector<1x16xf32> to vector<16xf32>
            %swap3A_1058 = vector.shape_cast %mul3A_1053 : vector<16xf32> to vector<1x16xf32>
            tpu.vector_store %arg12[%swap3A_1054, %swap3A_1055], %swap3A_1058 {strides = array<i32>} : memref<80x128xf32, #tpu.memory_space<vmem>>, vector<1x16xf32>,
            %get3A_1059 = arith.index_cast %add3A_981 : i32 to index
            %get3A_1060 = arith.constant 112 : index
            %get3A_1061 = tpu.vector_load %arg12[%get3A_1059, %get3A_1060] {strides = array<i32>} : memref<80x128xf32, #tpu.memory_space<vmem>>, vector<1x16xf32>,
            %get3A_1062 = vector.shape_cast %get3A_1061 : vector<1x16xf32> to vector<16xf32>
            %mul3A_1063 = vector.broadcast %squeeze3A_977 : f32 to vector<16xf32>
            %mul3A_1064 = arith.mulf %get3A_1062, %mul3A_1063 : vector<16xf32>
            %swap3A_1065 = arith.index_cast %add3A_981 : i32 to index
            %swap3A_1066 = arith.constant 112 : index
            %swap3A_1067 = tpu.vector_load %arg12[%swap3A_1065, %swap3A_1066] {strides = array<i32>} : memref<80x128xf32, #tpu.memory_space<vmem>>, vector<1x16xf32>,
            %swap3A_1068 = vector.shape_cast %swap3A_1067 : vector<1x16xf32> to vector<16xf32>
            %swap3A_1069 = vector.shape_cast %mul3A_1064 : vector<16xf32> to vector<1x16xf32>
            tpu.vector_store %arg12[%swap3A_1065, %swap3A_1066], %swap3A_1069 {strides = array<i32>} : memref<80x128xf32, #tpu.memory_space<vmem>>, vector<1x16xf32>,
            %slice3A_1070 = vector.extract_strided_slice %get3A_414 {offsets = [7], sizes = [1], strides = [1]} : vector<16xf32> to vector<1xf32>
            %squeeze3A_1071 = vector.extract %slice3A_1070[0] : f32 from vector<1xf32>
            %mul3A_1072 = arith.constant 16 : i32
            %mul3A_1073 = arith.muli %scan3A_409, %mul3A_1072 : i32
            %add3A_1074 = arith.constant 7 : i32
            %add3A_1075 = arith.addi %mul3A_1073, %add3A_1074 : i32
            %get3A_1076 = arith.index_cast %add3A_1075 : i32 to index
            %get3A_1077 = arith.constant 0 : index
            %get3A_1078 = tpu.vector_load %arg12[%get3A_1076, %get3A_1077] {strides = array<i32>} : memref<80x128xf32, #tpu.memory_space<vmem>>, vector<1x16xf32>,
            %get3A_1079 = vector.shape_cast %get3A_1078 : vector<1x16xf32> to vector<16xf32>
            %mul3A_1080 = vector.broadcast %squeeze3A_1071 : f32 to vector<16xf32>
            %mul3A_1081 = arith.mulf %get3A_1079, %mul3A_1080 : vector<16xf32>
            %swap3A_1082 = arith.index_cast %add3A_1075 : i32 to index
            %swap3A_1083 = arith.constant 0 : index
            %swap3A_1084 = tpu.vector_load %arg12[%swap3A_1082, %swap3A_1083] {strides = array<i32>} : memref<80x128xf32, #tpu.memory_space<vmem>>, vector<1x16xf32>,
            %swap3A_1085 = vector.shape_cast %swap3A_1084 : vector<1x16xf32> to vector<16xf32>
            %swap3A_1086 = vector.shape_cast %mul3A_1081 : vector<16xf32> to vector<1x16xf32>
            tpu.vector_store %arg12[%swap3A_1082, %swap3A_1083], %swap3A_1086 {strides = array<i32>} : memref<80x128xf32, #tpu.memory_space<vmem>>, vector<1x16xf32>,
            %get3A_1087 = arith.index_cast %add3A_1075 : i32 to index
            %get3A_1088 = arith.constant 16 : index
            %get3A_1089 = tpu.vector_load %arg12[%get3A_1087, %get3A_1088] {strides = array<i32>} : memref<80x128xf32, #tpu.memory_space<vmem>>, vector<1x16xf32>,
            %get3A_1090 = vector.shape_cast %get3A_1089 : vector<1x16xf32> to vector<16xf32>
            %mul3A_1091 = vector.broadcast %squeeze3A_1071 : f32 to vector<16xf32>
            %mul3A_1092 = arith.mulf %get3A_1090, %mul3A_1091 : vector<16xf32>
            %swap3A_1093 = arith.index_cast %add3A_1075 : i32 to index
            %swap3A_1094 = arith.constant 16 : index
            %swap3A_1095 = tpu.vector_load %arg12[%swap3A_1093, %swap3A_1094] {strides = array<i32>} : memref<80x128xf32, #tpu.memory_space<vmem>>, vector<1x16xf32>,
            %swap3A_1096 = vector.shape_cast %swap3A_1095 : vector<1x16xf32> to vector<16xf32>
            %swap3A_1097 = vector.shape_cast %mul3A_1092 : vector<16xf32> to vector<1x16xf32>
            tpu.vector_store %arg12[%swap3A_1093, %swap3A_1094], %swap3A_1097 {strides = array<i32>} : memref<80x128xf32, #tpu.memory_space<vmem>>, vector<1x16xf32>,
            %get3A_1098 = arith.index_cast %add3A_1075 : i32 to index
            %get3A_1099 = arith.constant 32 : index
            %get3A_1100 = tpu.vector_load %arg12[%get3A_1098, %get3A_1099] {strides = array<i32>} : memref<80x128xf32, #tpu.memory_space<vmem>>, vector<1x16xf32>,
            %get3A_1101 = vector.shape_cast %get3A_1100 : vector<1x16xf32> to vector<16xf32>
            %mul3A_1102 = vector.broadcast %squeeze3A_1071 : f32 to vector<16xf32>
            %mul3A_1103 = arith.mulf %get3A_1101, %mul3A_1102 : vector<16xf32>
            %swap3A_1104 = arith.index_cast %add3A_1075 : i32 to index
            %swap3A_1105 = arith.constant 32 : index
            %swap3A_1106 = tpu.vector_load %arg12[%swap3A_1104, %swap3A_1105] {strides = array<i32>} : memref<80x128xf32, #tpu.memory_space<vmem>>, vector<1x16xf32>,
            %swap3A_1107 = vector.shape_cast %swap3A_1106 : vector<1x16xf32> to vector<16xf32>
            %swap3A_1108 = vector.shape_cast %mul3A_1103 : vector<16xf32> to vector<1x16xf32>
            tpu.vector_store %arg12[%swap3A_1104, %swap3A_1105], %swap3A_1108 {strides = array<i32>} : memref<80x128xf32, #tpu.memory_space<vmem>>, vector<1x16xf32>,
            %get3A_1109 = arith.index_cast %add3A_1075 : i32 to index
            %get3A_1110 = arith.constant 48 : index
            %get3A_1111 = tpu.vector_load %arg12[%get3A_1109, %get3A_1110] {strides = array<i32>} : memref<80x128xf32, #tpu.memory_space<vmem>>, vector<1x16xf32>,
            %get3A_1112 = vector.shape_cast %get3A_1111 : vector<1x16xf32> to vector<16xf32>
            %mul3A_1113 = vector.broadcast %squeeze3A_1071 : f32 to vector<16xf32>
            %mul3A_1114 = arith.mulf %get3A_1112, %mul3A_1113 : vector<16xf32>
            %swap3A_1115 = arith.index_cast %add3A_1075 : i32 to index
            %swap3A_1116 = arith.constant 48 : index
            %swap3A_1117 = tpu.vector_load %arg12[%swap3A_1115, %swap3A_1116] {strides = array<i32>} : memref<80x128xf32, #tpu.memory_space<vmem>>, vector<1x16xf32>,
            %swap3A_1118 = vector.shape_cast %swap3A_1117 : vector<1x16xf32> to vector<16xf32>
            %swap3A_1119 = vector.shape_cast %mul3A_1114 : vector<16xf32> to vector<1x16xf32>
            tpu.vector_store %arg12[%swap3A_1115, %swap3A_1116], %swap3A_1119 {strides = array<i32>} : memref<80x128xf32, #tpu.memory_space<vmem>>, vector<1x16xf32>,
            %get3A_1120 = arith.index_cast %add3A_1075 : i32 to index
            %get3A_1121 = arith.constant 64 : index
            %get3A_1122 = tpu.vector_load %arg12[%get3A_1120, %get3A_1121] {strides = array<i32>} : memref<80x128xf32, #tpu.memory_space<vmem>>, vector<1x16xf32>,
            %get3A_1123 = vector.shape_cast %get3A_1122 : vector<1x16xf32> to vector<16xf32>
            %mul3A_1124 = vector.broadcast %squeeze3A_1071 : f32 to vector<16xf32>
            %mul3A_1125 = arith.mulf %get3A_1123, %mul3A_1124 : vector<16xf32>
            %swap3A_1126 = arith.index_cast %add3A_1075 : i32 to index
            %swap3A_1127 = arith.constant 64 : index
            %swap3A_1128 = tpu.vector_load %arg12[%swap3A_1126, %swap3A_1127] {strides = array<i32>} : memref<80x128xf32, #tpu.memory_space<vmem>>, vector<1x16xf32>,
            %swap3A_1129 = vector.shape_cast %swap3A_1128 : vector<1x16xf32> to vector<16xf32>
            %swap3A_1130 = vector.shape_cast %mul3A_1125 : vector<16xf32> to vector<1x16xf32>
            tpu.vector_store %arg12[%swap3A_1126, %swap3A_1127], %swap3A_1130 {strides = array<i32>} : memref<80x128xf32, #tpu.memory_space<vmem>>, vector<1x16xf32>,
            %get3A_1131 = arith.index_cast %add3A_1075 : i32 to index
            %get3A_1132 = arith.constant 80 : index
            %get3A_1133 = tpu.vector_load %arg12[%get3A_1131, %get3A_1132] {strides = array<i32>} : memref<80x128xf32, #tpu.memory_space<vmem>>, vector<1x16xf32>,
            %get3A_1134 = vector.shape_cast %get3A_1133 : vector<1x16xf32> to vector<16xf32>
            %mul3A_1135 = vector.broadcast %squeeze3A_1071 : f32 to vector<16xf32>
            %mul3A_1136 = arith.mulf %get3A_1134, %mul3A_1135 : vector<16xf32>
            %swap3A_1137 = arith.index_cast %add3A_1075 : i32 to index
            %swap3A_1138 = arith.constant 80 : index
            %swap3A_1139 = tpu.vector_load %arg12[%swap3A_1137, %swap3A_1138] {strides = array<i32>} : memref<80x128xf32, #tpu.memory_space<vmem>>, vector<1x16xf32>,
            %swap3A_1140 = vector.shape_cast %swap3A_1139 : vector<1x16xf32> to vector<16xf32>
            %swap3A_1141 = vector.shape_cast %mul3A_1136 : vector<16xf32> to vector<1x16xf32>
            tpu.vector_store %arg12[%swap3A_1137, %swap3A_1138], %swap3A_1141 {strides = array<i32>} : memref<80x128xf32, #tpu.memory_space<vmem>>, vector<1x16xf32>,
            %get3A_1142 = arith.index_cast %add3A_1075 : i32 to index
            %get3A_1143 = arith.constant 96 : index
            %get3A_1144 = tpu.vector_load %arg12[%get3A_1142, %get3A_1143] {strides = array<i32>} : memref<80x128xf32, #tpu.memory_space<vmem>>, vector<1x16xf32>,
            %get3A_1145 = vector.shape_cast %get3A_1144 : vector<1x16xf32> to vector<16xf32>
            %mul3A_1146 = vector.broadcast %squeeze3A_1071 : f32 to vector<16xf32>
            %mul3A_1147 = arith.mulf %get3A_1145, %mul3A_1146 : vector<16xf32>
            %swap3A_1148 = arith.index_cast %add3A_1075 : i32 to index
            %swap3A_1149 = arith.constant 96 : index
            %swap3A_1150 = tpu.vector_load %arg12[%swap3A_1148, %swap3A_1149] {strides = array<i32>} : memref<80x128xf32, #tpu.memory_space<vmem>>, vector<1x16xf32>,
            %swap3A_1151 = vector.shape_cast %swap3A_1150 : vector<1x16xf32> to vector<16xf32>
            %swap3A_1152 = vector.shape_cast %mul3A_1147 : vector<16xf32> to vector<1x16xf32>
            tpu.vector_store %arg12[%swap3A_1148, %swap3A_1149], %swap3A_1152 {strides = array<i32>} : memref<80x128xf32, #tpu.memory_space<vmem>>, vector<1x16xf32>,
            %get3A_1153 = arith.index_cast %add3A_1075 : i32 to index
            %get3A_1154 = arith.constant 112 : index
            %get3A_1155 = tpu.vector_load %arg12[%get3A_1153, %get3A_1154] {strides = array<i32>} : memref<80x128xf32, #tpu.memory_space<vmem>>, vector<1x16xf32>,
            %get3A_1156 = vector.shape_cast %get3A_1155 : vector<1x16xf32> to vector<16xf32>
            %mul3A_1157 = vector.broadcast %squeeze3A_1071 : f32 to vector<16xf32>
            %mul3A_1158 = arith.mulf %get3A_1156, %mul3A_1157 : vector<16xf32>
            %swap3A_1159 = arith.index_cast %add3A_1075 : i32 to index
            %swap3A_1160 = arith.constant 112 : index
            %swap3A_1161 = tpu.vector_load %arg12[%swap3A_1159, %swap3A_1160] {strides = array<i32>} : memref<80x128xf32, #tpu.memory_space<vmem>>, vector<1x16xf32>,
            %swap3A_1162 = vector.shape_cast %swap3A_1161 : vector<1x16xf32> to vector<16xf32>
            %swap3A_1163 = vector.shape_cast %mul3A_1158 : vector<16xf32> to vector<1x16xf32>
            tpu.vector_store %arg12[%swap3A_1159, %swap3A_1160], %swap3A_1163 {strides = array<i32>} : memref<80x128xf32, #tpu.memory_space<vmem>>, vector<1x16xf32>,
            %slice3A_1164 = vector.extract_strided_slice %get3A_414 {offsets = [8], sizes = [1], strides = [1]} : vector<16xf32> to vector<1xf32>
            %squeeze3A_1165 = vector.extract %slice3A_1164[0] : f32 from vector<1xf32>
            %mul3A_1166 = arith.constant 16 : i32
            %mul3A_1167 = arith.muli %scan3A_409, %mul3A_1166 : i32
            %add3A_1168 = arith.constant 8 : i32
            %add3A_1169 = arith.addi %mul3A_1167, %add3A_1168 : i32
            %get3A_1170 = arith.index_cast %add3A_1169 : i32 to index
            %get3A_1171 = arith.constant 0 : index
            %get3A_1172 = tpu.vector_load %arg12[%get3A_1170, %get3A_1171] {strides = array<i32>} : memref<80x128xf32, #tpu.memory_space<vmem>>, vector<1x16xf32>,
            %get3A_1173 = vector.shape_cast %get3A_1172 : vector<1x16xf32> to vector<16xf32>
            %mul3A_1174 = vector.broadcast %squeeze3A_1165 : f32 to vector<16xf32>
            %mul3A_1175 = arith.mulf %get3A_1173, %mul3A_1174 : vector<16xf32>
            %swap3A_1176 = arith.index_cast %add3A_1169 : i32 to index
            %swap3A_1177 = arith.constant 0 : index
            %swap3A_1178 = tpu.vector_load %arg12[%swap3A_1176, %swap3A_1177] {strides = array<i32>} : memref<80x128xf32, #tpu.memory_space<vmem>>, vector<1x16xf32>,
            %swap3A_1179 = vector.shape_cast %swap3A_1178 : vector<1x16xf32> to vector<16xf32>
            %swap3A_1180 = vector.shape_cast %mul3A_1175 : vector<16xf32> to vector<1x16xf32>
            tpu.vector_store %arg12[%swap3A_1176, %swap3A_1177], %swap3A_1180 {strides = array<i32>} : memref<80x128xf32, #tpu.memory_space<vmem>>, vector<1x16xf32>,
            %get3A_1181 = arith.index_cast %add3A_1169 : i32 to index
            %get3A_1182 = arith.constant 16 : index
            %get3A_1183 = tpu.vector_load %arg12[%get3A_1181, %get3A_1182] {strides = array<i32>} : memref<80x128xf32, #tpu.memory_space<vmem>>, vector<1x16xf32>,
            %get3A_1184 = vector.shape_cast %get3A_1183 : vector<1x16xf32> to vector<16xf32>
            %mul3A_1185 = vector.broadcast %squeeze3A_1165 : f32 to vector<16xf32>
            %mul3A_1186 = arith.mulf %get3A_1184, %mul3A_1185 : vector<16xf32>
            %swap3A_1187 = arith.index_cast %add3A_1169 : i32 to index
            %swap3A_1188 = arith.constant 16 : index
            %swap3A_1189 = tpu.vector_load %arg12[%swap3A_1187, %swap3A_1188] {strides = array<i32>} : memref<80x128xf32, #tpu.memory_space<vmem>>, vector<1x16xf32>,
            %swap3A_1190 = vector.shape_cast %swap3A_1189 : vector<1x16xf32> to vector<16xf32>
            %swap3A_1191 = vector.shape_cast %mul3A_1186 : vector<16xf32> to vector<1x16xf32>
            tpu.vector_store %arg12[%swap3A_1187, %swap3A_1188], %swap3A_1191 {strides = array<i32>} : memref<80x128xf32, #tpu.memory_space<vmem>>, vector<1x16xf32>,
            %get3A_1192 = arith.index_cast %add3A_1169 : i32 to index
            %get3A_1193 = arith.constant 32 : index
            %get3A_1194 = tpu.vector_load %arg12[%get3A_1192, %get3A_1193] {strides = array<i32>} : memref<80x128xf32, #tpu.memory_space<vmem>>, vector<1x16xf32>,
            %get3A_1195 = vector.shape_cast %get3A_1194 : vector<1x16xf32> to vector<16xf32>
            %mul3A_1196 = vector.broadcast %squeeze3A_1165 : f32 to vector<16xf32>
            %mul3A_1197 = arith.mulf %get3A_1195, %mul3A_1196 : vector<16xf32>
            %swap3A_1198 = arith.index_cast %add3A_1169 : i32 to index
            %swap3A_1199 = arith.constant 32 : index
            %swap3A_1200 = tpu.vector_load %arg12[%swap3A_1198, %swap3A_1199] {strides = array<i32>} : memref<80x128xf32, #tpu.memory_space<vmem>>, vector<1x16xf32>,
            %swap3A_1201 = vector.shape_cast %swap3A_1200 : vector<1x16xf32> to vector<16xf32>
            %swap3A_1202 = vector.shape_cast %mul3A_1197 : vector<16xf32> to vector<1x16xf32>
            tpu.vector_store %arg12[%swap3A_1198, %swap3A_1199], %swap3A_1202 {strides = array<i32>} : memref<80x128xf32, #tpu.memory_space<vmem>>, vector<1x16xf32>,
            %get3A_1203 = arith.index_cast %add3A_1169 : i32 to index
            %get3A_1204 = arith.constant 48 : index
            %get3A_1205 = tpu.vector_load %arg12[%get3A_1203, %get3A_1204] {strides = array<i32>} : memref<80x128xf32, #tpu.memory_space<vmem>>, vector<1x16xf32>,
            %get3A_1206 = vector.shape_cast %get3A_1205 : vector<1x16xf32> to vector<16xf32>
            %mul3A_1207 = vector.broadcast %squeeze3A_1165 : f32 to vector<16xf32>
            %mul3A_1208 = arith.mulf %get3A_1206, %mul3A_1207 : vector<16xf32>
            %swap3A_1209 = arith.index_cast %add3A_1169 : i32 to index
            %swap3A_1210 = arith.constant 48 : index
            %swap3A_1211 = tpu.vector_load %arg12[%swap3A_1209, %swap3A_1210] {strides = array<i32>} : memref<80x128xf32, #tpu.memory_space<vmem>>, vector<1x16xf32>,
            %swap3A_1212 = vector.shape_cast %swap3A_1211 : vector<1x16xf32> to vector<16xf32>
            %swap3A_1213 = vector.shape_cast %mul3A_1208 : vector<16xf32> to vector<1x16xf32>
            tpu.vector_store %arg12[%swap3A_1209, %swap3A_1210], %swap3A_1213 {strides = array<i32>} : memref<80x128xf32, #tpu.memory_space<vmem>>, vector<1x16xf32>,
            %get3A_1214 = arith.index_cast %add3A_1169 : i32 to index
            %get3A_1215 = arith.constant 64 : index
            %get3A_1216 = tpu.vector_load %arg12[%get3A_1214, %get3A_1215] {strides = array<i32>} : memref<80x128xf32, #tpu.memory_space<vmem>>, vector<1x16xf32>,
            %get3A_1217 = vector.shape_cast %get3A_1216 : vector<1x16xf32> to vector<16xf32>
            %mul3A_1218 = vector.broadcast %squeeze3A_1165 : f32 to vector<16xf32>
            %mul3A_1219 = arith.mulf %get3A_1217, %mul3A_1218 : vector<16xf32>
            %swap3A_1220 = arith.index_cast %add3A_1169 : i32 to index
            %swap3A_1221 = arith.constant 64 : index
            %swap3A_1222 = tpu.vector_load %arg12[%swap3A_1220, %swap3A_1221] {strides = array<i32>} : memref<80x128xf32, #tpu.memory_space<vmem>>, vector<1x16xf32>,
            %swap3A_1223 = vector.shape_cast %swap3A_1222 : vector<1x16xf32> to vector<16xf32>
            %swap3A_1224 = vector.shape_cast %mul3A_1219 : vector<16xf32> to vector<1x16xf32>
            tpu.vector_store %arg12[%swap3A_1220, %swap3A_1221], %swap3A_1224 {strides = array<i32>} : memref<80x128xf32, #tpu.memory_space<vmem>>, vector<1x16xf32>,
            %get3A_1225 = arith.index_cast %add3A_1169 : i32 to index
            %get3A_1226 = arith.constant 80 : index
            %get3A_1227 = tpu.vector_load %arg12[%get3A_1225, %get3A_1226] {strides = array<i32>} : memref<80x128xf32, #tpu.memory_space<vmem>>, vector<1x16xf32>,
            %get3A_1228 = vector.shape_cast %get3A_1227 : vector<1x16xf32> to vector<16xf32>
            %mul3A_1229 = vector.broadcast %squeeze3A_1165 : f32 to vector<16xf32>
            %mul3A_1230 = arith.mulf %get3A_1228, %mul3A_1229 : vector<16xf32>
            %swap3A_1231 = arith.index_cast %add3A_1169 : i32 to index
            %swap3A_1232 = arith.constant 80 : index
            %swap3A_1233 = tpu.vector_load %arg12[%swap3A_1231, %swap3A_1232] {strides = array<i32>} : memref<80x128xf32, #tpu.memory_space<vmem>>, vector<1x16xf32>,
            %swap3A_1234 = vector.shape_cast %swap3A_1233 : vector<1x16xf32> to vector<16xf32>
            %swap3A_1235 = vector.shape_cast %mul3A_1230 : vector<16xf32> to vector<1x16xf32>
            tpu.vector_store %arg12[%swap3A_1231, %swap3A_1232], %swap3A_1235 {strides = array<i32>} : memref<80x128xf32, #tpu.memory_space<vmem>>, vector<1x16xf32>,
            %get3A_1236 = arith.index_cast %add3A_1169 : i32 to index
            %get3A_1237 = arith.constant 96 : index
            %get3A_1238 = tpu.vector_load %arg12[%get3A_1236, %get3A_1237] {strides = array<i32>} : memref<80x128xf32, #tpu.memory_space<vmem>>, vector<1x16xf32>,
            %get3A_1239 = vector.shape_cast %get3A_1238 : vector<1x16xf32> to vector<16xf32>
            %mul3A_1240 = vector.broadcast %squeeze3A_1165 : f32 to vector<16xf32>
            %mul3A_1241 = arith.mulf %get3A_1239, %mul3A_1240 : vector<16xf32>
            %swap3A_1242 = arith.index_cast %add3A_1169 : i32 to index
            %swap3A_1243 = arith.constant 96 : index
            %swap3A_1244 = tpu.vector_load %arg12[%swap3A_1242, %swap3A_1243] {strides = array<i32>} : memref<80x128xf32, #tpu.memory_space<vmem>>, vector<1x16xf32>,
            %swap3A_1245 = vector.shape_cast %swap3A_1244 : vector<1x16xf32> to vector<16xf32>
            %swap3A_1246 = vector.shape_cast %mul3A_1241 : vector<16xf32> to vector<1x16xf32>
            tpu.vector_store %arg12[%swap3A_1242, %swap3A_1243], %swap3A_1246 {strides = array<i32>} : memref<80x128xf32, #tpu.memory_space<vmem>>, vector<1x16xf32>,
            %get3A_1247 = arith.index_cast %add3A_1169 : i32 to index
            %get3A_1248 = arith.constant 112 : index
            %get3A_1249 = tpu.vector_load %arg12[%get3A_1247, %get3A_1248] {strides = array<i32>} : memref<80x128xf32, #tpu.memory_space<vmem>>, vector<1x16xf32>,
            %get3A_1250 = vector.shape_cast %get3A_1249 : vector<1x16xf32> to vector<16xf32>
            %mul3A_1251 = vector.broadcast %squeeze3A_1165 : f32 to vector<16xf32>
            %mul3A_1252 = arith.mulf %get3A_1250, %mul3A_1251 : vector<16xf32>
            %swap3A_1253 = arith.index_cast %add3A_1169 : i32 to index
            %swap3A_1254 = arith.constant 112 : index
            %swap3A_1255 = tpu.vector_load %arg12[%swap3A_1253, %swap3A_1254] {strides = array<i32>} : memref<80x128xf32, #tpu.memory_space<vmem>>, vector<1x16xf32>,
            %swap3A_1256 = vector.shape_cast %swap3A_1255 : vector<1x16xf32> to vector<16xf32>
            %swap3A_1257 = vector.shape_cast %mul3A_1252 : vector<16xf32> to vector<1x16xf32>
            tpu.vector_store %arg12[%swap3A_1253, %swap3A_1254], %swap3A_1257 {strides = array<i32>} : memref<80x128xf32, #tpu.memory_space<vmem>>, vector<1x16xf32>,
            %slice3A_1258 = vector.extract_strided_slice %get3A_414 {offsets = [9], sizes = [1], strides = [1]} : vector<16xf32> to vector<1xf32>
            %squeeze3A_1259 = vector.extract %slice3A_1258[0] : f32 from vector<1xf32>
            %mul3A_1260 = arith.constant 16 : i32
            %mul3A_1261 = arith.muli %scan3A_409, %mul3A_1260 : i32
            %add3A_1262 = arith.constant 9 : i32
            %add3A_1263 = arith.addi %mul3A_1261, %add3A_1262 : i32
            %get3A_1264 = arith.index_cast %add3A_1263 : i32 to index
            %get3A_1265 = arith.constant 0 : index
            %get3A_1266 = tpu.vector_load %arg12[%get3A_1264, %get3A_1265] {strides = array<i32>} : memref<80x128xf32, #tpu.memory_space<vmem>>, vector<1x16xf32>,
            %get3A_1267 = vector.shape_cast %get3A_1266 : vector<1x16xf32> to vector<16xf32>
            %mul3A_1268 = vector.broadcast %squeeze3A_1259 : f32 to vector<16xf32>
            %mul3A_1269 = arith.mulf %get3A_1267, %mul3A_1268 : vector<16xf32>
            %swap3A_1270 = arith.index_cast %add3A_1263 : i32 to index
            %swap3A_1271 = arith.constant 0 : index
            %swap3A_1272 = tpu.vector_load %arg12[%swap3A_1270, %swap3A_1271] {strides = array<i32>} : memref<80x128xf32, #tpu.memory_space<vmem>>, vector<1x16xf32>,
            %swap3A_1273 = vector.shape_cast %swap3A_1272 : vector<1x16xf32> to vector<16xf32>
            %swap3A_1274 = vector.shape_cast %mul3A_1269 : vector<16xf32> to vector<1x16xf32>
            tpu.vector_store %arg12[%swap3A_1270, %swap3A_1271], %swap3A_1274 {strides = array<i32>} : memref<80x128xf32, #tpu.memory_space<vmem>>, vector<1x16xf32>,
            %get3A_1275 = arith.index_cast %add3A_1263 : i32 to index
            %get3A_1276 = arith.constant 16 : index
            %get3A_1277 = tpu.vector_load %arg12[%get3A_1275, %get3A_1276] {strides = array<i32>} : memref<80x128xf32, #tpu.memory_space<vmem>>, vector<1x16xf32>,
            %get3A_1278 = vector.shape_cast %get3A_1277 : vector<1x16xf32> to vector<16xf32>
            %mul3A_1279 = vector.broadcast %squeeze3A_1259 : f32 to vector<16xf32>
            %mul3A_1280 = arith.mulf %get3A_1278, %mul3A_1279 : vector<16xf32>
            %swap3A_1281 = arith.index_cast %add3A_1263 : i32 to index
            %swap3A_1282 = arith.constant 16 : index
            %swap3A_1283 = tpu.vector_load %arg12[%swap3A_1281, %swap3A_1282] {strides = array<i32>} : memref<80x128xf32, #tpu.memory_space<vmem>>, vector<1x16xf32>,
            %swap3A_1284 = vector.shape_cast %swap3A_1283 : vector<1x16xf32> to vector<16xf32>
            %swap3A_1285 = vector.shape_cast %mul3A_1280 : vector<16xf32> to vector<1x16xf32>
            tpu.vector_store %arg12[%swap3A_1281, %swap3A_1282], %swap3A_1285 {strides = array<i32>} : memref<80x128xf32, #tpu.memory_space<vmem>>, vector<1x16xf32>,
            %get3A_1286 = arith.index_cast %add3A_1263 : i32 to index
            %get3A_1287 = arith.constant 32 : index
            %get3A_1288 = tpu.vector_load %arg12[%get3A_1286, %get3A_1287] {strides = array<i32>} : memref<80x128xf32, #tpu.memory_space<vmem>>, vector<1x16xf32>,
            %get3A_1289 = vector.shape_cast %get3A_1288 : vector<1x16xf32> to vector<16xf32>
            %mul3A_1290 = vector.broadcast %squeeze3A_1259 : f32 to vector<16xf32>
            %mul3A_1291 = arith.mulf %get3A_1289, %mul3A_1290 : vector<16xf32>
            %swap3A_1292 = arith.index_cast %add3A_1263 : i32 to index
            %swap3A_1293 = arith.constant 32 : index
            %swap3A_1294 = tpu.vector_load %arg12[%swap3A_1292, %swap3A_1293] {strides = array<i32>} : memref<80x128xf32, #tpu.memory_space<vmem>>, vector<1x16xf32>,
            %swap3A_1295 = vector.shape_cast %swap3A_1294 : vector<1x16xf32> to vector<16xf32>
            %swap3A_1296 = vector.shape_cast %mul3A_1291 : vector<16xf32> to vector<1x16xf32>
            tpu.vector_store %arg12[%swap3A_1292, %swap3A_1293], %swap3A_1296 {strides = array<i32>} : memref<80x128xf32, #tpu.memory_space<vmem>>, vector<1x16xf32>,
            %get3A_1297 = arith.index_cast %add3A_1263 : i32 to index
            %get3A_1298 = arith.constant 48 : index
            %get3A_1299 = tpu.vector_load %arg12[%get3A_1297, %get3A_1298] {strides = array<i32>} : memref<80x128xf32, #tpu.memory_space<vmem>>, vector<1x16xf32>,
            %get3A_1300 = vector.shape_cast %get3A_1299 : vector<1x16xf32> to vector<16xf32>
            %mul3A_1301 = vector.broadcast %squeeze3A_1259 : f32 to vector<16xf32>
            %mul3A_1302 = arith.mulf %get3A_1300, %mul3A_1301 : vector<16xf32>
            %swap3A_1303 = arith.index_cast %add3A_1263 : i32 to index
            %swap3A_1304 = arith.constant 48 : index
            %swap3A_1305 = tpu.vector_load %arg12[%swap3A_1303, %swap3A_1304] {strides = array<i32>} : memref<80x128xf32, #tpu.memory_space<vmem>>, vector<1x16xf32>,
            %swap3A_1306 = vector.shape_cast %swap3A_1305 : vector<1x16xf32> to vector<16xf32>
            %swap3A_1307 = vector.shape_cast %mul3A_1302 : vector<16xf32> to vector<1x16xf32>
            tpu.vector_store %arg12[%swap3A_1303, %swap3A_1304], %swap3A_1307 {strides = array<i32>} : memref<80x128xf32, #tpu.memory_space<vmem>>, vector<1x16xf32>,
            %get3A_1308 = arith.index_cast %add3A_1263 : i32 to index
            %get3A_1309 = arith.constant 64 : index
            %get3A_1310 = tpu.vector_load %arg12[%get3A_1308, %get3A_1309] {strides = array<i32>} : memref<80x128xf32, #tpu.memory_space<vmem>>, vector<1x16xf32>,
            %get3A_1311 = vector.shape_cast %get3A_1310 : vector<1x16xf32> to vector<16xf32>
            %mul3A_1312 = vector.broadcast %squeeze3A_1259 : f32 to vector<16xf32>
            %mul3A_1313 = arith.mulf %get3A_1311, %mul3A_1312 : vector<16xf32>
            %swap3A_1314 = arith.index_cast %add3A_1263 : i32 to index
            %swap3A_1315 = arith.constant 64 : index
            %swap3A_1316 = tpu.vector_load %arg12[%swap3A_1314, %swap3A_1315] {strides = array<i32>} : memref<80x128xf32, #tpu.memory_space<vmem>>, vector<1x16xf32>,
            %swap3A_1317 = vector.shape_cast %swap3A_1316 : vector<1x16xf32> to vector<16xf32>
            %swap3A_1318 = vector.shape_cast %mul3A_1313 : vector<16xf32> to vector<1x16xf32>
            tpu.vector_store %arg12[%swap3A_1314, %swap3A_1315], %swap3A_1318 {strides = array<i32>} : memref<80x128xf32, #tpu.memory_space<vmem>>, vector<1x16xf32>,
            %get3A_1319 = arith.index_cast %add3A_1263 : i32 to index
            %get3A_1320 = arith.constant 80 : index
            %get3A_1321 = tpu.vector_load %arg12[%get3A_1319, %get3A_1320] {strides = array<i32>} : memref<80x128xf32, #tpu.memory_space<vmem>>, vector<1x16xf32>,
            %get3A_1322 = vector.shape_cast %get3A_1321 : vector<1x16xf32> to vector<16xf32>
            %mul3A_1323 = vector.broadcast %squeeze3A_1259 : f32 to vector<16xf32>
            %mul3A_1324 = arith.mulf %get3A_1322, %mul3A_1323 : vector<16xf32>
            %swap3A_1325 = arith.index_cast %add3A_1263 : i32 to index
            %swap3A_1326 = arith.constant 80 : index
            %swap3A_1327 = tpu.vector_load %arg12[%swap3A_1325, %swap3A_1326] {strides = array<i32>} : memref<80x128xf32, #tpu.memory_space<vmem>>, vector<1x16xf32>,
            %swap3A_1328 = vector.shape_cast %swap3A_1327 : vector<1x16xf32> to vector<16xf32>
            %swap3A_1329 = vector.shape_cast %mul3A_1324 : vector<16xf32> to vector<1x16xf32>
            tpu.vector_store %arg12[%swap3A_1325, %swap3A_1326], %swap3A_1329 {strides = array<i32>} : memref<80x128xf32, #tpu.memory_space<vmem>>, vector<1x16xf32>,
            %get3A_1330 = arith.index_cast %add3A_1263 : i32 to index
            %get3A_1331 = arith.constant 96 : index
            %get3A_1332 = tpu.vector_load %arg12[%get3A_1330, %get3A_1331] {strides = array<i32>} : memref<80x128xf32, #tpu.memory_space<vmem>>, vector<1x16xf32>,
            %get3A_1333 = vector.shape_cast %get3A_1332 : vector<1x16xf32> to vector<16xf32>
            %mul3A_1334 = vector.broadcast %squeeze3A_1259 : f32 to vector<16xf32>
            %mul3A_1335 = arith.mulf %get3A_1333, %mul3A_1334 : vector<16xf32>
            %swap3A_1336 = arith.index_cast %add3A_1263 : i32 to index
            %swap3A_1337 = arith.constant 96 : index
            %swap3A_1338 = tpu.vector_load %arg12[%swap3A_1336, %swap3A_1337] {strides = array<i32>} : memref<80x128xf32, #tpu.memory_space<vmem>>, vector<1x16xf32>,
            %swap3A_1339 = vector.shape_cast %swap3A_1338 : vector<1x16xf32> to vector<16xf32>
            %swap3A_1340 = vector.shape_cast %mul3A_1335 : vector<16xf32> to vector<1x16xf32>
            tpu.vector_store %arg12[%swap3A_1336, %swap3A_1337], %swap3A_1340 {strides = array<i32>} : memref<80x128xf32, #tpu.memory_space<vmem>>, vector<1x16xf32>,
            %get3A_1341 = arith.index_cast %add3A_1263 : i32 to index
            %get3A_1342 = arith.constant 112 : index
            %get3A_1343 = tpu.vector_load %arg12[%get3A_1341, %get3A_1342] {strides = array<i32>} : memref<80x128xf32, #tpu.memory_space<vmem>>, vector<1x16xf32>,
            %get3A_1344 = vector.shape_cast %get3A_1343 : vector<1x16xf32> to vector<16xf32>
            %mul3A_1345 = vector.broadcast %squeeze3A_1259 : f32 to vector<16xf32>
            %mul3A_1346 = arith.mulf %get3A_1344, %mul3A_1345 : vector<16xf32>
            %swap3A_1347 = arith.index_cast %add3A_1263 : i32 to index
            %swap3A_1348 = arith.constant 112 : index
            %swap3A_1349 = tpu.vector_load %arg12[%swap3A_1347, %swap3A_1348] {strides = array<i32>} : memref<80x128xf32, #tpu.memory_space<vmem>>, vector<1x16xf32>,
            %swap3A_1350 = vector.shape_cast %swap3A_1349 : vector<1x16xf32> to vector<16xf32>
            %swap3A_1351 = vector.shape_cast %mul3A_1346 : vector<16xf32> to vector<1x16xf32>
            tpu.vector_store %arg12[%swap3A_1347, %swap3A_1348], %swap3A_1351 {strides = array<i32>} : memref<80x128xf32, #tpu.memory_space<vmem>>, vector<1x16xf32>,
            %slice3A_1352 = vector.extract_strided_slice %get3A_414 {offsets = [10], sizes = [1], strides = [1]} : vector<16xf32> to vector<1xf32>
            %squeeze3A_1353 = vector.extract %slice3A_1352[0] : f32 from vector<1xf32>
            %mul3A_1354 = arith.constant 16 : i32
            %mul3A_1355 = arith.muli %scan3A_409, %mul3A_1354 : i32
            %add3A_1356 = arith.constant 10 : i32
            %add3A_1357 = arith.addi %mul3A_1355, %add3A_1356 : i32
            %get3A_1358 = arith.index_cast %add3A_1357 : i32 to index
            %get3A_1359 = arith.constant 0 : index
            %get3A_1360 = tpu.vector_load %arg12[%get3A_1358, %get3A_1359] {strides = array<i32>} : memref<80x128xf32, #tpu.memory_space<vmem>>, vector<1x16xf32>,
            %get3A_1361 = vector.shape_cast %get3A_1360 : vector<1x16xf32> to vector<16xf32>
            %mul3A_1362 = vector.broadcast %squeeze3A_1353 : f32 to vector<16xf32>
            %mul3A_1363 = arith.mulf %get3A_1361, %mul3A_1362 : vector<16xf32>
            %swap3A_1364 = arith.index_cast %add3A_1357 : i32 to index
            %swap3A_1365 = arith.constant 0 : index
            %swap3A_1366 = tpu.vector_load %arg12[%swap3A_1364, %swap3A_1365] {strides = array<i32>} : memref<80x128xf32, #tpu.memory_space<vmem>>, vector<1x16xf32>,
            %swap3A_1367 = vector.shape_cast %swap3A_1366 : vector<1x16xf32> to vector<16xf32>
            %swap3A_1368 = vector.shape_cast %mul3A_1363 : vector<16xf32> to vector<1x16xf32>
            tpu.vector_store %arg12[%swap3A_1364, %swap3A_1365], %swap3A_1368 {strides = array<i32>} : memref<80x128xf32, #tpu.memory_space<vmem>>, vector<1x16xf32>,
            %get3A_1369 = arith.index_cast %add3A_1357 : i32 to index
            %get3A_1370 = arith.constant 16 : index
            %get3A_1371 = tpu.vector_load %arg12[%get3A_1369, %get3A_1370] {strides = array<i32>} : memref<80x128xf32, #tpu.memory_space<vmem>>, vector<1x16xf32>,
            %get3A_1372 = vector.shape_cast %get3A_1371 : vector<1x16xf32> to vector<16xf32>
            %mul3A_1373 = vector.broadcast %squeeze3A_1353 : f32 to vector<16xf32>
            %mul3A_1374 = arith.mulf %get3A_1372, %mul3A_1373 : vector<16xf32>
            %swap3A_1375 = arith.index_cast %add3A_1357 : i32 to index
            %swap3A_1376 = arith.constant 16 : index
            %swap3A_1377 = tpu.vector_load %arg12[%swap3A_1375, %swap3A_1376] {strides = array<i32>} : memref<80x128xf32, #tpu.memory_space<vmem>>, vector<1x16xf32>,
            %swap3A_1378 = vector.shape_cast %swap3A_1377 : vector<1x16xf32> to vector<16xf32>
            %swap3A_1379 = vector.shape_cast %mul3A_1374 : vector<16xf32> to vector<1x16xf32>
            tpu.vector_store %arg12[%swap3A_1375, %swap3A_1376], %swap3A_1379 {strides = array<i32>} : memref<80x128xf32, #tpu.memory_space<vmem>>, vector<1x16xf32>,
            %get3A_1380 = arith.index_cast %add3A_1357 : i32 to index
            %get3A_1381 = arith.constant 32 : index
            %get3A_1382 = tpu.vector_load %arg12[%get3A_1380, %get3A_1381] {strides = array<i32>} : memref<80x128xf32, #tpu.memory_space<vmem>>, vector<1x16xf32>,
            %get3A_1383 = vector.shape_cast %get3A_1382 : vector<1x16xf32> to vector<16xf32>
            %mul3A_1384 = vector.broadcast %squeeze3A_1353 : f32 to vector<16xf32>
            %mul3A_1385 = arith.mulf %get3A_1383, %mul3A_1384 : vector<16xf32>
            %swap3A_1386 = arith.index_cast %add3A_1357 : i32 to index
            %swap3A_1387 = arith.constant 32 : index
            %swap3A_1388 = tpu.vector_load %arg12[%swap3A_1386, %swap3A_1387] {strides = array<i32>} : memref<80x128xf32, #tpu.memory_space<vmem>>, vector<1x16xf32>,
            %swap3A_1389 = vector.shape_cast %swap3A_1388 : vector<1x16xf32> to vector<16xf32>
            %swap3A_1390 = vector.shape_cast %mul3A_1385 : vector<16xf32> to vector<1x16xf32>
            tpu.vector_store %arg12[%swap3A_1386, %swap3A_1387], %swap3A_1390 {strides = array<i32>} : memref<80x128xf32, #tpu.memory_space<vmem>>, vector<1x16xf32>,
            %get3A_1391 = arith.index_cast %add3A_1357 : i32 to index
            %get3A_1392 = arith.constant 48 : index
            %get3A_1393 = tpu.vector_load %arg12[%get3A_1391, %get3A_1392] {strides = array<i32>} : memref<80x128xf32, #tpu.memory_space<vmem>>, vector<1x16xf32>,
            %get3A_1394 = vector.shape_cast %get3A_1393 : vector<1x16xf32> to vector<16xf32>
            %mul3A_1395 = vector.broadcast %squeeze3A_1353 : f32 to vector<16xf32>
            %mul3A_1396 = arith.mulf %get3A_1394, %mul3A_1395 : vector<16xf32>
            %swap3A_1397 = arith.index_cast %add3A_1357 : i32 to index
            %swap3A_1398 = arith.constant 48 : index
            %swap3A_1399 = tpu.vector_load %arg12[%swap3A_1397, %swap3A_1398] {strides = array<i32>} : memref<80x128xf32, #tpu.memory_space<vmem>>, vector<1x16xf32>,
            %swap3A_1400 = vector.shape_cast %swap3A_1399 : vector<1x16xf32> to vector<16xf32>
            %swap3A_1401 = vector.shape_cast %mul3A_1396 : vector<16xf32> to vector<1x16xf32>
            tpu.vector_store %arg12[%swap3A_1397, %swap3A_1398], %swap3A_1401 {strides = array<i32>} : memref<80x128xf32, #tpu.memory_space<vmem>>, vector<1x16xf32>,
            %get3A_1402 = arith.index_cast %add3A_1357 : i32 to index
            %get3A_1403 = arith.constant 64 : index
            %get3A_1404 = tpu.vector_load %arg12[%get3A_1402, %get3A_1403] {strides = array<i32>} : memref<80x128xf32, #tpu.memory_space<vmem>>, vector<1x16xf32>,
            %get3A_1405 = vector.shape_cast %get3A_1404 : vector<1x16xf32> to vector<16xf32>
            %mul3A_1406 = vector.broadcast %squeeze3A_1353 : f32 to vector<16xf32>
            %mul3A_1407 = arith.mulf %get3A_1405, %mul3A_1406 : vector<16xf32>
            %swap3A_1408 = arith.index_cast %add3A_1357 : i32 to index
            %swap3A_1409 = arith.constant 64 : index
            %swap3A_1410 = tpu.vector_load %arg12[%swap3A_1408, %swap3A_1409] {strides = array<i32>} : memref<80x128xf32, #tpu.memory_space<vmem>>, vector<1x16xf32>,
            %swap3A_1411 = vector.shape_cast %swap3A_1410 : vector<1x16xf32> to vector<16xf32>
            %swap3A_1412 = vector.shape_cast %mul3A_1407 : vector<16xf32> to vector<1x16xf32>
            tpu.vector_store %arg12[%swap3A_1408, %swap3A_1409], %swap3A_1412 {strides = array<i32>} : memref<80x128xf32, #tpu.memory_space<vmem>>, vector<1x16xf32>,
            %get3A_1413 = arith.index_cast %add3A_1357 : i32 to index
            %get3A_1414 = arith.constant 80 : index
            %get3A_1415 = tpu.vector_load %arg12[%get3A_1413, %get3A_1414] {strides = array<i32>} : memref<80x128xf32, #tpu.memory_space<vmem>>, vector<1x16xf32>,
            %get3A_1416 = vector.shape_cast %get3A_1415 : vector<1x16xf32> to vector<16xf32>
            %mul3A_1417 = vector.broadcast %squeeze3A_1353 : f32 to vector<16xf32>
            %mul3A_1418 = arith.mulf %get3A_1416, %mul3A_1417 : vector<16xf32>
            %swap3A_1419 = arith.index_cast %add3A_1357 : i32 to index
            %swap3A_1420 = arith.constant 80 : index
            %swap3A_1421 = tpu.vector_load %arg12[%swap3A_1419, %swap3A_1420] {strides = array<i32>} : memref<80x128xf32, #tpu.memory_space<vmem>>, vector<1x16xf32>,
            %swap3A_1422 = vector.shape_cast %swap3A_1421 : vector<1x16xf32> to vector<16xf32>
            %swap3A_1423 = vector.shape_cast %mul3A_1418 : vector<16xf32> to vector<1x16xf32>
            tpu.vector_store %arg12[%swap3A_1419, %swap3A_1420], %swap3A_1423 {strides = array<i32>} : memref<80x128xf32, #tpu.memory_space<vmem>>, vector<1x16xf32>,
            %get3A_1424 = arith.index_cast %add3A_1357 : i32 to index
            %get3A_1425 = arith.constant 96 : index
            %get3A_1426 = tpu.vector_load %arg12[%get3A_1424, %get3A_1425] {strides = array<i32>} : memref<80x128xf32, #tpu.memory_space<vmem>>, vector<1x16xf32>,
            %get3A_1427 = vector.shape_cast %get3A_1426 : vector<1x16xf32> to vector<16xf32>
            %mul3A_1428 = vector.broadcast %squeeze3A_1353 : f32 to vector<16xf32>
            %mul3A_1429 = arith.mulf %get3A_1427, %mul3A_1428 : vector<16xf32>
            %swap3A_1430 = arith.index_cast %add3A_1357 : i32 to index
            %swap3A_1431 = arith.constant 96 : index
            %swap3A_1432 = tpu.vector_load %arg12[%swap3A_1430, %swap3A_1431] {strides = array<i32>} : memref<80x128xf32, #tpu.memory_space<vmem>>, vector<1x16xf32>,
            %swap3A_1433 = vector.shape_cast %swap3A_1432 : vector<1x16xf32> to vector<16xf32>
            %swap3A_1434 = vector.shape_cast %mul3A_1429 : vector<16xf32> to vector<1x16xf32>
            tpu.vector_store %arg12[%swap3A_1430, %swap3A_1431], %swap3A_1434 {strides = array<i32>} : memref<80x128xf32, #tpu.memory_space<vmem>>, vector<1x16xf32>,
            %get3A_1435 = arith.index_cast %add3A_1357 : i32 to index
            %get3A_1436 = arith.constant 112 : index
            %get3A_1437 = tpu.vector_load %arg12[%get3A_1435, %get3A_1436] {strides = array<i32>} : memref<80x128xf32, #tpu.memory_space<vmem>>, vector<1x16xf32>,
            %get3A_1438 = vector.shape_cast %get3A_1437 : vector<1x16xf32> to vector<16xf32>
            %mul3A_1439 = vector.broadcast %squeeze3A_1353 : f32 to vector<16xf32>
            %mul3A_1440 = arith.mulf %get3A_1438, %mul3A_1439 : vector<16xf32>
            %swap3A_1441 = arith.index_cast %add3A_1357 : i32 to index
            %swap3A_1442 = arith.constant 112 : index
            %swap3A_1443 = tpu.vector_load %arg12[%swap3A_1441, %swap3A_1442] {strides = array<i32>} : memref<80x128xf32, #tpu.memory_space<vmem>>, vector<1x16xf32>,
            %swap3A_1444 = vector.shape_cast %swap3A_1443 : vector<1x16xf32> to vector<16xf32>
            %swap3A_1445 = vector.shape_cast %mul3A_1440 : vector<16xf32> to vector<1x16xf32>
            tpu.vector_store %arg12[%swap3A_1441, %swap3A_1442], %swap3A_1445 {strides = array<i32>} : memref<80x128xf32, #tpu.memory_space<vmem>>, vector<1x16xf32>,
            %slice3A_1446 = vector.extract_strided_slice %get3A_414 {offsets = [11], sizes = [1], strides = [1]} : vector<16xf32> to vector<1xf32>
            %squeeze3A_1447 = vector.extract %slice3A_1446[0] : f32 from vector<1xf32>
            %mul3A_1448 = arith.constant 16 : i32
            %mul3A_1449 = arith.muli %scan3A_409, %mul3A_1448 : i32
            %add3A_1450 = arith.constant 11 : i32
            %add3A_1451 = arith.addi %mul3A_1449, %add3A_1450 : i32
            %get3A_1452 = arith.index_cast %add3A_1451 : i32 to index
            %get3A_1453 = arith.constant 0 : index
            %get3A_1454 = tpu.vector_load %arg12[%get3A_1452, %get3A_1453] {strides = array<i32>} : memref<80x128xf32, #tpu.memory_space<vmem>>, vector<1x16xf32>,
            %get3A_1455 = vector.shape_cast %get3A_1454 : vector<1x16xf32> to vector<16xf32>
            %mul3A_1456 = vector.broadcast %squeeze3A_1447 : f32 to vector<16xf32>
            %mul3A_1457 = arith.mulf %get3A_1455, %mul3A_1456 : vector<16xf32>
            %swap3A_1458 = arith.index_cast %add3A_1451 : i32 to index
            %swap3A_1459 = arith.constant 0 : index
            %swap3A_1460 = tpu.vector_load %arg12[%swap3A_1458, %swap3A_1459] {strides = array<i32>} : memref<80x128xf32, #tpu.memory_space<vmem>>, vector<1x16xf32>,
            %swap3A_1461 = vector.shape_cast %swap3A_1460 : vector<1x16xf32> to vector<16xf32>
            %swap3A_1462 = vector.shape_cast %mul3A_1457 : vector<16xf32> to vector<1x16xf32>
            tpu.vector_store %arg12[%swap3A_1458, %swap3A_1459], %swap3A_1462 {strides = array<i32>} : memref<80x128xf32, #tpu.memory_space<vmem>>, vector<1x16xf32>,
            %get3A_1463 = arith.index_cast %add3A_1451 : i32 to index
            %get3A_1464 = arith.constant 16 : index
            %get3A_1465 = tpu.vector_load %arg12[%get3A_1463, %get3A_1464] {strides = array<i32>} : memref<80x128xf32, #tpu.memory_space<vmem>>, vector<1x16xf32>,
            %get3A_1466 = vector.shape_cast %get3A_1465 : vector<1x16xf32> to vector<16xf32>
            %mul3A_1467 = vector.broadcast %squeeze3A_1447 : f32 to vector<16xf32>
            %mul3A_1468 = arith.mulf %get3A_1466, %mul3A_1467 : vector<16xf32>
            %swap3A_1469 = arith.index_cast %add3A_1451 : i32 to index
            %swap3A_1470 = arith.constant 16 : index
            %swap3A_1471 = tpu.vector_load %arg12[%swap3A_1469, %swap3A_1470] {strides = array<i32>} : memref<80x128xf32, #tpu.memory_space<vmem>>, vector<1x16xf32>,
            %swap3A_1472 = vector.shape_cast %swap3A_1471 : vector<1x16xf32> to vector<16xf32>
            %swap3A_1473 = vector.shape_cast %mul3A_1468 : vector<16xf32> to vector<1x16xf32>
            tpu.vector_store %arg12[%swap3A_1469, %swap3A_1470], %swap3A_1473 {strides = array<i32>} : memref<80x128xf32, #tpu.memory_space<vmem>>, vector<1x16xf32>,
            %get3A_1474 = arith.index_cast %add3A_1451 : i32 to index
            %get3A_1475 = arith.constant 32 : index
            %get3A_1476 = tpu.vector_load %arg12[%get3A_1474, %get3A_1475] {strides = array<i32>} : memref<80x128xf32, #tpu.memory_space<vmem>>, vector<1x16xf32>,
            %get3A_1477 = vector.shape_cast %get3A_1476 : vector<1x16xf32> to vector<16xf32>
            %mul3A_1478 = vector.broadcast %squeeze3A_1447 : f32 to vector<16xf32>
            %mul3A_1479 = arith.mulf %get3A_1477, %mul3A_1478 : vector<16xf32>
            %swap3A_1480 = arith.index_cast %add3A_1451 : i32 to index
            %swap3A_1481 = arith.constant 32 : index
            %swap3A_1482 = tpu.vector_load %arg12[%swap3A_1480, %swap3A_1481] {strides = array<i32>} : memref<80x128xf32, #tpu.memory_space<vmem>>, vector<1x16xf32>,
            %swap3A_1483 = vector.shape_cast %swap3A_1482 : vector<1x16xf32> to vector<16xf32>
            %swap3A_1484 = vector.shape_cast %mul3A_1479 : vector<16xf32> to vector<1x16xf32>
            tpu.vector_store %arg12[%swap3A_1480, %swap3A_1481], %swap3A_1484 {strides = array<i32>} : memref<80x128xf32, #tpu.memory_space<vmem>>, vector<1x16xf32>,
            %get3A_1485 = arith.index_cast %add3A_1451 : i32 to index
            %get3A_1486 = arith.constant 48 : index
            %get3A_1487 = tpu.vector_load %arg12[%get3A_1485, %get3A_1486] {strides = array<i32>} : memref<80x128xf32, #tpu.memory_space<vmem>>, vector<1x16xf32>,
            %get3A_1488 = vector.shape_cast %get3A_1487 : vector<1x16xf32> to vector<16xf32>
            %mul3A_1489 = vector.broadcast %squeeze3A_1447 : f32 to vector<16xf32>
            %mul3A_1490 = arith.mulf %get3A_1488, %mul3A_1489 : vector<16xf32>
            %swap3A_1491 = arith.index_cast %add3A_1451 : i32 to index
            %swap3A_1492 = arith.constant 48 : index
            %swap3A_1493 = tpu.vector_load %arg12[%swap3A_1491, %swap3A_1492] {strides = array<i32>} : memref<80x128xf32, #tpu.memory_space<vmem>>, vector<1x16xf32>,
            %swap3A_1494 = vector.shape_cast %swap3A_1493 : vector<1x16xf32> to vector<16xf32>
            %swap3A_1495 = vector.shape_cast %mul3A_1490 : vector<16xf32> to vector<1x16xf32>
            tpu.vector_store %arg12[%swap3A_1491, %swap3A_1492], %swap3A_1495 {strides = array<i32>} : memref<80x128xf32, #tpu.memory_space<vmem>>, vector<1x16xf32>,
            %get3A_1496 = arith.index_cast %add3A_1451 : i32 to index
            %get3A_1497 = arith.constant 64 : index
            %get3A_1498 = tpu.vector_load %arg12[%get3A_1496, %get3A_1497] {strides = array<i32>} : memref<80x128xf32, #tpu.memory_space<vmem>>, vector<1x16xf32>,
            %get3A_1499 = vector.shape_cast %get3A_1498 : vector<1x16xf32> to vector<16xf32>
            %mul3A_1500 = vector.broadcast %squeeze3A_1447 : f32 to vector<16xf32>
            %mul3A_1501 = arith.mulf %get3A_1499, %mul3A_1500 : vector<16xf32>
            %swap3A_1502 = arith.index_cast %add3A_1451 : i32 to index
            %swap3A_1503 = arith.constant 64 : index
            %swap3A_1504 = tpu.vector_load %arg12[%swap3A_1502, %swap3A_1503] {strides = array<i32>} : memref<80x128xf32, #tpu.memory_space<vmem>>, vector<1x16xf32>,
            %swap3A_1505 = vector.shape_cast %swap3A_1504 : vector<1x16xf32> to vector<16xf32>
            %swap3A_1506 = vector.shape_cast %mul3A_1501 : vector<16xf32> to vector<1x16xf32>
            tpu.vector_store %arg12[%swap3A_1502, %swap3A_1503], %swap3A_1506 {strides = array<i32>} : memref<80x128xf32, #tpu.memory_space<vmem>>, vector<1x16xf32>,
            %get3A_1507 = arith.index_cast %add3A_1451 : i32 to index
            %get3A_1508 = arith.constant 80 : index
            %get3A_1509 = tpu.vector_load %arg12[%get3A_1507, %get3A_1508] {strides = array<i32>} : memref<80x128xf32, #tpu.memory_space<vmem>>, vector<1x16xf32>,
            %get3A_1510 = vector.shape_cast %get3A_1509 : vector<1x16xf32> to vector<16xf32>
            %mul3A_1511 = vector.broadcast %squeeze3A_1447 : f32 to vector<16xf32>
            %mul3A_1512 = arith.mulf %get3A_1510, %mul3A_1511 : vector<16xf32>
            %swap3A_1513 = arith.index_cast %add3A_1451 : i32 to index
            %swap3A_1514 = arith.constant 80 : index
            %swap3A_1515 = tpu.vector_load %arg12[%swap3A_1513, %swap3A_1514] {strides = array<i32>} : memref<80x128xf32, #tpu.memory_space<vmem>>, vector<1x16xf32>,
            %swap3A_1516 = vector.shape_cast %swap3A_1515 : vector<1x16xf32> to vector<16xf32>
            %swap3A_1517 = vector.shape_cast %mul3A_1512 : vector<16xf32> to vector<1x16xf32>
            tpu.vector_store %arg12[%swap3A_1513, %swap3A_1514], %swap3A_1517 {strides = array<i32>} : memref<80x128xf32, #tpu.memory_space<vmem>>, vector<1x16xf32>,
            %get3A_1518 = arith.index_cast %add3A_1451 : i32 to index
            %get3A_1519 = arith.constant 96 : index
            %get3A_1520 = tpu.vector_load %arg12[%get3A_1518, %get3A_1519] {strides = array<i32>} : memref<80x128xf32, #tpu.memory_space<vmem>>, vector<1x16xf32>,
            %get3A_1521 = vector.shape_cast %get3A_1520 : vector<1x16xf32> to vector<16xf32>
            %mul3A_1522 = vector.broadcast %squeeze3A_1447 : f32 to vector<16xf32>
            %mul3A_1523 = arith.mulf %get3A_1521, %mul3A_1522 : vector<16xf32>
            %swap3A_1524 = arith.index_cast %add3A_1451 : i32 to index
            %swap3A_1525 = arith.constant 96 : index
            %swap3A_1526 = tpu.vector_load %arg12[%swap3A_1524, %swap3A_1525] {strides = array<i32>} : memref<80x128xf32, #tpu.memory_space<vmem>>, vector<1x16xf32>,
            %swap3A_1527 = vector.shape_cast %swap3A_1526 : vector<1x16xf32> to vector<16xf32>
            %swap3A_1528 = vector.shape_cast %mul3A_1523 : vector<16xf32> to vector<1x16xf32>
            tpu.vector_store %arg12[%swap3A_1524, %swap3A_1525], %swap3A_1528 {strides = array<i32>} : memref<80x128xf32, #tpu.memory_space<vmem>>, vector<1x16xf32>,
            %get3A_1529 = arith.index_cast %add3A_1451 : i32 to index
            %get3A_1530 = arith.constant 112 : index
            %get3A_1531 = tpu.vector_load %arg12[%get3A_1529, %get3A_1530] {strides = array<i32>} : memref<80x128xf32, #tpu.memory_space<vmem>>, vector<1x16xf32>,
            %get3A_1532 = vector.shape_cast %get3A_1531 : vector<1x16xf32> to vector<16xf32>
            %mul3A_1533 = vector.broadcast %squeeze3A_1447 : f32 to vector<16xf32>
            %mul3A_1534 = arith.mulf %get3A_1532, %mul3A_1533 : vector<16xf32>
            %swap3A_1535 = arith.index_cast %add3A_1451 : i32 to index
            %swap3A_1536 = arith.constant 112 : index
            %swap3A_1537 = tpu.vector_load %arg12[%swap3A_1535, %swap3A_1536] {strides = array<i32>} : memref<80x128xf32, #tpu.memory_space<vmem>>, vector<1x16xf32>,
            %swap3A_1538 = vector.shape_cast %swap3A_1537 : vector<1x16xf32> to vector<16xf32>
            %swap3A_1539 = vector.shape_cast %mul3A_1534 : vector<16xf32> to vector<1x16xf32>
            tpu.vector_store %arg12[%swap3A_1535, %swap3A_1536], %swap3A_1539 {strides = array<i32>} : memref<80x128xf32, #tpu.memory_space<vmem>>, vector<1x16xf32>,
            %slice3A_1540 = vector.extract_strided_slice %get3A_414 {offsets = [12], sizes = [1], strides = [1]} : vector<16xf32> to vector<1xf32>
            %squeeze3A_1541 = vector.extract %slice3A_1540[0] : f32 from vector<1xf32>
            %mul3A_1542 = arith.constant 16 : i32
            %mul3A_1543 = arith.muli %scan3A_409, %mul3A_1542 : i32
            %add3A_1544 = arith.constant 12 : i32
            %add3A_1545 = arith.addi %mul3A_1543, %add3A_1544 : i32
            %get3A_1546 = arith.index_cast %add3A_1545 : i32 to index
            %get3A_1547 = arith.constant 0 : index
            %get3A_1548 = tpu.vector_load %arg12[%get3A_1546, %get3A_1547] {strides = array<i32>} : memref<80x128xf32, #tpu.memory_space<vmem>>, vector<1x16xf32>,
            %get3A_1549 = vector.shape_cast %get3A_1548 : vector<1x16xf32> to vector<16xf32>
            %mul3A_1550 = vector.broadcast %squeeze3A_1541 : f32 to vector<16xf32>
            %mul3A_1551 = arith.mulf %get3A_1549, %mul3A_1550 : vector<16xf32>
            %swap3A_1552 = arith.index_cast %add3A_1545 : i32 to index
            %swap3A_1553 = arith.constant 0 : index
            %swap3A_1554 = tpu.vector_load %arg12[%swap3A_1552, %swap3A_1553] {strides = array<i32>} : memref<80x128xf32, #tpu.memory_space<vmem>>, vector<1x16xf32>,
            %swap3A_1555 = vector.shape_cast %swap3A_1554 : vector<1x16xf32> to vector<16xf32>
            %swap3A_1556 = vector.shape_cast %mul3A_1551 : vector<16xf32> to vector<1x16xf32>
            tpu.vector_store %arg12[%swap3A_1552, %swap3A_1553], %swap3A_1556 {strides = array<i32>} : memref<80x128xf32, #tpu.memory_space<vmem>>, vector<1x16xf32>,
            %get3A_1557 = arith.index_cast %add3A_1545 : i32 to index
            %get3A_1558 = arith.constant 16 : index
            %get3A_1559 = tpu.vector_load %arg12[%get3A_1557, %get3A_1558] {strides = array<i32>} : memref<80x128xf32, #tpu.memory_space<vmem>>, vector<1x16xf32>,
            %get3A_1560 = vector.shape_cast %get3A_1559 : vector<1x16xf32> to vector<16xf32>
            %mul3A_1561 = vector.broadcast %squeeze3A_1541 : f32 to vector<16xf32>
            %mul3A_1562 = arith.mulf %get3A_1560, %mul3A_1561 : vector<16xf32>
            %swap3A_1563 = arith.index_cast %add3A_1545 : i32 to index
            %swap3A_1564 = arith.constant 16 : index
            %swap3A_1565 = tpu.vector_load %arg12[%swap3A_1563, %swap3A_1564] {strides = array<i32>} : memref<80x128xf32, #tpu.memory_space<vmem>>, vector<1x16xf32>,
            %swap3A_1566 = vector.shape_cast %swap3A_1565 : vector<1x16xf32> to vector<16xf32>
            %swap3A_1567 = vector.shape_cast %mul3A_1562 : vector<16xf32> to vector<1x16xf32>
            tpu.vector_store %arg12[%swap3A_1563, %swap3A_1564], %swap3A_1567 {strides = array<i32>} : memref<80x128xf32, #tpu.memory_space<vmem>>, vector<1x16xf32>,
            %get3A_1568 = arith.index_cast %add3A_1545 : i32 to index
            %get3A_1569 = arith.constant 32 : index
            %get3A_1570 = tpu.vector_load %arg12[%get3A_1568, %get3A_1569] {strides = array<i32>} : memref<80x128xf32, #tpu.memory_space<vmem>>, vector<1x16xf32>,
            %get3A_1571 = vector.shape_cast %get3A_1570 : vector<1x16xf32> to vector<16xf32>
            %mul3A_1572 = vector.broadcast %squeeze3A_1541 : f32 to vector<16xf32>
            %mul3A_1573 = arith.mulf %get3A_1571, %mul3A_1572 : vector<16xf32>
            %swap3A_1574 = arith.index_cast %add3A_1545 : i32 to index
            %swap3A_1575 = arith.constant 32 : index
            %swap3A_1576 = tpu.vector_load %arg12[%swap3A_1574, %swap3A_1575] {strides = array<i32>} : memref<80x128xf32, #tpu.memory_space<vmem>>, vector<1x16xf32>,
            %swap3A_1577 = vector.shape_cast %swap3A_1576 : vector<1x16xf32> to vector<16xf32>
            %swap3A_1578 = vector.shape_cast %mul3A_1573 : vector<16xf32> to vector<1x16xf32>
            tpu.vector_store %arg12[%swap3A_1574, %swap3A_1575], %swap3A_1578 {strides = array<i32>} : memref<80x128xf32, #tpu.memory_space<vmem>>, vector<1x16xf32>,
            %get3A_1579 = arith.index_cast %add3A_1545 : i32 to index
            %get3A_1580 = arith.constant 48 : index
            %get3A_1581 = tpu.vector_load %arg12[%get3A_1579, %get3A_1580] {strides = array<i32>} : memref<80x128xf32, #tpu.memory_space<vmem>>, vector<1x16xf32>,
            %get3A_1582 = vector.shape_cast %get3A_1581 : vector<1x16xf32> to vector<16xf32>
            %mul3A_1583 = vector.broadcast %squeeze3A_1541 : f32 to vector<16xf32>
            %mul3A_1584 = arith.mulf %get3A_1582, %mul3A_1583 : vector<16xf32>
            %swap3A_1585 = arith.index_cast %add3A_1545 : i32 to index
            %swap3A_1586 = arith.constant 48 : index
            %swap3A_1587 = tpu.vector_load %arg12[%swap3A_1585, %swap3A_1586] {strides = array<i32>} : memref<80x128xf32, #tpu.memory_space<vmem>>, vector<1x16xf32>,
            %swap3A_1588 = vector.shape_cast %swap3A_1587 : vector<1x16xf32> to vector<16xf32>
            %swap3A_1589 = vector.shape_cast %mul3A_1584 : vector<16xf32> to vector<1x16xf32>
            tpu.vector_store %arg12[%swap3A_1585, %swap3A_1586], %swap3A_1589 {strides = array<i32>} : memref<80x128xf32, #tpu.memory_space<vmem>>, vector<1x16xf32>,
            %get3A_1590 = arith.index_cast %add3A_1545 : i32 to index
            %get3A_1591 = arith.constant 64 : index
            %get3A_1592 = tpu.vector_load %arg12[%get3A_1590, %get3A_1591] {strides = array<i32>} : memref<80x128xf32, #tpu.memory_space<vmem>>, vector<1x16xf32>,
            %get3A_1593 = vector.shape_cast %get3A_1592 : vector<1x16xf32> to vector<16xf32>
            %mul3A_1594 = vector.broadcast %squeeze3A_1541 : f32 to vector<16xf32>
            %mul3A_1595 = arith.mulf %get3A_1593, %mul3A_1594 : vector<16xf32>
            %swap3A_1596 = arith.index_cast %add3A_1545 : i32 to index
            %swap3A_1597 = arith.constant 64 : index
            %swap3A_1598 = tpu.vector_load %arg12[%swap3A_1596, %swap3A_1597] {strides = array<i32>} : memref<80x128xf32, #tpu.memory_space<vmem>>, vector<1x16xf32>,
            %swap3A_1599 = vector.shape_cast %swap3A_1598 : vector<1x16xf32> to vector<16xf32>
            %swap3A_1600 = vector.shape_cast %mul3A_1595 : vector<16xf32> to vector<1x16xf32>
            tpu.vector_store %arg12[%swap3A_1596, %swap3A_1597], %swap3A_1600 {strides = array<i32>} : memref<80x128xf32, #tpu.memory_space<vmem>>, vector<1x16xf32>,
            %get3A_1601 = arith.index_cast %add3A_1545 : i32 to index
            %get3A_1602 = arith.constant 80 : index
            %get3A_1603 = tpu.vector_load %arg12[%get3A_1601, %get3A_1602] {strides = array<i32>} : memref<80x128xf32, #tpu.memory_space<vmem>>, vector<1x16xf32>,
            %get3A_1604 = vector.shape_cast %get3A_1603 : vector<1x16xf32> to vector<16xf32>
            %mul3A_1605 = vector.broadcast %squeeze3A_1541 : f32 to vector<16xf32>
            %mul3A_1606 = arith.mulf %get3A_1604, %mul3A_1605 : vector<16xf32>
            %swap3A_1607 = arith.index_cast %add3A_1545 : i32 to index
            %swap3A_1608 = arith.constant 80 : index
            %swap3A_1609 = tpu.vector_load %arg12[%swap3A_1607, %swap3A_1608] {strides = array<i32>} : memref<80x128xf32, #tpu.memory_space<vmem>>, vector<1x16xf32>,
            %swap3A_1610 = vector.shape_cast %swap3A_1609 : vector<1x16xf32> to vector<16xf32>
            %swap3A_1611 = vector.shape_cast %mul3A_1606 : vector<16xf32> to vector<1x16xf32>
            tpu.vector_store %arg12[%swap3A_1607, %swap3A_1608], %swap3A_1611 {strides = array<i32>} : memref<80x128xf32, #tpu.memory_space<vmem>>, vector<1x16xf32>,
            %get3A_1612 = arith.index_cast %add3A_1545 : i32 to index
            %get3A_1613 = arith.constant 96 : index
            %get3A_1614 = tpu.vector_load %arg12[%get3A_1612, %get3A_1613] {strides = array<i32>} : memref<80x128xf32, #tpu.memory_space<vmem>>, vector<1x16xf32>,
            %get3A_1615 = vector.shape_cast %get3A_1614 : vector<1x16xf32> to vector<16xf32>
            %mul3A_1616 = vector.broadcast %squeeze3A_1541 : f32 to vector<16xf32>
            %mul3A_1617 = arith.mulf %get3A_1615, %mul3A_1616 : vector<16xf32>
            %swap3A_1618 = arith.index_cast %add3A_1545 : i32 to index
            %swap3A_1619 = arith.constant 96 : index
            %swap3A_1620 = tpu.vector_load %arg12[%swap3A_1618, %swap3A_1619] {strides = array<i32>} : memref<80x128xf32, #tpu.memory_space<vmem>>, vector<1x16xf32>,
            %swap3A_1621 = vector.shape_cast %swap3A_1620 : vector<1x16xf32> to vector<16xf32>
            %swap3A_1622 = vector.shape_cast %mul3A_1617 : vector<16xf32> to vector<1x16xf32>
            tpu.vector_store %arg12[%swap3A_1618, %swap3A_1619], %swap3A_1622 {strides = array<i32>} : memref<80x128xf32, #tpu.memory_space<vmem>>, vector<1x16xf32>,
            %get3A_1623 = arith.index_cast %add3A_1545 : i32 to index
            %get3A_1624 = arith.constant 112 : index
            %get3A_1625 = tpu.vector_load %arg12[%get3A_1623, %get3A_1624] {strides = array<i32>} : memref<80x128xf32, #tpu.memory_space<vmem>>, vector<1x16xf32>,
            %get3A_1626 = vector.shape_cast %get3A_1625 : vector<1x16xf32> to vector<16xf32>
            %mul3A_1627 = vector.broadcast %squeeze3A_1541 : f32 to vector<16xf32>
            %mul3A_1628 = arith.mulf %get3A_1626, %mul3A_1627 : vector<16xf32>
            %swap3A_1629 = arith.index_cast %add3A_1545 : i32 to index
            %swap3A_1630 = arith.constant 112 : index
            %swap3A_1631 = tpu.vector_load %arg12[%swap3A_1629, %swap3A_1630] {strides = array<i32>} : memref<80x128xf32, #tpu.memory_space<vmem>>, vector<1x16xf32>,
            %swap3A_1632 = vector.shape_cast %swap3A_1631 : vector<1x16xf32> to vector<16xf32>
            %swap3A_1633 = vector.shape_cast %mul3A_1628 : vector<16xf32> to vector<1x16xf32>
            tpu.vector_store %arg12[%swap3A_1629, %swap3A_1630], %swap3A_1633 {strides = array<i32>} : memref<80x128xf32, #tpu.memory_space<vmem>>, vector<1x16xf32>,
            %slice3A_1634 = vector.extract_strided_slice %get3A_414 {offsets = [13], sizes = [1], strides = [1]} : vector<16xf32> to vector<1xf32>
            %squeeze3A_1635 = vector.extract %slice3A_1634[0] : f32 from vector<1xf32>
            %mul3A_1636 = arith.constant 16 : i32
            %mul3A_1637 = arith.muli %scan3A_409, %mul3A_1636 : i32
            %add3A_1638 = arith.constant 13 : i32
            %add3A_1639 = arith.addi %mul3A_1637, %add3A_1638 : i32
            %get3A_1640 = arith.index_cast %add3A_1639 : i32 to index
            %get3A_1641 = arith.constant 0 : index
            %get3A_1642 = tpu.vector_load %arg12[%get3A_1640, %get3A_1641] {strides = array<i32>} : memref<80x128xf32, #tpu.memory_space<vmem>>, vector<1x16xf32>,
            %get3A_1643 = vector.shape_cast %get3A_1642 : vector<1x16xf32> to vector<16xf32>
            %mul3A_1644 = vector.broadcast %squeeze3A_1635 : f32 to vector<16xf32>
            %mul3A_1645 = arith.mulf %get3A_1643, %mul3A_1644 : vector<16xf32>
            %swap3A_1646 = arith.index_cast %add3A_1639 : i32 to index
            %swap3A_1647 = arith.constant 0 : index
            %swap3A_1648 = tpu.vector_load %arg12[%swap3A_1646, %swap3A_1647] {strides = array<i32>} : memref<80x128xf32, #tpu.memory_space<vmem>>, vector<1x16xf32>,
            %swap3A_1649 = vector.shape_cast %swap3A_1648 : vector<1x16xf32> to vector<16xf32>
            %swap3A_1650 = vector.shape_cast %mul3A_1645 : vector<16xf32> to vector<1x16xf32>
            tpu.vector_store %arg12[%swap3A_1646, %swap3A_1647], %swap3A_1650 {strides = array<i32>} : memref<80x128xf32, #tpu.memory_space<vmem>>, vector<1x16xf32>,
            %get3A_1651 = arith.index_cast %add3A_1639 : i32 to index
            %get3A_1652 = arith.constant 16 : index
            %get3A_1653 = tpu.vector_load %arg12[%get3A_1651, %get3A_1652] {strides = array<i32>} : memref<80x128xf32, #tpu.memory_space<vmem>>, vector<1x16xf32>,
            %get3A_1654 = vector.shape_cast %get3A_1653 : vector<1x16xf32> to vector<16xf32>
            %mul3A_1655 = vector.broadcast %squeeze3A_1635 : f32 to vector<16xf32>
            %mul3A_1656 = arith.mulf %get3A_1654, %mul3A_1655 : vector<16xf32>
            %swap3A_1657 = arith.index_cast %add3A_1639 : i32 to index
            %swap3A_1658 = arith.constant 16 : index
            %swap3A_1659 = tpu.vector_load %arg12[%swap3A_1657, %swap3A_1658] {strides = array<i32>} : memref<80x128xf32, #tpu.memory_space<vmem>>, vector<1x16xf32>,
            %swap3A_1660 = vector.shape_cast %swap3A_1659 : vector<1x16xf32> to vector<16xf32>
            %swap3A_1661 = vector.shape_cast %mul3A_1656 : vector<16xf32> to vector<1x16xf32>
            tpu.vector_store %arg12[%swap3A_1657, %swap3A_1658], %swap3A_1661 {strides = array<i32>} : memref<80x128xf32, #tpu.memory_space<vmem>>, vector<1x16xf32>,
            %get3A_1662 = arith.index_cast %add3A_1639 : i32 to index
            %get3A_1663 = arith.constant 32 : index
            %get3A_1664 = tpu.vector_load %arg12[%get3A_1662, %get3A_1663] {strides = array<i32>} : memref<80x128xf32, #tpu.memory_space<vmem>>, vector<1x16xf32>,
            %get3A_1665 = vector.shape_cast %get3A_1664 : vector<1x16xf32> to vector<16xf32>
            %mul3A_1666 = vector.broadcast %squeeze3A_1635 : f32 to vector<16xf32>
            %mul3A_1667 = arith.mulf %get3A_1665, %mul3A_1666 : vector<16xf32>
            %swap3A_1668 = arith.index_cast %add3A_1639 : i32 to index
            %swap3A_1669 = arith.constant 32 : index
            %swap3A_1670 = tpu.vector_load %arg12[%swap3A_1668, %swap3A_1669] {strides = array<i32>} : memref<80x128xf32, #tpu.memory_space<vmem>>, vector<1x16xf32>,
            %swap3A_1671 = vector.shape_cast %swap3A_1670 : vector<1x16xf32> to vector<16xf32>
            %swap3A_1672 = vector.shape_cast %mul3A_1667 : vector<16xf32> to vector<1x16xf32>
            tpu.vector_store %arg12[%swap3A_1668, %swap3A_1669], %swap3A_1672 {strides = array<i32>} : memref<80x128xf32, #tpu.memory_space<vmem>>, vector<1x16xf32>,
            %get3A_1673 = arith.index_cast %add3A_1639 : i32 to index
            %get3A_1674 = arith.constant 48 : index
            %get3A_1675 = tpu.vector_load %arg12[%get3A_1673, %get3A_1674] {strides = array<i32>} : memref<80x128xf32, #tpu.memory_space<vmem>>, vector<1x16xf32>,
            %get3A_1676 = vector.shape_cast %get3A_1675 : vector<1x16xf32> to vector<16xf32>
            %mul3A_1677 = vector.broadcast %squeeze3A_1635 : f32 to vector<16xf32>
            %mul3A_1678 = arith.mulf %get3A_1676, %mul3A_1677 : vector<16xf32>
            %swap3A_1679 = arith.index_cast %add3A_1639 : i32 to index
            %swap3A_1680 = arith.constant 48 : index
            %swap3A_1681 = tpu.vector_load %arg12[%swap3A_1679, %swap3A_1680] {strides = array<i32>} : memref<80x128xf32, #tpu.memory_space<vmem>>, vector<1x16xf32>,
            %swap3A_1682 = vector.shape_cast %swap3A_1681 : vector<1x16xf32> to vector<16xf32>
            %swap3A_1683 = vector.shape_cast %mul3A_1678 : vector<16xf32> to vector<1x16xf32>
            tpu.vector_store %arg12[%swap3A_1679, %swap3A_1680], %swap3A_1683 {strides = array<i32>} : memref<80x128xf32, #tpu.memory_space<vmem>>, vector<1x16xf32>,
            %get3A_1684 = arith.index_cast %add3A_1639 : i32 to index
            %get3A_1685 = arith.constant 64 : index
            %get3A_1686 = tpu.vector_load %arg12[%get3A_1684, %get3A_1685] {strides = array<i32>} : memref<80x128xf32, #tpu.memory_space<vmem>>, vector<1x16xf32>,
            %get3A_1687 = vector.shape_cast %get3A_1686 : vector<1x16xf32> to vector<16xf32>
            %mul3A_1688 = vector.broadcast %squeeze3A_1635 : f32 to vector<16xf32>
            %mul3A_1689 = arith.mulf %get3A_1687, %mul3A_1688 : vector<16xf32>
            %swap3A_1690 = arith.index_cast %add3A_1639 : i32 to index
            %swap3A_1691 = arith.constant 64 : index
            %swap3A_1692 = tpu.vector_load %arg12[%swap3A_1690, %swap3A_1691] {strides = array<i32>} : memref<80x128xf32, #tpu.memory_space<vmem>>, vector<1x16xf32>,
            %swap3A_1693 = vector.shape_cast %swap3A_1692 : vector<1x16xf32> to vector<16xf32>
            %swap3A_1694 = vector.shape_cast %mul3A_1689 : vector<16xf32> to vector<1x16xf32>
            tpu.vector_store %arg12[%swap3A_1690, %swap3A_1691], %swap3A_1694 {strides = array<i32>} : memref<80x128xf32, #tpu.memory_space<vmem>>, vector<1x16xf32>,
            %get3A_1695 = arith.index_cast %add3A_1639 : i32 to index
            %get3A_1696 = arith.constant 80 : index
            %get3A_1697 = tpu.vector_load %arg12[%get3A_1695, %get3A_1696] {strides = array<i32>} : memref<80x128xf32, #tpu.memory_space<vmem>>, vector<1x16xf32>,
            %get3A_1698 = vector.shape_cast %get3A_1697 : vector<1x16xf32> to vector<16xf32>
            %mul3A_1699 = vector.broadcast %squeeze3A_1635 : f32 to vector<16xf32>
            %mul3A_1700 = arith.mulf %get3A_1698, %mul3A_1699 : vector<16xf32>
            %swap3A_1701 = arith.index_cast %add3A_1639 : i32 to index
            %swap3A_1702 = arith.constant 80 : index
            %swap3A_1703 = tpu.vector_load %arg12[%swap3A_1701, %swap3A_1702] {strides = array<i32>} : memref<80x128xf32, #tpu.memory_space<vmem>>, vector<1x16xf32>,
            %swap3A_1704 = vector.shape_cast %swap3A_1703 : vector<1x16xf32> to vector<16xf32>
            %swap3A_1705 = vector.shape_cast %mul3A_1700 : vector<16xf32> to vector<1x16xf32>
            tpu.vector_store %arg12[%swap3A_1701, %swap3A_1702], %swap3A_1705 {strides = array<i32>} : memref<80x128xf32, #tpu.memory_space<vmem>>, vector<1x16xf32>,
            %get3A_1706 = arith.index_cast %add3A_1639 : i32 to index
            %get3A_1707 = arith.constant 96 : index
            %get3A_1708 = tpu.vector_load %arg12[%get3A_1706, %get3A_1707] {strides = array<i32>} : memref<80x128xf32, #tpu.memory_space<vmem>>, vector<1x16xf32>,
            %get3A_1709 = vector.shape_cast %get3A_1708 : vector<1x16xf32> to vector<16xf32>
            %mul3A_1710 = vector.broadcast %squeeze3A_1635 : f32 to vector<16xf32>
            %mul3A_1711 = arith.mulf %get3A_1709, %mul3A_1710 : vector<16xf32>
            %swap3A_1712 = arith.index_cast %add3A_1639 : i32 to index
            %swap3A_1713 = arith.constant 96 : index
            %swap3A_1714 = tpu.vector_load %arg12[%swap3A_1712, %swap3A_1713] {strides = array<i32>} : memref<80x128xf32, #tpu.memory_space<vmem>>, vector<1x16xf32>,
            %swap3A_1715 = vector.shape_cast %swap3A_1714 : vector<1x16xf32> to vector<16xf32>
            %swap3A_1716 = vector.shape_cast %mul3A_1711 : vector<16xf32> to vector<1x16xf32>
            tpu.vector_store %arg12[%swap3A_1712, %swap3A_1713], %swap3A_1716 {strides = array<i32>} : memref<80x128xf32, #tpu.memory_space<vmem>>, vector<1x16xf32>,
            %get3A_1717 = arith.index_cast %add3A_1639 : i32 to index
            %get3A_1718 = arith.constant 112 : index
            %get3A_1719 = tpu.vector_load %arg12[%get3A_1717, %get3A_1718] {strides = array<i32>} : memref<80x128xf32, #tpu.memory_space<vmem>>, vector<1x16xf32>,
            %get3A_1720 = vector.shape_cast %get3A_1719 : vector<1x16xf32> to vector<16xf32>
            %mul3A_1721 = vector.broadcast %squeeze3A_1635 : f32 to vector<16xf32>
            %mul3A_1722 = arith.mulf %get3A_1720, %mul3A_1721 : vector<16xf32>
            %swap3A_1723 = arith.index_cast %add3A_1639 : i32 to index
            %swap3A_1724 = arith.constant 112 : index
            %swap3A_1725 = tpu.vector_load %arg12[%swap3A_1723, %swap3A_1724] {strides = array<i32>} : memref<80x128xf32, #tpu.memory_space<vmem>>, vector<1x16xf32>,
            %swap3A_1726 = vector.shape_cast %swap3A_1725 : vector<1x16xf32> to vector<16xf32>
            %swap3A_1727 = vector.shape_cast %mul3A_1722 : vector<16xf32> to vector<1x16xf32>
            tpu.vector_store %arg12[%swap3A_1723, %swap3A_1724], %swap3A_1727 {strides = array<i32>} : memref<80x128xf32, #tpu.memory_space<vmem>>, vector<1x16xf32>,
            %slice3A_1728 = vector.extract_strided_slice %get3A_414 {offsets = [14], sizes = [1], strides = [1]} : vector<16xf32> to vector<1xf32>
            %squeeze3A_1729 = vector.extract %slice3A_1728[0] : f32 from vector<1xf32>
            %mul3A_1730 = arith.constant 16 : i32
            %mul3A_1731 = arith.muli %scan3A_409, %mul3A_1730 : i32
            %add3A_1732 = arith.constant 14 : i32
            %add3A_1733 = arith.addi %mul3A_1731, %add3A_1732 : i32
            %get3A_1734 = arith.index_cast %add3A_1733 : i32 to index
            %get3A_1735 = arith.constant 0 : index
            %get3A_1736 = tpu.vector_load %arg12[%get3A_1734, %get3A_1735] {strides = array<i32>} : memref<80x128xf32, #tpu.memory_space<vmem>>, vector<1x16xf32>,
            %get3A_1737 = vector.shape_cast %get3A_1736 : vector<1x16xf32> to vector<16xf32>
            %mul3A_1738 = vector.broadcast %squeeze3A_1729 : f32 to vector<16xf32>
            %mul3A_1739 = arith.mulf %get3A_1737, %mul3A_1738 : vector<16xf32>
            %swap3A_1740 = arith.index_cast %add3A_1733 : i32 to index
            %swap3A_1741 = arith.constant 0 : index
            %swap3A_1742 = tpu.vector_load %arg12[%swap3A_1740, %swap3A_1741] {strides = array<i32>} : memref<80x128xf32, #tpu.memory_space<vmem>>, vector<1x16xf32>,
            %swap3A_1743 = vector.shape_cast %swap3A_1742 : vector<1x16xf32> to vector<16xf32>
            %swap3A_1744 = vector.shape_cast %mul3A_1739 : vector<16xf32> to vector<1x16xf32>
            tpu.vector_store %arg12[%swap3A_1740, %swap3A_1741], %swap3A_1744 {strides = array<i32>} : memref<80x128xf32, #tpu.memory_space<vmem>>, vector<1x16xf32>,
            %get3A_1745 = arith.index_cast %add3A_1733 : i32 to index
            %get3A_1746 = arith.constant 16 : index
            %get3A_1747 = tpu.vector_load %arg12[%get3A_1745, %get3A_1746] {strides = array<i32>} : memref<80x128xf32, #tpu.memory_space<vmem>>, vector<1x16xf32>,
            %get3A_1748 = vector.shape_cast %get3A_1747 : vector<1x16xf32> to vector<16xf32>
            %mul3A_1749 = vector.broadcast %squeeze3A_1729 : f32 to vector<16xf32>
            %mul3A_1750 = arith.mulf %get3A_1748, %mul3A_1749 : vector<16xf32>
            %swap3A_1751 = arith.index_cast %add3A_1733 : i32 to index
            %swap3A_1752 = arith.constant 16 : index
            %swap3A_1753 = tpu.vector_load %arg12[%swap3A_1751, %swap3A_1752] {strides = array<i32>} : memref<80x128xf32, #tpu.memory_space<vmem>>, vector<1x16xf32>,
            %swap3A_1754 = vector.shape_cast %swap3A_1753 : vector<1x16xf32> to vector<16xf32>
            %swap3A_1755 = vector.shape_cast %mul3A_1750 : vector<16xf32> to vector<1x16xf32>
            tpu.vector_store %arg12[%swap3A_1751, %swap3A_1752], %swap3A_1755 {strides = array<i32>} : memref<80x128xf32, #tpu.memory_space<vmem>>, vector<1x16xf32>,
            %get3A_1756 = arith.index_cast %add3A_1733 : i32 to index
            %get3A_1757 = arith.constant 32 : index
            %get3A_1758 = tpu.vector_load %arg12[%get3A_1756, %get3A_1757] {strides = array<i32>} : memref<80x128xf32, #tpu.memory_space<vmem>>, vector<1x16xf32>,
            %get3A_1759 = vector.shape_cast %get3A_1758 : vector<1x16xf32> to vector<16xf32>
            %mul3A_1760 = vector.broadcast %squeeze3A_1729 : f32 to vector<16xf32>
            %mul3A_1761 = arith.mulf %get3A_1759, %mul3A_1760 : vector<16xf32>
            %swap3A_1762 = arith.index_cast %add3A_1733 : i32 to index
            %swap3A_1763 = arith.constant 32 : index
            %swap3A_1764 = tpu.vector_load %arg12[%swap3A_1762, %swap3A_1763] {strides = array<i32>} : memref<80x128xf32, #tpu.memory_space<vmem>>, vector<1x16xf32>,
            %swap3A_1765 = vector.shape_cast %swap3A_1764 : vector<1x16xf32> to vector<16xf32>
            %swap3A_1766 = vector.shape_cast %mul3A_1761 : vector<16xf32> to vector<1x16xf32>
            tpu.vector_store %arg12[%swap3A_1762, %swap3A_1763], %swap3A_1766 {strides = array<i32>} : memref<80x128xf32, #tpu.memory_space<vmem>>, vector<1x16xf32>,
            %get3A_1767 = arith.index_cast %add3A_1733 : i32 to index
            %get3A_1768 = arith.constant 48 : index
            %get3A_1769 = tpu.vector_load %arg12[%get3A_1767, %get3A_1768] {strides = array<i32>} : memref<80x128xf32, #tpu.memory_space<vmem>>, vector<1x16xf32>,
            %get3A_1770 = vector.shape_cast %get3A_1769 : vector<1x16xf32> to vector<16xf32>
            %mul3A_1771 = vector.broadcast %squeeze3A_1729 : f32 to vector<16xf32>
            %mul3A_1772 = arith.mulf %get3A_1770, %mul3A_1771 : vector<16xf32>
            %swap3A_1773 = arith.index_cast %add3A_1733 : i32 to index
            %swap3A_1774 = arith.constant 48 : index
            %swap3A_1775 = tpu.vector_load %arg12[%swap3A_1773, %swap3A_1774] {strides = array<i32>} : memref<80x128xf32, #tpu.memory_space<vmem>>, vector<1x16xf32>,
            %swap3A_1776 = vector.shape_cast %swap3A_1775 : vector<1x16xf32> to vector<16xf32>
            %swap3A_1777 = vector.shape_cast %mul3A_1772 : vector<16xf32> to vector<1x16xf32>
            tpu.vector_store %arg12[%swap3A_1773, %swap3A_1774], %swap3A_1777 {strides = array<i32>} : memref<80x128xf32, #tpu.memory_space<vmem>>, vector<1x16xf32>,
            %get3A_1778 = arith.index_cast %add3A_1733 : i32 to index
            %get3A_1779 = arith.constant 64 : index
            %get3A_1780 = tpu.vector_load %arg12[%get3A_1778, %get3A_1779] {strides = array<i32>} : memref<80x128xf32, #tpu.memory_space<vmem>>, vector<1x16xf32>,
            %get3A_1781 = vector.shape_cast %get3A_1780 : vector<1x16xf32> to vector<16xf32>
            %mul3A_1782 = vector.broadcast %squeeze3A_1729 : f32 to vector<16xf32>
            %mul3A_1783 = arith.mulf %get3A_1781, %mul3A_1782 : vector<16xf32>
            %swap3A_1784 = arith.index_cast %add3A_1733 : i32 to index
            %swap3A_1785 = arith.constant 64 : index
            %swap3A_1786 = tpu.vector_load %arg12[%swap3A_1784, %swap3A_1785] {strides = array<i32>} : memref<80x128xf32, #tpu.memory_space<vmem>>, vector<1x16xf32>,
            %swap3A_1787 = vector.shape_cast %swap3A_1786 : vector<1x16xf32> to vector<16xf32>
            %swap3A_1788 = vector.shape_cast %mul3A_1783 : vector<16xf32> to vector<1x16xf32>
            tpu.vector_store %arg12[%swap3A_1784, %swap3A_1785], %swap3A_1788 {strides = array<i32>} : memref<80x128xf32, #tpu.memory_space<vmem>>, vector<1x16xf32>,
            %get3A_1789 = arith.index_cast %add3A_1733 : i32 to index
            %get3A_1790 = arith.constant 80 : index
            %get3A_1791 = tpu.vector_load %arg12[%get3A_1789, %get3A_1790] {strides = array<i32>} : memref<80x128xf32, #tpu.memory_space<vmem>>, vector<1x16xf32>,
            %get3A_1792 = vector.shape_cast %get3A_1791 : vector<1x16xf32> to vector<16xf32>
            %mul3A_1793 = vector.broadcast %squeeze3A_1729 : f32 to vector<16xf32>
            %mul3A_1794 = arith.mulf %get3A_1792, %mul3A_1793 : vector<16xf32>
            %swap3A_1795 = arith.index_cast %add3A_1733 : i32 to index
            %swap3A_1796 = arith.constant 80 : index
            %swap3A_1797 = tpu.vector_load %arg12[%swap3A_1795, %swap3A_1796] {strides = array<i32>} : memref<80x128xf32, #tpu.memory_space<vmem>>, vector<1x16xf32>,
            %swap3A_1798 = vector.shape_cast %swap3A_1797 : vector<1x16xf32> to vector<16xf32>
            %swap3A_1799 = vector.shape_cast %mul3A_1794 : vector<16xf32> to vector<1x16xf32>
            tpu.vector_store %arg12[%swap3A_1795, %swap3A_1796], %swap3A_1799 {strides = array<i32>} : memref<80x128xf32, #tpu.memory_space<vmem>>, vector<1x16xf32>,
            %get3A_1800 = arith.index_cast %add3A_1733 : i32 to index
            %get3A_1801 = arith.constant 96 : index
            %get3A_1802 = tpu.vector_load %arg12[%get3A_1800, %get3A_1801] {strides = array<i32>} : memref<80x128xf32, #tpu.memory_space<vmem>>, vector<1x16xf32>,
            %get3A_1803 = vector.shape_cast %get3A_1802 : vector<1x16xf32> to vector<16xf32>
            %mul3A_1804 = vector.broadcast %squeeze3A_1729 : f32 to vector<16xf32>
            %mul3A_1805 = arith.mulf %get3A_1803, %mul3A_1804 : vector<16xf32>
            %swap3A_1806 = arith.index_cast %add3A_1733 : i32 to index
            %swap3A_1807 = arith.constant 96 : index
            %swap3A_1808 = tpu.vector_load %arg12[%swap3A_1806, %swap3A_1807] {strides = array<i32>} : memref<80x128xf32, #tpu.memory_space<vmem>>, vector<1x16xf32>,
            %swap3A_1809 = vector.shape_cast %swap3A_1808 : vector<1x16xf32> to vector<16xf32>
            %swap3A_1810 = vector.shape_cast %mul3A_1805 : vector<16xf32> to vector<1x16xf32>
            tpu.vector_store %arg12[%swap3A_1806, %swap3A_1807], %swap3A_1810 {strides = array<i32>} : memref<80x128xf32, #tpu.memory_space<vmem>>, vector<1x16xf32>,
            %get3A_1811 = arith.index_cast %add3A_1733 : i32 to index
            %get3A_1812 = arith.constant 112 : index
            %get3A_1813 = tpu.vector_load %arg12[%get3A_1811, %get3A_1812] {strides = array<i32>} : memref<80x128xf32, #tpu.memory_space<vmem>>, vector<1x16xf32>,
            %get3A_1814 = vector.shape_cast %get3A_1813 : vector<1x16xf32> to vector<16xf32>
            %mul3A_1815 = vector.broadcast %squeeze3A_1729 : f32 to vector<16xf32>
            %mul3A_1816 = arith.mulf %get3A_1814, %mul3A_1815 : vector<16xf32>
            %swap3A_1817 = arith.index_cast %add3A_1733 : i32 to index
            %swap3A_1818 = arith.constant 112 : index
            %swap3A_1819 = tpu.vector_load %arg12[%swap3A_1817, %swap3A_1818] {strides = array<i32>} : memref<80x128xf32, #tpu.memory_space<vmem>>, vector<1x16xf32>,
            %swap3A_1820 = vector.shape_cast %swap3A_1819 : vector<1x16xf32> to vector<16xf32>
            %swap3A_1821 = vector.shape_cast %mul3A_1816 : vector<16xf32> to vector<1x16xf32>
            tpu.vector_store %arg12[%swap3A_1817, %swap3A_1818], %swap3A_1821 {strides = array<i32>} : memref<80x128xf32, #tpu.memory_space<vmem>>, vector<1x16xf32>,
            %slice3A_1822 = vector.extract_strided_slice %get3A_414 {offsets = [15], sizes = [1], strides = [1]} : vector<16xf32> to vector<1xf32>
            %squeeze3A_1823 = vector.extract %slice3A_1822[0] : f32 from vector<1xf32>
            %mul3A_1824 = arith.constant 16 : i32
            %mul3A_1825 = arith.muli %scan3A_409, %mul3A_1824 : i32
            %add3A_1826 = arith.constant 15 : i32
            %add3A_1827 = arith.addi %mul3A_1825, %add3A_1826 : i32
            %get3A_1828 = arith.index_cast %add3A_1827 : i32 to index
            %get3A_1829 = arith.constant 0 : index
            %get3A_1830 = tpu.vector_load %arg12[%get3A_1828, %get3A_1829] {strides = array<i32>} : memref<80x128xf32, #tpu.memory_space<vmem>>, vector<1x16xf32>,
            %get3A_1831 = vector.shape_cast %get3A_1830 : vector<1x16xf32> to vector<16xf32>
            %mul3A_1832 = vector.broadcast %squeeze3A_1823 : f32 to vector<16xf32>
            %mul3A_1833 = arith.mulf %get3A_1831, %mul3A_1832 : vector<16xf32>
            %swap3A_1834 = arith.index_cast %add3A_1827 : i32 to index
            %swap3A_1835 = arith.constant 0 : index
            %swap3A_1836 = tpu.vector_load %arg12[%swap3A_1834, %swap3A_1835] {strides = array<i32>} : memref<80x128xf32, #tpu.memory_space<vmem>>, vector<1x16xf32>,
            %swap3A_1837 = vector.shape_cast %swap3A_1836 : vector<1x16xf32> to vector<16xf32>
            %swap3A_1838 = vector.shape_cast %mul3A_1833 : vector<16xf32> to vector<1x16xf32>
            tpu.vector_store %arg12[%swap3A_1834, %swap3A_1835], %swap3A_1838 {strides = array<i32>} : memref<80x128xf32, #tpu.memory_space<vmem>>, vector<1x16xf32>,
            %get3A_1839 = arith.index_cast %add3A_1827 : i32 to index
            %get3A_1840 = arith.constant 16 : index
            %get3A_1841 = tpu.vector_load %arg12[%get3A_1839, %get3A_1840] {strides = array<i32>} : memref<80x128xf32, #tpu.memory_space<vmem>>, vector<1x16xf32>,
            %get3A_1842 = vector.shape_cast %get3A_1841 : vector<1x16xf32> to vector<16xf32>
            %mul3A_1843 = vector.broadcast %squeeze3A_1823 : f32 to vector<16xf32>
            %mul3A_1844 = arith.mulf %get3A_1842, %mul3A_1843 : vector<16xf32>
            %swap3A_1845 = arith.index_cast %add3A_1827 : i32 to index
            %swap3A_1846 = arith.constant 16 : index
            %swap3A_1847 = tpu.vector_load %arg12[%swap3A_1845, %swap3A_1846] {strides = array<i32>} : memref<80x128xf32, #tpu.memory_space<vmem>>, vector<1x16xf32>,
            %swap3A_1848 = vector.shape_cast %swap3A_1847 : vector<1x16xf32> to vector<16xf32>
            %swap3A_1849 = vector.shape_cast %mul3A_1844 : vector<16xf32> to vector<1x16xf32>
            tpu.vector_store %arg12[%swap3A_1845, %swap3A_1846], %swap3A_1849 {strides = array<i32>} : memref<80x128xf32, #tpu.memory_space<vmem>>, vector<1x16xf32>,
            %get3A_1850 = arith.index_cast %add3A_1827 : i32 to index
            %get3A_1851 = arith.constant 32 : index
            %get3A_1852 = tpu.vector_load %arg12[%get3A_1850, %get3A_1851] {strides = array<i32>} : memref<80x128xf32, #tpu.memory_space<vmem>>, vector<1x16xf32>,
            %get3A_1853 = vector.shape_cast %get3A_1852 : vector<1x16xf32> to vector<16xf32>
            %mul3A_1854 = vector.broadcast %squeeze3A_1823 : f32 to vector<16xf32>
            %mul3A_1855 = arith.mulf %get3A_1853, %mul3A_1854 : vector<16xf32>
            %swap3A_1856 = arith.index_cast %add3A_1827 : i32 to index
            %swap3A_1857 = arith.constant 32 : index
            %swap3A_1858 = tpu.vector_load %arg12[%swap3A_1856, %swap3A_1857] {strides = array<i32>} : memref<80x128xf32, #tpu.memory_space<vmem>>, vector<1x16xf32>,
            %swap3A_1859 = vector.shape_cast %swap3A_1858 : vector<1x16xf32> to vector<16xf32>
            %swap3A_1860 = vector.shape_cast %mul3A_1855 : vector<16xf32> to vector<1x16xf32>
            tpu.vector_store %arg12[%swap3A_1856, %swap3A_1857], %swap3A_1860 {strides = array<i32>} : memref<80x128xf32, #tpu.memory_space<vmem>>, vector<1x16xf32>,
            %get3A_1861 = arith.index_cast %add3A_1827 : i32 to index
            %get3A_1862 = arith.constant 48 : index
            %get3A_1863 = tpu.vector_load %arg12[%get3A_1861, %get3A_1862] {strides = array<i32>} : memref<80x128xf32, #tpu.memory_space<vmem>>, vector<1x16xf32>,
            %get3A_1864 = vector.shape_cast %get3A_1863 : vector<1x16xf32> to vector<16xf32>
            %mul3A_1865 = vector.broadcast %squeeze3A_1823 : f32 to vector<16xf32>
            %mul3A_1866 = arith.mulf %get3A_1864, %mul3A_1865 : vector<16xf32>
            %swap3A_1867 = arith.index_cast %add3A_1827 : i32 to index
            %swap3A_1868 = arith.constant 48 : index
            %swap3A_1869 = tpu.vector_load %arg12[%swap3A_1867, %swap3A_1868] {strides = array<i32>} : memref<80x128xf32, #tpu.memory_space<vmem>>, vector<1x16xf32>,
            %swap3A_1870 = vector.shape_cast %swap3A_1869 : vector<1x16xf32> to vector<16xf32>
            %swap3A_1871 = vector.shape_cast %mul3A_1866 : vector<16xf32> to vector<1x16xf32>
            tpu.vector_store %arg12[%swap3A_1867, %swap3A_1868], %swap3A_1871 {strides = array<i32>} : memref<80x128xf32, #tpu.memory_space<vmem>>, vector<1x16xf32>,
            %get3A_1872 = arith.index_cast %add3A_1827 : i32 to index
            %get3A_1873 = arith.constant 64 : index
            %get3A_1874 = tpu.vector_load %arg12[%get3A_1872, %get3A_1873] {strides = array<i32>} : memref<80x128xf32, #tpu.memory_space<vmem>>, vector<1x16xf32>,
            %get3A_1875 = vector.shape_cast %get3A_1874 : vector<1x16xf32> to vector<16xf32>
            %mul3A_1876 = vector.broadcast %squeeze3A_1823 : f32 to vector<16xf32>
            %mul3A_1877 = arith.mulf %get3A_1875, %mul3A_1876 : vector<16xf32>
            %swap3A_1878 = arith.index_cast %add3A_1827 : i32 to index
            %swap3A_1879 = arith.constant 64 : index
            %swap3A_1880 = tpu.vector_load %arg12[%swap3A_1878, %swap3A_1879] {strides = array<i32>} : memref<80x128xf32, #tpu.memory_space<vmem>>, vector<1x16xf32>,
            %swap3A_1881 = vector.shape_cast %swap3A_1880 : vector<1x16xf32> to vector<16xf32>
            %swap3A_1882 = vector.shape_cast %mul3A_1877 : vector<16xf32> to vector<1x16xf32>
            tpu.vector_store %arg12[%swap3A_1878, %swap3A_1879], %swap3A_1882 {strides = array<i32>} : memref<80x128xf32, #tpu.memory_space<vmem>>, vector<1x16xf32>,
            %get3A_1883 = arith.index_cast %add3A_1827 : i32 to index
            %get3A_1884 = arith.constant 80 : index
            %get3A_1885 = tpu.vector_load %arg12[%get3A_1883, %get3A_1884] {strides = array<i32>} : memref<80x128xf32, #tpu.memory_space<vmem>>, vector<1x16xf32>,
            %get3A_1886 = vector.shape_cast %get3A_1885 : vector<1x16xf32> to vector<16xf32>
            %mul3A_1887 = vector.broadcast %squeeze3A_1823 : f32 to vector<16xf32>
            %mul3A_1888 = arith.mulf %get3A_1886, %mul3A_1887 : vector<16xf32>
            %swap3A_1889 = arith.index_cast %add3A_1827 : i32 to index
            %swap3A_1890 = arith.constant 80 : index
            %swap3A_1891 = tpu.vector_load %arg12[%swap3A_1889, %swap3A_1890] {strides = array<i32>} : memref<80x128xf32, #tpu.memory_space<vmem>>, vector<1x16xf32>,
            %swap3A_1892 = vector.shape_cast %swap3A_1891 : vector<1x16xf32> to vector<16xf32>
            %swap3A_1893 = vector.shape_cast %mul3A_1888 : vector<16xf32> to vector<1x16xf32>
            tpu.vector_store %arg12[%swap3A_1889, %swap3A_1890], %swap3A_1893 {strides = array<i32>} : memref<80x128xf32, #tpu.memory_space<vmem>>, vector<1x16xf32>,
            %get3A_1894 = arith.index_cast %add3A_1827 : i32 to index
            %get3A_1895 = arith.constant 96 : index
            %get3A_1896 = tpu.vector_load %arg12[%get3A_1894, %get3A_1895] {strides = array<i32>} : memref<80x128xf32, #tpu.memory_space<vmem>>, vector<1x16xf32>,
            %get3A_1897 = vector.shape_cast %get3A_1896 : vector<1x16xf32> to vector<16xf32>
            %mul3A_1898 = vector.broadcast %squeeze3A_1823 : f32 to vector<16xf32>
            %mul3A_1899 = arith.mulf %get3A_1897, %mul3A_1898 : vector<16xf32>
            %swap3A_1900 = arith.index_cast %add3A_1827 : i32 to index
            %swap3A_1901 = arith.constant 96 : index
            %swap3A_1902 = tpu.vector_load %arg12[%swap3A_1900, %swap3A_1901] {strides = array<i32>} : memref<80x128xf32, #tpu.memory_space<vmem>>, vector<1x16xf32>,
            %swap3A_1903 = vector.shape_cast %swap3A_1902 : vector<1x16xf32> to vector<16xf32>
            %swap3A_1904 = vector.shape_cast %mul3A_1899 : vector<16xf32> to vector<1x16xf32>
            tpu.vector_store %arg12[%swap3A_1900, %swap3A_1901], %swap3A_1904 {strides = array<i32>} : memref<80x128xf32, #tpu.memory_space<vmem>>, vector<1x16xf32>,
            %get3A_1905 = arith.index_cast %add3A_1827 : i32 to index
            %get3A_1906 = arith.constant 112 : index
            %get3A_1907 = tpu.vector_load %arg12[%get3A_1905, %get3A_1906] {strides = array<i32>} : memref<80x128xf32, #tpu.memory_space<vmem>>, vector<1x16xf32>,
            %get3A_1908 = vector.shape_cast %get3A_1907 : vector<1x16xf32> to vector<16xf32>
            %mul3A_1909 = vector.broadcast %squeeze3A_1823 : f32 to vector<16xf32>
            %mul3A_1910 = arith.mulf %get3A_1908, %mul3A_1909 : vector<16xf32>
            %swap3A_1911 = arith.index_cast %add3A_1827 : i32 to index
            %swap3A_1912 = arith.constant 112 : index
            %swap3A_1913 = tpu.vector_load %arg12[%swap3A_1911, %swap3A_1912] {strides = array<i32>} : memref<80x128xf32, #tpu.memory_space<vmem>>, vector<1x16xf32>,
            %swap3A_1914 = vector.shape_cast %swap3A_1913 : vector<1x16xf32> to vector<16xf32>
            %swap3A_1915 = vector.shape_cast %mul3A_1910 : vector<16xf32> to vector<1x16xf32>
            tpu.vector_store %arg12[%swap3A_1911, %swap3A_1912], %swap3A_1915 {strides = array<i32>} : memref<80x128xf32, #tpu.memory_space<vmem>>, vector<1x16xf32>,
          }
          %scan3A_408 = arith.constant 5 : i32
        } else {
        }
        "tpu.region"() ({
          %run_scoped3A = tpu.sem_alloc : memref<!tpu.dma_semaphore, #tpu.memory_space<semaphore_mem>>
          %dma_start3A_403 = arith.constant 0 : i32
          %dma_start3A_404 = tpu.memref_slice %arg9[%add3A_366, %dma_start3A_403] : memref<50x80xi32, #tpu.memory_space<vmem>> -> memref<1x80xi32, #tpu.memory_space<vmem>>
          %dma_start3A_405 = tpu.memref_squeeze %dma_start3A_404 : memref<1x80xi32, #tpu.memory_space<vmem>> -> memref<80xi32, #tpu.memory_space<vmem>>
          %dma_start3A_406 = arith.constant 0 : i32
          %dma_start3A_407 = arith.constant 0 : i32
          %dma_start3A_408 = tpu.memref_slice %arg14[%dma_start3A_406, %dma_start3A_407] : memref<10240x128xf32, #tpu.memory_space<vmem_shared>> -> memref<10240x128xf32, #tpu.memory_space<vmem_shared>>
          tpu.enqueue_indirect_dma source(%arg12 : memref<80x128xf32, #tpu.memory_space<vmem>>) target(%dma_start3A_408 : memref<10240x128xf32, #tpu.memory_space<vmem_shared>>) offsets(%dma_start3A_405 : memref<80xi32, #tpu.memory_space<vmem>>) semaphore(%run_scoped3A : memref<!tpu.dma_semaphore, #tpu.memory_space<semaphore_mem>>) {add = true}
          %dma_wait3A_409 = arith.constant 0 : i32
          %dma_wait3A_410 = tpu.memref_slice %arg9[%add3A_366, %dma_wait3A_409] : memref<50x80xi32, #tpu.memory_space<vmem>> -> memref<1x80xi32, #tpu.memory_space<vmem>>
          %dma_wait3A_411 = tpu.memref_squeeze %dma_wait3A_410 : memref<1x80xi32, #tpu.memory_space<vmem>> -> memref<80xi32, #tpu.memory_space<vmem>>
          %dma_wait3A_412 = arith.constant 0 : i32
          %dma_wait3A_413 = arith.constant 0 : i32
          %dma_wait3A_414 = tpu.memref_slice %arg14[%dma_wait3A_412, %dma_wait3A_413] : memref<10240x128xf32, #tpu.memory_space<vmem_shared>> -> memref<10240x128xf32, #tpu.memory_space<vmem_shared>>
          tpu.wait_indirect_dma semaphore(%run_scoped3A : memref<!tpu.dma_semaphore, #tpu.memory_space<semaphore_mem>>) src(%arg12 : memref<80x128xf32, #tpu.memory_space<vmem>>) dst(%dma_wait3A_414 : memref<10240x128xf32, #tpu.memory_space<vmem_shared>>)
          tpu.yield
        }) : () -> ()
      }
      %scan3A_359 = arith.constant 25 : i32
    }
    %scan3A_326 = arith.constant 5 : i32
    %barrier3A_327 = arith.constant 0 : index
    tpu.barrier barrier_id(%barrier3A_327)
    %mul3A_328 = arith.constant 640 : i32
    %mul3A_329 = arith.muli %arg1, %mul3A_328 : i32
    %eq3A = arith.constant 0 : i32
    %eq3A_330 = arith.cmpi eq, %arg0, %eq3A : i32
    %convert_element_type3A = arith.extui %eq3A_330 : i1 to i32
    %cond3A = arith.constant 0 : i32
    %cond3A_331 = arith.cmpi ne, %convert_element_type3A, %cond3A : i32
    scf.if %cond3A_331 {
      "tpu.region"() ({
        %run_scoped3A = tpu.sem_alloc : memref<!tpu.dma_semaphore, #tpu.memory_space<semaphore_mem>>
        %dma_start3A_337 = arith.constant 0 : i32
        %dma_start3A_338 = tpu.memref_slice %arg6[%mul3A_329, %dma_start3A_337] : memref<10240x128xf32, #tpu.memory_space<hbm>> -> memref<640x128xf32, #tpu.memory_space<hbm>>
        %dma_start3A_339 = arith.constant 0 : i32
        %dma_start3A_340 = tpu.memref_slice %arg14[%mul3A_329, %dma_start3A_339] : memref<10240x128xf32, #tpu.memory_space<vmem_shared>> -> memref<640x128xf32, #tpu.memory_space<vmem_shared>>
        tpu.enqueue_dma source(%dma_start3A_340 : memref<640x128xf32, #tpu.memory_space<vmem_shared>>) target(%dma_start3A_338 : memref<640x128xf32, #tpu.memory_space<hbm>>) target_semaphore(%run_scoped3A : memref<!tpu.dma_semaphore, #tpu.memory_space<semaphore_mem>>)
        %dma_wait3A_341 = arith.constant 0 : i32
        %dma_wait3A_342 = tpu.memref_slice %arg6[%mul3A_329, %dma_wait3A_341] : memref<10240x128xf32, #tpu.memory_space<hbm>> -> memref<640x128xf32, #tpu.memory_space<hbm>>
        %dma_wait3A_343 = arith.constant 0 : i32
        %dma_wait3A_344 = tpu.memref_slice %arg14[%mul3A_329, %dma_wait3A_343] : memref<10240x128xf32, #tpu.memory_space<vmem_shared>> -> memref<640x128xf32, #tpu.memory_space<vmem_shared>>
        tpu.wait_dma2 semaphore(%run_scoped3A : memref<!tpu.dma_semaphore, #tpu.memory_space<semaphore_mem>>) src(%dma_wait3A_344 : memref<640x128xf32, #tpu.memory_space<vmem_shared>>) dst(%dma_wait3A_342 : memref<640x128xf32, #tpu.memory_space<hbm>>)
        tpu.yield
      }) : () -> ()
    } else {
    }
    %eq3A_332 = arith.constant 1 : i32
    %eq3A_333 = arith.cmpi eq, %arg0, %eq3A_332 : i32
    %convert_element_type3A_334 = arith.extui %eq3A_333 : i1 to i32
    %cond3A_335 = arith.constant 0 : i32
    %cond3A_336 = arith.cmpi ne, %convert_element_type3A_334, %cond3A_335 : i32
    scf.if %cond3A_336 {
      "tpu.region"() ({
        %run_scoped3A = tpu.sem_alloc : memref<!tpu.dma_semaphore, #tpu.memory_space<semaphore_mem>>
        %dma_start3A_337 = arith.constant 0 : i32
        %dma_start3A_338 = tpu.memref_slice %arg7[%mul3A_329, %dma_start3A_337] : memref<10240x128xf32, #tpu.memory_space<hbm>> -> memref<640x128xf32, #tpu.memory_space<hbm>>
        %dma_start3A_339 = arith.constant 0 : i32
        %dma_start3A_340 = tpu.memref_slice %arg14[%mul3A_329, %dma_start3A_339] : memref<10240x128xf32, #tpu.memory_space<vmem_shared>> -> memref<640x128xf32, #tpu.memory_space<vmem_shared>>
        tpu.enqueue_dma source(%dma_start3A_340 : memref<640x128xf32, #tpu.memory_space<vmem_shared>>) target(%dma_start3A_338 : memref<640x128xf32, #tpu.memory_space<hbm>>) target_semaphore(%run_scoped3A : memref<!tpu.dma_semaphore, #tpu.memory_space<semaphore_mem>>)
        %dma_wait3A_341 = arith.constant 0 : i32
        %dma_wait3A_342 = tpu.memref_slice %arg7[%mul3A_329, %dma_wait3A_341] : memref<10240x128xf32, #tpu.memory_space<hbm>> -> memref<640x128xf32, #tpu.memory_space<hbm>>
        %dma_wait3A_343 = arith.constant 0 : i32
        %dma_wait3A_344 = tpu.memref_slice %arg14[%mul3A_329, %dma_wait3A_343] : memref<10240x128xf32, #tpu.memory_space<vmem_shared>> -> memref<640x128xf32, #tpu.memory_space<vmem_shared>>
        tpu.wait_dma2 semaphore(%run_scoped3A : memref<!tpu.dma_semaphore, #tpu.memory_space<semaphore_mem>>) src(%dma_wait3A_344 : memref<640x128xf32, #tpu.memory_space<vmem_shared>>) dst(%dma_wait3A_342 : memref<640x128xf32, #tpu.memory_space<hbm>>)
        tpu.yield
      }) : () -> ()
    } else {
    }
    return
  }
}

module attributes {stable_mosaic.version = 14 : i64} {
  func.func @_tc_pre_body(%arg0: memref<10000x128xf32, #tpu.memory_space<vmem>>, %arg1: memref<128x128xf32, #tpu.memory_space<vmem>>, %arg2: memref<1x128xf32, #tpu.memory_space<vmem>>, %arg3: memref<128x128xf32, #tpu.memory_space<vmem>>, %arg4: memref<1x128xf32, #tpu.memory_space<vmem>>, %arg5: memref<10000x128xf32, #tpu.memory_space<vmem>>, %arg6: memref<10000x128xf32, #tpu.memory_space<vmem>>) attributes {dimension_semantics = [], scalar_prefetch = 0 : i64, scratch_operands = 0 : i64, tpu.core_type = #tpu.core_type<tc>} {
    %get3A = arith.constant 0 : index
    %get3A_0 = arith.constant 0 : index
    %get3A_1 = vector.load %arg0[%get3A, %get3A_0] : memref<10000x128xf32, #tpu.memory_space<vmem>>, vector<10000x128xf32>
    %get3A_2 = arith.constant 0 : index
    %get3A_3 = arith.constant 0 : index
    %get3A_4 = vector.load %arg1[%get3A_2, %get3A_3] : memref<128x128xf32, #tpu.memory_space<vmem>>, vector<128x128xf32>
    %dot_general3A = arith.constant dense<0.000000e+00> : vector<10000x128xf32>
    %dot_general3A_5 = tpu.matmul %get3A_1, %get3A_4, %dot_general3A {dimension_numbers = #tpu.dot_dimension_numbers<[1], [0], [0], [1], [0, 0, 1, 1], [], []>, transpose_lhs_hint = false} : vector<10000x128xf32>, vector<128x128xf32>, vector<10000x128xf32> -> vector<10000x128xf32>
    %get3A_6 = arith.constant 0 : index
    %get3A_7 = arith.constant 0 : index
    %get3A_8 = vector.load %arg2[%get3A_6, %get3A_7] : memref<1x128xf32, #tpu.memory_space<vmem>>, vector<1x128xf32>
    %add3A = vector.broadcast %get3A_8 : vector<1x128xf32> to vector<10000x128xf32>
    %add3A_9 = arith.addf %dot_general3A_5, %add3A : vector<10000x128xf32>
    %add3A_10 = arith.addf %add3A_9, %get3A_1 : vector<10000x128xf32>
    %swap3A = arith.constant 0 : index
    %swap3A_11 = arith.constant 0 : index
    %swap3A_12 = vector.load %arg5[%swap3A, %swap3A_11] : memref<10000x128xf32, #tpu.memory_space<vmem>>, vector<10000x128xf32>
    tpu.vector_store %arg5[%swap3A, %swap3A_11], %add3A_10 {strides = array<i32>} : memref<10000x128xf32, #tpu.memory_space<vmem>>, vector<10000x128xf32>,
    %get3A_13 = arith.constant 0 : index
    %get3A_14 = arith.constant 0 : index
    %get3A_15 = vector.load %arg3[%get3A_13, %get3A_14] : memref<128x128xf32, #tpu.memory_space<vmem>>, vector<128x128xf32>
    %dot_general3A_16 = arith.constant dense<0.000000e+00> : vector<10000x128xf32>
    %dot_general3A_17 = tpu.matmul %get3A_1, %get3A_15, %dot_general3A_16 {dimension_numbers = #tpu.dot_dimension_numbers<[1], [0], [0], [1], [0, 0, 1, 1], [], []>, transpose_lhs_hint = false} : vector<10000x128xf32>, vector<128x128xf32>, vector<10000x128xf32> -> vector<10000x128xf32>
    %get3A_18 = arith.constant 0 : index
    %get3A_19 = arith.constant 0 : index
    %get3A_20 = vector.load %arg4[%get3A_18, %get3A_19] : memref<1x128xf32, #tpu.memory_space<vmem>>, vector<1x128xf32>
    %add3A_21 = vector.broadcast %get3A_20 : vector<1x128xf32> to vector<10000x128xf32>
    %add3A_22 = arith.addf %dot_general3A_17, %add3A_21 : vector<10000x128xf32>
    %add3A_23 = arith.addf %add3A_22, %get3A_1 : vector<10000x128xf32>
    %swap3A_24 = arith.constant 0 : index
    %swap3A_25 = arith.constant 0 : index
    %swap3A_26 = vector.load %arg6[%swap3A_24, %swap3A_25] : memref<10000x128xf32, #tpu.memory_space<vmem>>, vector<10000x128xf32>
    tpu.vector_store %arg6[%swap3A_24, %swap3A_25], %add3A_23 {strides = array<i32>} : memref<10000x128xf32, #tpu.memory_space<vmem>>, vector<10000x128xf32>,
    return
  }
}

module attributes {stable_mosaic.version = 14 : i64} {
  func.func @_tc_body(%arg0: memref<10000x128xf32, #tpu.memory_space<vmem>>, %arg1: memref<10000x128xf32, #tpu.memory_space<vmem>>, %arg2: memref<10000x128xf32, #tpu.memory_space<vmem>>, %arg3: memref<10000x128xf32, #tpu.memory_space<vmem>>, %arg4: memref<128x128xf32, #tpu.memory_space<vmem>>, %arg5: memref<128x128xf32, #tpu.memory_space<vmem>>, %arg6: memref<128x256xf32, #tpu.memory_space<vmem>>, %arg7: memref<1x256xf32, #tpu.memory_space<vmem>>, %arg8: memref<256x128xf32, #tpu.memory_space<vmem>>, %arg9: memref<1x128xf32, #tpu.memory_space<vmem>>, %arg10: memref<1x128xf32, #tpu.memory_space<vmem>>, %arg11: memref<1x128xf32, #tpu.memory_space<vmem>>, %arg12: memref<1x128xf32, #tpu.memory_space<vmem>>, %arg13: memref<1x128xf32, #tpu.memory_space<vmem>>, %arg14: memref<1x128xf32, #tpu.memory_space<vmem>>, %arg15: memref<1x128xf32, #tpu.memory_space<vmem>>, %arg16: memref<10000x128xf32, #tpu.memory_space<vmem>>) attributes {dimension_semantics = [], scalar_prefetch = 0 : i64, scratch_operands = 0 : i64, tpu.core_type = #tpu.core_type<tc>} {
    %get3A = arith.constant 0 : index
    %get3A_0 = arith.constant 0 : index
    %get3A_1 = vector.load %arg10[%get3A, %get3A_0] : memref<1x128xf32, #tpu.memory_space<vmem>>, vector<1x128xf32>
    %get3A_2 = arith.constant 0 : index
    %get3A_3 = arith.constant 0 : index
    %get3A_4 = vector.load %arg11[%get3A_2, %get3A_3] : memref<1x128xf32, #tpu.memory_space<vmem>>, vector<1x128xf32>
    %get3A_5 = arith.constant 0 : index
    %get3A_6 = arith.constant 0 : index
    %get3A_7 = vector.load %arg0[%get3A_5, %get3A_6] : memref<10000x128xf32, #tpu.memory_space<vmem>>, vector<10000x128xf32>
    %get3A_8 = arith.constant 0 : index
    %get3A_9 = arith.constant 0 : index
    %get3A_10 = vector.load %arg2[%get3A_8, %get3A_9] : memref<10000x128xf32, #tpu.memory_space<vmem>>, vector<10000x128xf32>
    %get3A_11 = arith.constant 0 : index
    %get3A_12 = arith.constant 0 : index
    %get3A_13 = vector.load %arg4[%get3A_11, %get3A_12] : memref<128x128xf32, #tpu.memory_space<vmem>>, vector<128x128xf32>
    %dot_general3A = arith.constant dense<0.000000e+00> : vector<10000x128xf32>
    %dot_general3A_14 = tpu.matmul %get3A_10, %get3A_13, %dot_general3A {dimension_numbers = #tpu.dot_dimension_numbers<[1], [0], [0], [1], [0, 0, 1, 1], [], []>, transpose_lhs_hint = false} : vector<10000x128xf32>, vector<128x128xf32>, vector<10000x128xf32> -> vector<10000x128xf32>
    %add3A = arith.addf %get3A_7, %dot_general3A_14 : vector<10000x128xf32>
    %get3A_15 = arith.constant 0 : index
    %get3A_16 = arith.constant 0 : index
    %get3A_17 = vector.load %arg1[%get3A_15, %get3A_16] : memref<10000x128xf32, #tpu.memory_space<vmem>>, vector<10000x128xf32>
    %get3A_18 = arith.constant 0 : index
    %get3A_19 = arith.constant 0 : index
    %get3A_20 = vector.load %arg3[%get3A_18, %get3A_19] : memref<10000x128xf32, #tpu.memory_space<vmem>>, vector<10000x128xf32>
    %get3A_21 = arith.constant 0 : index
    %get3A_22 = arith.constant 0 : index
    %get3A_23 = vector.load %arg5[%get3A_21, %get3A_22] : memref<128x128xf32, #tpu.memory_space<vmem>>, vector<128x128xf32>
    %dot_general3A_24 = arith.constant dense<0.000000e+00> : vector<10000x128xf32>
    %dot_general3A_25 = tpu.matmul %get3A_20, %get3A_23, %dot_general3A_24 {dimension_numbers = #tpu.dot_dimension_numbers<[1], [0], [0], [1], [0, 0, 1, 1], [], []>, transpose_lhs_hint = false} : vector<10000x128xf32>, vector<128x128xf32>, vector<10000x128xf32> -> vector<10000x128xf32>
    %add3A_26 = arith.addf %get3A_17, %dot_general3A_25 : vector<10000x128xf32>
    %reduce_sum3A = arith.constant dense<0.000000e+00> : vector<128xf32>
    %reduce_sum3A_27 = vector.multi_reduction <add>, %add3A, %reduce_sum3A [0] : vector<10000x128xf32> to vector<128xf32>
    %broadcast_in_dim3A = vector.shape_cast %reduce_sum3A_27 : vector<128xf32> to vector<1x128xf32>
    %div3A = arith.constant 1.000000e+04 : f32
    %div3A_28 = vector.broadcast %div3A : f32 to vector<1x128xf32>
    %div3A_29 = arith.divf %broadcast_in_dim3A, %div3A_28 : vector<1x128xf32>
    %mul3A = arith.mulf %add3A, %add3A : vector<10000x128xf32>
    %reduce_sum3A_30 = arith.constant dense<0.000000e+00> : vector<128xf32>
    %reduce_sum3A_31 = vector.multi_reduction <add>, %mul3A, %reduce_sum3A_30 [0] : vector<10000x128xf32> to vector<128xf32>
    %broadcast_in_dim3A_32 = vector.shape_cast %reduce_sum3A_31 : vector<128xf32> to vector<1x128xf32>
    %div3A_33 = arith.constant 1.000000e+04 : f32
    %div3A_34 = vector.broadcast %div3A_33 : f32 to vector<1x128xf32>
    %div3A_35 = arith.divf %broadcast_in_dim3A_32, %div3A_34 : vector<1x128xf32>
    %mul3A_36 = arith.mulf %div3A_29, %div3A_29 : vector<1x128xf32>
    %sub3A = arith.subf %div3A_35, %mul3A_36 : vector<1x128xf32>
    %reduce_sum3A_37 = arith.constant dense<0.000000e+00> : vector<128xf32>
    %reduce_sum3A_38 = vector.multi_reduction <add>, %add3A_26, %reduce_sum3A_37 [0] : vector<10000x128xf32> to vector<128xf32>
    %broadcast_in_dim3A_39 = vector.shape_cast %reduce_sum3A_38 : vector<128xf32> to vector<1x128xf32>
    %div3A_40 = arith.constant 1.000000e+04 : f32
    %div3A_41 = vector.broadcast %div3A_40 : f32 to vector<1x128xf32>
    %div3A_42 = arith.divf %broadcast_in_dim3A_39, %div3A_41 : vector<1x128xf32>
    %mul3A_43 = arith.mulf %add3A_26, %add3A_26 : vector<10000x128xf32>
    %reduce_sum3A_44 = arith.constant dense<0.000000e+00> : vector<128xf32>
    %reduce_sum3A_45 = vector.multi_reduction <add>, %mul3A_43, %reduce_sum3A_44 [0] : vector<10000x128xf32> to vector<128xf32>
    %broadcast_in_dim3A_46 = vector.shape_cast %reduce_sum3A_45 : vector<128xf32> to vector<1x128xf32>
    %div3A_47 = arith.constant 1.000000e+04 : f32
    %div3A_48 = vector.broadcast %div3A_47 : f32 to vector<1x128xf32>
    %div3A_49 = arith.divf %broadcast_in_dim3A_46, %div3A_48 : vector<1x128xf32>
    %mul3A_50 = arith.mulf %div3A_42, %div3A_42 : vector<1x128xf32>
    %sub3A_51 = arith.subf %div3A_49, %mul3A_50 : vector<1x128xf32>
    %add3A_52 = arith.constant 9.99999974E-6 : f32
    %add3A_53 = vector.broadcast %add3A_52 : f32 to vector<1x128xf32>
    %add3A_54 = arith.addf %sub3A, %add3A_53 : vector<1x128xf32>
    %rsqrt3A = math.rsqrt %add3A_54 : vector<1x128xf32>
    %add3A_55 = arith.constant 9.99999974E-6 : f32
    %add3A_56 = vector.broadcast %add3A_55 : f32 to vector<1x128xf32>
    %add3A_57 = arith.addf %sub3A_51, %add3A_56 : vector<1x128xf32>
    %rsqrt3A_58 = math.rsqrt %add3A_57 : vector<1x128xf32>
    %mul3A_59 = arith.mulf %get3A_1, %get3A_1 : vector<1x128xf32>
    %mul3A_60 = arith.mulf %mul3A_59, %sub3A_51 : vector<1x128xf32>
    %mul3A_61 = arith.mulf %rsqrt3A_58, %rsqrt3A_58 : vector<1x128xf32>
    %mul3A_62 = arith.mulf %mul3A_60, %mul3A_61 : vector<1x128xf32>
    %add3A_63 = arith.constant 9.99999974E-6 : f32
    %add3A_64 = vector.broadcast %add3A_63 : f32 to vector<1x128xf32>
    %add3A_65 = arith.addf %mul3A_62, %add3A_64 : vector<1x128xf32>
    %rsqrt3A_66 = math.rsqrt %add3A_65 : vector<1x128xf32>
    %get3A_67 = arith.constant 0 : index
    %get3A_68 = arith.constant 0 : index
    %get3A_69 = vector.load %arg12[%get3A_67, %get3A_68] : memref<1x128xf32, #tpu.memory_space<vmem>>, vector<1x128xf32>
    %mul3A_70 = arith.mulf %rsqrt3A_66, %get3A_69 : vector<1x128xf32>
    %sub3A_71 = vector.broadcast %div3A_29 : vector<1x128xf32> to vector<10000x128xf32>
    %sub3A_72 = arith.subf %add3A, %sub3A_71 : vector<10000x128xf32>
    %mul3A_73 = arith.mulf %rsqrt3A, %get3A_1 : vector<1x128xf32>
    %mul3A_74 = vector.broadcast %mul3A_73 : vector<1x128xf32> to vector<10000x128xf32>
    %mul3A_75 = arith.mulf %sub3A_72, %mul3A_74 : vector<10000x128xf32>
    %add3A_76 = vector.broadcast %get3A_4 : vector<1x128xf32> to vector<10000x128xf32>
    %add3A_77 = arith.addf %mul3A_75, %add3A_76 : vector<10000x128xf32>
    %sub3A_78 = vector.broadcast %div3A_42 : vector<1x128xf32> to vector<10000x128xf32>
    %sub3A_79 = arith.subf %add3A_26, %sub3A_78 : vector<10000x128xf32>
    %mul3A_80 = arith.mulf %rsqrt3A_58, %get3A_1 : vector<1x128xf32>
    %mul3A_81 = vector.broadcast %mul3A_80 : vector<1x128xf32> to vector<10000x128xf32>
    %mul3A_82 = arith.mulf %sub3A_79, %mul3A_81 : vector<10000x128xf32>
    %add3A_83 = vector.broadcast %get3A_4 : vector<1x128xf32> to vector<10000x128xf32>
    %add3A_84 = arith.addf %mul3A_82, %add3A_83 : vector<10000x128xf32>
    %add3A_85 = arith.addf %add3A_77, %add3A_84 : vector<10000x128xf32>
    %sub3A_86 = vector.broadcast %get3A_4 : vector<1x128xf32> to vector<10000x128xf32>
    %sub3A_87 = arith.subf %add3A_84, %sub3A_86 : vector<10000x128xf32>
    %mul3A_88 = vector.broadcast %mul3A_70 : vector<1x128xf32> to vector<10000x128xf32>
    %mul3A_89 = arith.mulf %sub3A_87, %mul3A_88 : vector<10000x128xf32>
    %add3A_90 = arith.addf %add3A_85, %mul3A_89 : vector<10000x128xf32>
    %get3A_91 = arith.constant 0 : index
    %get3A_92 = arith.constant 0 : index
    %get3A_93 = vector.load %arg13[%get3A_91, %get3A_92] : memref<1x128xf32, #tpu.memory_space<vmem>>, vector<1x128xf32>
    %add3A_94 = vector.broadcast %get3A_93 : vector<1x128xf32> to vector<10000x128xf32>
    %add3A_95 = arith.addf %add3A_90, %add3A_94 : vector<10000x128xf32>
    %get3A_96 = arith.constant 0 : index
    %get3A_97 = arith.constant 0 : index
    %get3A_98 = vector.load %arg6[%get3A_96, %get3A_97] : memref<128x256xf32, #tpu.memory_space<vmem>>, vector<128x256xf32>
    %dot_general3A_99 = arith.constant dense<0.000000e+00> : vector<10000x256xf32>
    %dot_general3A_100 = tpu.matmul %add3A_95, %get3A_98, %dot_general3A_99 {dimension_numbers = #tpu.dot_dimension_numbers<[1], [0], [0], [1], [0, 0, 1, 1], [], []>, transpose_lhs_hint = false} : vector<10000x128xf32>, vector<128x256xf32>, vector<10000x256xf32> -> vector<10000x256xf32>
    %get3A_101 = arith.constant 0 : index
    %get3A_102 = arith.constant 0 : index
    %get3A_103 = vector.load %arg7[%get3A_101, %get3A_102] : memref<1x256xf32, #tpu.memory_space<vmem>>, vector<1x256xf32>
    %add3A_104 = vector.broadcast %get3A_103 : vector<1x256xf32> to vector<10000x256xf32>
    %add3A_105 = arith.addf %dot_general3A_100, %add3A_104 : vector<10000x256xf32>
    %max3A = arith.constant 0.000000e+00 : f32
    %max3A_106 = vector.broadcast %max3A : f32 to vector<10000x256xf32>
    %max3A_107 = arith.maximumf %add3A_105, %max3A_106 : vector<10000x256xf32>
    %get3A_108 = arith.constant 0 : index
    %get3A_109 = arith.constant 0 : index
    %get3A_110 = vector.load %arg8[%get3A_108, %get3A_109] : memref<256x128xf32, #tpu.memory_space<vmem>>, vector<256x128xf32>
    %dot_general3A_111 = arith.constant dense<0.000000e+00> : vector<10000x128xf32>
    %dot_general3A_112 = tpu.matmul %max3A_107, %get3A_110, %dot_general3A_111 {dimension_numbers = #tpu.dot_dimension_numbers<[1], [0], [0], [1], [0, 0, 1, 1], [], []>, transpose_lhs_hint = false} : vector<10000x256xf32>, vector<256x128xf32>, vector<10000x128xf32> -> vector<10000x128xf32>
    %add3A_113 = arith.addf %add3A_95, %dot_general3A_112 : vector<10000x128xf32>
    %get3A_114 = arith.constant 0 : index
    %get3A_115 = arith.constant 0 : index
    %get3A_116 = vector.load %arg9[%get3A_114, %get3A_115] : memref<1x128xf32, #tpu.memory_space<vmem>>, vector<1x128xf32>
    %add3A_117 = vector.broadcast %get3A_116 : vector<1x128xf32> to vector<10000x128xf32>
    %add3A_118 = arith.addf %add3A_113, %add3A_117 : vector<10000x128xf32>
    %reduce_sum3A_119 = arith.constant dense<0.000000e+00> : vector<128xf32>
    %reduce_sum3A_120 = vector.multi_reduction <add>, %add3A_118, %reduce_sum3A_119 [0] : vector<10000x128xf32> to vector<128xf32>
    %broadcast_in_dim3A_121 = vector.shape_cast %reduce_sum3A_120 : vector<128xf32> to vector<1x128xf32>
    %div3A_122 = arith.constant 1.000000e+04 : f32
    %div3A_123 = vector.broadcast %div3A_122 : f32 to vector<1x128xf32>
    %div3A_124 = arith.divf %broadcast_in_dim3A_121, %div3A_123 : vector<1x128xf32>
    %mul3A_125 = arith.mulf %add3A_118, %add3A_118 : vector<10000x128xf32>
    %reduce_sum3A_126 = arith.constant dense<0.000000e+00> : vector<128xf32>
    %reduce_sum3A_127 = vector.multi_reduction <add>, %mul3A_125, %reduce_sum3A_126 [0] : vector<10000x128xf32> to vector<128xf32>
    %broadcast_in_dim3A_128 = vector.shape_cast %reduce_sum3A_127 : vector<128xf32> to vector<1x128xf32>
    %div3A_129 = arith.constant 1.000000e+04 : f32
    %div3A_130 = vector.broadcast %div3A_129 : f32 to vector<1x128xf32>
    %div3A_131 = arith.divf %broadcast_in_dim3A_128, %div3A_130 : vector<1x128xf32>
    %mul3A_132 = arith.mulf %div3A_124, %div3A_124 : vector<1x128xf32>
    %sub3A_133 = arith.subf %div3A_131, %mul3A_132 : vector<1x128xf32>
    %sub3A_134 = vector.broadcast %div3A_124 : vector<1x128xf32> to vector<10000x128xf32>
    %sub3A_135 = arith.subf %add3A_118, %sub3A_134 : vector<10000x128xf32>
    %add3A_136 = arith.constant 9.99999974E-6 : f32
    %add3A_137 = vector.broadcast %add3A_136 : f32 to vector<1x128xf32>
    %add3A_138 = arith.addf %sub3A_133, %add3A_137 : vector<1x128xf32>
    %rsqrt3A_139 = math.rsqrt %add3A_138 : vector<1x128xf32>
    %get3A_140 = arith.constant 0 : index
    %get3A_141 = arith.constant 0 : index
    %get3A_142 = vector.load %arg14[%get3A_140, %get3A_141] : memref<1x128xf32, #tpu.memory_space<vmem>>, vector<1x128xf32>
    %mul3A_143 = arith.mulf %rsqrt3A_139, %get3A_142 : vector<1x128xf32>
    %mul3A_144 = vector.broadcast %mul3A_143 : vector<1x128xf32> to vector<10000x128xf32>
    %mul3A_145 = arith.mulf %sub3A_135, %mul3A_144 : vector<10000x128xf32>
    %get3A_146 = arith.constant 0 : index
    %get3A_147 = arith.constant 0 : index
    %get3A_148 = vector.load %arg15[%get3A_146, %get3A_147] : memref<1x128xf32, #tpu.memory_space<vmem>>, vector<1x128xf32>
    %add3A_149 = vector.broadcast %get3A_148 : vector<1x128xf32> to vector<10000x128xf32>
    %add3A_150 = arith.addf %mul3A_145, %add3A_149 : vector<10000x128xf32>
    %swap3A = arith.constant 0 : index
    %swap3A_151 = arith.constant 0 : index
    %swap3A_152 = vector.load %arg16[%swap3A, %swap3A_151] : memref<10000x128xf32, #tpu.memory_space<vmem>>, vector<10000x128xf32>
    tpu.vector_store %arg16[%swap3A, %swap3A_151], %add3A_150 {strides = array<i32>} : memref<10000x128xf32, #tpu.memory_space<vmem>>, vector<10000x128xf32>,
    return
  }
}

</mosaic_0001>

<sc_bundles>
// kernel: kernel.5.cloned.1.call-start
scs
__scs_entry_jumppad:
0x0: {  	(pc) =	sbr.rel $0x88, $3  }
0x1: {  	(tag) =	ssettag $0x0;
	lr =	simm.s32 $0x1  }
0x2: {  	[smem:$0x3F8D] =	sst lr;
	_ =	strace $0xD0000000  }
0x3: {  	_ = 	snop  }
0x4: {  	_ = 	snop  }
0x5: {  	_ = 	snop  }
0x6: {  	_ = 	snop  }
0x7: {  	_ = 	snop  }
__scs_overlays_trampoline_lowered:
0x8: {  	[smem:$0x3F9C] =	sst s0  }
0x9: {  	[smem:$0x3F9D] =	sst s1  }
0xa: {  	[smem:$0x3F9E] =	sst s2  }
0xb: {  	[smem:$0x3F9F] =	sst s3  }
0xc: {  	[smem:$0x3FA0] =	sst s4  }
0xd: {  	[smem:$0x3FA1] =	sst s5  }
0xe: {  	[smem:$0x3FA2] =	sst s6  }
0xf: {  	[smem:$0x3FA3] =	sst s7  }
0x10: {  	[smem:$0x3FA4] =	sst s8  }
0x11: {  	[smem:$0x3FA5] =	sst s9;
	s0 =	simm.s32 @!p0 $0x0  }
0x12: {  	s1 =	sld [smem:$0x3F8B];
	s0 =	simm.s32 @p0 $0x1  }
0x13: {  	[smem:$0x3FA6] =	sst s0;
	s0 =	simm.s32 @!p1 $0x0  }
0x14: {  	s2 =	sld [smem:$0x3F8A];
	s0 =	simm.s32 @p1 $0x1  }
0x15: {  	[smem:$0x3FA7] =	sst s0;
	s0 =	simm.s32 @!p2 $0x0  }
0x16: {  	s3 =	sld [smem:$0x3FDB];
	s0 =	simm.s32 @p2 $0x1  }
0x17: {  	s4 =	simm.s32 $0x1BF5;
	[smem:$0x3FA9] =	sst s0  }
0x18: {  	s0 =	sld [smem:$0x3F8C];
	_ =	swait.ge [sflag:s4], $0x0  }
0x19: {  	s7 =	sld [smem:$0x3F8D]  }
0x1a: {  	s8 =	sadd.s32 $0xFFFFE003, lr  }
0x1b: {  	s9 =	sadd.s32 $0xFFFFFEF7, lr;
	s5 =	simm.s32 $0xFFFFFFFF;
	p2 =	slt.u32 s8, $0xFFFFF086  }
0x1c: {  	p1 =	slt.u32 s9, $0xF7A;
	s5 =	simm.s32 @!p2 $0x0  }
0x1d: {  	s5 =	simm.s32 @p1 $0x1;
	p0 =	seq.s32 s7, s2  }
0x1e: {  	s7 =	smul.u32 @!p0 $0xF7A, s2;
	p2 =	seq.s32 @!p0 s5, $0x0  }
0x1f: {  	s9 =	smul.u32 $0xF7A, s1;
	s8 =	simm.s32 @!p0 $0x1BF5;
	p2 =	por !p2, p0  }
0x20: {  	[sflag:s8] =	ssyncset.s32 @!p0 $0xFFFFF086;
	s6 =	sadd.s32 @!p0 s3, s7;
	s7 =	simm.s32 @!p0 $0x108  }
0x21: {  	s3 =	sadd.s32 s3, s9;
	s6 =	sadd.s32 @!p0 $0x88, s6;
	s7 =	simm.s32 @p2 $0x1082  }
0x22: {  	[simem:s7], [sflag:s8] =	dma.local @!p0 [hbm:s6], $0xF7A  }
0x23: {  	s9 =	sor.u32 $0xD0000000, s2;
	s6 =	simm.s32 $0x108;
	_ =	swait.ge @!p0 [sflag:s8], $0x0  }
0x24: {  	s3 =	sadd.s32 $0x88, s3;
	s6 =	simm.s32 @!p1 $0x1082;
	[sflag:s4] =	ssyncset.s32 $0xFFFFF086  }
0x25: {  	[simem:s6], [sflag:s4] =	dma.local [hbm:s3], $0xF7A  }
0x26: {  	[smem:$0x3F8D] =	sst s1;
	(tag) =	ssettag s2;
	_ =	strace s9  }
0x27: {  	s1 =	sld [smem:$0x3F9D]  }
0x28: {  	s2 =	sld [smem:$0x3F9E]  }
0x29: {  	s4 =	sld [smem:$0x3FA0]  }
0x2a: {  	p0 =	seq.s32 s5, $0x0;
	s5 =	sld [smem:$0x3FA1]  }
0x2b: {  	s6 =	sld [smem:$0x3FA2]  }
0x2c: {  	s7 =	sld [smem:$0x3FA3]  }
0x2d: {  	s3 =	simm.s32 $0x108;
	s8 =	sld [smem:$0x3FA4]  }
0x2e: {  	s3 =	simm.s32 @!p0 $0x1082;
	s9 =	sld [smem:$0x3FA5]  }
0x2f: {  	lr =	sadd.s32 s0, s3;
	s0 =	sld [smem:$0x3F9C]  }
0x30: {  	s3 =	sld [smem:$0x3F9F]  }
0x31: {  	[smem:$0x3FA8] =	sst s10  }
0x32: {  	s10 =	sld [smem:$0x3FA6];
	_ =	sdelay $0x3  }
0x33: {  	p0 =	seq.s32 s10, $0x1;
	s10 =	sld [smem:$0x3FA8];
	_ =	sdelay $0x3  }
0x34: {  	[smem:$0x3FA8] =	sst s10  }
0x35: {  	s10 =	sld [smem:$0x3FA7];
	_ =	sdelay $0x3  }
0x36: {  	p1 =	seq.s32 s10, $0x1;
	s10 =	sld [smem:$0x3FA8];
	_ =	sdelay $0x3  }
0x37: {  	[smem:$0x3FA8] =	sst s10  }
0x38: {  	s10 =	sld [smem:$0x3FA9]  }
0x39: {  	_ = 	snop;
	(pc) =	sbr.ind lr, $3  }
0x3a: {  	_ = 	snop  }
0x3b: {  	_ = 	snop  }
0x3c: {  	p2 =	seq.s32 s10, $0x1;
	s10 =	sld [smem:$0x3FA8]  }
0x3d: {  	_ =	shalt  }
0x3e: {  	_ =	shalt  }
0x3f: {  	_ =	shalt  }
0x40: {  	_ =	shalt  }
0x41: {  	_ =	shalt  }
0x42: {  	_ =	shalt  }
0x43: {  	_ =	shalt  }
0x44: {  	_ =	shalt  }
0x45: {  	_ =	shalt  }
0x46: {  	_ =	shalt  }
0x47: {  	_ =	shalt  }
0x48: {  	_ =	shalt  }
0x49: {  	_ =	shalt  }
0x4a: {  	_ =	shalt  }
0x4b: {  	_ =	shalt  }
0x4c: {  	_ =	shalt  }
0x4d: {  	_ =	shalt  }
0x4e: {  	_ =	shalt  }
0x4f: {  	_ =	shalt  }
0x50: {  	_ =	shalt  }
0x51: {  	_ =	shalt  }
0x52: {  	_ =	shalt  }
0x53: {  	_ =	shalt  }
0x54: {  	_ =	shalt  }
0x55: {  	_ =	shalt  }
0x56: {  	_ =	shalt  }
0x57: {  	_ =	shalt  }
0x58: {  	_ =	shalt  }
0x59: {  	_ =	shalt  }
0x5a: {  	_ =	shalt  }
0x5b: {  	_ =	shalt  }
0x5c: {  	_ =	shalt  }
0x5d: {  	_ =	shalt  }
0x5e: {  	_ =	shalt  }
0x5f: {  	_ =	shalt  }
0x60: {  	_ =	shalt  }
0x61: {  	_ =	shalt  }
0x62: {  	_ =	shalt  }
0x63: {  	_ =	shalt  }
0x64: {  	_ =	shalt  }
0x65: {  	_ =	shalt  }
0x66: {  	_ =	shalt  }
0x67: {  	_ =	shalt  }
0x68: {  	_ =	shalt  }
0x69: {  	_ =	shalt  }
0x6a: {  	_ =	shalt  }
0x6b: {  	_ =	shalt  }
0x6c: {  	_ =	shalt  }
0x6d: {  	_ =	shalt  }
0x6e: {  	_ =	shalt  }
0x6f: {  	_ =	shalt  }
0x70: {  	_ =	shalt  }
0x71: {  	_ =	shalt  }
0x72: {  	_ =	shalt  }
0x73: {  	_ =	shalt  }
0x74: {  	_ =	shalt  }
0x75: {  	_ =	shalt  }
0x76: {  	_ =	shalt  }
0x77: {  	_ =	shalt  }
0x78: {  	_ =	shalt  }
0x79: {  	_ =	shalt  }
0x7a: {  	_ =	shalt  }
0x7b: {  	_ =	shalt  }
0x7c: {  	_ =	shalt  }
0x7d: {  	_ =	shalt  }
0x7e: {  	_ =	shalt  }
0x7f: {  	_ =	shalt  }
0x80: {  	_ =	shalt  }
0x81: {  	_ =	shalt  }
0x82: {  	_ =	shalt  }
0x83: {  	_ =	shalt  }
0x84: {  	_ =	shalt  }
0x85: {  	_ =	shalt  }
0x86: {  	_ =	shalt  }
0x87: {  	_ =	shalt  }
.Lfunc_end0:
.L_simem_size_0:
called_computation_lowered:
.L_overlay_start_0:
0x88: {  	s2 =	sld [smem:$0x3FD9]  }
0x89: {  	s3 =	sld [smem:$0x3FFE];
	_ =	sdelay $0x1  }
0x8a: {  	s1 =	srdreg.scid  }
0x8b: {  	s0 =	sand.u32 $0x1, s1  }
0x8c: {  	s17 =	sshll.u32 s0, $0xA;
	s2 =	sadd.s32 s3, s2  }
0x8d: {  	s2 =	sadd.s32 s2, s17  }
0x8e: {  	[smem:$0x3FB4] =	sst s2  }
0x8f: {  	_ = 	snop  }
0x90: {  	s2 =	sld [smem:$0x3FC9]  }
0x91: {  	s18 =	sld [smem:$0x3FC6]  }
0x92: {  	s4 =	sld [smem:$0x3FD0];
	(tm) =	ssettm $0x1  }
0x93: {  	s5 =	sld [smem:$0x3FFB];
	_ =	sdelay $0x3  }
0x94: {  	_ =	strace s5  }
0x95: {  	s5 =	sld [smem:$0x3FFC];
	_ =	sdelay $0x3  }
0x96: {  	_ =	strace s5  }
0x97: {  	s5 =	sld [smem:$0x3FFD];
	_ =	sdelay $0x3  }
0x98: {  	_ =	strace s5  }
0x99: {  	_ =	strace $0x8FFFFFFF  }
0x9a: {  	s19 =	sld [smem:$0x3FDB];
	_ =	sdelay $0x1  }
0x9b: {  	s6 =	simm.s32 $_scs_section_size  }
0x9c: {  	s7 =	simm.s32 $_size__tile_overlayer_lowered;
	s8 =	simm.s32 $_tile_overlayer_lowered  }
0x9d: {  	s22 =	simm.s32 $0x1BFF;
	s21 =	sshll.u32 s8, $0x1;
	s5 =	sadd.s32 s6, s19  }
0x9e: {  	s9 =	simm.s32 $0x0;
	s20 =	sshll.u32 s7, $0x1;
	s7 =	sadd.s32 s21, s5  }
0x9f: {  	[timem:s9], [sflag:s22] =	dma.local [hbm:s7], s20  }
0xa0: {  	_ =	swait.ge [sflag:s22], s20  }
0xa1: {  	s6 =	ssub.s32 $0x0, s20;
	[sflag:s22] =	ssyncset.done $0x0  }
0xa2: {  	[sflag:s22] =	ssyncadd.s32 s6;
	_ =	sdelay $0x1  }
0xa3: {  	s23 =	simm.s32 $0x1B8B  }
0xa4: {  	_ =	swait.ge [sflag:s23], $0x1  }
0xa5: {  	[sflag:s23] =	ssyncset.done $0x0  }
0xa6: {  	s25 =	simm.s32 $0x1B8E;
	s24 =	sld [smem:$0x3FFE];
	[sflag:s23] =	ssyncadd.s32 $0xFFFFFFFF  }
0xa7: {  	s26 =	simm.s32 $execute0_lowered;
	[smem:$0x3FD2] =	sst s25  }
0xa8: {  	s7 =	sshll.u32 s26, $0x1;
	_ =	strace $0x80000046;
	[dreg:$0x1] =	wrdreg $0xFFFFFFFF  }
0xa9: {  	s28 =	simm.s32 $_size_execute0_lowered;
	s5 =	sadd.s32 s5, s7;
	[dreg:$0x0] =	wrdreg $0x0  }
0xaa: {  	s7 =	sshll.u32 s28, $0x1;
	[dreg:$0x2] =	wrdreg s5  }
0xab: {  	[dreg:$0x3] =	wrdreg s7  }
0xac: {  	[dreg:$0x4] =	wrdreg $0xC0  }
0xad: {  	_ =	task [dreg:s9], $0x5FFFF  }
0xae: {  	[dreg:$0x1] =	wrdreg $0xFFFFFFFF  }
0xaf: {  	[dreg:$0x0] =	wrdreg $0x60  }
0xb0: {  	[dreg:$0x2] =	wrdreg s2  }
0xb1: {  	[dreg:$0x3] =	wrdreg s4  }
0xb2: {  	[dreg:$0x4] =	wrdreg s24  }
0xb3: {  	[dreg:$0x5] =	wrdreg s18  }
0xb4: {  	[dreg:$0x6] =	wrdreg $0x8EE00  }
0xb5: {  	[dreg:$0x7] =	wrdreg $0x9  }
0xb6: {  	_ =	task.clear_ibuf [dreg:s9], $0x8FFFF;
	_ =	strace $0x90000046  }
0xb7: {  	s29 =	simm.s32 $0x9;
	_ =	strace $0x80000048  }
0xb8: {  	_ =	swait.ge [sflag:s29], $0x1  }
0xb9: {  	[sflag:s29] =	ssyncadd.s32 $0xFFFFFFFF  }
0xba: {  	_ =	strace $0x90000048  }
0xbb: {  	_ =	sfence  }
0xbc: {  	s30 =	sld [smem:$0x0];
	_ =	sdelay $0x2  }
0xbd: {  	s31 =	sshll.u32 s1, $0xD;
	s1 =	sshrl.u32 s1, $0x2  }
0xbe: {  	s3 =	sand.u32 $0x4000, s31;
	s1 =	sadd.s32 s1, s30  }
0xbf: {  	s0 =	sor.u32 s3, s0;
	s1 =	sshll.u32 s1, $0x11  }
0xc0: {  	s0 =	sor.u32 s1, s0  }
0xc1: {  	s0 =	sadd.s32 $0x8F2B, s0  }
0xc2: {  	[sflag:s0] =	ssyncadd.remote.s32 $0x1  }
0xc3: {  	_ =	sfence.sel $0xFFFF  }
0xc4: {  	[dreg:$0x0] =	wrdreg $0xFFFFFFFF;
	(pc) =	sbr.abs _section_cstart, $3  }
0xc5: {  	[dreg:$0x1] =	wrdreg $0xFFFFFFFF  }
0xc6: {  	_ =	task.clear_ibuf [dreg:s9], $0x2FFFF;
	_ =	strace $0x9FFFFFFF  }
0xc7: {  	(tm) =	ssettm $0x7FFFFFFF  }
tec
execute0_lowered:
.L_overlay_start_1:
0x0: {  	(tag) =	ssettag $0x1  }
0x1: {  	s1 =	rddreg [dreg:$0x0]  }
0x2: {  	s2 =	rddreg [dreg:$0x1]  }
0x3: {  	s4 =	srdreg.scid;
	s13 =	stileid.u32  }
0x4: {  	s0 =	rddreg [dreg:$0x2];
	s4 =	sand.u32 $0x1, s4;
	s8 =	smul.u32 $0x50000, s13  }
0x5: {  	s3 =	rddreg [dreg:$0x3];
	s9 =	ssub.s32 $0x2, s4  }
0x6: {  	s5 =	rddreg [dreg:$0x4];
	s11 =	sshrl.u32 s9, $0x1;
	s12 =	sshrl.u32 s8, $0x2  }
0x7: {  	s6 =	simm.s32 $0x0;
	s9 =	ssub.s32 s9, s11;
	s11 =	sadd.s32 s12, s5  }
0x8: {  	[smem:$0x7FF] =	sst s6;
	s12 =	sadd.s32 $0x1000, s11  }
0x9: {  	_ =	strace $0x80000047;
	s26 =	sadd.s32 $0x2000, s11;
	[dreg:$0x6] =	wrdreg s12  }
0xa: {  	s14 =	sadd.s32 $0x3000, s11;
	[dreg:$0x7] =	wrdreg s26  }
0xb: {  	s10 =	smul.u32 $0x14000, s13;
	s15 =	sadd.s32 $0x4000, s11;
	[dreg:$0x8] =	wrdreg s14  }
0xc: {  	s7 =	sadd.s32 $0x3C00, s0;
	s16 =	sadd.s32 $0x5000, s11;
	[dreg:$0x9] =	wrdreg s15  }
0xd: {  	p0 =	seq.s32 s4, $0x1;
	s17 =	sadd.s32 $0x6000, s11;
	[dreg:$0xa] =	wrdreg s16  }
0xe: {  	s24 =	smul.u32 $0x4E200, s4;
	s18 =	sadd.s32 $0x7000, s11;
	[dreg:$0xb] =	wrdreg s17  }
0xf: {  	s8 =	sadd.s32 s10, s5;
	s19 =	sadd.s32 $0x9000, s11;
	[dreg:$0xc] =	wrdreg s18  }
0x10: {  	s10 =	sshrl.u32 s10, $0x3;
	s20 =	sadd.s32 $0xA000, s11;
	[dreg:$0xe] =	wrdreg s19  }
0x11: {  	s21 =	sadd.s32 $0xB000, s11;
	s22 =	sadd.s32 $0xC000, s11;
	[dreg:$0xf] =	wrdreg s20  }
0x12: {  	s23 =	sadd.s32 $0xD000, s11;
	s25 =	sadd.s32 $0xE000, s11;
	[dreg:$0x10] =	wrdreg s21  }
0x13: {  	s28 =	sadd.s32 $0x11000, s11;
	s29 =	sadd.s32 $0x12000, s11;
	[dreg:$0x11] =	wrdreg s22  }
0x14: {  	s30 =	sadd.s32 $0x13000, s11;
	s12 =	simm.s32 $0x3F600;
	[dreg:$0x13] =	wrdreg s23  }
0x15: {  	s14 =	sadd.s32 $0x8000, s11;
	[dreg:$0x14] =	wrdreg s25;
	s26 =	sadd.s32 $0xF000, s11  }
0x16: {  	s25 =	smul.u32 $0x4E20, s13;
	s13 =	simm.s32 $0x2EE0;
	s15 =	simm.s32 $0x2  }
0x17: {  	s16 =	simm.s32 $0x0;
	[dreg:$0xd] =	wrdreg s14;
	s12 =	simm.s32 @!p0 $0x17600  }
.Ltmp0:
0x18: {  	p0 =	seq.s32 s4, $0x0;
	[dreg:$0x15] =	wrdreg s26;
	(pc) =	sbr.rel .LBB2_1-.Ltmp0, $4  }
0x19: {  	s26 =	sadd.s32 $0x10000, s11;
	s4 =	simm.s32 $0x7EE0;
	s11 =	simm.s32 $0xFA0  }
0x1a: {  	s14 =	simm.s32 $0x56E0;
	s0 =	sadd.s32 s12, s0;
	s31 =	sadd.s32 s24, s25  }
0x1b: {  	s12 =	simm.s32 $0x50;
	s0 =	sadd.s32 s0, s10;
	s10 =	simm.s32 $0x3  }
0x1c: {  	v0 =	vimm.f32 $0.0e+00;
	[dreg:$0x12] =	wrdreg s0;
	s0 =	smax.u32 s9, $0x1;
	s9 =	simm.s32 $0x1  }
.LBB2_15:
0x1d: {  	s17 =	stileid.u32;
	[bflag:$0x0] =	sbarrier.arrive $0xFFFF;
	s16 =	sadd.s32 $0x1, s16  }
0x1e: {  	s18 =	sshrl.u32 s8, $0x3;
	s17 =	sshll.u32 s17, $0x6;
	p1 =	sne.s32 s16, s0  }
.Ltmp1:
0x1f: {  	s19 =	rddreg [dreg:$0x12];
	s17 =	sor.u32 $0x1C03, s17;
	(pc) =	sbr.rel @!p1 .LBB2_16-.Ltmp1, $4  }
0x20: {  	[hbm:s19], [sflag:s17] =	dma.local [spmem:s18], $0x2800  }
0x21: {  	_ =	swait.ge [sflag:s10], $0x2800  }
0x22: {  	[sflag:s10] =	ssyncset.done $0x0  }
0x23: {  	[sflag:s10] =	ssyncadd.s32 $0xFFFFD800  }
.LBB2_1:
0x24: {  	s17 =	simm.s32 $0x0;
	s18 =	simm.s32 $0x200  }
.LBB2_2:
0x25: {  	p1 =	sne.s32 s18, $0x3E00;
	[tilespmem:s17+$0x7F50] =	vst v0  }
0x26: {  	[tilespmem:s17+$0x7EE0] =	vst v0  }
0x27: {  	[tilespmem:s17+$0x7EF0] =	vst v0  }
.Ltmp2:
0x28: {  	[tilespmem:s17+$0x7F00] =	vst v0;
	(pc) =	sbr.rel @p1 .LBB2_2-.Ltmp2, $4  }
0x29: {  	[tilespmem:s17+$0x7F10] =	vst v0  }
0x2a: {  	[tilespmem:s17+$0x7F20] =	vst v0  }
0x2b: {  	[tilespmem:s17+$0x7F30] =	vst v0  }
0x2c: {  	[tilespmem:s17+$0x7F40] =	vst v0;
	s17 =	sshra.s32 s18, $0x2;
	s18 =	sadd.s32 $0x200, s18  }
0x2d: {  	[tilespmem:s17+$0x7F50] =	vst v0  }
0x2e: {  	[tilespmem:s17+$0x7EE0] =	vst v0  }
0x2f: {  	[tilespmem:s17+$0x7EF0] =	vst v0  }
0x30: {  	[tilespmem:s17+$0x7F00] =	vst v0  }
0x31: {  	[tilespmem:s17+$0x7F10] =	vst v0  }
0x32: {  	[tilespmem:s17+$0x7F20] =	vst v0  }
0x33: {  	[tilespmem:s17+$0x7F30] =	vst v0  }
0x34: {  	[tilespmem:s17+$0x7F40] =	vst v0  }
0x35: {  	[spmem:s8] =	stream.linear.scatter [tilespmem:s4], [sflag:$0x1], $0x1000, $0x38;
	[tilespmem:$0x1CEE0] =	vst v63  }
0x36: {  	s24 =	rddreg [dreg:$0x6]  }
0x37: {  	[spmem:s24] =	stream.linear.scatter [tilespmem:s4], [sflag:$0x1], $0x1000, $0x38;
	[tilespmem:$0x1CEE0] =	vst v63  }
0x38: {  	s18 =	rddreg [dreg:$0x7]  }
0x39: {  	[spmem:s18] =	stream.linear.scatter [tilespmem:s4], [sflag:$0x1], $0x1000, $0x38;
	[tilespmem:$0x1CEE0] =	vst v63  }
0x3a: {  	s19 =	rddreg [dreg:$0x8]  }
0x3b: {  	[spmem:s19] =	stream.linear.scatter [tilespmem:s4], [sflag:$0x1], $0x1000, $0x38;
	[tilespmem:$0x1CEE0] =	vst v63  }
0x3c: {  	s20 =	rddreg [dreg:$0x9]  }
0x3d: {  	[spmem:s20] =	stream.linear.scatter [tilespmem:s4], [sflag:$0x1], $0x1000, $0x38;
	[tilespmem:$0x1CEE0] =	vst v63  }
0x3e: {  	s21 =	rddreg [dreg:$0xa]  }
0x3f: {  	[spmem:s21] =	stream.linear.scatter [tilespmem:s4], [sflag:$0x1], $0x1000, $0x38;
	[tilespmem:$0x1CEE0] =	vst v63  }
0x40: {  	s22 =	rddreg [dreg:$0xb]  }
0x41: {  	[spmem:s22] =	stream.linear.scatter [tilespmem:s4], [sflag:$0x1], $0x1000, $0x38;
	[tilespmem:$0x1CEE0] =	vst v63  }
0x42: {  	s23 =	rddreg [dreg:$0xc]  }
0x43: {  	[spmem:s23] =	stream.linear.scatter [tilespmem:s4], [sflag:$0x1], $0x1000, $0x38;
	[tilespmem:$0x1CEE0] =	vst v63  }
0x44: {  	s24 =	rddreg [dreg:$0xd]  }
0x45: {  	[spmem:s24] =	stream.linear.scatter [tilespmem:s4], [sflag:$0x1], $0x1000, $0x38;
	[tilespmem:$0x1CEE0] =	vst v63  }
0x46: {  	s18 =	rddreg [dreg:$0xe]  }
0x47: {  	[spmem:s18] =	stream.linear.scatter [tilespmem:s4], [sflag:$0x1], $0x1000, $0x38;
	[tilespmem:$0x1CEE0] =	vst v63  }
0x48: {  	s19 =	rddreg [dreg:$0xf]  }
0x49: {  	[spmem:s19] =	stream.linear.scatter [tilespmem:s4], [sflag:$0x1], $0x1000, $0x38;
	[tilespmem:$0x1CEE0] =	vst v63  }
0x4a: {  	s20 =	rddreg [dreg:$0x10]  }
0x4b: {  	[spmem:s20] =	stream.linear.scatter [tilespmem:s4], [sflag:$0x1], $0x1000, $0x38;
	[tilespmem:$0x1CEE0] =	vst v63  }
0x4c: {  	s21 =	rddreg [dreg:$0x11]  }
0x4d: {  	[spmem:s21] =	stream.linear.scatter [tilespmem:s4], [sflag:$0x1], $0x1000, $0x38;
	[tilespmem:$0x1CEE0] =	vst v63  }
0x4e: {  	s22 =	rddreg [dreg:$0x13]  }
0x4f: {  	[spmem:s22] =	stream.linear.scatter [tilespmem:s4], [sflag:$0x1], $0x1000, $0x38;
	[tilespmem:$0x1CEE0] =	vst v63  }
0x50: {  	s23 =	rddreg [dreg:$0x14]  }
0x51: {  	[spmem:s23] =	stream.linear.scatter [tilespmem:s4], [sflag:$0x1], $0x1000, $0x38;
	[tilespmem:$0x1CEE0] =	vst v63  }
0x52: {  	s24 =	rddreg [dreg:$0x15]  }
0x53: {  	[spmem:s24] =	stream.linear.scatter [tilespmem:s4], [sflag:$0x1], $0x1000, $0x38;
	[tilespmem:$0x1CEE0] =	vst v63  }
0x54: {  	_ = 	snop  }
0x55: {  	[spmem:s26] =	stream.linear.scatter [tilespmem:s4], [sflag:$0x1], $0x1000, $0x38;
	[tilespmem:$0x1CEE0] =	vst v63  }
0x56: {  	_ = 	snop  }
0x57: {  	[spmem:s28] =	stream.linear.scatter [tilespmem:s4], [sflag:$0x1], $0x1000, $0x38;
	[tilespmem:$0x1CEE0] =	vst v63  }
0x58: {  	_ = 	snop  }
0x59: {  	[spmem:s29] =	stream.linear.scatter [tilespmem:s4], [sflag:$0x1], $0x1000, $0x38;
	[tilespmem:$0x1CEE0] =	vst v63  }
0x5a: {  	_ = 	snop  }
0x5b: {  	[spmem:s30] =	stream.linear.scatter [tilespmem:s4], [sflag:$0x1], $0x1000, $0x38;
	[tilespmem:$0x1CEE0] =	vst v63  }
0x5c: {  	_ =	swait.ge [sflag:s9], $0x1000  }
0x5d: {  	[sflag:s9] =	ssyncset.done $0x0  }
0x5e: {  	[sflag:s9] =	ssyncadd.s32 $0xFFFFF000  }
0x5f: {  	_ =	swait.ge [sflag:s9], $0x1000  }
0x60: {  	[sflag:s9] =	ssyncset.done $0x0  }
0x61: {  	[sflag:s9] =	ssyncadd.s32 $0xFFFFF000  }
0x62: {  	_ =	swait.ge [sflag:s9], $0x1000  }
0x63: {  	[sflag:s9] =	ssyncset.done $0x0  }
0x64: {  	[sflag:s9] =	ssyncadd.s32 $0xFFFFF000  }
0x65: {  	_ =	swait.ge [sflag:s9], $0x1000  }
0x66: {  	[sflag:s9] =	ssyncset.done $0x0  }
0x67: {  	[sflag:s9] =	ssyncadd.s32 $0xFFFFF000  }
0x68: {  	_ =	swait.ge [sflag:s9], $0x1000  }
0x69: {  	[sflag:s9] =	ssyncset.done $0x0  }
0x6a: {  	[sflag:s9] =	ssyncadd.s32 $0xFFFFF000  }
0x6b: {  	_ =	swait.ge [sflag:s9], $0x1000  }
0x6c: {  	[sflag:s9] =	ssyncset.done $0x0  }
0x6d: {  	[sflag:s9] =	ssyncadd.s32 $0xFFFFF000  }
0x6e: {  	_ =	swait.ge [sflag:s9], $0x1000  }
0x6f: {  	[sflag:s9] =	ssyncset.done $0x0  }
0x70: {  	[sflag:s9] =	ssyncadd.s32 $0xFFFFF000  }
0x71: {  	_ =	swait.ge [sflag:s9], $0x1000  }
0x72: {  	[sflag:s9] =	ssyncset.done $0x0  }
0x73: {  	[sflag:s9] =	ssyncadd.s32 $0xFFFFF000  }
0x74: {  	_ =	swait.ge [sflag:s9], $0x1000  }
0x75: {  	[sflag:s9] =	ssyncset.done $0x0  }
0x76: {  	[sflag:s9] =	ssyncadd.s32 $0xFFFFF000  }
0x77: {  	_ =	swait.ge [sflag:s9], $0x1000  }
0x78: {  	[sflag:s9] =	ssyncset.done $0x0  }
0x79: {  	[sflag:s9] =	ssyncadd.s32 $0xFFFFF000  }
0x7a: {  	_ =	swait.ge [sflag:s9], $0x1000  }
0x7b: {  	[sflag:s9] =	ssyncset.done $0x0  }
0x7c: {  	[sflag:s9] =	ssyncadd.s32 $0xFFFFF000  }
0x7d: {  	_ =	swait.ge [sflag:s9], $0x1000  }
0x7e: {  	[sflag:s9] =	ssyncset.done $0x0  }
0x7f: {  	[sflag:s9] =	ssyncadd.s32 $0xFFFFF000  }
0x80: {  	_ =	swait.ge [sflag:s9], $0x1000  }
0x81: {  	[sflag:s9] =	ssyncset.done $0x0  }
0x82: {  	[sflag:s9] =	ssyncadd.s32 $0xFFFFF000  }
0x83: {  	_ =	swait.ge [sflag:s9], $0x1000  }
0x84: {  	[sflag:s9] =	ssyncset.done $0x0  }
0x85: {  	[sflag:s9] =	ssyncadd.s32 $0xFFFFF000  }
0x86: {  	_ =	swait.ge [sflag:s9], $0x1000  }
0x87: {  	[sflag:s9] =	ssyncset.done $0x0  }
0x88: {  	[sflag:s9] =	ssyncadd.s32 $0xFFFFF000  }
0x89: {  	_ =	swait.ge [sflag:s9], $0x1000  }
0x8a: {  	[sflag:s9] =	ssyncset.done $0x0  }
0x8b: {  	[sflag:s9] =	ssyncadd.s32 $0xFFFFF000  }
0x8c: {  	_ =	swait.ge [sflag:s9], $0x1000  }
0x8d: {  	[sflag:s9] =	ssyncset.done $0x0  }
0x8e: {  	[sflag:s9] =	ssyncadd.s32 $0xFFFFF000  }
0x8f: {  	_ =	swait.ge [sflag:s9], $0x1000  }
0x90: {  	[sflag:s9] =	ssyncset.done $0x0  }
0x91: {  	[sflag:s9] =	ssyncadd.s32 $0xFFFFF000  }
0x92: {  	_ =	swait.ge [sflag:s9], $0x1000  }
0x93: {  	[sflag:s9] =	ssyncset.done $0x0  }
0x94: {  	[sflag:s9] =	ssyncadd.s32 $0xFFFFF000  }
.Ltmp3:
0x95: {  	_ =	swait.ge [sflag:s9], $0x1000;
	(pc) =	sbr.rel .LBB2_4-.Ltmp3, $4  }
0x96: {  	[sflag:s9] =	ssyncset.done $0x0  }
0x97: {  	[sflag:s9] =	ssyncadd.s32 $0xFFFFF000  }
0x98: {  	[bflag:$0x0] =	sbarrier.arrive $0xFFFF  }
0x99: {  	s17 =	simm.s32 $0x0;
	s18 =	simm.s32 $0x0  }
.LBB2_14:
0x9a: {  	s18 =	sadd.s32 $0x1, s18  }
0x9b: {  	p1 =	sne.s32 s18, $0x5  }
.Ltmp4:
0x9c: {  	_ = 	snop;
	(pc) =	sbr.rel @!p1 .LBB2_15-.Ltmp4, $1  }
0x9d: {  	_ =	sdelay $0x3  }
.LBB2_4:
0x9e: {  	s19 =	smul.u32 $0xFA0, s18;
	_ =	sdelay $0x1  }
0x9f: {  	s20 =	sadd.s32 s31, s19  }
0xa0: {  	s20 =	sshrl.u32 s20, $0x3  }
0xa1: {  	s21 =	sadd.s32 s2, s20  }
0xa2: {  	[tilespmem:s6], [sflag:$0x3] =	stream.linear.gather [hbm4b:s21+s6], $0xFA0, $0x38;
	[tilespmem:$0x1CEE0] =	vst v63  }
0xa3: {  	_ =	swait.ge [sflag:s10], $0xFA0  }
0xa4: {  	[sflag:s10] =	ssyncset.done $0x0  }
0xa5: {  	s19 =	sadd.s32 @!p0 s25, s19;
	s20 =	sadd.s32 s7, s20;
	[sflag:s10] =	ssyncadd.s32 $0xFFFFF060  }
0xa6: {  	[tilespmem:s11], [sflag:$0x3] =	stream.linear.gather [hbm4b:s20+s6], $0xFA0, $0x38;
	[tilespmem:$0x1CEE0] =	vst v63  }
0xa7: {  	s19 =	sshrl.u32 @!p0 s19, $0x3;
	_ =	swait.ge [sflag:s10], $0xFA0  }
0xa8: {  	s19 =	sadd.s32 @!p0 s3, s19;
	[sflag:s10] =	ssyncset.done $0x0  }
0xa9: {  	s21 =	simm.s32 @!p0 $0x1F40;
	s20 =	simm.s32 @!p0 $0x0;
	[sflag:s10] =	ssyncadd.s32 $0xFFFFF060  }
0xaa: {  	[tilespmem:s21], [sflag:$0x3] =	stream.linear.gather @!p0 [hbm4b:s19+s20], $0xFA0, $0x38;
	[tilespmem:$0x1CEE0] =	vst v63  }
.Ltmp5:
0xab: {  	s19 =	simm.s32 @!p0 $0x3;
	(pc) =	sbr.rel .LBB2_5-.Ltmp5, $4  }
0xac: {  	_ =	swait.ge @!p0 [sflag:s19], $0xFA0  }
0xad: {  	[sflag:s19] =	ssyncset.done @!p0 $0x0  }
0xae: {  	[sflag:s19] =	ssyncadd.s32 @!p0 $0xFFFFF060;
	s19 =	simm.s32 $0x0  }
0xaf: {  	[tilespmem:s13], [sflag:$0x1] =	stream.indirect.gather [hbm4b:s1+s12], $0x80, s17, s12, $0xb8;
	[tilespmem:$0x1CEE0] =	vst v63  }
.LBB2_12:
0xb0: {  	[tilespmem:s21+$0x5D00] =	vst v3  }
.LBB2_13:
0xb1: {  	s19 =	sadd.s32 $0x1, s19  }
0xb2: {  	p1 =	sne.s32 s19, $0x19  }
.Ltmp6:
0xb3: {  	s20 =	sadd.s32 $0xFA0, s20;
	(pc) =	sbr.rel @!p1 .LBB2_14-.Ltmp6, $4  }
0xb4: {  	[spmem:s5] =	stream.indirect.scatter.add.f32 [tilespmem:s14], [sflag:$0x3], $0x80, s20, s12, $0xb8;
	[tilespmem:$0x1CEE0] =	vst v63  }
0xb5: {  	_ =	swait.ge [sflag:s10], $0x2800  }
0xb6: {  	[sflag:s10] =	ssyncset.done $0x0  }
0xb7: {  	[sflag:s10] =	ssyncadd.s32 $0xFFFFD800  }
.LBB2_5:
0xb8: {  	s20 =	smul.u32 $0xA0, s19;
	_ =	sdelay $0x1  }
.Ltmp7:
0xb9: {  	s20 =	sadd.s32 $0x50, s20;
	(pc) =	sbr.rel @p0 .LBB2_9-.Ltmp7, $4  }
0xba: {  	[tilespmem:s14], [sflag:$0x2] =	stream.indirect.gather [hbm4b:s1+s12], $0x80, s20, s12, $0xb8;
	[tilespmem:$0x1CEE0] =	vst v63  }
0xbb: {  	_ =	swait.ge [sflag:s9], $0x2800  }
0xbc: {  	[sflag:s9] =	ssyncset.done $0x0  }
0xbd: {  	s21 =	smul.u32 $0x280, s19;
	[sflag:s9] =	ssyncadd.s32 $0xFFFFD800  }
0xbe: {  	_ = 	snop  }
0xbf: {  	s22 =	sshra.s32 s21, $0x2  }
0xc0: {  	s22 =	sadd.s32 $0x1F40, s22  }
0xc1: {  	v1 =	vmov s22;
	_ =	sdelay $0x2  }
0xc2: {  	s24 =	simm.s32 $0x0  }
0xc3: {  	s23 =	simm.s32 $0x0;
	s22 =	sand.u32 $0x3FFFFFF0, s24  }
0xc4: {  	v2 =	vld.idx.msk [tilespmem:v1+s22+$0x0 ss:$0x1], $0xffff;
	s22 =	sand.u32 $0x3FFFF800, s23  }
0xc5: {  	v8 =	vld [tilespmem:s22+$0x2FA0]  }
0xc6: {  	v4 =	vld [tilespmem:s22+$0x2F00]  }
0xc7: {  	v5 =	vld [tilespmem:s22+$0x2F10]  }
0xc8: {  	v11 =	vld [tilespmem:s22+$0x2F40]  }
0xc9: {  	v12 =	vld [tilespmem:s22+$0x2F50];
	v3 =	vbroadcast v2, $0x0  }
0xca: {  	v13 =	vld [tilespmem:s22+$0x2F60]  }
0xcb: {  	v14 =	vld [tilespmem:s22+$0x2F70];
	v4 =	vmul.f32 v4, v3  }
0xcc: {  	v15 =	vld [tilespmem:s22+$0x2F80];
	v5 =	vmul.f32 v5, v3  }
0xcd: {  	v10 =	vld [tilespmem:s22+$0x2F90];
	v21 =	vbroadcast v2, $0x1;
	v20 =	vmul.f32 v11, v3;
	[tilespmem:s22+$0x2F00] =	vst v4  }
0xce: {  	v9 =	vld [tilespmem:s22+$0x2FB0];
	v12 =	vmul.f32 v12, v3;
	[tilespmem:s22+$0x2F10] =	vst v5  }
0xcf: {  	v7 =	vld [tilespmem:s22+$0x3450];
	v13 =	vmul.f32 v13, v21;
	[tilespmem:s22+$0x2F40] =	vst v20  }
0xd0: {  	v23 =	vld [tilespmem:s22+$0x2FD0];
	v14 =	vmul.f32 v14, v21;
	[tilespmem:s22+$0x2F50] =	vst v12  }
0xd1: {  	v24 =	vld [tilespmem:s22+$0x2FE0];
	v15 =	vmul.f32 v15, v21;
	[tilespmem:s22+$0x2F60] =	vst v13  }
0xd2: {  	v25 =	vld [tilespmem:s22+$0x2FF0];
	v10 =	vmul.f32 v10, v21;
	[tilespmem:s22+$0x2F70] =	vst v14  }
0xd3: {  	v22 =	vld [tilespmem:s22+$0x2FC0];
	v8 =	vmul.f32 v8, v21;
	[tilespmem:s22+$0x2F80] =	vst v15  }
0xd4: {  	v26 =	vld [tilespmem:s22+$0x3000];
	v16 =	vbroadcast v2, $0x2;
	v9 =	vmul.f32 v9, v21;
	[tilespmem:s22+$0x2F90] =	vst v10  }
0xd5: {  	v27 =	vld [tilespmem:s22+$0x3010];
	v11 =	vmul.f32 v23, v21;
	[tilespmem:s22+$0x2FA0] =	vst v8  }
0xd6: {  	v28 =	vld [tilespmem:s22+$0x3020];
	v6 =	vbroadcast v2, $0xA;
	v30 =	vmul.f32 v24, v16;
	[tilespmem:s22+$0x2FB0] =	vst v9  }
0xd7: {  	v29 =	vld [tilespmem:s22+$0x3030];
	v32 =	vmul.f32 v25, v16;
	[tilespmem:s22+$0x2FD0] =	vst v11  }
0xd8: {  	v31 =	vld [tilespmem:s22+$0x3040];
	v4 =	vmul.f32 v7, v6;
	[tilespmem:s22+$0x2FE0] =	vst v30  }
0xd9: {  	v33 =	vld [tilespmem:s22+$0x3050];
	v12 =	vmul.f32 v22, v21;
	[tilespmem:s22+$0x2FF0] =	vst v32  }
0xda: {  	v34 =	vld [tilespmem:s22+$0x3060];
	v10 =	vmul.f32 v26, v16;
	[tilespmem:s22+$0x3450] =	vst v4  }
0xdb: {  	v35 =	vld [tilespmem:s22+$0x3070];
	v8 =	vmul.f32 v27, v16;
	[tilespmem:s22+$0x2FC0] =	vst v12  }
0xdc: {  	v36 =	vld [tilespmem:s22+$0x3080];
	v9 =	vmul.f32 v28, v16;
	[tilespmem:s22+$0x3000] =	vst v10  }
0xdd: {  	v37 =	vld [tilespmem:s22+$0x3090];
	v39 =	vbroadcast v2, $0x3;
	v11 =	vmul.f32 v31, v16;
	[tilespmem:s22+$0x3010] =	vst v8  }
0xde: {  	v38 =	vld [tilespmem:s22+$0x30A0];
	v13 =	vmul.f32 v33, v16;
	[tilespmem:s22+$0x3020] =	vst v9  }
0xdf: {  	v40 =	vld [tilespmem:s22+$0x30B0];
	v14 =	vmul.f32 v34, v39;
	[tilespmem:s22+$0x3040] =	vst v11  }
0xe0: {  	v41 =	vld [tilespmem:s22+$0x30C0];
	v12 =	vmul.f32 v29, v16;
	[tilespmem:s22+$0x3050] =	vst v13  }
0xe1: {  	v42 =	vld [tilespmem:s22+$0x30D0];
	v10 =	vmul.f32 v35, v39;
	[tilespmem:s22+$0x3060] =	vst v14  }
0xe2: {  	v43 =	vld [tilespmem:s22+$0x30E0];
	v8 =	vmul.f32 v36, v39;
	[tilespmem:s22+$0x3030] =	vst v12  }
0xe3: {  	v44 =	vld [tilespmem:s22+$0x30F0];
	v9 =	vmul.f32 v37, v39;
	[tilespmem:s22+$0x3070] =	vst v10  }
0xe4: {  	v45 =	vld [tilespmem:s22+$0x3100];
	v11 =	vmul.f32 v40, v39;
	[tilespmem:s22+$0x3080] =	vst v8  }
0xe5: {  	v46 =	vld [tilespmem:s22+$0x3110];
	v13 =	vmul.f32 v41, v39;
	[tilespmem:s22+$0x3090] =	vst v9  }
0xe6: {  	v47 =	vld [tilespmem:s22+$0x3120];
	v48 =	vbroadcast v2, $0x4;
	v14 =	vmul.f32 v42, v39;
	[tilespmem:s22+$0x30B0] =	vst v11  }
0xe7: {  	v49 =	vld [tilespmem:s22+$0x3130];
	v12 =	vmul.f32 v38, v39;
	[tilespmem:s22+$0x30C0] =	vst v13  }
0xe8: {  	v50 =	vld [tilespmem:s22+$0x3140];
	v10 =	vmul.f32 v43, v48;
	[tilespmem:s22+$0x30D0] =	vst v14  }
0xe9: {  	v51 =	vld [tilespmem:s22+$0x3150];
	v8 =	vmul.f32 v44, v48;
	[tilespmem:s22+$0x30A0] =	vst v12  }
0xea: {  	v52 =	vld [tilespmem:s22+$0x3160];
	v9 =	vmul.f32 v45, v48;
	[tilespmem:s22+$0x30E0] =	vst v10  }
0xeb: {  	v53 =	vld [tilespmem:s22+$0x3170];
	v11 =	vmul.f32 v47, v48;
	[tilespmem:s22+$0x30F0] =	vst v8  }
0xec: {  	v54 =	vld [tilespmem:s22+$0x3180];
	v13 =	vmul.f32 v49, v48;
	[tilespmem:s22+$0x3100] =	vst v9  }
0xed: {  	v55 =	vld [tilespmem:s22+$0x3190];
	v14 =	vmul.f32 v50, v48;
	[tilespmem:s22+$0x3120] =	vst v11  }
0xee: {  	v56 =	vld [tilespmem:s22+$0x31A0];
	v57 =	vbroadcast v2, $0x5;
	v12 =	vmul.f32 v46, v48;
	[tilespmem:s22+$0x3130] =	vst v13  }
0xef: {  	v58 =	vld [tilespmem:s22+$0x31B0];
	v10 =	vmul.f32 v51, v48;
	[tilespmem:s22+$0x3140] =	vst v14  }
0xf0: {  	v59 =	vld [tilespmem:s22+$0x31C0];
	v8 =	vmul.f32 v52, v57;
	[tilespmem:s22+$0x3110] =	vst v12  }
0xf1: {  	v60 =	vld [tilespmem:s22+$0x31D0];
	v9 =	vmul.f32 v53, v57;
	[tilespmem:s22+$0x3150] =	vst v10  }
0xf2: {  	v61 =	vld [tilespmem:s22+$0x31E0];
	v11 =	vmul.f32 v55, v57;
	[tilespmem:s22+$0x3160] =	vst v8  }
0xf3: {  	v62 =	vld [tilespmem:s22+$0x31F0];
	v13 =	vmul.f32 v56, v57;
	[tilespmem:s22+$0x3170] =	vst v9  }
0xf4: {  	v63 =	vld [tilespmem:s22+$0x3200];
	v14 =	vmul.f32 v58, v57;
	[tilespmem:s22+$0x3190] =	vst v11  }
0xf5: {  	v20 =	vld [tilespmem:s22+$0x3210];
	v12 =	vmul.f32 v54, v57;
	[tilespmem:s22+$0x31A0] =	vst v13  }
0xf6: {  	v21 =	vld [tilespmem:s22+$0x3220];
	v22 =	vbroadcast v2, $0x6;
	v10 =	vmul.f32 v59, v57;
	[tilespmem:s22+$0x31B0] =	vst v14  }
0xf7: {  	v23 =	vld [tilespmem:s22+$0x3230];
	v8 =	vmul.f32 v60, v57;
	[tilespmem:s22+$0x3180] =	vst v12  }
0xf8: {  	v24 =	vld [tilespmem:s22+$0x3240];
	v9 =	vmul.f32 v61, v22;
	[tilespmem:s22+$0x31C0] =	vst v10  }
0xf9: {  	v25 =	vld [tilespmem:s22+$0x3250];
	v11 =	vmul.f32 v63, v22;
	[tilespmem:s22+$0x31D0] =	vst v8  }
0xfa: {  	v5 =	vld [tilespmem:s22+$0x3460];
	v13 =	vmul.f32 v20, v22;
	[tilespmem:s22+$0x31E0] =	vst v9  }
0xfb: {  	v27 =	vld [tilespmem:s22+$0x3270];
	v14 =	vmul.f32 v21, v22;
	[tilespmem:s22+$0x3200] =	vst v11  }
0xfc: {  	v28 =	vld [tilespmem:s22+$0x3280];
	v12 =	vmul.f32 v62, v22;
	[tilespmem:s22+$0x3210] =	vst v13  }
0xfd: {  	v29 =	vld [tilespmem:s22+$0x3290];
	v10 =	vmul.f32 v23, v22;
	[tilespmem:s22+$0x3220] =	vst v14  }
0xfe: {  	v31 =	vbroadcast v2, $0x7;
	v53 =	vld [tilespmem:s22+$0x33E0];
	v8 =	vmul.f32 v24, v22;
	[tilespmem:s22+$0x31F0] =	vst v12  }
0xff: {  	v58 =	vld [tilespmem:s22+$0x3430];
	v9 =	vmul.f32 v25, v22;
	[tilespmem:s22+$0x3230] =	vst v10  }
0x100: {  	v26 =	vld [tilespmem:s22+$0x3260];
	v11 =	vmul.f32 v27, v31;
	[tilespmem:s22+$0x3240] =	vst v8  }
0x101: {  	v30 =	vld [tilespmem:s22+$0x32A0];
	v13 =	vmul.f32 v28, v31;
	[tilespmem:s22+$0x3250] =	vst v9  }
0x102: {  	v32 =	vld [tilespmem:s22+$0x32B0];
	v14 =	vmul.f32 v29, v31;
	[tilespmem:s22+$0x3270] =	vst v11  }
0x103: {  	v33 =	vld [tilespmem:s22+$0x32C0];
	v59 =	vmul.f32 v53, v6;
	[tilespmem:s22+$0x3280] =	vst v13  }
0x104: {  	v35 =	vld [tilespmem:s22+$0x32E0];
	v21 =	vmul.f32 v58, v6;
	[tilespmem:s22+$0x3290] =	vst v14  }
0x105: {  	v36 =	vld [tilespmem:s22+$0x32F0];
	v12 =	vmul.f32 v26, v31;
	[tilespmem:s22+$0x33E0] =	vst v59  }
0x106: {  	v37 =	vld [tilespmem:s22+$0x3300];
	v10 =	vmul.f32 v30, v31;
	[tilespmem:s22+$0x3430] =	vst v21  }
0x107: {  	v7 =	vld [tilespmem:s22+$0x3470];
	v40 =	vbroadcast v2, $0x8;
	v8 =	vmul.f32 v32, v31;
	[tilespmem:s22+$0x3260] =	vst v12  }
0x108: {  	v34 =	vld [tilespmem:s22+$0x32D0];
	v9 =	vmul.f32 v33, v31;
	[tilespmem:s22+$0x32A0] =	vst v10  }
0x109: {  	v57 =	vld [tilespmem:s22+$0x3420];
	v11 =	vmul.f32 v35, v40;
	[tilespmem:s22+$0x32B0] =	vst v8  }
0x10a: {  	v61 =	vld [tilespmem:s22+$0x2EE0];
	v24 =	vbroadcast v2, $0xB;
	v13 =	vmul.f32 v36, v40;
	[tilespmem:s22+$0x32C0] =	vst v9  }
0x10b: {  	v4 =	vld [tilespmem:s22+$0x36B0];
	v14 =	vmul.f32 v37, v40;
	[tilespmem:s22+$0x32E0] =	vst v11  }
0x10c: {  	v38 =	vld [tilespmem:s22+$0x3310];
	v5 =	vmul.f32 v5, v24;
	[tilespmem:s22+$0x32F0] =	vst v13  }
0x10d: {  	v39 =	vld [tilespmem:s22+$0x3320];
	v7 =	vmul.f32 v7, v24;
	[tilespmem:s22+$0x3300] =	vst v14  }
0x10e: {  	v41 =	vld [tilespmem:s22+$0x3330];
	v19 =	vmul.f32 v57, v6;
	[tilespmem:s22+$0x3460] =	vst v5  }
0x10f: {  	v43 =	vld [tilespmem:s22+$0x3350];
	v25 =	vmul.f32 v3, v61;
	[tilespmem:s22+$0x3470] =	vst v7  }
0x110: {  	v44 =	vld [tilespmem:s22+$0x3360];
	v12 =	vmul.f32 v34, v31;
	[tilespmem:s22+$0x3420] =	vst v19  }
0x111: {  	v45 =	vld [tilespmem:s22+$0x3370];
	v10 =	vmul.f32 v38, v40;
	[tilespmem:s22+$0x2EE0] =	vst v25  }
0x112: {  	v27 =	vld [tilespmem:s22+$0x34B0];
	v8 =	vmul.f32 v39, v40;
	[tilespmem:s22+$0x32D0] =	vst v12  }
0x113: {  	v49 =	vbroadcast v2, $0x9;
	v29 =	vld [tilespmem:s22+$0x34D0];
	v9 =	vmul.f32 v41, v40;
	[tilespmem:s22+$0x3310] =	vst v10  }
0x114: {  	v42 =	vld [tilespmem:s22+$0x3340];
	v11 =	vmul.f32 v43, v40;
	[tilespmem:s22+$0x3320] =	vst v8  }
0x115: {  	v46 =	vld [tilespmem:s22+$0x3380];
	v13 =	vmul.f32 v44, v49;
	[tilespmem:s22+$0x3330] =	vst v9  }
0x116: {  	v47 =	vld [tilespmem:s22+$0x3390];
	v14 =	vmul.f32 v45, v49;
	[tilespmem:s22+$0x3350] =	vst v11  }
0x117: {  	v48 =	vld [tilespmem:s22+$0x33A0];
	v32 =	vmul.f32 v27, v24;
	[tilespmem:s22+$0x3360] =	vst v13  }
0x118: {  	v51 =	vld [tilespmem:s22+$0x33C0];
	v7 =	vmul.f32 v29, v24;
	[tilespmem:s22+$0x3370] =	vst v14  }
0x119: {  	v52 =	vld [tilespmem:s22+$0x33D0];
	v12 =	vmul.f32 v42, v40;
	[tilespmem:s22+$0x34B0] =	vst v32  }
0x11a: {  	v10 =	vmul.f32 v46, v49;
	[tilespmem:s22+$0x34D0] =	vst v7  }
0x11b: {  	v28 =	vld [tilespmem:s22+$0x34C0];
	v8 =	vmul.f32 v47, v49;
	[tilespmem:s22+$0x3340] =	vst v12  }
0x11c: {  	v30 =	vld [tilespmem:s22+$0x34E0];
	v9 =	vmul.f32 v48, v49;
	[tilespmem:s22+$0x3380] =	vst v10  }
0x11d: {  	v50 =	vld [tilespmem:s22+$0x33B0];
	v5 =	vbroadcast v2, $0xF;
	v11 =	vmul.f32 v51, v49;
	[tilespmem:s22+$0x3390] =	vst v8  }
0x11e: {  	v54 =	vld [tilespmem:s22+$0x33F0];
	v13 =	vmul.f32 v52, v49;
	[tilespmem:s22+$0x33A0] =	vst v9  }
0x11f: {  	v55 =	vld [tilespmem:s22+$0x3400];
	v35 =	vbroadcast v2, $0xC;
	v4 =	vmul.f32 v4, v5;
	[tilespmem:s22+$0x33C0] =	vst v11  }
0x120: {  	v56 =	vld [tilespmem:s22+$0x3410];
	v40 =	vmul.f32 v28, v24;
	[tilespmem:s22+$0x33D0] =	vst v13  }
0x121: {  	v60 =	vld [tilespmem:s22+$0x3440];
	v16 =	vmul.f32 v30, v35;
	[tilespmem:s22+$0x36B0] =	vst v4  }
0x122: {  	v62 =	vld [tilespmem:s22+$0x2EF0];
	v12 =	vmul.f32 v50, v49;
	[tilespmem:s22+$0x34C0] =	vst v40  }
0x123: {  	v63 =	vld [tilespmem:s22+$0x2F20];
	v10 =	vmul.f32 v54, v6;
	[tilespmem:s22+$0x34E0] =	vst v16  }
0x124: {  	v20 =	vld [tilespmem:s22+$0x2F30];
	v8 =	vmul.f32 v55, v6;
	[tilespmem:s22+$0x33B0] =	vst v12  }
0x125: {  	v33 =	vld [tilespmem:s22+$0x3510];
	v9 =	vmul.f32 v56, v6;
	[tilespmem:s22+$0x33F0] =	vst v10  }
0x126: {  	v61 =	vld [tilespmem:s22+$0x36D0];
	v6 =	vmul.f32 v60, v6;
	[tilespmem:s22+$0x3400] =	vst v8  }
0x127: {  	v38 =	vld [tilespmem:s22+$0x3550];
	v13 =	vmul.f32 v62, v3;
	[tilespmem:s22+$0x3410] =	vst v9  }
0x128: {  	v22 =	vld [tilespmem:s22+$0x3480];
	v4 =	vmul.f32 v63, v3;
	[tilespmem:s22+$0x3440] =	vst v6  }
0x129: {  	v23 =	vld [tilespmem:s22+$0x3490];
	v3 =	vmul.f32 v20, v3;
	[tilespmem:s22+$0x2EF0] =	vst v13  }
0x12a: {  	v26 =	vld [tilespmem:s22+$0x34A0];
	v62 =	vmul.f32 v33, v35;
	[tilespmem:s22+$0x2F20] =	vst v4  }
0x12b: {  	v31 =	vld [tilespmem:s22+$0x34F0];
	v63 =	vmul.f32 v61, v5;
	[tilespmem:s22+$0x2F30] =	vst v3  }
0x12c: {  	v34 =	vld [tilespmem:s22+$0x3520];
	v16 =	vmul.f32 v38, v35;
	[tilespmem:s22+$0x3510] =	vst v62  }
0x12d: {  	v41 =	vld [tilespmem:s22+$0x3580];
	v8 =	vmul.f32 v22, v24;
	[tilespmem:s22+$0x36D0] =	vst v63  }
0x12e: {  	v46 =	vld [tilespmem:s22+$0x35C0];
	v9 =	vmul.f32 v23, v24;
	[tilespmem:s22+$0x3550] =	vst v16  }
0x12f: {  	v6 =	vmul.f32 v26, v24;
	v3 =	vld [tilespmem:s22+$0x3570];
	[tilespmem:s22+$0x3480] =	vst v8  }
0x130: {  	v36 =	vld [tilespmem:s22+$0x3530];
	v44 =	vbroadcast v2, $0xD;
	v10 =	vmul.f32 v31, v35;
	[tilespmem:s22+$0x3490] =	vst v9  }
0x131: {  	v37 =	vld [tilespmem:s22+$0x3540];
	v13 =	vmul.f32 v34, v35;
	[tilespmem:s22+$0x34A0] =	vst v6  }
0x132: {  	v39 =	vld [tilespmem:s22+$0x3560];
	v12 =	vmul.f32 v41, v44;
	[tilespmem:s22+$0x34F0] =	vst v10  }
0x133: {  	v42 =	vld [tilespmem:s22+$0x3590];
	v51 =	vmul.f32 v46, v44;
	[tilespmem:s22+$0x3520] =	vst v13  }
0x134: {  	v48 =	vld [tilespmem:s22+$0x35F0];
	[tilespmem:s22+$0x3580] =	vst v12;
	v3 =	vmul.f32 v3, v44  }
0x135: {  	v49 =	vld [tilespmem:s22+$0x3600];
	v9 =	vmul.f32 v36, v35;
	[tilespmem:s22+$0x35C0] =	vst v51  }
0x136: {  	v6 =	vmul.f32 v37, v35;
	[tilespmem:s22+$0x3570] =	vst v3;
	v3 =	vld [tilespmem:s22+$0x35E0]  }
0x137: {  	v2 =	vbroadcast v2, $0xE;
	v50 =	vld [tilespmem:s22+$0x3610];
	v10 =	vmul.f32 v39, v44;
	[tilespmem:s22+$0x3530] =	vst v9  }
0x138: {  	v45 =	vld [tilespmem:s22+$0x35B0];
	v13 =	vmul.f32 v42, v44;
	[tilespmem:s22+$0x3540] =	vst v6  }
0x139: {  	v47 =	vld [tilespmem:s22+$0x35D0];
	v12 =	vmul.f32 v48, v2;
	[tilespmem:s22+$0x3560] =	vst v10  }
0x13a: {  	v43 =	vld [tilespmem:s22+$0x35A0];
	v11 =	vmul.f32 v49, v2;
	[tilespmem:s22+$0x3590] =	vst v13  }
0x13b: {  	v55 =	vld [tilespmem:s22+$0x3660];
	[tilespmem:s22+$0x35F0] =	vst v12;
	v3 =	vmul.f32 v3, v2  }
0x13c: {  	v57 =	vld [tilespmem:s22+$0x3680];
	v7 =	vmul.f32 v50, v2;
	[tilespmem:s22+$0x3600] =	vst v11  }
0x13d: {  	v6 =	vmul.f32 v45, v44;
	[tilespmem:s22+$0x35E0] =	vst v3;
	v3 =	vld [tilespmem:s22+$0x3650]  }
0x13e: {  	v52 =	vld [tilespmem:s22+$0x3620];
	v10 =	vmul.f32 v47, v44;
	[tilespmem:s22+$0x3610] =	vst v7  }
0x13f: {  	v56 =	vld [tilespmem:s22+$0x3670];
	v9 =	vmul.f32 v43, v44;
	[tilespmem:s22+$0x35B0] =	vst v6  }
0x140: {  	v54 =	vld [tilespmem:s22+$0x3640];
	v12 =	vmul.f32 v55, v5;
	[tilespmem:s22+$0x35D0] =	vst v10  }
0x141: {  	v58 =	vld [tilespmem:s22+$0x3690];
	v7 =	vmul.f32 v57, v5;
	[tilespmem:s22+$0x35A0] =	vst v9  }
0x142: {  	v53 =	vld [tilespmem:s22+$0x3630];
	[tilespmem:s22+$0x3660] =	vst v12;
	v3 =	vmul.f32 v3, v2  }
0x143: {  	v59 =	vld [tilespmem:s22+$0x36A0];
	v6 =	vmul.f32 v52, v2;
	[tilespmem:s22+$0x3680] =	vst v7  }
0x144: {  	v60 =	vld [tilespmem:s22+$0x36C0];
	[tilespmem:s22+$0x3650] =	vst v3;
	v3 =	vmul.f32 v56, v5  }
0x145: {  	v10 =	vmul.f32 v54, v2;
	[tilespmem:s22+$0x3620] =	vst v6  }
0x146: {  	v4 =	vld [tilespmem:s22+$0x3500];
	[tilespmem:s22+$0x3670] =	vst v3;
	v3 =	vmul.f32 v58, v5  }
0x147: {  	[tilespmem:s22+$0x3640] =	vst v10;
	v2 =	vmul.f32 v53, v2  }
0x148: {  	[tilespmem:s22+$0x3690] =	vst v3;
	v3 =	vmul.f32 v59, v5  }
0x149: {  	[tilespmem:s22+$0x3630] =	vst v2;
	v5 =	vmul.f32 v60, v5  }
0x14a: {  	[tilespmem:s22+$0x36A0] =	vst v3  }
0x14b: {  	s23 =	simm.s32 $0x1;
	v3 =	vmul.f32 v4, v35;
	[tilespmem:s22+$0x36C0] =	vst v5  }
.LBB2_7:
0x14c: {  	s24 =	sshll.u32 s23, $0x4  }
0x14d: {  	p1 =	sne.s32 s23, $0x4;
	[tilespmem:s22+$0x3500] =	vst v3;
	s22 =	smov.u32 s23;
	s23 =	sadd.s32 $0x1, s23  }
0x14e: {  	s24 =	sand.u32 $0x3FFFFFF0, s24  }
0x14f: {  	v2 =	vld.idx.msk [tilespmem:v1+s24+$0x0 ss:$0x1], $0xffff  }
0x150: {  	s22 =	sshll.u32 s22, $0xB  }
0x151: {  	s22 =	sand.u32 $0x3FFFF800, s22  }
0x152: {  	v9 =	vld [tilespmem:s22+$0x2FA0]  }
0x153: {  	v10 =	vld [tilespmem:s22+$0x2FB0]  }
0x154: {  	v11 =	vld [tilespmem:s22+$0x2F90]  }
0x155: {  	v3 =	vbroadcast v2, $0x0;
	v8 =	vbroadcast v2, $0x4;
	v4 =	vld [tilespmem:s22+$0x2F00]  }
0x156: {  	v6 =	vld [tilespmem:s22+$0x2F10]  }
0x157: {  	v7 =	vld [tilespmem:s22+$0x3450]  }
0x158: {  	v12 =	vld [tilespmem:s22+$0x2F40]  }
0x159: {  	v13 =	vld [tilespmem:s22+$0x2F50]  }
0x15a: {  	v5 =	vbroadcast v2, $0xA;
	v4 =	vmul.f32 v4, v3;
	v14 =	vld [tilespmem:s22+$0x2F60]  }
0x15b: {  	v6 =	vmul.f32 v6, v3;
	v15 =	vld [tilespmem:s22+$0x2F70]  }
0x15c: {  	[tilespmem:s22+$0x2F00] =	vst v4;
	v16 =	vld [tilespmem:s22+$0x2F80];
	v4 =	vmul.f32 v7, v5  }
0x15d: {  	[tilespmem:s22+$0x2F10] =	vst v6;
	v7 =	vmul.f32 v12, v3;
	v12 =	vbroadcast v2, $0x1;
	v6 =	vld [tilespmem:s22+$0x3460]  }
0x15e: {  	v13 =	vmul.f32 v13, v3;
	[tilespmem:s22+$0x3450] =	vst v4;
	v4 =	vld [tilespmem:s22+$0x36B0]  }
0x15f: {  	[tilespmem:s22+$0x2F40] =	vst v7;
	v14 =	vmul.f32 v14, v12;
	v7 =	vld [tilespmem:s22+$0x3470]  }
0x160: {  	[tilespmem:s22+$0x2F50] =	vst v13;
	v13 =	vmul.f32 v15, v12;
	v15 =	vld [tilespmem:s22+$0x2FC0]  }
0x161: {  	[tilespmem:s22+$0x2F60] =	vst v14;
	v14 =	vmul.f32 v16, v12;
	v16 =	vld [tilespmem:s22+$0x2FD0]  }
0x162: {  	v11 =	vmul.f32 v11, v12;
	[tilespmem:s22+$0x2F70] =	vst v13;
	v13 =	vld [tilespmem:s22+$0x2FE0]  }
0x163: {  	v9 =	vmul.f32 v9, v12;
	[tilespmem:s22+$0x2F80] =	vst v14;
	v14 =	vld [tilespmem:s22+$0x2FF0]  }
0x164: {  	v10 =	vmul.f32 v10, v12;
	[tilespmem:s22+$0x2F90] =	vst v11;
	v11 =	vld [tilespmem:s22+$0x3000]  }
0x165: {  	[tilespmem:s22+$0x2FA0] =	vst v9;
	v9 =	vmul.f32 v15, v12;
	v15 =	vbroadcast v2, $0x2;
	v17 =	vld [tilespmem:s22+$0x3010]  }
0x166: {  	[tilespmem:s22+$0x2FB0] =	vst v10;
	v10 =	vmul.f32 v16, v12;
	v12 =	vld [tilespmem:s22+$0x3020]  }
0x167: {  	[tilespmem:s22+$0x2FC0] =	vst v9;
	v9 =	vmul.f32 v13, v15;
	v13 =	vld [tilespmem:s22+$0x3030]  }
0x168: {  	[tilespmem:s22+$0x2FD0] =	vst v10;
	v10 =	vmul.f32 v14, v15;
	v14 =	vld [tilespmem:s22+$0x3040]  }
0x169: {  	[tilespmem:s22+$0x2FE0] =	vst v9;
	v9 =	vmul.f32 v11, v15;
	v11 =	vld [tilespmem:s22+$0x3050]  }
0x16a: {  	[tilespmem:s22+$0x2FF0] =	vst v10;
	v10 =	vmul.f32 v17, v15;
	v16 =	vld [tilespmem:s22+$0x3060]  }
0x16b: {  	[tilespmem:s22+$0x3000] =	vst v9;
	v9 =	vmul.f32 v12, v15;
	v12 =	vld [tilespmem:s22+$0x3070]  }
0x16c: {  	[tilespmem:s22+$0x3010] =	vst v10;
	v10 =	vmul.f32 v13, v15;
	v13 =	vld [tilespmem:s22+$0x3080]  }
0x16d: {  	[tilespmem:s22+$0x3020] =	vst v9;
	v9 =	vmul.f32 v14, v15;
	v14 =	vbroadcast v2, $0x3;
	v17 =	vld [tilespmem:s22+$0x3090]  }
0x16e: {  	[tilespmem:s22+$0x3030] =	vst v10;
	v10 =	vmul.f32 v11, v15;
	v11 =	vld [tilespmem:s22+$0x30A0]  }
0x16f: {  	[tilespmem:s22+$0x3040] =	vst v9;
	v9 =	vmul.f32 v16, v14;
	v15 =	vld [tilespmem:s22+$0x30B0]  }
0x170: {  	[tilespmem:s22+$0x3050] =	vst v10;
	v10 =	vmul.f32 v12, v14;
	v12 =	vld [tilespmem:s22+$0x30C0]  }
0x171: {  	[tilespmem:s22+$0x3060] =	vst v9;
	v9 =	vmul.f32 v13, v14;
	v13 =	vld [tilespmem:s22+$0x30D0]  }
0x172: {  	[tilespmem:s22+$0x3070] =	vst v10;
	v10 =	vmul.f32 v17, v14;
	v16 =	vld [tilespmem:s22+$0x30E0]  }
0x173: {  	[tilespmem:s22+$0x3080] =	vst v9;
	v9 =	vmul.f32 v11, v14;
	v11 =	vld [tilespmem:s22+$0x30F0]  }
0x174: {  	[tilespmem:s22+$0x3090] =	vst v10;
	v10 =	vmul.f32 v15, v14;
	v15 =	vld [tilespmem:s22+$0x3100]  }
0x175: {  	[tilespmem:s22+$0x30A0] =	vst v9;
	v9 =	vmul.f32 v12, v14;
	v12 =	vld [tilespmem:s22+$0x3110]  }
0x176: {  	[tilespmem:s22+$0x30B0] =	vst v10;
	v10 =	vmul.f32 v13, v14;
	v13 =	vld [tilespmem:s22+$0x3120]  }
0x177: {  	[tilespmem:s22+$0x30C0] =	vst v9;
	v9 =	vmul.f32 v16, v8;
	v14 =	vld [tilespmem:s22+$0x3130]  }
0x178: {  	[tilespmem:s22+$0x30D0] =	vst v10;
	v10 =	vmul.f32 v11, v8;
	v11 =	vld [tilespmem:s22+$0x3140]  }
0x179: {  	[tilespmem:s22+$0x30E0] =	vst v9;
	v9 =	vmul.f32 v15, v8;
	v15 =	vld [tilespmem:s22+$0x3150]  }
0x17a: {  	[tilespmem:s22+$0x30F0] =	vst v10;
	v10 =	vmul.f32 v12, v8;
	v12 =	vld [tilespmem:s22+$0x3160]  }
0x17b: {  	[tilespmem:s22+$0x3100] =	vst v9;
	v9 =	vmul.f32 v13, v8;
	v13 =	vld [tilespmem:s22+$0x3170]  }
0x17c: {  	[tilespmem:s22+$0x3110] =	vst v10;
	v10 =	vmul.f32 v14, v8;
	v14 =	vld [tilespmem:s22+$0x3180]  }
0x17d: {  	[tilespmem:s22+$0x3120] =	vst v9;
	v9 =	vmul.f32 v11, v8;
	v11 =	vbroadcast v2, $0x5;
	v16 =	vld [tilespmem:s22+$0x3190]  }
0x17e: {  	[tilespmem:s22+$0x3130] =	vst v10;
	v8 =	vmul.f32 v15, v8;
	v10 =	vld [tilespmem:s22+$0x31A0]  }
0x17f: {  	[tilespmem:s22+$0x3140] =	vst v9;
	v9 =	vmul.f32 v12, v11;
	v12 =	vld [tilespmem:s22+$0x31B0]  }
0x180: {  	[tilespmem:s22+$0x3150] =	vst v8;
	v8 =	vmul.f32 v13, v11;
	v13 =	vld [tilespmem:s22+$0x31C0]  }
0x181: {  	[tilespmem:s22+$0x3160] =	vst v9;
	v9 =	vmul.f32 v14, v11;
	v14 =	vld [tilespmem:s22+$0x31D0]  }
0x182: {  	[tilespmem:s22+$0x3170] =	vst v8;
	v8 =	vmul.f32 v16, v11;
	v15 =	vld [tilespmem:s22+$0x31E0]  }
0x183: {  	[tilespmem:s22+$0x3180] =	vst v9;
	v9 =	vmul.f32 v10, v11;
	v10 =	vld [tilespmem:s22+$0x31F0]  }
0x184: {  	[tilespmem:s22+$0x3190] =	vst v8;
	v8 =	vmul.f32 v12, v11;
	v12 =	vld [tilespmem:s22+$0x3200]  }
0x185: {  	[tilespmem:s22+$0x31A0] =	vst v9;
	v9 =	vmul.f32 v13, v11;
	v13 =	vbroadcast v2, $0x6;
	v16 =	vld [tilespmem:s22+$0x3210]  }
0x186: {  	[tilespmem:s22+$0x31B0] =	vst v8;
	v8 =	vmul.f32 v14, v11;
	v11 =	vld [tilespmem:s22+$0x3220]  }
0x187: {  	[tilespmem:s22+$0x31C0] =	vst v9;
	v9 =	vmul.f32 v15, v13;
	v14 =	vld [tilespmem:s22+$0x3230]  }
0x188: {  	[tilespmem:s22+$0x31D0] =	vst v8;
	v8 =	vmul.f32 v10, v13;
	v10 =	vld [tilespmem:s22+$0x3240]  }
0x189: {  	[tilespmem:s22+$0x31E0] =	vst v9;
	v9 =	vmul.f32 v12, v13;
	v12 =	vld [tilespmem:s22+$0x3250]  }
0x18a: {  	[tilespmem:s22+$0x31F0] =	vst v8;
	v8 =	vmul.f32 v16, v13;
	v15 =	vld [tilespmem:s22+$0x3260]  }
0x18b: {  	[tilespmem:s22+$0x3200] =	vst v9;
	v9 =	vmul.f32 v11, v13;
	v11 =	vld [tilespmem:s22+$0x3270]  }
0x18c: {  	[tilespmem:s22+$0x3210] =	vst v8;
	v8 =	vmul.f32 v14, v13;
	v14 =	vld [tilespmem:s22+$0x3280]  }
0x18d: {  	[tilespmem:s22+$0x3220] =	vst v9;
	v9 =	vmul.f32 v10, v13;
	v10 =	vbroadcast v2, $0x7;
	v16 =	vld [tilespmem:s22+$0x3290]  }
0x18e: {  	[tilespmem:s22+$0x3230] =	vst v8;
	v8 =	vmul.f32 v12, v13;
	v12 =	vld [tilespmem:s22+$0x32A0]  }
0x18f: {  	[tilespmem:s22+$0x3240] =	vst v9;
	v9 =	vmul.f32 v15, v10;
	v13 =	vld [tilespmem:s22+$0x32B0]  }
0x190: {  	[tilespmem:s22+$0x3250] =	vst v8;
	v8 =	vmul.f32 v11, v10;
	v11 =	vld [tilespmem:s22+$0x32C0]  }
0x191: {  	[tilespmem:s22+$0x3260] =	vst v9;
	v9 =	vmul.f32 v14, v10;
	v14 =	vld [tilespmem:s22+$0x32D0]  }
0x192: {  	[tilespmem:s22+$0x3270] =	vst v8;
	v8 =	vmul.f32 v16, v10;
	v15 =	vld [tilespmem:s22+$0x32E0]  }
0x193: {  	[tilespmem:s22+$0x3280] =	vst v9;
	v9 =	vmul.f32 v12, v10;
	v12 =	vld [tilespmem:s22+$0x32F0]  }
0x194: {  	[tilespmem:s22+$0x3290] =	vst v8;
	v8 =	vmul.f32 v13, v10;
	v13 =	vld [tilespmem:s22+$0x3300]  }
0x195: {  	[tilespmem:s22+$0x32A0] =	vst v9;
	v9 =	vmul.f32 v11, v10;
	v11 =	vbroadcast v2, $0x8;
	v16 =	vld [tilespmem:s22+$0x3310]  }
0x196: {  	[tilespmem:s22+$0x32B0] =	vst v8;
	v8 =	vmul.f32 v14, v10;
	v10 =	vld [tilespmem:s22+$0x3320]  }
0x197: {  	[tilespmem:s22+$0x32C0] =	vst v9;
	v9 =	vmul.f32 v15, v11;
	v14 =	vld [tilespmem:s22+$0x3330]  }
0x198: {  	[tilespmem:s22+$0x32D0] =	vst v8;
	v8 =	vmul.f32 v12, v11;
	v12 =	vld [tilespmem:s22+$0x3340]  }
0x199: {  	[tilespmem:s22+$0x32E0] =	vst v9;
	v9 =	vmul.f32 v13, v11;
	v13 =	vld [tilespmem:s22+$0x3350]  }
0x19a: {  	[tilespmem:s22+$0x32F0] =	vst v8;
	v8 =	vmul.f32 v16, v11;
	v15 =	vld [tilespmem:s22+$0x3360]  }
0x19b: {  	[tilespmem:s22+$0x3300] =	vst v9;
	v9 =	vmul.f32 v10, v11;
	v10 =	vld [tilespmem:s22+$0x3370]  }
0x19c: {  	[tilespmem:s22+$0x3310] =	vst v8;
	v8 =	vmul.f32 v14, v11;
	v14 =	vld [tilespmem:s22+$0x3380]  }
0x19d: {  	[tilespmem:s22+$0x3320] =	vst v9;
	v9 =	vmul.f32 v12, v11;
	v12 =	vbroadcast v2, $0x9;
	v16 =	vld [tilespmem:s22+$0x3390]  }
0x19e: {  	[tilespmem:s22+$0x3330] =	vst v8;
	v8 =	vmul.f32 v13, v11;
	v11 =	vld [tilespmem:s22+$0x33A0]  }
0x19f: {  	[tilespmem:s22+$0x3340] =	vst v9;
	v9 =	vmul.f32 v15, v12;
	v13 =	vld [tilespmem:s22+$0x33B0]  }
0x1a0: {  	[tilespmem:s22+$0x3350] =	vst v8;
	v8 =	vmul.f32 v10, v12;
	v10 =	vld [tilespmem:s22+$0x33C0]  }
0x1a1: {  	[tilespmem:s22+$0x3360] =	vst v9;
	v9 =	vmul.f32 v14, v12;
	v14 =	vld [tilespmem:s22+$0x33D0]  }
0x1a2: {  	[tilespmem:s22+$0x3370] =	vst v8;
	v8 =	vmul.f32 v16, v12;
	v15 =	vld [tilespmem:s22+$0x33E0]  }
0x1a3: {  	[tilespmem:s22+$0x3380] =	vst v9;
	v9 =	vmul.f32 v11, v12;
	v11 =	vld [tilespmem:s22+$0x33F0]  }
0x1a4: {  	[tilespmem:s22+$0x3390] =	vst v8;
	v8 =	vmul.f32 v13, v12;
	v13 =	vld [tilespmem:s22+$0x3400]  }
0x1a5: {  	[tilespmem:s22+$0x33A0] =	vst v9;
	v9 =	vmul.f32 v10, v12;
	v10 =	vld [tilespmem:s22+$0x3410]  }
0x1a6: {  	[tilespmem:s22+$0x33B0] =	vst v8;
	v8 =	vmul.f32 v14, v12;
	v12 =	vld [tilespmem:s22+$0x3420]  }
0x1a7: {  	[tilespmem:s22+$0x33C0] =	vst v9;
	v9 =	vmul.f32 v15, v5;
	v14 =	vld [tilespmem:s22+$0x3430]  }
0x1a8: {  	[tilespmem:s22+$0x33D0] =	vst v8;
	v8 =	vmul.f32 v11, v5;
	v11 =	vld [tilespmem:s22+$0x3440]  }
0x1a9: {  	v15 =	vld [tilespmem:s22+$0x2EE0];
	[tilespmem:s22+$0x33E0] =	vst v9;
	v9 =	vmul.f32 v13, v5  }
0x1aa: {  	v13 =	vld [tilespmem:s22+$0x2EF0];
	[tilespmem:s22+$0x33F0] =	vst v8;
	v8 =	vmul.f32 v10, v5  }
0x1ab: {  	v10 =	vld [tilespmem:s22+$0x2F20];
	[tilespmem:s22+$0x3400] =	vst v9;
	v9 =	vmul.f32 v12, v5  }
0x1ac: {  	v12 =	vld [tilespmem:s22+$0x2F30];
	[tilespmem:s22+$0x3410] =	vst v8;
	v8 =	vmul.f32 v14, v5  }
0x1ad: {  	[tilespmem:s22+$0x3420] =	vst v9;
	v9 =	vmul.f32 v11, v5;
	v11 =	vbroadcast v2, $0xB;
	v14 =	vld [tilespmem:s22+$0x3480]  }
0x1ae: {  	v5 =	vbroadcast v2, $0xF;
	v15 =	vmul.f32 v3, v15;
	[tilespmem:s22+$0x3430] =	vst v8;
	v8 =	vld [tilespmem:s22+$0x3490]  }
0x1af: {  	v13 =	vmul.f32 v13, v3;
	[tilespmem:s22+$0x3440] =	vst v9;
	v6 =	vmul.f32 v6, v11;
	v9 =	vld [tilespmem:s22+$0x34A0]  }
0x1b0: {  	v7 =	vmul.f32 v7, v11;
	[tilespmem:s22+$0x2EE0] =	vst v15;
	v10 =	vmul.f32 v10, v3;
	v15 =	vld [tilespmem:s22+$0x34B0]  }
0x1b1: {  	v4 =	vmul.f32 v4, v5;
	v12 =	vmul.f32 v12, v3;
	[tilespmem:s22+$0x3460] =	vst v6;
	v3 =	vld [tilespmem:s22+$0x34C0]  }
0x1b2: {  	[tilespmem:s22+$0x3470] =	vst v7;
	v6 =	vmul.f32 v14, v11;
	v7 =	vld [tilespmem:s22+$0x34D0]  }
0x1b3: {  	v8 =	vmul.f32 v8, v11;
	v14 =	vld [tilespmem:s22+$0x34E0];
	[tilespmem:s22+$0x36B0] =	vst v4  }
0x1b4: {  	[tilespmem:s22+$0x2EF0] =	vst v13;
	v4 =	vmul.f32 v9, v11;
	v9 =	vld [tilespmem:s22+$0x34F0]  }
0x1b5: {  	[tilespmem:s22+$0x2F20] =	vst v10;
	v10 =	vmul.f32 v15, v11;
	v13 =	vld [tilespmem:s22+$0x3500]  }
0x1b6: {  	v15 =	vbroadcast v2, $0xC;
	[tilespmem:s22+$0x3480] =	vst v6;
	v6 =	vmul.f32 v3, v11;
	v16 =	vld [tilespmem:s22+$0x3510]  }
0x1b7: {  	[tilespmem:s22+$0x34B0] =	vst v10;
	v7 =	vmul.f32 v7, v11;
	v10 =	vld [tilespmem:s22+$0x3520]  }
0x1b8: {  	[tilespmem:s22+$0x3490] =	vst v8;
	v3 =	vmul.f32 v14, v15;
	v8 =	vld [tilespmem:s22+$0x3530]  }
0x1b9: {  	[tilespmem:s22+$0x34A0] =	vst v4;
	v4 =	vmul.f32 v9, v15;
	v9 =	vld [tilespmem:s22+$0x3540]  }
0x1ba: {  	[tilespmem:s22+$0x34E0] =	vst v3;
	v3 =	vmul.f32 v13, v15;
	v11 =	vld [tilespmem:s22+$0x3550]  }
0x1bb: {  	[tilespmem:s22+$0x34F0] =	vst v4;
	v4 =	vld [tilespmem:s22+$0x3560]  }
0x1bc: {  	[tilespmem:s22+$0x2F30] =	vst v12;
	v10 =	vmul.f32 v10, v15;
	v12 =	vld [tilespmem:s22+$0x3570]  }
0x1bd: {  	[tilespmem:s22+$0x34C0] =	vst v6;
	v6 =	vmul.f32 v8, v15;
	v8 =	vld [tilespmem:s22+$0x3580]  }
0x1be: {  	[tilespmem:s22+$0x3520] =	vst v10;
	v9 =	vmul.f32 v9, v15;
	v10 =	vbroadcast v2, $0xD;
	v13 =	vld [tilespmem:s22+$0x3590]  }
0x1bf: {  	[tilespmem:s22+$0x3530] =	vst v6;
	v6 =	vmul.f32 v11, v15;
	v11 =	vld [tilespmem:s22+$0x35A0]  }
0x1c0: {  	[tilespmem:s22+$0x3540] =	vst v9;
	v4 =	vmul.f32 v4, v10;
	v9 =	vld [tilespmem:s22+$0x35B0]  }
0x1c1: {  	[tilespmem:s22+$0x3550] =	vst v6;
	v6 =	vmul.f32 v12, v10;
	v12 =	vld [tilespmem:s22+$0x35C0]  }
0x1c2: {  	[tilespmem:s22+$0x3560] =	vst v4;
	v4 =	vmul.f32 v8, v10;
	v8 =	vld [tilespmem:s22+$0x35D0]  }
0x1c3: {  	[tilespmem:s22+$0x3570] =	vst v6;
	v6 =	vmul.f32 v13, v10;
	v13 =	vld [tilespmem:s22+$0x35E0]  }
0x1c4: {  	[tilespmem:s22+$0x3580] =	vst v4;
	v4 =	vmul.f32 v11, v10;
	v11 =	vld [tilespmem:s22+$0x35F0]  }
0x1c5: {  	[tilespmem:s22+$0x3590] =	vst v6;
	v6 =	vmul.f32 v9, v10;
	v9 =	vld [tilespmem:s22+$0x3600]  }
0x1c6: {  	v2 =	vbroadcast v2, $0xE;
	[tilespmem:s22+$0x34D0] =	vst v7;
	v7 =	vmul.f32 v12, v10;
	v12 =	vld [tilespmem:s22+$0x3610]  }
0x1c7: {  	[tilespmem:s22+$0x35B0] =	vst v6;
	v6 =	vmul.f32 v8, v10;
	v8 =	vld [tilespmem:s22+$0x3620]  }
0x1c8: {  	[tilespmem:s22+$0x35C0] =	vst v7;
	v7 =	vmul.f32 v13, v2;
	v10 =	vld [tilespmem:s22+$0x3630]  }
0x1c9: {  	[tilespmem:s22+$0x35D0] =	vst v6;
	v6 =	vmul.f32 v11, v2;
	v11 =	vld [tilespmem:s22+$0x3640]  }
0x1ca: {  	[tilespmem:s22+$0x35E0] =	vst v7;
	v7 =	vmul.f32 v9, v2;
	v9 =	vld [tilespmem:s22+$0x3650]  }
0x1cb: {  	[tilespmem:s22+$0x35F0] =	vst v6;
	v6 =	vmul.f32 v12, v2;
	v12 =	vld [tilespmem:s22+$0x3660]  }
0x1cc: {  	[tilespmem:s22+$0x3600] =	vst v7;
	v7 =	vmul.f32 v8, v2;
	v8 =	vld [tilespmem:s22+$0x3670]  }
0x1cd: {  	[tilespmem:s22+$0x3610] =	vst v6;
	v6 =	vmul.f32 v10, v2;
	v10 =	vld [tilespmem:s22+$0x3680]  }
0x1ce: {  	[tilespmem:s22+$0x3620] =	vst v7;
	v7 =	vmul.f32 v11, v2;
	v11 =	vld [tilespmem:s22+$0x3690]  }
0x1cf: {  	[tilespmem:s22+$0x35A0] =	vst v4;
	v2 =	vmul.f32 v9, v2;
	v4 =	vld [tilespmem:s22+$0x36A0]  }
0x1d0: {  	[tilespmem:s22+$0x3640] =	vst v7;
	v7 =	vmul.f32 v12, v5;
	v9 =	vld [tilespmem:s22+$0x36C0]  }
0x1d1: {  	[tilespmem:s22+$0x3650] =	vst v2;
	v2 =	vmul.f32 v8, v5;
	v8 =	vld [tilespmem:s22+$0x36D0]  }
0x1d2: {  	[tilespmem:s22+$0x3660] =	vst v7;
	v7 =	vmul.f32 v10, v5  }
0x1d3: {  	[tilespmem:s22+$0x3670] =	vst v2;
	v2 =	vmul.f32 v11, v5  }
0x1d4: {  	v10 =	vmul.f32 v16, v15;
	[tilespmem:s22+$0x3680] =	vst v7  }
0x1d5: {  	[tilespmem:s22+$0x3690] =	vst v2;
	v2 =	vmul.f32 v4, v5  }
.Ltmp8:
0x1d6: {  	[tilespmem:s22+$0x3510] =	vst v10;
	v4 =	vmul.f32 v8, v5;
	(pc) =	sbr.rel @p1 .LBB2_7-.Ltmp8, $4  }
0x1d7: {  	[tilespmem:s22+$0x36A0] =	vst v2  }
0x1d8: {  	v2 =	vmul.f32 v9, v5;
	[tilespmem:s22+$0x36D0] =	vst v4  }
0x1d9: {  	[tilespmem:s22+$0x3630] =	vst v6  }
0x1da: {  	[tilespmem:s22+$0x36C0] =	vst v2  }
0x1db: {  	[tilespmem:s22+$0x3500] =	vst v3  }
.LBB2_9:
0x1dc: {  	_ = 	snop  }
0x1dd: {  	s22 =	sshra.s32 s21, $0x2  }
0x1de: {  	p1 =	seq.s32 s19, $0x18;
	s22 =	sadd.s32 $0xFA0, s22  }
0x1df: {  	[spmem:s5] =	stream.indirect.scatter.add.f32 [tilespmem:s13], [sflag:$0x3], $0x80, s22, s12, $0xb8;
	[tilespmem:$0x1CEE0] =	vst v63  }
0x1e0: {  	s21 =	sshra.s32 @!p1 s21, $0x2;
	_ =	swait.ge [sflag:s10], $0x2800  }
0x1e1: {  	s23 =	simm.s32 @!p1 $0x2EE0;
	s21 =	sadd.s32 @!p1 $0xA0, s21;
	[sflag:s10] =	ssyncset.done $0x0  }
.Ltmp9:
0x1e2: {  	s22 =	simm.s32 @!p1 $0x50;
	[sflag:s10] =	ssyncadd.s32 $0xFFFFD800;
	(pc) =	sbr.rel @p0 .LBB2_13-.Ltmp9, $4  }
0x1e3: {  	[tilespmem:s23], [sflag:$0x1] =	stream.indirect.gather @!p1 [hbm4b:s1+s22], $0x80, s21, s22, $0xb8;
	[tilespmem:$0x1CEE0] =	vst v63  }
0x1e4: {  	_ =	swait.ge [sflag:s15], $0x2800  }
0x1e5: {  	[sflag:s15] =	ssyncset.done $0x0  }
0x1e6: {  	[sflag:s15] =	ssyncadd.s32 $0xFFFFD800  }
0x1e7: {  	s21 =	sadd.s32 $0x1F40, s20  }
0x1e8: {  	v1 =	vmov s21;
	_ =	sdelay $0x2  }
0x1e9: {  	s24 =	simm.s32 $0x0  }
0x1ea: {  	s22 =	simm.s32 $0x0;
	s21 =	sand.u32 $0x3FFFFFF0, s24  }
0x1eb: {  	v2 =	vld.idx.msk [tilespmem:v1+s21+$0x0 ss:$0x1], $0xffff;
	s21 =	sand.u32 $0x3FFFF800, s22  }
0x1ec: {  	v8 =	vld [tilespmem:s21+$0x57A0]  }
0x1ed: {  	v4 =	vld [tilespmem:s21+$0x5700]  }
0x1ee: {  	v5 =	vld [tilespmem:s21+$0x5710]  }
0x1ef: {  	v11 =	vld [tilespmem:s21+$0x5740]  }
0x1f0: {  	v12 =	vld [tilespmem:s21+$0x5750];
	v3 =	vbroadcast v2, $0x0  }
0x1f1: {  	v13 =	vld [tilespmem:s21+$0x5760]  }
0x1f2: {  	v14 =	vld [tilespmem:s21+$0x5770];
	v4 =	vmul.f32 v4, v3  }
0x1f3: {  	v15 =	vld [tilespmem:s21+$0x5780];
	v5 =	vmul.f32 v5, v3  }
0x1f4: {  	v10 =	vld [tilespmem:s21+$0x5790];
	v21 =	vbroadcast v2, $0x1;
	v20 =	vmul.f32 v11, v3;
	[tilespmem:s21+$0x5700] =	vst v4  }
0x1f5: {  	v9 =	vld [tilespmem:s21+$0x57B0];
	v12 =	vmul.f32 v12, v3;
	[tilespmem:s21+$0x5710] =	vst v5  }
0x1f6: {  	v7 =	vld [tilespmem:s21+$0x5C50];
	v13 =	vmul.f32 v13, v21;
	[tilespmem:s21+$0x5740] =	vst v20  }
0x1f7: {  	v23 =	vld [tilespmem:s21+$0x57D0];
	v14 =	vmul.f32 v14, v21;
	[tilespmem:s21+$0x5750] =	vst v12  }
0x1f8: {  	v24 =	vld [tilespmem:s21+$0x57E0];
	v15 =	vmul.f32 v15, v21;
	[tilespmem:s21+$0x5760] =	vst v13  }
0x1f9: {  	v25 =	vld [tilespmem:s21+$0x57F0];
	v10 =	vmul.f32 v10, v21;
	[tilespmem:s21+$0x5770] =	vst v14  }
0x1fa: {  	v22 =	vld [tilespmem:s21+$0x57C0];
	v8 =	vmul.f32 v8, v21;
	[tilespmem:s21+$0x5780] =	vst v15  }
0x1fb: {  	v26 =	vld [tilespmem:s21+$0x5800];
	v16 =	vbroadcast v2, $0x2;
	v9 =	vmul.f32 v9, v21;
	[tilespmem:s21+$0x5790] =	vst v10  }
0x1fc: {  	v27 =	vld [tilespmem:s21+$0x5810];
	v11 =	vmul.f32 v23, v21;
	[tilespmem:s21+$0x57A0] =	vst v8  }
0x1fd: {  	v28 =	vld [tilespmem:s21+$0x5820];
	v6 =	vbroadcast v2, $0xA;
	v30 =	vmul.f32 v24, v16;
	[tilespmem:s21+$0x57B0] =	vst v9  }
0x1fe: {  	v29 =	vld [tilespmem:s21+$0x5830];
	v32 =	vmul.f32 v25, v16;
	[tilespmem:s21+$0x57D0] =	vst v11  }
0x1ff: {  	v31 =	vld [tilespmem:s21+$0x5840];
	v4 =	vmul.f32 v7, v6;
	[tilespmem:s21+$0x57E0] =	vst v30  }
0x200: {  	v33 =	vld [tilespmem:s21+$0x5850];
	v12 =	vmul.f32 v22, v21;
	[tilespmem:s21+$0x57F0] =	vst v32  }
0x201: {  	v34 =	vld [tilespmem:s21+$0x5860];
	v10 =	vmul.f32 v26, v16;
	[tilespmem:s21+$0x5C50] =	vst v4  }
0x202: {  	v35 =	vld [tilespmem:s21+$0x5870];
	v8 =	vmul.f32 v27, v16;
	[tilespmem:s21+$0x57C0] =	vst v12  }
0x203: {  	v36 =	vld [tilespmem:s21+$0x5880];
	v9 =	vmul.f32 v28, v16;
	[tilespmem:s21+$0x5800] =	vst v10  }
0x204: {  	v37 =	vld [tilespmem:s21+$0x5890];
	v39 =	vbroadcast v2, $0x3;
	v11 =	vmul.f32 v31, v16;
	[tilespmem:s21+$0x5810] =	vst v8  }
0x205: {  	v38 =	vld [tilespmem:s21+$0x58A0];
	v13 =	vmul.f32 v33, v16;
	[tilespmem:s21+$0x5820] =	vst v9  }
0x206: {  	v40 =	vld [tilespmem:s21+$0x58B0];
	v14 =	vmul.f32 v34, v39;
	[tilespmem:s21+$0x5840] =	vst v11  }
0x207: {  	v41 =	vld [tilespmem:s21+$0x58C0];
	v12 =	vmul.f32 v29, v16;
	[tilespmem:s21+$0x5850] =	vst v13  }
0x208: {  	v42 =	vld [tilespmem:s21+$0x58D0];
	v10 =	vmul.f32 v35, v39;
	[tilespmem:s21+$0x5860] =	vst v14  }
0x209: {  	v43 =	vld [tilespmem:s21+$0x58E0];
	v8 =	vmul.f32 v36, v39;
	[tilespmem:s21+$0x5830] =	vst v12  }
0x20a: {  	v44 =	vld [tilespmem:s21+$0x58F0];
	v9 =	vmul.f32 v37, v39;
	[tilespmem:s21+$0x5870] =	vst v10  }
0x20b: {  	v45 =	vld [tilespmem:s21+$0x5900];
	v11 =	vmul.f32 v40, v39;
	[tilespmem:s21+$0x5880] =	vst v8  }
0x20c: {  	v46 =	vld [tilespmem:s21+$0x5910];
	v13 =	vmul.f32 v41, v39;
	[tilespmem:s21+$0x5890] =	vst v9  }
0x20d: {  	v47 =	vld [tilespmem:s21+$0x5920];
	v48 =	vbroadcast v2, $0x4;
	v14 =	vmul.f32 v42, v39;
	[tilespmem:s21+$0x58B0] =	vst v11  }
0x20e: {  	v49 =	vld [tilespmem:s21+$0x5930];
	v12 =	vmul.f32 v38, v39;
	[tilespmem:s21+$0x58C0] =	vst v13  }
0x20f: {  	v50 =	vld [tilespmem:s21+$0x5940];
	v10 =	vmul.f32 v43, v48;
	[tilespmem:s21+$0x58D0] =	vst v14  }
0x210: {  	v51 =	vld [tilespmem:s21+$0x5950];
	v8 =	vmul.f32 v44, v48;
	[tilespmem:s21+$0x58A0] =	vst v12  }
0x211: {  	v52 =	vld [tilespmem:s21+$0x5960];
	v9 =	vmul.f32 v45, v48;
	[tilespmem:s21+$0x58E0] =	vst v10  }
0x212: {  	v53 =	vld [tilespmem:s21+$0x5970];
	v11 =	vmul.f32 v47, v48;
	[tilespmem:s21+$0x58F0] =	vst v8  }
0x213: {  	v54 =	vld [tilespmem:s21+$0x5980];
	v13 =	vmul.f32 v49, v48;
	[tilespmem:s21+$0x5900] =	vst v9  }
0x214: {  	v55 =	vld [tilespmem:s21+$0x5990];
	v14 =	vmul.f32 v50, v48;
	[tilespmem:s21+$0x5920] =	vst v11  }
0x215: {  	v56 =	vld [tilespmem:s21+$0x59A0];
	v57 =	vbroadcast v2, $0x5;
	v12 =	vmul.f32 v46, v48;
	[tilespmem:s21+$0x5930] =	vst v13  }
0x216: {  	v58 =	vld [tilespmem:s21+$0x59B0];
	v10 =	vmul.f32 v51, v48;
	[tilespmem:s21+$0x5940] =	vst v14  }
0x217: {  	v59 =	vld [tilespmem:s21+$0x59C0];
	v8 =	vmul.f32 v52, v57;
	[tilespmem:s21+$0x5910] =	vst v12  }
0x218: {  	v60 =	vld [tilespmem:s21+$0x59D0];
	v9 =	vmul.f32 v53, v57;
	[tilespmem:s21+$0x5950] =	vst v10  }
0x219: {  	v61 =	vld [tilespmem:s21+$0x59E0];
	v11 =	vmul.f32 v55, v57;
	[tilespmem:s21+$0x5960] =	vst v8  }
0x21a: {  	v62 =	vld [tilespmem:s21+$0x59F0];
	v13 =	vmul.f32 v56, v57;
	[tilespmem:s21+$0x5970] =	vst v9  }
0x21b: {  	v63 =	vld [tilespmem:s21+$0x5A00];
	v14 =	vmul.f32 v58, v57;
	[tilespmem:s21+$0x5990] =	vst v11  }
0x21c: {  	v20 =	vld [tilespmem:s21+$0x5A10];
	v12 =	vmul.f32 v54, v57;
	[tilespmem:s21+$0x59A0] =	vst v13  }
0x21d: {  	v21 =	vld [tilespmem:s21+$0x5A20];
	v22 =	vbroadcast v2, $0x6;
	v10 =	vmul.f32 v59, v57;
	[tilespmem:s21+$0x59B0] =	vst v14  }
0x21e: {  	v23 =	vld [tilespmem:s21+$0x5A30];
	v8 =	vmul.f32 v60, v57;
	[tilespmem:s21+$0x5980] =	vst v12  }
0x21f: {  	v24 =	vld [tilespmem:s21+$0x5A40];
	v9 =	vmul.f32 v61, v22;
	[tilespmem:s21+$0x59C0] =	vst v10  }
0x220: {  	v25 =	vld [tilespmem:s21+$0x5A50];
	v11 =	vmul.f32 v63, v22;
	[tilespmem:s21+$0x59D0] =	vst v8  }
0x221: {  	v5 =	vld [tilespmem:s21+$0x5C60];
	v13 =	vmul.f32 v20, v22;
	[tilespmem:s21+$0x59E0] =	vst v9  }
0x222: {  	v27 =	vld [tilespmem:s21+$0x5A70];
	v14 =	vmul.f32 v21, v22;
	[tilespmem:s21+$0x5A00] =	vst v11  }
0x223: {  	v28 =	vld [tilespmem:s21+$0x5A80];
	v12 =	vmul.f32 v62, v22;
	[tilespmem:s21+$0x5A10] =	vst v13  }
0x224: {  	v29 =	vld [tilespmem:s21+$0x5A90];
	v10 =	vmul.f32 v23, v22;
	[tilespmem:s21+$0x5A20] =	vst v14  }
0x225: {  	v31 =	vbroadcast v2, $0x7;
	v53 =	vld [tilespmem:s21+$0x5BE0];
	v8 =	vmul.f32 v24, v22;
	[tilespmem:s21+$0x59F0] =	vst v12  }
0x226: {  	v58 =	vld [tilespmem:s21+$0x5C30];
	v9 =	vmul.f32 v25, v22;
	[tilespmem:s21+$0x5A30] =	vst v10  }
0x227: {  	v26 =	vld [tilespmem:s21+$0x5A60];
	v11 =	vmul.f32 v27, v31;
	[tilespmem:s21+$0x5A40] =	vst v8  }
0x228: {  	v30 =	vld [tilespmem:s21+$0x5AA0];
	v13 =	vmul.f32 v28, v31;
	[tilespmem:s21+$0x5A50] =	vst v9  }
0x229: {  	v32 =	vld [tilespmem:s21+$0x5AB0];
	v14 =	vmul.f32 v29, v31;
	[tilespmem:s21+$0x5A70] =	vst v11  }
0x22a: {  	v33 =	vld [tilespmem:s21+$0x5AC0];
	v59 =	vmul.f32 v53, v6;
	[tilespmem:s21+$0x5A80] =	vst v13  }
0x22b: {  	v35 =	vld [tilespmem:s21+$0x5AE0];
	v21 =	vmul.f32 v58, v6;
	[tilespmem:s21+$0x5A90] =	vst v14  }
0x22c: {  	v36 =	vld [tilespmem:s21+$0x5AF0];
	v12 =	vmul.f32 v26, v31;
	[tilespmem:s21+$0x5BE0] =	vst v59  }
0x22d: {  	v37 =	vld [tilespmem:s21+$0x5B00];
	v10 =	vmul.f32 v30, v31;
	[tilespmem:s21+$0x5C30] =	vst v21  }
0x22e: {  	v7 =	vld [tilespmem:s21+$0x5C70];
	v40 =	vbroadcast v2, $0x8;
	v8 =	vmul.f32 v32, v31;
	[tilespmem:s21+$0x5A60] =	vst v12  }
0x22f: {  	v34 =	vld [tilespmem:s21+$0x5AD0];
	v9 =	vmul.f32 v33, v31;
	[tilespmem:s21+$0x5AA0] =	vst v10  }
0x230: {  	v57 =	vld [tilespmem:s21+$0x5C20];
	v11 =	vmul.f32 v35, v40;
	[tilespmem:s21+$0x5AB0] =	vst v8  }
0x231: {  	v61 =	vld [tilespmem:s21+$0x56E0];
	v24 =	vbroadcast v2, $0xB;
	v13 =	vmul.f32 v36, v40;
	[tilespmem:s21+$0x5AC0] =	vst v9  }
0x232: {  	v4 =	vld [tilespmem:s21+$0x5EB0];
	v14 =	vmul.f32 v37, v40;
	[tilespmem:s21+$0x5AE0] =	vst v11  }
0x233: {  	v38 =	vld [tilespmem:s21+$0x5B10];
	v5 =	vmul.f32 v5, v24;
	[tilespmem:s21+$0x5AF0] =	vst v13  }
0x234: {  	v39 =	vld [tilespmem:s21+$0x5B20];
	v7 =	vmul.f32 v7, v24;
	[tilespmem:s21+$0x5B00] =	vst v14  }
0x235: {  	v41 =	vld [tilespmem:s21+$0x5B30];
	v19 =	vmul.f32 v57, v6;
	[tilespmem:s21+$0x5C60] =	vst v5  }
0x236: {  	v43 =	vld [tilespmem:s21+$0x5B50];
	v25 =	vmul.f32 v3, v61;
	[tilespmem:s21+$0x5C70] =	vst v7  }
0x237: {  	v44 =	vld [tilespmem:s21+$0x5B60];
	v12 =	vmul.f32 v34, v31;
	[tilespmem:s21+$0x5C20] =	vst v19  }
0x238: {  	v45 =	vld [tilespmem:s21+$0x5B70];
	v10 =	vmul.f32 v38, v40;
	[tilespmem:s21+$0x56E0] =	vst v25  }
0x239: {  	v27 =	vld [tilespmem:s21+$0x5CB0];
	v8 =	vmul.f32 v39, v40;
	[tilespmem:s21+$0x5AD0] =	vst v12  }
0x23a: {  	v49 =	vbroadcast v2, $0x9;
	v29 =	vld [tilespmem:s21+$0x5CD0];
	v9 =	vmul.f32 v41, v40;
	[tilespmem:s21+$0x5B10] =	vst v10  }
0x23b: {  	v42 =	vld [tilespmem:s21+$0x5B40];
	v11 =	vmul.f32 v43, v40;
	[tilespmem:s21+$0x5B20] =	vst v8  }
0x23c: {  	v46 =	vld [tilespmem:s21+$0x5B80];
	v13 =	vmul.f32 v44, v49;
	[tilespmem:s21+$0x5B30] =	vst v9  }
0x23d: {  	v47 =	vld [tilespmem:s21+$0x5B90];
	v14 =	vmul.f32 v45, v49;
	[tilespmem:s21+$0x5B50] =	vst v11  }
0x23e: {  	v48 =	vld [tilespmem:s21+$0x5BA0];
	v32 =	vmul.f32 v27, v24;
	[tilespmem:s21+$0x5B60] =	vst v13  }
0x23f: {  	v51 =	vld [tilespmem:s21+$0x5BC0];
	v7 =	vmul.f32 v29, v24;
	[tilespmem:s21+$0x5B70] =	vst v14  }
0x240: {  	v52 =	vld [tilespmem:s21+$0x5BD0];
	v12 =	vmul.f32 v42, v40;
	[tilespmem:s21+$0x5CB0] =	vst v32  }
0x241: {  	v10 =	vmul.f32 v46, v49;
	[tilespmem:s21+$0x5CD0] =	vst v7  }
0x242: {  	v28 =	vld [tilespmem:s21+$0x5CC0];
	v8 =	vmul.f32 v47, v49;
	[tilespmem:s21+$0x5B40] =	vst v12  }
0x243: {  	v30 =	vld [tilespmem:s21+$0x5CE0];
	v9 =	vmul.f32 v48, v49;
	[tilespmem:s21+$0x5B80] =	vst v10  }
0x244: {  	v50 =	vld [tilespmem:s21+$0x5BB0];
	v5 =	vbroadcast v2, $0xF;
	v11 =	vmul.f32 v51, v49;
	[tilespmem:s21+$0x5B90] =	vst v8  }
0x245: {  	v54 =	vld [tilespmem:s21+$0x5BF0];
	v13 =	vmul.f32 v52, v49;
	[tilespmem:s21+$0x5BA0] =	vst v9  }
0x246: {  	v55 =	vld [tilespmem:s21+$0x5C00];
	v35 =	vbroadcast v2, $0xC;
	v4 =	vmul.f32 v4, v5;
	[tilespmem:s21+$0x5BC0] =	vst v11  }
0x247: {  	v56 =	vld [tilespmem:s21+$0x5C10];
	v40 =	vmul.f32 v28, v24;
	[tilespmem:s21+$0x5BD0] =	vst v13  }
0x248: {  	v60 =	vld [tilespmem:s21+$0x5C40];
	v16 =	vmul.f32 v30, v35;
	[tilespmem:s21+$0x5EB0] =	vst v4  }
0x249: {  	v62 =	vld [tilespmem:s21+$0x56F0];
	v12 =	vmul.f32 v50, v49;
	[tilespmem:s21+$0x5CC0] =	vst v40  }
0x24a: {  	v63 =	vld [tilespmem:s21+$0x5720];
	v10 =	vmul.f32 v54, v6;
	[tilespmem:s21+$0x5CE0] =	vst v16  }
0x24b: {  	v20 =	vld [tilespmem:s21+$0x5730];
	v8 =	vmul.f32 v55, v6;
	[tilespmem:s21+$0x5BB0] =	vst v12  }
0x24c: {  	v33 =	vld [tilespmem:s21+$0x5D10];
	v9 =	vmul.f32 v56, v6;
	[tilespmem:s21+$0x5BF0] =	vst v10  }
0x24d: {  	v61 =	vld [tilespmem:s21+$0x5ED0];
	v6 =	vmul.f32 v60, v6;
	[tilespmem:s21+$0x5C00] =	vst v8  }
0x24e: {  	v38 =	vld [tilespmem:s21+$0x5D50];
	v13 =	vmul.f32 v62, v3;
	[tilespmem:s21+$0x5C10] =	vst v9  }
0x24f: {  	v22 =	vld [tilespmem:s21+$0x5C80];
	v4 =	vmul.f32 v63, v3;
	[tilespmem:s21+$0x5C40] =	vst v6  }
0x250: {  	v23 =	vld [tilespmem:s21+$0x5C90];
	v3 =	vmul.f32 v20, v3;
	[tilespmem:s21+$0x56F0] =	vst v13  }
0x251: {  	v26 =	vld [tilespmem:s21+$0x5CA0];
	v62 =	vmul.f32 v33, v35;
	[tilespmem:s21+$0x5720] =	vst v4  }
0x252: {  	v31 =	vld [tilespmem:s21+$0x5CF0];
	v63 =	vmul.f32 v61, v5;
	[tilespmem:s21+$0x5730] =	vst v3  }
0x253: {  	v34 =	vld [tilespmem:s21+$0x5D20];
	v16 =	vmul.f32 v38, v35;
	[tilespmem:s21+$0x5D10] =	vst v62  }
0x254: {  	v41 =	vld [tilespmem:s21+$0x5D80];
	v8 =	vmul.f32 v22, v24;
	[tilespmem:s21+$0x5ED0] =	vst v63  }
0x255: {  	v46 =	vld [tilespmem:s21+$0x5DC0];
	v9 =	vmul.f32 v23, v24;
	[tilespmem:s21+$0x5D50] =	vst v16  }
0x256: {  	v6 =	vmul.f32 v26, v24;
	v3 =	vld [tilespmem:s21+$0x5D70];
	[tilespmem:s21+$0x5C80] =	vst v8  }
0x257: {  	v36 =	vld [tilespmem:s21+$0x5D30];
	v44 =	vbroadcast v2, $0xD;
	v10 =	vmul.f32 v31, v35;
	[tilespmem:s21+$0x5C90] =	vst v9  }
0x258: {  	v37 =	vld [tilespmem:s21+$0x5D40];
	v13 =	vmul.f32 v34, v35;
	[tilespmem:s21+$0x5CA0] =	vst v6  }
0x259: {  	v39 =	vld [tilespmem:s21+$0x5D60];
	v12 =	vmul.f32 v41, v44;
	[tilespmem:s21+$0x5CF0] =	vst v10  }
0x25a: {  	v42 =	vld [tilespmem:s21+$0x5D90];
	v51 =	vmul.f32 v46, v44;
	[tilespmem:s21+$0x5D20] =	vst v13  }
0x25b: {  	v48 =	vld [tilespmem:s21+$0x5DF0];
	[tilespmem:s21+$0x5D80] =	vst v12;
	v3 =	vmul.f32 v3, v44  }
0x25c: {  	v49 =	vld [tilespmem:s21+$0x5E00];
	v9 =	vmul.f32 v36, v35;
	[tilespmem:s21+$0x5DC0] =	vst v51  }
0x25d: {  	v6 =	vmul.f32 v37, v35;
	[tilespmem:s21+$0x5D70] =	vst v3;
	v3 =	vld [tilespmem:s21+$0x5DE0]  }
0x25e: {  	v2 =	vbroadcast v2, $0xE;
	v50 =	vld [tilespmem:s21+$0x5E10];
	v10 =	vmul.f32 v39, v44;
	[tilespmem:s21+$0x5D30] =	vst v9  }
0x25f: {  	v45 =	vld [tilespmem:s21+$0x5DB0];
	v13 =	vmul.f32 v42, v44;
	[tilespmem:s21+$0x5D40] =	vst v6  }
0x260: {  	v47 =	vld [tilespmem:s21+$0x5DD0];
	v12 =	vmul.f32 v48, v2;
	[tilespmem:s21+$0x5D60] =	vst v10  }
0x261: {  	v43 =	vld [tilespmem:s21+$0x5DA0];
	v11 =	vmul.f32 v49, v2;
	[tilespmem:s21+$0x5D90] =	vst v13  }
0x262: {  	v55 =	vld [tilespmem:s21+$0x5E60];
	[tilespmem:s21+$0x5DF0] =	vst v12;
	v3 =	vmul.f32 v3, v2  }
0x263: {  	v57 =	vld [tilespmem:s21+$0x5E80];
	v7 =	vmul.f32 v50, v2;
	[tilespmem:s21+$0x5E00] =	vst v11  }
0x264: {  	v6 =	vmul.f32 v45, v44;
	[tilespmem:s21+$0x5DE0] =	vst v3;
	v3 =	vld [tilespmem:s21+$0x5E50]  }
0x265: {  	v52 =	vld [tilespmem:s21+$0x5E20];
	v10 =	vmul.f32 v47, v44;
	[tilespmem:s21+$0x5E10] =	vst v7  }
0x266: {  	v56 =	vld [tilespmem:s21+$0x5E70];
	v9 =	vmul.f32 v43, v44;
	[tilespmem:s21+$0x5DB0] =	vst v6  }
0x267: {  	v54 =	vld [tilespmem:s21+$0x5E40];
	v12 =	vmul.f32 v55, v5;
	[tilespmem:s21+$0x5DD0] =	vst v10  }
0x268: {  	v58 =	vld [tilespmem:s21+$0x5E90];
	v7 =	vmul.f32 v57, v5;
	[tilespmem:s21+$0x5DA0] =	vst v9  }
0x269: {  	v53 =	vld [tilespmem:s21+$0x5E30];
	[tilespmem:s21+$0x5E60] =	vst v12;
	v3 =	vmul.f32 v3, v2  }
0x26a: {  	v59 =	vld [tilespmem:s21+$0x5EA0];
	v6 =	vmul.f32 v52, v2;
	[tilespmem:s21+$0x5E80] =	vst v7  }
0x26b: {  	v60 =	vld [tilespmem:s21+$0x5EC0];
	[tilespmem:s21+$0x5E50] =	vst v3;
	v3 =	vmul.f32 v56, v5  }
0x26c: {  	v10 =	vmul.f32 v54, v2;
	[tilespmem:s21+$0x5E20] =	vst v6  }
0x26d: {  	v4 =	vld [tilespmem:s21+$0x5D00];
	[tilespmem:s21+$0x5E70] =	vst v3;
	v3 =	vmul.f32 v58, v5  }
0x26e: {  	[tilespmem:s21+$0x5E40] =	vst v10;
	v2 =	vmul.f32 v53, v2  }
0x26f: {  	[tilespmem:s21+$0x5E90] =	vst v3;
	v3 =	vmul.f32 v59, v5  }
0x270: {  	[tilespmem:s21+$0x5E30] =	vst v2;
	v5 =	vmul.f32 v60, v5  }
0x271: {  	[tilespmem:s21+$0x5EA0] =	vst v3  }
0x272: {  	s22 =	simm.s32 $0x1;
	v3 =	vmul.f32 v4, v35;
	[tilespmem:s21+$0x5EC0] =	vst v5  }
.LBB2_11:
0x273: {  	s23 =	sshll.u32 s22, $0x4  }
0x274: {  	p1 =	sne.s32 s22, $0x4;
	[tilespmem:s21+$0x5D00] =	vst v3;
	s21 =	smov.u32 s22;
	s22 =	sadd.s32 $0x1, s22  }
0x275: {  	s23 =	sand.u32 $0x3FFFFFF0, s23  }
0x276: {  	v2 =	vld.idx.msk [tilespmem:v1+s23+$0x0 ss:$0x1], $0xffff  }
0x277: {  	s21 =	sshll.u32 s21, $0xB  }
0x278: {  	s21 =	sand.u32 $0x3FFFF800, s21  }
0x279: {  	v9 =	vld [tilespmem:s21+$0x57A0]  }
0x27a: {  	v10 =	vld [tilespmem:s21+$0x57B0]  }
0x27b: {  	v11 =	vld [tilespmem:s21+$0x5790]  }
0x27c: {  	v3 =	vbroadcast v2, $0x0;
	v8 =	vbroadcast v2, $0x4;
	v4 =	vld [tilespmem:s21+$0x5700]  }
0x27d: {  	v6 =	vld [tilespmem:s21+$0x5710]  }
0x27e: {  	v7 =	vld [tilespmem:s21+$0x5C50]  }
0x27f: {  	v12 =	vld [tilespmem:s21+$0x5740]  }
0x280: {  	v13 =	vld [tilespmem:s21+$0x5750]  }
0x281: {  	v5 =	vbroadcast v2, $0xA;
	v4 =	vmul.f32 v4, v3;
	v14 =	vld [tilespmem:s21+$0x5760]  }
0x282: {  	v6 =	vmul.f32 v6, v3;
	v15 =	vld [tilespmem:s21+$0x5770]  }
0x283: {  	[tilespmem:s21+$0x5700] =	vst v4;
	v16 =	vld [tilespmem:s21+$0x5780];
	v4 =	vmul.f32 v7, v5  }
0x284: {  	[tilespmem:s21+$0x5710] =	vst v6;
	v7 =	vmul.f32 v12, v3;
	v12 =	vbroadcast v2, $0x1;
	v6 =	vld [tilespmem:s21+$0x5C60]  }
0x285: {  	v13 =	vmul.f32 v13, v3;
	[tilespmem:s21+$0x5C50] =	vst v4;
	v4 =	vld [tilespmem:s21+$0x5EB0]  }
0x286: {  	[tilespmem:s21+$0x5740] =	vst v7;
	v14 =	vmul.f32 v14, v12;
	v7 =	vld [tilespmem:s21+$0x5C70]  }
0x287: {  	[tilespmem:s21+$0x5750] =	vst v13;
	v13 =	vmul.f32 v15, v12;
	v15 =	vld [tilespmem:s21+$0x57C0]  }
0x288: {  	[tilespmem:s21+$0x5760] =	vst v14;
	v14 =	vmul.f32 v16, v12;
	v16 =	vld [tilespmem:s21+$0x57D0]  }
0x289: {  	v11 =	vmul.f32 v11, v12;
	[tilespmem:s21+$0x5770] =	vst v13;
	v13 =	vld [tilespmem:s21+$0x57E0]  }
0x28a: {  	v9 =	vmul.f32 v9, v12;
	[tilespmem:s21+$0x5780] =	vst v14;
	v14 =	vld [tilespmem:s21+$0x57F0]  }
0x28b: {  	v10 =	vmul.f32 v10, v12;
	[tilespmem:s21+$0x5790] =	vst v11;
	v11 =	vld [tilespmem:s21+$0x5800]  }
0x28c: {  	[tilespmem:s21+$0x57A0] =	vst v9;
	v9 =	vmul.f32 v15, v12;
	v15 =	vbroadcast v2, $0x2;
	v17 =	vld [tilespmem:s21+$0x5810]  }
0x28d: {  	[tilespmem:s21+$0x57B0] =	vst v10;
	v10 =	vmul.f32 v16, v12;
	v12 =	vld [tilespmem:s21+$0x5820]  }
0x28e: {  	[tilespmem:s21+$0x57C0] =	vst v9;
	v9 =	vmul.f32 v13, v15;
	v13 =	vld [tilespmem:s21+$0x5830]  }
0x28f: {  	[tilespmem:s21+$0x57D0] =	vst v10;
	v10 =	vmul.f32 v14, v15;
	v14 =	vld [tilespmem:s21+$0x5840]  }
0x290: {  	[tilespmem:s21+$0x57E0] =	vst v9;
	v9 =	vmul.f32 v11, v15;
	v11 =	vld [tilespmem:s21+$0x5850]  }
0x291: {  	[tilespmem:s21+$0x57F0] =	vst v10;
	v10 =	vmul.f32 v17, v15;
	v16 =	vld [tilespmem:s21+$0x5860]  }
0x292: {  	[tilespmem:s21+$0x5800] =	vst v9;
	v9 =	vmul.f32 v12, v15;
	v12 =	vld [tilespmem:s21+$0x5870]  }
0x293: {  	[tilespmem:s21+$0x5810] =	vst v10;
	v10 =	vmul.f32 v13, v15;
	v13 =	vld [tilespmem:s21+$0x5880]  }
0x294: {  	[tilespmem:s21+$0x5820] =	vst v9;
	v9 =	vmul.f32 v14, v15;
	v14 =	vbroadcast v2, $0x3;
	v17 =	vld [tilespmem:s21+$0x5890]  }
0x295: {  	[tilespmem:s21+$0x5830] =	vst v10;
	v10 =	vmul.f32 v11, v15;
	v11 =	vld [tilespmem:s21+$0x58A0]  }
0x296: {  	[tilespmem:s21+$0x5840] =	vst v9;
	v9 =	vmul.f32 v16, v14;
	v15 =	vld [tilespmem:s21+$0x58B0]  }
0x297: {  	[tilespmem:s21+$0x5850] =	vst v10;
	v10 =	vmul.f32 v12, v14;
	v12 =	vld [tilespmem:s21+$0x58C0]  }
0x298: {  	[tilespmem:s21+$0x5860] =	vst v9;
	v9 =	vmul.f32 v13, v14;
	v13 =	vld [tilespmem:s21+$0x58D0]  }
0x299: {  	[tilespmem:s21+$0x5870] =	vst v10;
	v10 =	vmul.f32 v17, v14;
	v16 =	vld [tilespmem:s21+$0x58E0]  }
0x29a: {  	[tilespmem:s21+$0x5880] =	vst v9;
	v9 =	vmul.f32 v11, v14;
	v11 =	vld [tilespmem:s21+$0x58F0]  }
0x29b: {  	[tilespmem:s21+$0x5890] =	vst v10;
	v10 =	vmul.f32 v15, v14;
	v15 =	vld [tilespmem:s21+$0x5900]  }
0x29c: {  	[tilespmem:s21+$0x58A0] =	vst v9;
	v9 =	vmul.f32 v12, v14;
	v12 =	vld [tilespmem:s21+$0x5910]  }
0x29d: {  	[tilespmem:s21+$0x58B0] =	vst v10;
	v10 =	vmul.f32 v13, v14;
	v13 =	vld [tilespmem:s21+$0x5920]  }
0x29e: {  	[tilespmem:s21+$0x58C0] =	vst v9;
	v9 =	vmul.f32 v16, v8;
	v14 =	vld [tilespmem:s21+$0x5930]  }
0x29f: {  	[tilespmem:s21+$0x58D0] =	vst v10;
	v10 =	vmul.f32 v11, v8;
	v11 =	vld [tilespmem:s21+$0x5940]  }
0x2a0: {  	[tilespmem:s21+$0x58E0] =	vst v9;
	v9 =	vmul.f32 v15, v8;
	v15 =	vld [tilespmem:s21+$0x5950]  }
0x2a1: {  	[tilespmem:s21+$0x58F0] =	vst v10;
	v10 =	vmul.f32 v12, v8;
	v12 =	vld [tilespmem:s21+$0x5960]  }
0x2a2: {  	[tilespmem:s21+$0x5900] =	vst v9;
	v9 =	vmul.f32 v13, v8;
	v13 =	vld [tilespmem:s21+$0x5970]  }
0x2a3: {  	[tilespmem:s21+$0x5910] =	vst v10;
	v10 =	vmul.f32 v14, v8;
	v14 =	vld [tilespmem:s21+$0x5980]  }
0x2a4: {  	[tilespmem:s21+$0x5920] =	vst v9;
	v9 =	vmul.f32 v11, v8;
	v11 =	vbroadcast v2, $0x5;
	v16 =	vld [tilespmem:s21+$0x5990]  }
0x2a5: {  	[tilespmem:s21+$0x5930] =	vst v10;
	v8 =	vmul.f32 v15, v8;
	v10 =	vld [tilespmem:s21+$0x59A0]  }
0x2a6: {  	[tilespmem:s21+$0x5940] =	vst v9;
	v9 =	vmul.f32 v12, v11;
	v12 =	vld [tilespmem:s21+$0x59B0]  }
0x2a7: {  	[tilespmem:s21+$0x5950] =	vst v8;
	v8 =	vmul.f32 v13, v11;
	v13 =	vld [tilespmem:s21+$0x59C0]  }
0x2a8: {  	[tilespmem:s21+$0x5960] =	vst v9;
	v9 =	vmul.f32 v14, v11;
	v14 =	vld [tilespmem:s21+$0x59D0]  }
0x2a9: {  	[tilespmem:s21+$0x5970] =	vst v8;
	v8 =	vmul.f32 v16, v11;
	v15 =	vld [tilespmem:s21+$0x59E0]  }
0x2aa: {  	[tilespmem:s21+$0x5980] =	vst v9;
	v9 =	vmul.f32 v10, v11;
	v10 =	vld [tilespmem:s21+$0x59F0]  }
0x2ab: {  	[tilespmem:s21+$0x5990] =	vst v8;
	v8 =	vmul.f32 v12, v11;
	v12 =	vld [tilespmem:s21+$0x5A00]  }
0x2ac: {  	[tilespmem:s21+$0x59A0] =	vst v9;
	v9 =	vmul.f32 v13, v11;
	v13 =	vbroadcast v2, $0x6;
	v16 =	vld [tilespmem:s21+$0x5A10]  }
0x2ad: {  	[tilespmem:s21+$0x59B0] =	vst v8;
	v8 =	vmul.f32 v14, v11;
	v11 =	vld [tilespmem:s21+$0x5A20]  }
0x2ae: {  	[tilespmem:s21+$0x59C0] =	vst v9;
	v9 =	vmul.f32 v15, v13;
	v14 =	vld [tilespmem:s21+$0x5A30]  }
0x2af: {  	[tilespmem:s21+$0x59D0] =	vst v8;
	v8 =	vmul.f32 v10, v13;
	v10 =	vld [tilespmem:s21+$0x5A40]  }
0x2b0: {  	[tilespmem:s21+$0x59E0] =	vst v9;
	v9 =	vmul.f32 v12, v13;
	v12 =	vld [tilespmem:s21+$0x5A50]  }
0x2b1: {  	[tilespmem:s21+$0x59F0] =	vst v8;
	v8 =	vmul.f32 v16, v13;
	v15 =	vld [tilespmem:s21+$0x5A60]  }
0x2b2: {  	[tilespmem:s21+$0x5A00] =	vst v9;
	v9 =	vmul.f32 v11, v13;
	v11 =	vld [tilespmem:s21+$0x5A70]  }
0x2b3: {  	[tilespmem:s21+$0x5A10] =	vst v8;
	v8 =	vmul.f32 v14, v13;
	v14 =	vld [tilespmem:s21+$0x5A80]  }
0x2b4: {  	[tilespmem:s21+$0x5A20] =	vst v9;
	v9 =	vmul.f32 v10, v13;
	v10 =	vbroadcast v2, $0x7;
	v16 =	vld [tilespmem:s21+$0x5A90]  }
0x2b5: {  	[tilespmem:s21+$0x5A30] =	vst v8;
	v8 =	vmul.f32 v12, v13;
	v12 =	vld [tilespmem:s21+$0x5AA0]  }
0x2b6: {  	[tilespmem:s21+$0x5A40] =	vst v9;
	v9 =	vmul.f32 v15, v10;
	v13 =	vld [tilespmem:s21+$0x5AB0]  }
0x2b7: {  	[tilespmem:s21+$0x5A50] =	vst v8;
	v8 =	vmul.f32 v11, v10;
	v11 =	vld [tilespmem:s21+$0x5AC0]  }
0x2b8: {  	[tilespmem:s21+$0x5A60] =	vst v9;
	v9 =	vmul.f32 v14, v10;
	v14 =	vld [tilespmem:s21+$0x5AD0]  }
0x2b9: {  	[tilespmem:s21+$0x5A70] =	vst v8;
	v8 =	vmul.f32 v16, v10;
	v15 =	vld [tilespmem:s21+$0x5AE0]  }
0x2ba: {  	[tilespmem:s21+$0x5A80] =	vst v9;
	v9 =	vmul.f32 v12, v10;
	v12 =	vld [tilespmem:s21+$0x5AF0]  }
0x2bb: {  	[tilespmem:s21+$0x5A90] =	vst v8;
	v8 =	vmul.f32 v13, v10;
	v13 =	vld [tilespmem:s21+$0x5B00]  }
0x2bc: {  	[tilespmem:s21+$0x5AA0] =	vst v9;
	v9 =	vmul.f32 v11, v10;
	v11 =	vbroadcast v2, $0x8;
	v16 =	vld [tilespmem:s21+$0x5B10]  }
0x2bd: {  	[tilespmem:s21+$0x5AB0] =	vst v8;
	v8 =	vmul.f32 v14, v10;
	v10 =	vld [tilespmem:s21+$0x5B20]  }
0x2be: {  	[tilespmem:s21+$0x5AC0] =	vst v9;
	v9 =	vmul.f32 v15, v11;
	v14 =	vld [tilespmem:s21+$0x5B30]  }
0x2bf: {  	[tilespmem:s21+$0x5AD0] =	vst v8;
	v8 =	vmul.f32 v12, v11;
	v12 =	vld [tilespmem:s21+$0x5B40]  }
0x2c0: {  	[tilespmem:s21+$0x5AE0] =	vst v9;
	v9 =	vmul.f32 v13, v11;
	v13 =	vld [tilespmem:s21+$0x5B50]  }
0x2c1: {  	[tilespmem:s21+$0x5AF0] =	vst v8;
	v8 =	vmul.f32 v16, v11;
	v15 =	vld [tilespmem:s21+$0x5B60]  }
0x2c2: {  	[tilespmem:s21+$0x5B00] =	vst v9;
	v9 =	vmul.f32 v10, v11;
	v10 =	vld [tilespmem:s21+$0x5B70]  }
0x2c3: {  	[tilespmem:s21+$0x5B10] =	vst v8;
	v8 =	vmul.f32 v14, v11;
	v14 =	vld [tilespmem:s21+$0x5B80]  }
0x2c4: {  	[tilespmem:s21+$0x5B20] =	vst v9;
	v9 =	vmul.f32 v12, v11;
	v12 =	vbroadcast v2, $0x9;
	v16 =	vld [tilespmem:s21+$0x5B90]  }
0x2c5: {  	[tilespmem:s21+$0x5B30] =	vst v8;
	v8 =	vmul.f32 v13, v11;
	v11 =	vld [tilespmem:s21+$0x5BA0]  }
0x2c6: {  	[tilespmem:s21+$0x5B40] =	vst v9;
	v9 =	vmul.f32 v15, v12;
	v13 =	vld [tilespmem:s21+$0x5BB0]  }
0x2c7: {  	[tilespmem:s21+$0x5B50] =	vst v8;
	v8 =	vmul.f32 v10, v12;
	v10 =	vld [tilespmem:s21+$0x5BC0]  }
0x2c8: {  	[tilespmem:s21+$0x5B60] =	vst v9;
	v9 =	vmul.f32 v14, v12;
	v14 =	vld [tilespmem:s21+$0x5BD0]  }
0x2c9: {  	[tilespmem:s21+$0x5B70] =	vst v8;
	v8 =	vmul.f32 v16, v12;
	v15 =	vld [tilespmem:s21+$0x5BE0]  }
0x2ca: {  	[tilespmem:s21+$0x5B80] =	vst v9;
	v9 =	vmul.f32 v11, v12;
	v11 =	vld [tilespmem:s21+$0x5BF0]  }
0x2cb: {  	[tilespmem:s21+$0x5B90] =	vst v8;
	v8 =	vmul.f32 v13, v12;
	v13 =	vld [tilespmem:s21+$0x5C00]  }
0x2cc: {  	[tilespmem:s21+$0x5BA0] =	vst v9;
	v9 =	vmul.f32 v10, v12;
	v10 =	vld [tilespmem:s21+$0x5C10]  }
0x2cd: {  	[tilespmem:s21+$0x5BB0] =	vst v8;
	v8 =	vmul.f32 v14, v12;
	v12 =	vld [tilespmem:s21+$0x5C20]  }
0x2ce: {  	[tilespmem:s21+$0x5BC0] =	vst v9;
	v9 =	vmul.f32 v15, v5;
	v14 =	vld [tilespmem:s21+$0x5C30]  }
0x2cf: {  	[tilespmem:s21+$0x5BD0] =	vst v8;
	v8 =	vmul.f32 v11, v5;
	v11 =	vld [tilespmem:s21+$0x5C40]  }
0x2d0: {  	v15 =	vld [tilespmem:s21+$0x56E0];
	[tilespmem:s21+$0x5BE0] =	vst v9;
	v9 =	vmul.f32 v13, v5  }
0x2d1: {  	v13 =	vld [tilespmem:s21+$0x56F0];
	[tilespmem:s21+$0x5BF0] =	vst v8;
	v8 =	vmul.f32 v10, v5  }
0x2d2: {  	v10 =	vld [tilespmem:s21+$0x5720];
	[tilespmem:s21+$0x5C00] =	vst v9;
	v9 =	vmul.f32 v12, v5  }
0x2d3: {  	v12 =	vld [tilespmem:s21+$0x5730];
	[tilespmem:s21+$0x5C10] =	vst v8;
	v8 =	vmul.f32 v14, v5  }
0x2d4: {  	[tilespmem:s21+$0x5C20] =	vst v9;
	v9 =	vmul.f32 v11, v5;
	v11 =	vbroadcast v2, $0xB;
	v14 =	vld [tilespmem:s21+$0x5C80]  }
0x2d5: {  	v5 =	vbroadcast v2, $0xF;
	v15 =	vmul.f32 v3, v15;
	[tilespmem:s21+$0x5C30] =	vst v8;
	v8 =	vld [tilespmem:s21+$0x5C90]  }
0x2d6: {  	v13 =	vmul.f32 v13, v3;
	[tilespmem:s21+$0x5C40] =	vst v9;
	v6 =	vmul.f32 v6, v11;
	v9 =	vld [tilespmem:s21+$0x5CA0]  }
0x2d7: {  	v7 =	vmul.f32 v7, v11;
	[tilespmem:s21+$0x56E0] =	vst v15;
	v10 =	vmul.f32 v10, v3;
	v15 =	vld [tilespmem:s21+$0x5CB0]  }
0x2d8: {  	v4 =	vmul.f32 v4, v5;
	v12 =	vmul.f32 v12, v3;
	[tilespmem:s21+$0x5C60] =	vst v6;
	v3 =	vld [tilespmem:s21+$0x5CC0]  }
0x2d9: {  	[tilespmem:s21+$0x5C70] =	vst v7;
	v6 =	vmul.f32 v14, v11;
	v7 =	vld [tilespmem:s21+$0x5CD0]  }
0x2da: {  	v8 =	vmul.f32 v8, v11;
	v14 =	vld [tilespmem:s21+$0x5CE0];
	[tilespmem:s21+$0x5EB0] =	vst v4  }
0x2db: {  	[tilespmem:s21+$0x56F0] =	vst v13;
	v4 =	vmul.f32 v9, v11;
	v9 =	vld [tilespmem:s21+$0x5CF0]  }
0x2dc: {  	[tilespmem:s21+$0x5720] =	vst v10;
	v10 =	vmul.f32 v15, v11;
	v13 =	vld [tilespmem:s21+$0x5D00]  }
0x2dd: {  	v15 =	vbroadcast v2, $0xC;
	[tilespmem:s21+$0x5C80] =	vst v6;
	v6 =	vmul.f32 v3, v11;
	v16 =	vld [tilespmem:s21+$0x5D10]  }
0x2de: {  	[tilespmem:s21+$0x5CB0] =	vst v10;
	v7 =	vmul.f32 v7, v11;
	v10 =	vld [tilespmem:s21+$0x5D20]  }
0x2df: {  	[tilespmem:s21+$0x5C90] =	vst v8;
	v3 =	vmul.f32 v14, v15;
	v8 =	vld [tilespmem:s21+$0x5D30]  }
0x2e0: {  	[tilespmem:s21+$0x5CA0] =	vst v4;
	v4 =	vmul.f32 v9, v15;
	v9 =	vld [tilespmem:s21+$0x5D40]  }
0x2e1: {  	[tilespmem:s21+$0x5CE0] =	vst v3;
	v3 =	vmul.f32 v13, v15;
	v11 =	vld [tilespmem:s21+$0x5D50]  }
0x2e2: {  	[tilespmem:s21+$0x5CF0] =	vst v4;
	v4 =	vld [tilespmem:s21+$0x5D60]  }
0x2e3: {  	[tilespmem:s21+$0x5730] =	vst v12;
	v10 =	vmul.f32 v10, v15;
	v12 =	vld [tilespmem:s21+$0x5D70]  }
0x2e4: {  	[tilespmem:s21+$0x5CC0] =	vst v6;
	v6 =	vmul.f32 v8, v15;
	v8 =	vld [tilespmem:s21+$0x5D80]  }
0x2e5: {  	[tilespmem:s21+$0x5D20] =	vst v10;
	v9 =	vmul.f32 v9, v15;
	v10 =	vbroadcast v2, $0xD;
	v13 =	vld [tilespmem:s21+$0x5D90]  }
0x2e6: {  	[tilespmem:s21+$0x5D30] =	vst v6;
	v6 =	vmul.f32 v11, v15;
	v11 =	vld [tilespmem:s21+$0x5DA0]  }
0x2e7: {  	[tilespmem:s21+$0x5D40] =	vst v9;
	v4 =	vmul.f32 v4, v10;
	v9 =	vld [tilespmem:s21+$0x5DB0]  }
0x2e8: {  	[tilespmem:s21+$0x5D50] =	vst v6;
	v6 =	vmul.f32 v12, v10;
	v12 =	vld [tilespmem:s21+$0x5DC0]  }
0x2e9: {  	[tilespmem:s21+$0x5D60] =	vst v4;
	v4 =	vmul.f32 v8, v10;
	v8 =	vld [tilespmem:s21+$0x5DD0]  }
0x2ea: {  	[tilespmem:s21+$0x5D70] =	vst v6;
	v6 =	vmul.f32 v13, v10;
	v13 =	vld [tilespmem:s21+$0x5DE0]  }
0x2eb: {  	[tilespmem:s21+$0x5D80] =	vst v4;
	v4 =	vmul.f32 v11, v10;
	v11 =	vld [tilespmem:s21+$0x5DF0]  }
0x2ec: {  	[tilespmem:s21+$0x5D90] =	vst v6;
	v6 =	vmul.f32 v9, v10;
	v9 =	vld [tilespmem:s21+$0x5E00]  }
0x2ed: {  	v2 =	vbroadcast v2, $0xE;
	[tilespmem:s21+$0x5CD0] =	vst v7;
	v7 =	vmul.f32 v12, v10;
	v12 =	vld [tilespmem:s21+$0x5E10]  }
0x2ee: {  	[tilespmem:s21+$0x5DB0] =	vst v6;
	v6 =	vmul.f32 v8, v10;
	v8 =	vld [tilespmem:s21+$0x5E20]  }
0x2ef: {  	[tilespmem:s21+$0x5DC0] =	vst v7;
	v7 =	vmul.f32 v13, v2;
	v10 =	vld [tilespmem:s21+$0x5E30]  }
0x2f0: {  	[tilespmem:s21+$0x5DD0] =	vst v6;
	v6 =	vmul.f32 v11, v2;
	v11 =	vld [tilespmem:s21+$0x5E40]  }
0x2f1: {  	[tilespmem:s21+$0x5DE0] =	vst v7;
	v7 =	vmul.f32 v9, v2;
	v9 =	vld [tilespmem:s21+$0x5E50]  }
0x2f2: {  	[tilespmem:s21+$0x5DF0] =	vst v6;
	v6 =	vmul.f32 v12, v2;
	v12 =	vld [tilespmem:s21+$0x5E60]  }
0x2f3: {  	[tilespmem:s21+$0x5E00] =	vst v7;
	v7 =	vmul.f32 v8, v2;
	v8 =	vld [tilespmem:s21+$0x5E70]  }
0x2f4: {  	[tilespmem:s21+$0x5E10] =	vst v6;
	v6 =	vmul.f32 v10, v2;
	v10 =	vld [tilespmem:s21+$0x5E80]  }
0x2f5: {  	[tilespmem:s21+$0x5E20] =	vst v7;
	v7 =	vmul.f32 v11, v2;
	v11 =	vld [tilespmem:s21+$0x5E90]  }
0x2f6: {  	[tilespmem:s21+$0x5DA0] =	vst v4;
	v2 =	vmul.f32 v9, v2;
	v4 =	vld [tilespmem:s21+$0x5EA0]  }
0x2f7: {  	[tilespmem:s21+$0x5E40] =	vst v7;
	v7 =	vmul.f32 v12, v5;
	v9 =	vld [tilespmem:s21+$0x5EC0]  }
0x2f8: {  	[tilespmem:s21+$0x5E50] =	vst v2;
	v2 =	vmul.f32 v8, v5;
	v8 =	vld [tilespmem:s21+$0x5ED0]  }
0x2f9: {  	[tilespmem:s21+$0x5E60] =	vst v7;
	v7 =	vmul.f32 v10, v5  }
0x2fa: {  	[tilespmem:s21+$0x5E70] =	vst v2;
	v2 =	vmul.f32 v11, v5  }
0x2fb: {  	v10 =	vmul.f32 v16, v15;
	[tilespmem:s21+$0x5E80] =	vst v7  }
0x2fc: {  	[tilespmem:s21+$0x5E90] =	vst v2;
	v2 =	vmul.f32 v4, v5  }
.Ltmp10:
0x2fd: {  	[tilespmem:s21+$0x5D10] =	vst v10;
	v4 =	vmul.f32 v8, v5;
	(pc) =	sbr.rel @p1 .LBB2_11-.Ltmp10, $4  }
0x2fe: {  	[tilespmem:s21+$0x5EA0] =	vst v2  }
0x2ff: {  	v2 =	vmul.f32 v9, v5;
	[tilespmem:s21+$0x5ED0] =	vst v4  }
0x300: {  	[tilespmem:s21+$0x5E30] =	vst v6  }
0x301: {  	[tilespmem:s21+$0x5EC0] =	vst v2  }
.Ltmp11:
0x302: {  	_ = 	snop;
	(pc) =	sbr.rel .LBB2_12-.Ltmp11, $1  }
0x303: {  	_ =	sdelay $0x3  }
.LBB2_16:
0x304: {  	_ =	sfence.sel $0x180000  }
0x305: {  	[bflag:$0x0] =	sbarrier.arrive $0xFFFF  }
0x306: {  	_ =	strace $0x90000047  }
0x307: {  	s0 =	stileid.u32;
	[bflag:$0x2] =	sbarrier.arrive $0xFFFF  }
0x308: {  	p0 =	sne.s32 s0, $0x0;
	s0 =	rddreg [dreg:$0x5]  }
0x309: {  	s0 =	sadd.s32 @!p0 $0x100000, s0  }
0x30a: {  	[sflag:s0] =	ssyncadd.tile.s32 @!p0 $0x1;
	_ =	shalt  }
.Lfunc_end2:
_tile_overlayer_lowered:
.L_overlay_start_2:
0x30b: {  	(tag) =	ssettag $0x2  }
0x30c: {  	s0 =	rddreg [dreg:$0x0];
	s2 =	stileid.u32  }
0x30d: {  	s1 =	rddreg [dreg:$0x1];
	p0 =	sne.s32 s2, $0x0  }
0x30e: {  	s3 =	rddreg [dreg:$0x2];
	[bflag:$0x3] =	sbarrier.arrive $0xFFFF;
	s2 =	simm.s32 @!p0 $0x1C03  }
0x30f: {  	[timem:s3], [sflag:s2] =	dma.local @!p0 [hbm:s0], s1  }
0x310: {  	s0 =	simm.s32 @!p0 $0x3  }
0x311: {  	_ =	swait.ge @!p0 [sflag:s0], s1  }
0x312: {  	s1 =	ssub.s32 @!p0 $0x0, s1;
	[sflag:s0] =	ssyncset.done @!p0 $0x0  }
0x313: {  	[sflag:s0] =	ssyncadd.s32 @!p0 s1  }
0x314: {  	[bflag:$0x3] =	sbarrier.arrive $0xFFFF  }
0x315: {  	_ =	shalt  }

</sc_bundles>
